<compile_context>
chip_gen: v7x
topology: tpu7x:2x2x1
jax: 0.10.2.dev20260603
libtpu: 0.0.44.dev20260713+nightly
codegen_flags: <defaults>
</compile_context>

<pallas_src>
import jax
import jax.numpy as jnp
from jax import lax
from jax.experimental import pallas as pl
from jax.experimental.pallas import tpu as pltpu
from jax.experimental.pallas import tpu_sc as plsc

N = 10000
NPAD = 10240
OWN = NPAD // 2
TRASH = OWN
E = 160000
EPS = E // 16
BLK_ACC = 48
EPSP = 10032
BLK_TGT = 80
D = 256
H = 256
HH = 128
NCLS = 64
B = 1024

_SC_MESH = dict(core_axis_name="c", subcore_axis_name="s")
_SC_PARAMS = pltpu.CompilerParams(needs_layout_passes=False)


HSIZE = 5376


def _make_sc_degree():
    mesh = plsc.VectorSubcoreMesh(**_SC_MESH)

    def body(dst_hbm, deg_hbm, dstb, hist, rbuf, sbuf, sh, sem):
        c = lax.axis_index("c")
        s = lax.axis_index("s")

        def zero_chunk(i, _):
            hist[pl.ds(i * 16, 16)] = jnp.zeros((16,), jnp.float32)
            return _
        lax.fori_loop(0, HSIZE // 16, zero_chunk, None)

        pltpu.sync_copy(dst_hbm.at[pl.ds(s * EPS, EPS)], dstb)

        cbase = c * OWN

        def count(i, _):
            d = dstb[pl.ds(i * 16, 16)]
            dl = d - cbase
            ok = (dl >= 0) & (dl < OWN)
            idx = jnp.where(ok, dl, TRASH)
            plsc.addupdate_scatter(hist, [idx], jnp.ones((16,), jnp.float32))
            return _
        lax.fori_loop(0, EPS // 16, count, None)

        pltpu.sync_copy(hist, sh.at[s])
        plsc.subcore_barrier()

        @pl.when(s < 8)
        def _():
            for k in range(16):
                pltpu.sync_copy(sh.at[k].at[pl.ds(s * 640, 640)], rbuf.at[k])

            def red_chunk(i, _):
                acc = rbuf[0, pl.ds(i * 16, 16)]
                for k in range(1, 16):
                    acc = acc + rbuf[k, pl.ds(i * 16, 16)]
                sbuf[pl.ds(i * 16, 16)] = acc
                return _
            lax.fori_loop(0, 40, red_chunk, None)

            pltpu.sync_copy(sbuf, deg_hbm.at[pl.ds(cbase + s * 640, 640)])

    return pl.kernel(
        body,
        out_type=jax.ShapeDtypeStruct((NPAD,), jnp.float32),
        mesh=mesh,
        scratch_types=[
            pltpu.VMEM((EPS,), jnp.int32),
            pltpu.VMEM((HSIZE,), jnp.float32),
            pltpu.VMEM((16, 640), jnp.float32),
            pltpu.VMEM((640,), jnp.float32),
            pltpu.VMEM_SHARED((16, HSIZE), jnp.float32),
            pltpu.SemaphoreType.DMA,
        ],
        compiler_params=_SC_PARAMS,
    )



def _make_sc_spmm(tail):
    mesh = plsc.VectorSubcoreMesh(**_SC_MESH)

    NS = 4
    blk = BLK_ACC
    eps = EPSP
    nblk = eps // blk

    def spmm_body(z_hbm, src_hbm, dst_hbm, srcb, dstb, srcw, idxw, gbuf,
                  acc_sh, gsem, ssem):
        c = lax.axis_index("c")
        s = lax.axis_index("s")
        zc = z_hbm.at[c]

        pltpu.sync_copy(zc.at[pl.ds(s * 640, 640)],
                        acc_sh.at[pl.ds(s * 640, 640)])

        pltpu.sync_copy(src_hbm.at[pl.ds(s * eps, eps)], srcb)
        pltpu.sync_copy(dst_hbm.at[pl.ds(s * eps, eps)], dstb)

        plsc.subcore_barrier()

        def stage_and_fire(b, k):
            base = b * blk
            for j in range(blk // 16):
                idxw[k, pl.ds(j * 16, 16)] = dstb[pl.ds(base + j * 16, 16)]
                srcw[k, pl.ds(j * 16, 16)] = srcb[pl.ds(base + j * 16, 16)]
            pltpu.async_copy(zc.at[srcw.at[k]], gbuf.at[k], gsem[k])

        def finish(k):
            pltpu.make_async_copy(zc.at[srcw.at[k]], gbuf.at[k],
                                  gsem[k]).wait()
            pltpu.async_copy(gbuf.at[k], acc_sh.at[idxw.at[k]], ssem[k],
                             add=True)

        def drain(k):
            pltpu.make_async_copy(gbuf.at[k], acc_sh.at[idxw.at[k]],
                                  ssem[k]).wait()

        stage_and_fire(0, 0)

        def group(g, _):
            for k in range(NS):
                b = g * NS + k
                nk = (k + 1) % NS
                if k == NS - 1:
                    drain(nk)
                else:
                    @pl.when(g > 0)
                    def _():
                        drain(nk)
                stage_and_fire(b + 1, nk)
                finish(k)
            return _
        lax.fori_loop(0, (nblk - 1) // NS, group, None)
        finish(0)
        for k in range(1, NS):
            drain(k)
        drain(0)

        plsc.subcore_barrier()
        return c, s

    common_scratch = [
        pltpu.VMEM((eps,), jnp.int32),
        pltpu.VMEM((eps,), jnp.int32),
        pltpu.VMEM((NS, blk), jnp.int32),
        pltpu.VMEM((NS, blk), jnp.int32),
        pltpu.VMEM((NS, blk, HH), jnp.float32),
        pltpu.VMEM_SHARED((NPAD, HH), jnp.float32),
        [pltpu.SemaphoreType.DMA] * NS,
        [pltpu.SemaphoreType.DMA] * NS,
    ]

    if tail == "acc":
        def body(z_hbm, src_hbm, dst_hbm, acc_hbm, srcb, dstb, srcw, idxw,
                 gbuf, acc_sh, gsem, ssem):
            c, s = spmm_body(z_hbm, src_hbm, dst_hbm, srcb, dstb, srcw, idxw,
                             gbuf, acc_sh, gsem, ssem)
            pltpu.sync_copy(acc_sh.at[pl.ds(s * 640, 640)],
                            acc_hbm.at[c].at[pl.ds(s * 640, 640)])

        return pl.kernel(
            body,
            out_type=jax.ShapeDtypeStruct((2, NPAD, HH), jnp.float32),
            mesh=mesh,
            scratch_types=common_scratch,
            compiler_params=_SC_PARAMS,
        )

    TPS = B // 16

    def body(z_hbm, src_hbm, dst_hbm, tgt_hbm, t3_hbm,
             srcb, dstb, srcw, idxw, gbuf, acc_sh, gsem, ssem, tbuf, trows):
        c, s = spmm_body(z_hbm, src_hbm, dst_hbm, srcb, dstb, srcw, idxw,
                         gbuf, acc_sh, gsem, ssem)
        base = s * TPS
        pltpu.sync_copy(tgt_hbm.at[pl.ds(base, TPS)], tbuf)
        def tgt_round(h, _):
            off = h * (TPS // 4)
            tb = tbuf.at[pl.ds(off, TPS // 4)]
            pltpu.async_copy(acc_sh.at[tb], trows, gsem[0]).wait()
            pltpu.sync_copy(
                trows, t3_hbm.at[c].at[pl.ds(base + off, TPS // 4)])
            return _
        lax.fori_loop(0, 4, tgt_round, None)

    return pl.kernel(
        body,
        out_type=jax.ShapeDtypeStruct((2, B, HH), jnp.float32),
        mesh=mesh,
        scratch_types=common_scratch + [
            pltpu.VMEM((TPS,), jnp.int32),
            pltpu.VMEM((TPS // 4, HH), jnp.float32),
        ],
        compiler_params=_SC_PARAMS,
    )



_RB = 256


def _split_store(z3_ref, z):
    z3_ref[0] = z[:, :HH]
    z3_ref[1] = z[:, HH:]


def _tc_in_body(deg_ref, x_ref, w_ref, z3_ref):
    dinv = lax.rsqrt(deg_ref[...] + 1.0)
    z = jnp.dot(x_ref[...], w_ref[...],
                preferred_element_type=jnp.float32) * dinv
    _split_store(z3_ref, z)


def _make_tc_in():
    grid = (NPAD // _RB,)
    return pl.pallas_call(
        _tc_in_body,
        grid=grid,
        in_specs=[
            pl.BlockSpec((_RB, 1), lambda i: (i, 0)),
            pl.BlockSpec((_RB, D), lambda i: (i, 0)),
            pl.BlockSpec((D, H), lambda i: (0, 0)),
        ],
        out_specs=pl.BlockSpec((2, _RB, HH), lambda i: (0, i, 0)),
        out_shape=jax.ShapeDtypeStruct((2, NPAD, HH), jnp.float32),
    )


def _tc_mid_body(acc3_ref, deg_ref, b_ref, w_ref, z3_ref):
    acc = jnp.concatenate([acc3_ref[0], acc3_ref[1]], axis=1)
    dinv = lax.rsqrt(deg_ref[...] + 1.0)
    h = jnp.maximum(acc * dinv + b_ref[...], 0.0)
    z = jnp.dot(h, w_ref[...], preferred_element_type=jnp.float32) * dinv
    _split_store(z3_ref, z)


def _make_tc_mid():
    grid = (NPAD // _RB,)
    return pl.pallas_call(
        _tc_mid_body,
        grid=grid,
        in_specs=[
            pl.BlockSpec((2, _RB, HH), lambda i: (0, i, 0)),
            pl.BlockSpec((_RB, 1), lambda i: (i, 0)),
            pl.BlockSpec((1, H), lambda i: (0, 0)),
            pl.BlockSpec((H, H), lambda i: (0, 0)),
        ],
        out_specs=pl.BlockSpec((2, _RB, HH), lambda i: (0, i, 0)),
        out_shape=jax.ShapeDtypeStruct((2, NPAD, HH), jnp.float32),
    )


def _gates(g):
    i = jax.nn.sigmoid(g[:, 0:H])
    gg = jnp.tanh(g[:, 2 * H:3 * H])
    o = jax.nn.sigmoid(g[:, 3 * H:4 * H])
    return o * jnp.tanh(i * gg)


def _tc_head_body(t3_ref, deg_ref, ti_ref, b2_ref, wih0_ref, b0_ref,
                  wih1_ref, b1_ref, fcw_ref, fcb_ref, o_ref):
    dn = (((1,), (1,)), ((), ()))
    traw = jnp.concatenate([t3_ref[0], t3_ref[1]], axis=1)
    tid = ti_ref[...]
    KC = 2048

    def chunk(k, acc):
        kb = k * KC
        ids = kb + lax.broadcasted_iota(jnp.int32, (1, KC), 1)
        oh = (tid == ids).astype(jnp.float32)
        dsl = deg_ref[pl.ds(kb, KC), 0:1]
        return acc + jnp.dot(oh, dsl, preferred_element_type=jnp.float32)

    degt = lax.fori_loop(0, NPAD // KC, chunk,
                         jnp.zeros((_RB, 1), jnp.float32))
    dinv_t = lax.rsqrt(degt + 1.0)
    t = jnp.maximum(traw * dinv_t + b2_ref[...], 0.0)
    g0 = lax.dot_general(t, wih0_ref[...], dn,
                         preferred_element_type=jnp.float32) + b0_ref[...]
    h1 = _gates(g0)
    g1 = lax.dot_general(h1, wih1_ref[...], dn,
                         preferred_element_type=jnp.float32) + b1_ref[...]
    h2 = _gates(g1)
    o_ref[...] = lax.dot_general(h2, fcw_ref[...], dn,
                                 preferred_element_type=jnp.float32) + fcb_ref[...]


def _make_tc_head():
    grid = (B // _RB,)
    return pl.pallas_call(
        _tc_head_body,
        grid=grid,
        in_specs=[
            pl.BlockSpec((2, _RB, HH), lambda i: (0, i, 0)),
            pl.BlockSpec((NPAD, 1), lambda i: (0, 0)),
            pl.BlockSpec((_RB, 1), lambda i: (i, 0)),
            pl.BlockSpec((1, H), lambda i: (0, 0)),
            pl.BlockSpec((4 * H, H), lambda i: (0, 0)),
            pl.BlockSpec((1, 4 * H), lambda i: (0, 0)),
            pl.BlockSpec((4 * H, H), lambda i: (0, 0)),
            pl.BlockSpec((1, 4 * H), lambda i: (0, 0)),
            pl.BlockSpec((NCLS, H), lambda i: (0, 0)),
            pl.BlockSpec((1, NCLS), lambda i: (0, 0)),
        ],
        out_specs=pl.BlockSpec((_RB, NCLS), lambda i: (i, 0)),
        out_shape=jax.ShapeDtypeStruct((B, NCLS), jnp.float32),
    )



def kernel(x, edge_index, target_node_index, W1, b1, W2, b2, Wih0, Whh0,
           bih0, bhh0, Wih1, Whh1, bih1, bhh1, fcW, fcb):
    src = edge_index[0]
    dst = edge_index[1]
    ppe = EPSP - EPS
    padv = (N + jnp.arange(16 * ppe).reshape(16, ppe) % (NPAD - N)
            ).astype(src.dtype)
    srcp = jnp.concatenate([src.reshape(16, EPS), padv], axis=1).reshape(-1)
    dstp = jnp.concatenate([dst.reshape(16, EPS), padv], axis=1).reshape(-1)
    x_pad = jnp.pad(x, ((0, NPAD - N), (0, 0)))

    deg = _make_sc_degree()(dst).reshape(NPAD, 1)

    z3 = _make_tc_in()(deg, x_pad, W1)
    acc3 = _make_sc_spmm("acc")(z3, srcp, dstp)
    z3 = _make_tc_mid()(acc3, deg, b1.reshape(1, H), W2)
    t3 = _make_sc_spmm("tgt")(z3, srcp, dstp, target_node_index)
    return _make_tc_head()(t3, deg,
                           target_node_index.reshape(B, 1),
                           b2.reshape(1, H),
                           Wih0, (bih0 + bhh0).reshape(1, 4 * H),
                           Wih1, (bih1 + bhh1).reshape(1, 4 * H),
                           fcW, fcb.reshape(1, NCLS))

# --- scband reference (transcript-rebuilt; emitter-appended) ---
"""Pipeline reference for scband-gcn-lstm-85804856640322 (READ-ONLY COPY).

The authoritative reference and input builder live on the scoring server;
editing this copy changes nothing except your own understanding.
"""

import jax, jax.numpy as jnp
import numpy as np

N = 10000
E = 160000
D = 256
H = 256
NC = 64
B = 1024


def gcn_conv(x, src, dst, W, b):
    n = x.shape[0]
    loop = jnp.arange(n, dtype=src.dtype)
    s = jnp.concatenate([src, loop])
    d = jnp.concatenate([dst, loop])
    deg = jnp.zeros((n,), jnp.float32).at[d].add(1.0)
    dinv = jnp.where(deg > 0, jax.lax.rsqrt(jnp.maximum(deg, 1e-12)), 0.0)
    norm = dinv[s] * dinv[d]
    xw = x @ W
    msg = xw[s] * norm[:, None]
    out = jnp.zeros((n, W.shape[1]), jnp.float32).at[d].add(msg)
    return out + b


def lstm_step(x, h, c, Wih, Whh, bih, bhh):
    g = x @ Wih.T + h @ Whh.T + bih + bhh
    i, f, gg, o = jnp.split(g, 4, axis=-1)
    i = jax.nn.sigmoid(i)
    f = jax.nn.sigmoid(f)
    gg = jnp.tanh(gg)
    o = jax.nn.sigmoid(o)
    c2 = f * c + i * gg
    h2 = o * jnp.tanh(c2)
    return h2, c2


def setup_inputs(seed: int = 0):
    key = jax.random.key(seed)
    ks = jax.random.split(key, 16)
    s = 0.05
    x = jax.random.normal(ks[0], (N, D), jnp.float32)
    edge_index = jax.random.randint(ks[1], (2, E), 0, N, dtype=jnp.int32)
    target_node_index = jax.random.randint(ks[2], (B,), 0, N, dtype=jnp.int32)
    W1 = jax.random.normal(ks[3], (D, H), jnp.float32) * s
    b1 = jnp.zeros((H,), jnp.float32)
    W2 = jax.random.normal(ks[4], (H, H), jnp.float32) * s
    b2 = jnp.zeros((H,), jnp.float32)
    Wih0 = jax.random.normal(ks[5], (4 * H, H), jnp.float32) * s
    Whh0 = jax.random.normal(ks[6], (4 * H, H), jnp.float32) * s
    bih0 = jnp.zeros((4 * H,), jnp.float32)
    bhh0 = jnp.zeros((4 * H,), jnp.float32)
    Wih1 = jax.random.normal(ks[7], (4 * H, H), jnp.float32) * s
    Whh1 = jax.random.normal(ks[8], (4 * H, H), jnp.float32) * s
    bih1 = jnp.zeros((4 * H,), jnp.float32)
    bhh1 = jnp.zeros((4 * H,), jnp.float32)
    fcW = jax.random.normal(ks[9], (NC, H), jnp.float32) * s
    fcb = jnp.zeros((NC,), jnp.float32)
    return {"x": x, "edge_index": edge_index, "target_node_index": target_node_index, "W1": W1, "b1": b1, "W2": W2, "b2": b2, "Wih0": Wih0, "Whh0": Whh0, "bih0": bih0, "bhh0": bhh0, "Wih1": Wih1, "Whh1": Whh1, "bih1": bih1, "bhh1": bhh1, "fcW": fcW, "fcb": fcb}


def reference(x, edge_index, target_node_index, W1, b1, W2, b2, Wih0, Whh0, bih0, bhh0, Wih1, Whh1, bih1, bhh1, fcW, fcb):
    src, dst = edge_index[0], edge_index[1]
    h = jax.nn.relu(gcn_conv(x, src, dst, W1, b1))
    # dropout is identity in eval mode
    h = jax.nn.relu(gcn_conv(h, src, dst, W2, b2))
    t = h[target_node_index]  # [B, H], seq_len = 1 after unsqueeze
    h0 = jnp.zeros((t.shape[0], H), jnp.float32)
    c0 = jnp.zeros((t.shape[0], H), jnp.float32)
    h1, _ = lstm_step(t, h0, c0, Wih0, Whh0, bih0, bhh0)
    h2, _ = lstm_step(h1, h0, c0, Wih1, Whh1, bih1, bhh1)
    out = h2 @ fcW.T + fcb
    return out

if __name__ == "__main__":
    import jax
    _d = setup_inputs()
    print(jax.jit(kernel)(*tuple(_d.values())))

</pallas_src>

<mosaic_0001>
#map = affine_map<(d0, d1) -> (0)>
module attributes {stable_mosaic.version = 14 : i64} {
  func.func @body(%arg0: i32, %arg1: i32, %arg2: memref<160000xi32, #tpu.memory_space<hbm>>, %arg3: memref<10240xf32, #tpu.memory_space<hbm>>, %arg4: memref<10000xi32, #tpu.memory_space<vmem>>, %arg5: memref<5376xf32, #tpu.memory_space<vmem>>, %arg6: memref<16x640xf32, #tpu.memory_space<vmem>>, %arg7: memref<640xf32, #tpu.memory_space<vmem>>, %arg8: memref<16x5376xf32, #tpu.memory_space<vmem_shared>>, %arg9: memref<!tpu.dma_semaphore, #tpu.memory_space<semaphore_mem>>) attributes {dimension_semantics = [#tpu.dimension_semantics<core_parallel>, #tpu.dimension_semantics<subcore_parallel>], iteration_bounds = array<i64: 2, 16>, scalar_prefetch = 0 : i64, scratch_operands = 6 : i64, tpu.core_type = #tpu.core_type<sc_vector_subcore>, window_params = [{transform_indices = #map}, {transform_indices = #map}]} {
    %scan3A = arith.constant 0 : i32
    %scan3A_0 = arith.constant 336 : i32
    %scan3A_1 = arith.addi %scan3A, %scan3A_0 : i32
    %scan3A_2 = arith.constant 1 : i32
    scf.for %scan3A_14 = %scan3A to %scan3A_1 step %scan3A_2  : i32 {
      %broadcast_in_dim3A = arith.constant 0.000000e+00 : f32
      %broadcast_in_dim3A_15 = vector.broadcast %broadcast_in_dim3A : f32 to vector<16xf32>
      %mul3A_16 = arith.constant 16 : i32
      %mul3A_17 = arith.muli %scan3A_14, %mul3A_16 : i32
      %swap3A = arith.index_cast %mul3A_17 : i32 to index
      %swap3A_18 = tpu.vector_load %arg5[%swap3A] {strides = array<i32>} : memref<5376xf32, #tpu.memory_space<vmem>>, vector<16xf32>,
      tpu.vector_store %arg5[%swap3A], %broadcast_in_dim3A_15 {strides = array<i32>} : memref<5376xf32, #tpu.memory_space<vmem>>, vector<16xf32>,
    }
    %scan3A_3 = arith.constant 336 : i32
    %mul3A = arith.constant 10000 : i32
    %mul3A_4 = arith.muli %arg1, %mul3A : i32
    "tpu.region"() ({
      %run_scoped3A = tpu.sem_alloc : memref<!tpu.dma_semaphore, #tpu.memory_space<semaphore_mem>>
      %dma_start3A = tpu.memref_slice %arg2[%mul3A_4] : memref<160000xi32, #tpu.memory_space<hbm>> -> memref<10000xi32, #tpu.memory_space<hbm>>
      %dma_start3A_14 = tpu.memref_slice %arg2[%mul3A_4] : memref<160000xi32, #tpu.memory_space<hbm>> -> memref<10000xi32, #tpu.memory_space<hbm>>
      tpu.enqueue_dma source(%dma_start3A_14 : memref<10000xi32, #tpu.memory_space<hbm>>) target(%arg4 : memref<10000xi32, #tpu.memory_space<vmem>>) target_semaphore(%run_scoped3A : memref<!tpu.dma_semaphore, #tpu.memory_space<semaphore_mem>>)
      %dma_wait3A = tpu.memref_slice %arg2[%mul3A_4] : memref<160000xi32, #tpu.memory_space<hbm>> -> memref<10000xi32, #tpu.memory_space<hbm>>
      %dma_wait3A_15 = tpu.memref_slice %arg2[%mul3A_4] : memref<160000xi32, #tpu.memory_space<hbm>> -> memref<10000xi32, #tpu.memory_space<hbm>>
      tpu.wait_dma2 semaphore(%run_scoped3A : memref<!tpu.dma_semaphore, #tpu.memory_space<semaphore_mem>>) src(%dma_wait3A_15 : memref<10000xi32, #tpu.memory_space<hbm>>) dst(%arg4 : memref<10000xi32, #tpu.memory_space<vmem>>)
      tpu.yield
    }) : () -> ()
    %mul3A_5 = arith.constant 5120 : i32
    %mul3A_6 = arith.muli %arg0, %mul3A_5 : i32
    %scan3A_7 = arith.constant 0 : i32
    %scan3A_8 = arith.constant 625 : i32
    %scan3A_9 = arith.addi %scan3A_7, %scan3A_8 : i32
    %scan3A_10 = arith.constant 1 : i32
    scf.for %scan3A_14 = %scan3A_7 to %scan3A_9 step %scan3A_10  : i32 {
      %mul3A_15 = arith.constant 16 : i32
      %mul3A_16 = arith.muli %scan3A_14, %mul3A_15 : i32
      %get3A = arith.index_cast %mul3A_16 : i32 to index
      %get3A_17 = tpu.vector_load %arg4[%get3A] {strides = array<i32>} : memref<10000xi32, #tpu.memory_space<vmem>>, vector<16xi32>,
      %sub3A = vector.broadcast %mul3A_6 : i32 to vector<16xi32>
      %sub3A_18 = arith.subi %get3A_17, %sub3A : vector<16xi32>
      %ge3A = arith.constant 0 : i32
      %ge3A_19 = vector.broadcast %ge3A : i32 to vector<16xi32>
      %ge3A_20 = arith.cmpi sge, %sub3A_18, %ge3A_19 : vector<16xi32>
      %lt3A_21 = arith.constant 5120 : i32
      %lt3A_22 = vector.broadcast %lt3A_21 : i32 to vector<16xi32>
      %lt3A_23 = arith.cmpi slt, %sub3A_18, %lt3A_22 : vector<16xi32>
      %and3A = arith.andi %ge3A_20, %lt3A_23 : vector<16xi1>
      %jit3A = arith.constant 5120 : i32
      %broadcast_in_dim3A = vector.broadcast %jit3A : i32 to vector<16xi32>
      %select_n3A = arith.select %and3A, %sub3A_18, %broadcast_in_dim3A : vector<16xi1>, vector<16xi32>
      %broadcast_in_dim3A_24 = arith.constant 1.000000e+00 : f32
      %broadcast_in_dim3A_25 = vector.broadcast %broadcast_in_dim3A_24 : f32 to vector<16xf32>
      tpu.vector_store_idx %arg5[%select_n3A], %broadcast_in_dim3A_25 {add = true} : memref<5376xf32, #tpu.memory_space<vmem>>[vector<16xi32>], vector<16xf32>,
    }
    %scan3A_11 = arith.constant 625 : i32
    "tpu.region"() ({
      %run_scoped3A = tpu.sem_alloc : memref<!tpu.dma_semaphore, #tpu.memory_space<semaphore_mem>>
      %dma_start3A = arith.constant 0 : i32
      %dma_start3A_14 = tpu.memref_slice %arg8[%arg1, %dma_start3A] : memref<16x5376xf32, #tpu.memory_space<vmem_shared>> -> memref<1x5376xf32, #tpu.memory_space<vmem_shared>>
      %dma_start3A_15 = tpu.memref_squeeze %dma_start3A_14 : memref<1x5376xf32, #tpu.memory_space<vmem_shared>> -> memref<5376xf32, #tpu.memory_space<vmem_shared>>
      %dma_start3A_16 = arith.constant 0 : i32
      %dma_start3A_17 = tpu.memref_slice %arg8[%arg1, %dma_start3A_16] : memref<16x5376xf32, #tpu.memory_space<vmem_shared>> -> memref<1x5376xf32, #tpu.memory_space<vmem_shared>>
      %dma_start3A_18 = tpu.memref_squeeze %dma_start3A_17 : memref<1x5376xf32, #tpu.memory_space<vmem_shared>> -> memref<5376xf32, #tpu.memory_space<vmem_shared>>
      tpu.enqueue_dma source(%arg5 : memref<5376xf32, #tpu.memory_space<vmem>>) target(%dma_start3A_18 : memref<5376xf32, #tpu.memory_space<vmem_shared>>) target_semaphore(%run_scoped3A : memref<!tpu.dma_semaphore, #tpu.memory_space<semaphore_mem>>)
      %dma_wait3A = arith.constant 0 : i32
      %dma_wait3A_19 = tpu.memref_slice %arg8[%arg1, %dma_wait3A] : memref<16x5376xf32, #tpu.memory_space<vmem_shared>> -> memref<1x5376xf32, #tpu.memory_space<vmem_shared>>
      %dma_wait3A_20 = tpu.memref_squeeze %dma_wait3A_19 : memref<1x5376xf32, #tpu.memory_space<vmem_shared>> -> memref<5376xf32, #tpu.memory_space<vmem_shared>>
      %dma_wait3A_21 = arith.constant 0 : i32
      %dma_wait3A_22 = tpu.memref_slice %arg8[%arg1, %dma_wait3A_21] : memref<16x5376xf32, #tpu.memory_space<vmem_shared>> -> memref<1x5376xf32, #tpu.memory_space<vmem_shared>>
      %dma_wait3A_23 = tpu.memref_squeeze %dma_wait3A_22 : memref<1x5376xf32, #tpu.memory_space<vmem_shared>> -> memref<5376xf32, #tpu.memory_space<vmem_shared>>
      tpu.wait_dma2 semaphore(%run_scoped3A : memref<!tpu.dma_semaphore, #tpu.memory_space<semaphore_mem>>) src(%arg5 : memref<5376xf32, #tpu.memory_space<vmem>>) dst(%dma_wait3A_23 : memref<5376xf32, #tpu.memory_space<vmem_shared>>)
      tpu.yield
    }) : () -> ()
    %barrier3A = arith.constant 0 : index
    tpu.barrier barrier_id(%barrier3A)
    %lt3A = arith.constant 8 : i32
    %lt3A_12 = arith.cmpi slt, %arg1, %lt3A : i32
    %convert_element_type3A = arith.extui %lt3A_12 : i1 to i32
    %cond3A = arith.constant 0 : i32
    %cond3A_13 = arith.cmpi ne, %convert_element_type3A, %cond3A : i32
    scf.if %cond3A_13 {
      %mul3A_14 = arith.constant 640 : i32
      %mul3A_15 = arith.muli %arg1, %mul3A_14 : i32
      %run_scoped3A = arith.constant 0 : i32
      %run_scoped3A_16 = arith.constant 0 : i32
      "tpu.region"() ({
        %run_scoped3A_84 = tpu.sem_alloc : memref<!tpu.dma_semaphore, #tpu.memory_space<semaphore_mem>>
        %dma_start3A = arith.constant 0 : i32
        %dma_start3A_85 = tpu.memref_slice %arg6[%run_scoped3A_16, %dma_start3A] : memref<16x640xf32, #tpu.memory_space<vmem>> -> memref<1x640xf32, #tpu.memory_space<vmem>>
        %dma_start3A_86 = tpu.memref_squeeze %dma_start3A_85 : memref<1x640xf32, #tpu.memory_space<vmem>> -> memref<640xf32, #tpu.memory_space<vmem>>
        %dma_start3A_87 = arith.constant 0 : i32
        %dma_start3A_88 = tpu.memref_slice %arg8[%run_scoped3A, %dma_start3A_87] : memref<16x5376xf32, #tpu.memory_space<vmem_shared>> -> memref<1x5376xf32, #tpu.memory_space<vmem_shared>>
        %dma_start3A_89 = tpu.memref_squeeze %dma_start3A_88 : memref<1x5376xf32, #tpu.memory_space<vmem_shared>> -> memref<5376xf32, #tpu.memory_space<vmem_shared>>
        %dma_start3A_90 = tpu.memref_slice %dma_start3A_89[%mul3A_15] : memref<5376xf32, #tpu.memory_space<vmem_shared>> -> memref<640xf32, #tpu.memory_space<vmem_shared>>
        %dma_start3A_91 = arith.constant 0 : i32
        %dma_start3A_92 = tpu.memref_slice %arg6[%run_scoped3A_16, %dma_start3A_91] : memref<16x640xf32, #tpu.memory_space<vmem>> -> memref<1x640xf32, #tpu.memory_space<vmem>>
        %dma_start3A_93 = tpu.memref_squeeze %dma_start3A_92 : memref<1x640xf32, #tpu.memory_space<vmem>> -> memref<640xf32, #tpu.memory_space<vmem>>
        %dma_start3A_94 = arith.constant 0 : i32
        %dma_start3A_95 = tpu.memref_slice %arg8[%run_scoped3A, %dma_start3A_94] : memref<16x5376xf32, #tpu.memory_space<vmem_shared>> -> memref<1x5376xf32, #tpu.memory_space<vmem_shared>>
        %dma_start3A_96 = tpu.memref_squeeze %dma_start3A_95 : memref<1x5376xf32, #tpu.memory_space<vmem_shared>> -> memref<5376xf32, #tpu.memory_space<vmem_shared>>
        %dma_start3A_97 = tpu.memref_slice %dma_start3A_96[%mul3A_15] : memref<5376xf32, #tpu.memory_space<vmem_shared>> -> memref<640xf32, #tpu.memory_space<vmem_shared>>
        tpu.enqueue_dma source(%dma_start3A_97 : memref<640xf32, #tpu.memory_space<vmem_shared>>) target(%dma_start3A_93 : memref<640xf32, #tpu.memory_space<vmem>>) target_semaphore(%run_scoped3A_84 : memref<!tpu.dma_semaphore, #tpu.memory_space<semaphore_mem>>)
        %dma_wait3A = arith.constant 0 : i32
        %dma_wait3A_98 = tpu.memref_slice %arg6[%run_scoped3A_16, %dma_wait3A] : memref<16x640xf32, #tpu.memory_space<vmem>> -> memref<1x640xf32, #tpu.memory_space<vmem>>
        %dma_wait3A_99 = tpu.memref_squeeze %dma_wait3A_98 : memref<1x640xf32, #tpu.memory_space<vmem>> -> memref<640xf32, #tpu.memory_space<vmem>>
        %dma_wait3A_100 = arith.constant 0 : i32
        %dma_wait3A_101 = tpu.memref_slice %arg8[%run_scoped3A, %dma_wait3A_100] : memref<16x5376xf32, #tpu.memory_space<vmem_shared>> -> memref<1x5376xf32, #tpu.memory_space<vmem_shared>>
        %dma_wait3A_102 = tpu.memref_squeeze %dma_wait3A_101 : memref<1x5376xf32, #tpu.memory_space<vmem_shared>> -> memref<5376xf32, #tpu.memory_space<vmem_shared>>
        %dma_wait3A_103 = tpu.memref_slice %dma_wait3A_102[%mul3A_15] : memref<5376xf32, #tpu.memory_space<vmem_shared>> -> memref<640xf32, #tpu.memory_space<vmem_shared>>
        %dma_wait3A_104 = arith.constant 0 : i32
        %dma_wait3A_105 = tpu.memref_slice %arg6[%run_scoped3A_16, %dma_wait3A_104] : memref<16x640xf32, #tpu.memory_space<vmem>> -> memref<1x640xf32, #tpu.memory_space<vmem>>
        %dma_wait3A_106 = tpu.memref_squeeze %dma_wait3A_105 : memref<1x640xf32, #tpu.memory_space<vmem>> -> memref<640xf32, #tpu.memory_space<vmem>>
        %dma_wait3A_107 = arith.constant 0 : i32
        %dma_wait3A_108 = tpu.memref_slice %arg8[%run_scoped3A, %dma_wait3A_107] : memref<16x5376xf32, #tpu.memory_space<vmem_shared>> -> memref<1x5376xf32, #tpu.memory_space<vmem_shared>>
        %dma_wait3A_109 = tpu.memref_squeeze %dma_wait3A_108 : memref<1x5376xf32, #tpu.memory_space<vmem_shared>> -> memref<5376xf32, #tpu.memory_space<vmem_shared>>
        %dma_wait3A_110 = tpu.memref_slice %dma_wait3A_109[%mul3A_15] : memref<5376xf32, #tpu.memory_space<vmem_shared>> -> memref<640xf32, #tpu.memory_space<vmem_shared>>
        tpu.wait_dma2 semaphore(%run_scoped3A_84 : memref<!tpu.dma_semaphore, #tpu.memory_space<semaphore_mem>>) src(%dma_wait3A_110 : memref<640xf32, #tpu.memory_space<vmem_shared>>) dst(%dma_wait3A_106 : memref<640xf32, #tpu.memory_space<vmem>>)
        tpu.yield
      }) : () -> ()
      %mul3A_17 = arith.constant 640 : i32
      %mul3A_18 = arith.muli %arg1, %mul3A_17 : i32
      %run_scoped3A_19 = arith.constant 1 : i32
      %run_scoped3A_20 = arith.constant 1 : i32
      "tpu.region"() ({
        %run_scoped3A_84 = tpu.sem_alloc : memref<!tpu.dma_semaphore, #tpu.memory_space<semaphore_mem>>
        %dma_start3A = arith.constant 0 : i32
        %dma_start3A_85 = tpu.memref_slice %arg6[%run_scoped3A_20, %dma_start3A] : memref<16x640xf32, #tpu.memory_space<vmem>> -> memref<1x640xf32, #tpu.memory_space<vmem>>
        %dma_start3A_86 = tpu.memref_squeeze %dma_start3A_85 : memref<1x640xf32, #tpu.memory_space<vmem>> -> memref<640xf32, #tpu.memory_space<vmem>>
        %dma_start3A_87 = arith.constant 0 : i32
        %dma_start3A_88 = tpu.memref_slice %arg8[%run_scoped3A_19, %dma_start3A_87] : memref<16x5376xf32, #tpu.memory_space<vmem_shared>> -> memref<1x5376xf32, #tpu.memory_space<vmem_shared>>
        %dma_start3A_89 = tpu.memref_squeeze %dma_start3A_88 : memref<1x5376xf32, #tpu.memory_space<vmem_shared>> -> memref<5376xf32, #tpu.memory_space<vmem_shared>>
        %dma_start3A_90 = tpu.memref_slice %dma_start3A_89[%mul3A_18] : memref<5376xf32, #tpu.memory_space<vmem_shared>> -> memref<640xf32, #tpu.memory_space<vmem_shared>>
        %dma_start3A_91 = arith.constant 0 : i32
        %dma_start3A_92 = tpu.memref_slice %arg6[%run_scoped3A_20, %dma_start3A_91] : memref<16x640xf32, #tpu.memory_space<vmem>> -> memref<1x640xf32, #tpu.memory_space<vmem>>
        %dma_start3A_93 = tpu.memref_squeeze %dma_start3A_92 : memref<1x640xf32, #tpu.memory_space<vmem>> -> memref<640xf32, #tpu.memory_space<vmem>>
        %dma_start3A_94 = arith.constant 0 : i32
        %dma_start3A_95 = tpu.memref_slice %arg8[%run_scoped3A_19, %dma_start3A_94] : memref<16x5376xf32, #tpu.memory_space<vmem_shared>> -> memref<1x5376xf32, #tpu.memory_space<vmem_shared>>
        %dma_start3A_96 = tpu.memref_squeeze %dma_start3A_95 : memref<1x5376xf32, #tpu.memory_space<vmem_shared>> -> memref<5376xf32, #tpu.memory_space<vmem_shared>>
        %dma_start3A_97 = tpu.memref_slice %dma_start3A_96[%mul3A_18] : memref<5376xf32, #tpu.memory_space<vmem_shared>> -> memref<640xf32, #tpu.memory_space<vmem_shared>>
        tpu.enqueue_dma source(%dma_start3A_97 : memref<640xf32, #tpu.memory_space<vmem_shared>>) target(%dma_start3A_93 : memref<640xf32, #tpu.memory_space<vmem>>) target_semaphore(%run_scoped3A_84 : memref<!tpu.dma_semaphore, #tpu.memory_space<semaphore_mem>>)
        %dma_wait3A = arith.constant 0 : i32
        %dma_wait3A_98 = tpu.memref_slice %arg6[%run_scoped3A_20, %dma_wait3A] : memref<16x640xf32, #tpu.memory_space<vmem>> -> memref<1x640xf32, #tpu.memory_space<vmem>>
        %dma_wait3A_99 = tpu.memref_squeeze %dma_wait3A_98 : memref<1x640xf32, #tpu.memory_space<vmem>> -> memref<640xf32, #tpu.memory_space<vmem>>
        %dma_wait3A_100 = arith.constant 0 : i32
        %dma_wait3A_101 = tpu.memref_slice %arg8[%run_scoped3A_19, %dma_wait3A_100] : memref<16x5376xf32, #tpu.memory_space<vmem_shared>> -> memref<1x5376xf32, #tpu.memory_space<vmem_shared>>
        %dma_wait3A_102 = tpu.memref_squeeze %dma_wait3A_101 : memref<1x5376xf32, #tpu.memory_space<vmem_shared>> -> memref<5376xf32, #tpu.memory_space<vmem_shared>>
        %dma_wait3A_103 = tpu.memref_slice %dma_wait3A_102[%mul3A_18] : memref<5376xf32, #tpu.memory_space<vmem_shared>> -> memref<640xf32, #tpu.memory_space<vmem_shared>>
        %dma_wait3A_104 = arith.constant 0 : i32
        %dma_wait3A_105 = tpu.memref_slice %arg6[%run_scoped3A_20, %dma_wait3A_104] : memref<16x640xf32, #tpu.memory_space<vmem>> -> memref<1x640xf32, #tpu.memory_space<vmem>>
        %dma_wait3A_106 = tpu.memref_squeeze %dma_wait3A_105 : memref<1x640xf32, #tpu.memory_space<vmem>> -> memref<640xf32, #tpu.memory_space<vmem>>
        %dma_wait3A_107 = arith.constant 0 : i32
        %dma_wait3A_108 = tpu.memref_slice %arg8[%run_scoped3A_19, %dma_wait3A_107] : memref<16x5376xf32, #tpu.memory_space<vmem_shared>> -> memref<1x5376xf32, #tpu.memory_space<vmem_shared>>
        %dma_wait3A_109 = tpu.memref_squeeze %dma_wait3A_108 : memref<1x5376xf32, #tpu.memory_space<vmem_shared>> -> memref<5376xf32, #tpu.memory_space<vmem_shared>>
        %dma_wait3A_110 = tpu.memref_slice %dma_wait3A_109[%mul3A_18] : memref<5376xf32, #tpu.memory_space<vmem_shared>> -> memref<640xf32, #tpu.memory_space<vmem_shared>>
        tpu.wait_dma2 semaphore(%run_scoped3A_84 : memref<!tpu.dma_semaphore, #tpu.memory_space<semaphore_mem>>) src(%dma_wait3A_110 : memref<640xf32, #tpu.memory_space<vmem_shared>>) dst(%dma_wait3A_106 : memref<640xf32, #tpu.memory_space<vmem>>)
        tpu.yield
      }) : () -> ()
      %mul3A_21 = arith.constant 640 : i32
      %mul3A_22 = arith.muli %arg1, %mul3A_21 : i32
      %run_scoped3A_23 = arith.constant 2 : i32
      %run_scoped3A_24 = arith.constant 2 : i32
      "tpu.region"() ({
        %run_scoped3A_84 = tpu.sem_alloc : memref<!tpu.dma_semaphore, #tpu.memory_space<semaphore_mem>>
        %dma_start3A = arith.constant 0 : i32
        %dma_start3A_85 = tpu.memref_slice %arg6[%run_scoped3A_24, %dma_start3A] : memref<16x640xf32, #tpu.memory_space<vmem>> -> memref<1x640xf32, #tpu.memory_space<vmem>>
        %dma_start3A_86 = tpu.memref_squeeze %dma_start3A_85 : memref<1x640xf32, #tpu.memory_space<vmem>> -> memref<640xf32, #tpu.memory_space<vmem>>
        %dma_start3A_87 = arith.constant 0 : i32
        %dma_start3A_88 = tpu.memref_slice %arg8[%run_scoped3A_23, %dma_start3A_87] : memref<16x5376xf32, #tpu.memory_space<vmem_shared>> -> memref<1x5376xf32, #tpu.memory_space<vmem_shared>>
        %dma_start3A_89 = tpu.memref_squeeze %dma_start3A_88 : memref<1x5376xf32, #tpu.memory_space<vmem_shared>> -> memref<5376xf32, #tpu.memory_space<vmem_shared>>
        %dma_start3A_90 = tpu.memref_slice %dma_start3A_89[%mul3A_22] : memref<5376xf32, #tpu.memory_space<vmem_shared>> -> memref<640xf32, #tpu.memory_space<vmem_shared>>
        %dma_start3A_91 = arith.constant 0 : i32
        %dma_start3A_92 = tpu.memref_slice %arg6[%run_scoped3A_24, %dma_start3A_91] : memref<16x640xf32, #tpu.memory_space<vmem>> -> memref<1x640xf32, #tpu.memory_space<vmem>>
        %dma_start3A_93 = tpu.memref_squeeze %dma_start3A_92 : memref<1x640xf32, #tpu.memory_space<vmem>> -> memref<640xf32, #tpu.memory_space<vmem>>
        %dma_start3A_94 = arith.constant 0 : i32
        %dma_start3A_95 = tpu.memref_slice %arg8[%run_scoped3A_23, %dma_start3A_94] : memref<16x5376xf32, #tpu.memory_space<vmem_shared>> -> memref<1x5376xf32, #tpu.memory_space<vmem_shared>>
        %dma_start3A_96 = tpu.memref_squeeze %dma_start3A_95 : memref<1x5376xf32, #tpu.memory_space<vmem_shared>> -> memref<5376xf32, #tpu.memory_space<vmem_shared>>
        %dma_start3A_97 = tpu.memref_slice %dma_start3A_96[%mul3A_22] : memref<5376xf32, #tpu.memory_space<vmem_shared>> -> memref<640xf32, #tpu.memory_space<vmem_shared>>
        tpu.enqueue_dma source(%dma_start3A_97 : memref<640xf32, #tpu.memory_space<vmem_shared>>) target(%dma_start3A_93 : memref<640xf32, #tpu.memory_space<vmem>>) target_semaphore(%run_scoped3A_84 : memref<!tpu.dma_semaphore, #tpu.memory_space<semaphore_mem>>)
        %dma_wait3A = arith.constant 0 : i32
        %dma_wait3A_98 = tpu.memref_slice %arg6[%run_scoped3A_24, %dma_wait3A] : memref<16x640xf32, #tpu.memory_space<vmem>> -> memref<1x640xf32, #tpu.memory_space<vmem>>
        %dma_wait3A_99 = tpu.memref_squeeze %dma_wait3A_98 : memref<1x640xf32, #tpu.memory_space<vmem>> -> memref<640xf32, #tpu.memory_space<vmem>>
        %dma_wait3A_100 = arith.constant 0 : i32
        %dma_wait3A_101 = tpu.memref_slice %arg8[%run_scoped3A_23, %dma_wait3A_100] : memref<16x5376xf32, #tpu.memory_space<vmem_shared>> -> memref<1x5376xf32, #tpu.memory_space<vmem_shared>>
        %dma_wait3A_102 = tpu.memref_squeeze %dma_wait3A_101 : memref<1x5376xf32, #tpu.memory_space<vmem_shared>> -> memref<5376xf32, #tpu.memory_space<vmem_shared>>
        %dma_wait3A_103 = tpu.memref_slice %dma_wait3A_102[%mul3A_22] : memref<5376xf32, #tpu.memory_space<vmem_shared>> -> memref<640xf32, #tpu.memory_space<vmem_shared>>
        %dma_wait3A_104 = arith.constant 0 : i32
        %dma_wait3A_105 = tpu.memref_slice %arg6[%run_scoped3A_24, %dma_wait3A_104] : memref<16x640xf32, #tpu.memory_space<vmem>> -> memref<1x640xf32, #tpu.memory_space<vmem>>
        %dma_wait3A_106 = tpu.memref_squeeze %dma_wait3A_105 : memref<1x640xf32, #tpu.memory_space<vmem>> -> memref<640xf32, #tpu.memory_space<vmem>>
        %dma_wait3A_107 = arith.constant 0 : i32
        %dma_wait3A_108 = tpu.memref_slice %arg8[%run_scoped3A_23, %dma_wait3A_107] : memref<16x5376xf32, #tpu.memory_space<vmem_shared>> -> memref<1x5376xf32, #tpu.memory_space<vmem_shared>>
        %dma_wait3A_109 = tpu.memref_squeeze %dma_wait3A_108 : memref<1x5376xf32, #tpu.memory_space<vmem_shared>> -> memref<5376xf32, #tpu.memory_space<vmem_shared>>
        %dma_wait3A_110 = tpu.memref_slice %dma_wait3A_109[%mul3A_22] : memref<5376xf32, #tpu.memory_space<vmem_shared>> -> memref<640xf32, #tpu.memory_space<vmem_shared>>
        tpu.wait_dma2 semaphore(%run_scoped3A_84 : memref<!tpu.dma_semaphore, #tpu.memory_space<semaphore_mem>>) src(%dma_wait3A_110 : memref<640xf32, #tpu.memory_space<vmem_shared>>) dst(%dma_wait3A_106 : memref<640xf32, #tpu.memory_space<vmem>>)
        tpu.yield
      }) : () -> ()
      %mul3A_25 = arith.constant 640 : i32
      %mul3A_26 = arith.muli %arg1, %mul3A_25 : i32
      %run_scoped3A_27 = arith.constant 3 : i32
      %run_scoped3A_28 = arith.constant 3 : i32
      "tpu.region"() ({
        %run_scoped3A_84 = tpu.sem_alloc : memref<!tpu.dma_semaphore, #tpu.memory_space<semaphore_mem>>
        %dma_start3A = arith.constant 0 : i32
        %dma_start3A_85 = tpu.memref_slice %arg6[%run_scoped3A_28, %dma_start3A] : memref<16x640xf32, #tpu.memory_space<vmem>> -> memref<1x640xf32, #tpu.memory_space<vmem>>
        %dma_start3A_86 = tpu.memref_squeeze %dma_start3A_85 : memref<1x640xf32, #tpu.memory_space<vmem>> -> memref<640xf32, #tpu.memory_space<vmem>>
        %dma_start3A_87 = arith.constant 0 : i32
        %dma_start3A_88 = tpu.memref_slice %arg8[%run_scoped3A_27, %dma_start3A_87] : memref<16x5376xf32, #tpu.memory_space<vmem_shared>> -> memref<1x5376xf32, #tpu.memory_space<vmem_shared>>
        %dma_start3A_89 = tpu.memref_squeeze %dma_start3A_88 : memref<1x5376xf32, #tpu.memory_space<vmem_shared>> -> memref<5376xf32, #tpu.memory_space<vmem_shared>>
        %dma_start3A_90 = tpu.memref_slice %dma_start3A_89[%mul3A_26] : memref<5376xf32, #tpu.memory_space<vmem_shared>> -> memref<640xf32, #tpu.memory_space<vmem_shared>>
        %dma_start3A_91 = arith.constant 0 : i32
        %dma_start3A_92 = tpu.memref_slice %arg6[%run_scoped3A_28, %dma_start3A_91] : memref<16x640xf32, #tpu.memory_space<vmem>> -> memref<1x640xf32, #tpu.memory_space<vmem>>
        %dma_start3A_93 = tpu.memref_squeeze %dma_start3A_92 : memref<1x640xf32, #tpu.memory_space<vmem>> -> memref<640xf32, #tpu.memory_space<vmem>>
        %dma_start3A_94 = arith.constant 0 : i32
        %dma_start3A_95 = tpu.memref_slice %arg8[%run_scoped3A_27, %dma_start3A_94] : memref<16x5376xf32, #tpu.memory_space<vmem_shared>> -> memref<1x5376xf32, #tpu.memory_space<vmem_shared>>
        %dma_start3A_96 = tpu.memref_squeeze %dma_start3A_95 : memref<1x5376xf32, #tpu.memory_space<vmem_shared>> -> memref<5376xf32, #tpu.memory_space<vmem_shared>>
        %dma_start3A_97 = tpu.memref_slice %dma_start3A_96[%mul3A_26] : memref<5376xf32, #tpu.memory_space<vmem_shared>> -> memref<640xf32, #tpu.memory_space<vmem_shared>>
        tpu.enqueue_dma source(%dma_start3A_97 : memref<640xf32, #tpu.memory_space<vmem_shared>>) target(%dma_start3A_93 : memref<640xf32, #tpu.memory_space<vmem>>) target_semaphore(%run_scoped3A_84 : memref<!tpu.dma_semaphore, #tpu.memory_space<semaphore_mem>>)
        %dma_wait3A = arith.constant 0 : i32
        %dma_wait3A_98 = tpu.memref_slice %arg6[%run_scoped3A_28, %dma_wait3A] : memref<16x640xf32, #tpu.memory_space<vmem>> -> memref<1x640xf32, #tpu.memory_space<vmem>>
        %dma_wait3A_99 = tpu.memref_squeeze %dma_wait3A_98 : memref<1x640xf32, #tpu.memory_space<vmem>> -> memref<640xf32, #tpu.memory_space<vmem>>
        %dma_wait3A_100 = arith.constant 0 : i32
        %dma_wait3A_101 = tpu.memref_slice %arg8[%run_scoped3A_27, %dma_wait3A_100] : memref<16x5376xf32, #tpu.memory_space<vmem_shared>> -> memref<1x5376xf32, #tpu.memory_space<vmem_shared>>
        %dma_wait3A_102 = tpu.memref_squeeze %dma_wait3A_101 : memref<1x5376xf32, #tpu.memory_space<vmem_shared>> -> memref<5376xf32, #tpu.memory_space<vmem_shared>>
        %dma_wait3A_103 = tpu.memref_slice %dma_wait3A_102[%mul3A_26] : memref<5376xf32, #tpu.memory_space<vmem_shared>> -> memref<640xf32, #tpu.memory_space<vmem_shared>>
        %dma_wait3A_104 = arith.constant 0 : i32
        %dma_wait3A_105 = tpu.memref_slice %arg6[%run_scoped3A_28, %dma_wait3A_104] : memref<16x640xf32, #tpu.memory_space<vmem>> -> memref<1x640xf32, #tpu.memory_space<vmem>>
        %dma_wait3A_106 = tpu.memref_squeeze %dma_wait3A_105 : memref<1x640xf32, #tpu.memory_space<vmem>> -> memref<640xf32, #tpu.memory_space<vmem>>
        %dma_wait3A_107 = arith.constant 0 : i32
        %dma_wait3A_108 = tpu.memref_slice %arg8[%run_scoped3A_27, %dma_wait3A_107] : memref<16x5376xf32, #tpu.memory_space<vmem_shared>> -> memref<1x5376xf32, #tpu.memory_space<vmem_shared>>
        %dma_wait3A_109 = tpu.memref_squeeze %dma_wait3A_108 : memref<1x5376xf32, #tpu.memory_space<vmem_shared>> -> memref<5376xf32, #tpu.memory_space<vmem_shared>>
        %dma_wait3A_110 = tpu.memref_slice %dma_wait3A_109[%mul3A_26] : memref<5376xf32, #tpu.memory_space<vmem_shared>> -> memref<640xf32, #tpu.memory_space<vmem_shared>>
        tpu.wait_dma2 semaphore(%run_scoped3A_84 : memref<!tpu.dma_semaphore, #tpu.memory_space<semaphore_mem>>) src(%dma_wait3A_110 : memref<640xf32, #tpu.memory_space<vmem_shared>>) dst(%dma_wait3A_106 : memref<640xf32, #tpu.memory_space<vmem>>)
        tpu.yield
      }) : () -> ()
      %mul3A_29 = arith.constant 640 : i32
      %mul3A_30 = arith.muli %arg1, %mul3A_29 : i32
      %run_scoped3A_31 = arith.constant 4 : i32
      %run_scoped3A_32 = arith.constant 4 : i32
      "tpu.region"() ({
        %run_scoped3A_84 = tpu.sem_alloc : memref<!tpu.dma_semaphore, #tpu.memory_space<semaphore_mem>>
        %dma_start3A = arith.constant 0 : i32
        %dma_start3A_85 = tpu.memref_slice %arg6[%run_scoped3A_32, %dma_start3A] : memref<16x640xf32, #tpu.memory_space<vmem>> -> memref<1x640xf32, #tpu.memory_space<vmem>>
        %dma_start3A_86 = tpu.memref_squeeze %dma_start3A_85 : memref<1x640xf32, #tpu.memory_space<vmem>> -> memref<640xf32, #tpu.memory_space<vmem>>
        %dma_start3A_87 = arith.constant 0 : i32
        %dma_start3A_88 = tpu.memref_slice %arg8[%run_scoped3A_31, %dma_start3A_87] : memref<16x5376xf32, #tpu.memory_space<vmem_shared>> -> memref<1x5376xf32, #tpu.memory_space<vmem_shared>>
        %dma_start3A_89 = tpu.memref_squeeze %dma_start3A_88 : memref<1x5376xf32, #tpu.memory_space<vmem_shared>> -> memref<5376xf32, #tpu.memory_space<vmem_shared>>
        %dma_start3A_90 = tpu.memref_slice %dma_start3A_89[%mul3A_30] : memref<5376xf32, #tpu.memory_space<vmem_shared>> -> memref<640xf32, #tpu.memory_space<vmem_shared>>
        %dma_start3A_91 = arith.constant 0 : i32
        %dma_start3A_92 = tpu.memref_slice %arg6[%run_scoped3A_32, %dma_start3A_91] : memref<16x640xf32, #tpu.memory_space<vmem>> -> memref<1x640xf32, #tpu.memory_space<vmem>>
        %dma_start3A_93 = tpu.memref_squeeze %dma_start3A_92 : memref<1x640xf32, #tpu.memory_space<vmem>> -> memref<640xf32, #tpu.memory_space<vmem>>
        %dma_start3A_94 = arith.constant 0 : i32
        %dma_start3A_95 = tpu.memref_slice %arg8[%run_scoped3A_31, %dma_start3A_94] : memref<16x5376xf32, #tpu.memory_space<vmem_shared>> -> memref<1x5376xf32, #tpu.memory_space<vmem_shared>>
        %dma_start3A_96 = tpu.memref_squeeze %dma_start3A_95 : memref<1x5376xf32, #tpu.memory_space<vmem_shared>> -> memref<5376xf32, #tpu.memory_space<vmem_shared>>
        %dma_start3A_97 = tpu.memref_slice %dma_start3A_96[%mul3A_30] : memref<5376xf32, #tpu.memory_space<vmem_shared>> -> memref<640xf32, #tpu.memory_space<vmem_shared>>
        tpu.enqueue_dma source(%dma_start3A_97 : memref<640xf32, #tpu.memory_space<vmem_shared>>) target(%dma_start3A_93 : memref<640xf32, #tpu.memory_space<vmem>>) target_semaphore(%run_scoped3A_84 : memref<!tpu.dma_semaphore, #tpu.memory_space<semaphore_mem>>)
        %dma_wait3A = arith.constant 0 : i32
        %dma_wait3A_98 = tpu.memref_slice %arg6[%run_scoped3A_32, %dma_wait3A] : memref<16x640xf32, #tpu.memory_space<vmem>> -> memref<1x640xf32, #tpu.memory_space<vmem>>
        %dma_wait3A_99 = tpu.memref_squeeze %dma_wait3A_98 : memref<1x640xf32, #tpu.memory_space<vmem>> -> memref<640xf32, #tpu.memory_space<vmem>>
        %dma_wait3A_100 = arith.constant 0 : i32
        %dma_wait3A_101 = tpu.memref_slice %arg8[%run_scoped3A_31, %dma_wait3A_100] : memref<16x5376xf32, #tpu.memory_space<vmem_shared>> -> memref<1x5376xf32, #tpu.memory_space<vmem_shared>>
        %dma_wait3A_102 = tpu.memref_squeeze %dma_wait3A_101 : memref<1x5376xf32, #tpu.memory_space<vmem_shared>> -> memref<5376xf32, #tpu.memory_space<vmem_shared>>
        %dma_wait3A_103 = tpu.memref_slice %dma_wait3A_102[%mul3A_30] : memref<5376xf32, #tpu.memory_space<vmem_shared>> -> memref<640xf32, #tpu.memory_space<vmem_shared>>
        %dma_wait3A_104 = arith.constant 0 : i32
        %dma_wait3A_105 = tpu.memref_slice %arg6[%run_scoped3A_32, %dma_wait3A_104] : memref<16x640xf32, #tpu.memory_space<vmem>> -> memref<1x640xf32, #tpu.memory_space<vmem>>
        %dma_wait3A_106 = tpu.memref_squeeze %dma_wait3A_105 : memref<1x640xf32, #tpu.memory_space<vmem>> -> memref<640xf32, #tpu.memory_space<vmem>>
        %dma_wait3A_107 = arith.constant 0 : i32
        %dma_wait3A_108 = tpu.memref_slice %arg8[%run_scoped3A_31, %dma_wait3A_107] : memref<16x5376xf32, #tpu.memory_space<vmem_shared>> -> memref<1x5376xf32, #tpu.memory_space<vmem_shared>>
        %dma_wait3A_109 = tpu.memref_squeeze %dma_wait3A_108 : memref<1x5376xf32, #tpu.memory_space<vmem_shared>> -> memref<5376xf32, #tpu.memory_space<vmem_shared>>
        %dma_wait3A_110 = tpu.memref_slice %dma_wait3A_109[%mul3A_30] : memref<5376xf32, #tpu.memory_space<vmem_shared>> -> memref<640xf32, #tpu.memory_space<vmem_shared>>
        tpu.wait_dma2 semaphore(%run_scoped3A_84 : memref<!tpu.dma_semaphore, #tpu.memory_space<semaphore_mem>>) src(%dma_wait3A_110 : memref<640xf32, #tpu.memory_space<vmem_shared>>) dst(%dma_wait3A_106 : memref<640xf32, #tpu.memory_space<vmem>>)
        tpu.yield
      }) : () -> ()
      %mul3A_33 = arith.constant 640 : i32
      %mul3A_34 = arith.muli %arg1, %mul3A_33 : i32
      %run_scoped3A_35 = arith.constant 5 : i32
      %run_scoped3A_36 = arith.constant 5 : i32
      "tpu.region"() ({
        %run_scoped3A_84 = tpu.sem_alloc : memref<!tpu.dma_semaphore, #tpu.memory_space<semaphore_mem>>
        %dma_start3A = arith.constant 0 : i32
        %dma_start3A_85 = tpu.memref_slice %arg6[%run_scoped3A_36, %dma_start3A] : memref<16x640xf32, #tpu.memory_space<vmem>> -> memref<1x640xf32, #tpu.memory_space<vmem>>
        %dma_start3A_86 = tpu.memref_squeeze %dma_start3A_85 : memref<1x640xf32, #tpu.memory_space<vmem>> -> memref<640xf32, #tpu.memory_space<vmem>>
        %dma_start3A_87 = arith.constant 0 : i32
        %dma_start3A_88 = tpu.memref_slice %arg8[%run_scoped3A_35, %dma_start3A_87] : memref<16x5376xf32, #tpu.memory_space<vmem_shared>> -> memref<1x5376xf32, #tpu.memory_space<vmem_shared>>
        %dma_start3A_89 = tpu.memref_squeeze %dma_start3A_88 : memref<1x5376xf32, #tpu.memory_space<vmem_shared>> -> memref<5376xf32, #tpu.memory_space<vmem_shared>>
        %dma_start3A_90 = tpu.memref_slice %dma_start3A_89[%mul3A_34] : memref<5376xf32, #tpu.memory_space<vmem_shared>> -> memref<640xf32, #tpu.memory_space<vmem_shared>>
        %dma_start3A_91 = arith.constant 0 : i32
        %dma_start3A_92 = tpu.memref_slice %arg6[%run_scoped3A_36, %dma_start3A_91] : memref<16x640xf32, #tpu.memory_space<vmem>> -> memref<1x640xf32, #tpu.memory_space<vmem>>
        %dma_start3A_93 = tpu.memref_squeeze %dma_start3A_92 : memref<1x640xf32, #tpu.memory_space<vmem>> -> memref<640xf32, #tpu.memory_space<vmem>>
        %dma_start3A_94 = arith.constant 0 : i32
        %dma_start3A_95 = tpu.memref_slice %arg8[%run_scoped3A_35, %dma_start3A_94] : memref<16x5376xf32, #tpu.memory_space<vmem_shared>> -> memref<1x5376xf32, #tpu.memory_space<vmem_shared>>
        %dma_start3A_96 = tpu.memref_squeeze %dma_start3A_95 : memref<1x5376xf32, #tpu.memory_space<vmem_shared>> -> memref<5376xf32, #tpu.memory_space<vmem_shared>>
        %dma_start3A_97 = tpu.memref_slice %dma_start3A_96[%mul3A_34] : memref<5376xf32, #tpu.memory_space<vmem_shared>> -> memref<640xf32, #tpu.memory_space<vmem_shared>>
        tpu.enqueue_dma source(%dma_start3A_97 : memref<640xf32, #tpu.memory_space<vmem_shared>>) target(%dma_start3A_93 : memref<640xf32, #tpu.memory_space<vmem>>) target_semaphore(%run_scoped3A_84 : memref<!tpu.dma_semaphore, #tpu.memory_space<semaphore_mem>>)
        %dma_wait3A = arith.constant 0 : i32
        %dma_wait3A_98 = tpu.memref_slice %arg6[%run_scoped3A_36, %dma_wait3A] : memref<16x640xf32, #tpu.memory_space<vmem>> -> memref<1x640xf32, #tpu.memory_space<vmem>>
        %dma_wait3A_99 = tpu.memref_squeeze %dma_wait3A_98 : memref<1x640xf32, #tpu.memory_space<vmem>> -> memref<640xf32, #tpu.memory_space<vmem>>
        %dma_wait3A_100 = arith.constant 0 : i32
        %dma_wait3A_101 = tpu.memref_slice %arg8[%run_scoped3A_35, %dma_wait3A_100] : memref<16x5376xf32, #tpu.memory_space<vmem_shared>> -> memref<1x5376xf32, #tpu.memory_space<vmem_shared>>
        %dma_wait3A_102 = tpu.memref_squeeze %dma_wait3A_101 : memref<1x5376xf32, #tpu.memory_space<vmem_shared>> -> memref<5376xf32, #tpu.memory_space<vmem_shared>>
        %dma_wait3A_103 = tpu.memref_slice %dma_wait3A_102[%mul3A_34] : memref<5376xf32, #tpu.memory_space<vmem_shared>> -> memref<640xf32, #tpu.memory_space<vmem_shared>>
        %dma_wait3A_104 = arith.constant 0 : i32
        %dma_wait3A_105 = tpu.memref_slice %arg6[%run_scoped3A_36, %dma_wait3A_104] : memref<16x640xf32, #tpu.memory_space<vmem>> -> memref<1x640xf32, #tpu.memory_space<vmem>>
        %dma_wait3A_106 = tpu.memref_squeeze %dma_wait3A_105 : memref<1x640xf32, #tpu.memory_space<vmem>> -> memref<640xf32, #tpu.memory_space<vmem>>
        %dma_wait3A_107 = arith.constant 0 : i32
        %dma_wait3A_108 = tpu.memref_slice %arg8[%run_scoped3A_35, %dma_wait3A_107] : memref<16x5376xf32, #tpu.memory_space<vmem_shared>> -> memref<1x5376xf32, #tpu.memory_space<vmem_shared>>
        %dma_wait3A_109 = tpu.memref_squeeze %dma_wait3A_108 : memref<1x5376xf32, #tpu.memory_space<vmem_shared>> -> memref<5376xf32, #tpu.memory_space<vmem_shared>>
        %dma_wait3A_110 = tpu.memref_slice %dma_wait3A_109[%mul3A_34] : memref<5376xf32, #tpu.memory_space<vmem_shared>> -> memref<640xf32, #tpu.memory_space<vmem_shared>>
        tpu.wait_dma2 semaphore(%run_scoped3A_84 : memref<!tpu.dma_semaphore, #tpu.memory_space<semaphore_mem>>) src(%dma_wait3A_110 : memref<640xf32, #tpu.memory_space<vmem_shared>>) dst(%dma_wait3A_106 : memref<640xf32, #tpu.memory_space<vmem>>)
        tpu.yield
      }) : () -> ()
      %mul3A_37 = arith.constant 640 : i32
      %mul3A_38 = arith.muli %arg1, %mul3A_37 : i32
      %run_scoped3A_39 = arith.constant 6 : i32
      %run_scoped3A_40 = arith.constant 6 : i32
      "tpu.region"() ({
        %run_scoped3A_84 = tpu.sem_alloc : memref<!tpu.dma_semaphore, #tpu.memory_space<semaphore_mem>>
        %dma_start3A = arith.constant 0 : i32
        %dma_start3A_85 = tpu.memref_slice %arg6[%run_scoped3A_40, %dma_start3A] : memref<16x640xf32, #tpu.memory_space<vmem>> -> memref<1x640xf32, #tpu.memory_space<vmem>>
        %dma_start3A_86 = tpu.memref_squeeze %dma_start3A_85 : memref<1x640xf32, #tpu.memory_space<vmem>> -> memref<640xf32, #tpu.memory_space<vmem>>
        %dma_start3A_87 = arith.constant 0 : i32
        %dma_start3A_88 = tpu.memref_slice %arg8[%run_scoped3A_39, %dma_start3A_87] : memref<16x5376xf32, #tpu.memory_space<vmem_shared>> -> memref<1x5376xf32, #tpu.memory_space<vmem_shared>>
        %dma_start3A_89 = tpu.memref_squeeze %dma_start3A_88 : memref<1x5376xf32, #tpu.memory_space<vmem_shared>> -> memref<5376xf32, #tpu.memory_space<vmem_shared>>
        %dma_start3A_90 = tpu.memref_slice %dma_start3A_89[%mul3A_38] : memref<5376xf32, #tpu.memory_space<vmem_shared>> -> memref<640xf32, #tpu.memory_space<vmem_shared>>
        %dma_start3A_91 = arith.constant 0 : i32
        %dma_start3A_92 = tpu.memref_slice %arg6[%run_scoped3A_40, %dma_start3A_91] : memref<16x640xf32, #tpu.memory_space<vmem>> -> memref<1x640xf32, #tpu.memory_space<vmem>>
        %dma_start3A_93 = tpu.memref_squeeze %dma_start3A_92 : memref<1x640xf32, #tpu.memory_space<vmem>> -> memref<640xf32, #tpu.memory_space<vmem>>
        %dma_start3A_94 = arith.constant 0 : i32
        %dma_start3A_95 = tpu.memref_slice %arg8[%run_scoped3A_39, %dma_start3A_94] : memref<16x5376xf32, #tpu.memory_space<vmem_shared>> -> memref<1x5376xf32, #tpu.memory_space<vmem_shared>>
        %dma_start3A_96 = tpu.memref_squeeze %dma_start3A_95 : memref<1x5376xf32, #tpu.memory_space<vmem_shared>> -> memref<5376xf32, #tpu.memory_space<vmem_shared>>
        %dma_start3A_97 = tpu.memref_slice %dma_start3A_96[%mul3A_38] : memref<5376xf32, #tpu.memory_space<vmem_shared>> -> memref<640xf32, #tpu.memory_space<vmem_shared>>
        tpu.enqueue_dma source(%dma_start3A_97 : memref<640xf32, #tpu.memory_space<vmem_shared>>) target(%dma_start3A_93 : memref<640xf32, #tpu.memory_space<vmem>>) target_semaphore(%run_scoped3A_84 : memref<!tpu.dma_semaphore, #tpu.memory_space<semaphore_mem>>)
        %dma_wait3A = arith.constant 0 : i32
        %dma_wait3A_98 = tpu.memref_slice %arg6[%run_scoped3A_40, %dma_wait3A] : memref<16x640xf32, #tpu.memory_space<vmem>> -> memref<1x640xf32, #tpu.memory_space<vmem>>
        %dma_wait3A_99 = tpu.memref_squeeze %dma_wait3A_98 : memref<1x640xf32, #tpu.memory_space<vmem>> -> memref<640xf32, #tpu.memory_space<vmem>>
        %dma_wait3A_100 = arith.constant 0 : i32
        %dma_wait3A_101 = tpu.memref_slice %arg8[%run_scoped3A_39, %dma_wait3A_100] : memref<16x5376xf32, #tpu.memory_space<vmem_shared>> -> memref<1x5376xf32, #tpu.memory_space<vmem_shared>>
        %dma_wait3A_102 = tpu.memref_squeeze %dma_wait3A_101 : memref<1x5376xf32, #tpu.memory_space<vmem_shared>> -> memref<5376xf32, #tpu.memory_space<vmem_shared>>
        %dma_wait3A_103 = tpu.memref_slice %dma_wait3A_102[%mul3A_38] : memref<5376xf32, #tpu.memory_space<vmem_shared>> -> memref<640xf32, #tpu.memory_space<vmem_shared>>
        %dma_wait3A_104 = arith.constant 0 : i32
        %dma_wait3A_105 = tpu.memref_slice %arg6[%run_scoped3A_40, %dma_wait3A_104] : memref<16x640xf32, #tpu.memory_space<vmem>> -> memref<1x640xf32, #tpu.memory_space<vmem>>
        %dma_wait3A_106 = tpu.memref_squeeze %dma_wait3A_105 : memref<1x640xf32, #tpu.memory_space<vmem>> -> memref<640xf32, #tpu.memory_space<vmem>>
        %dma_wait3A_107 = arith.constant 0 : i32
        %dma_wait3A_108 = tpu.memref_slice %arg8[%run_scoped3A_39, %dma_wait3A_107] : memref<16x5376xf32, #tpu.memory_space<vmem_shared>> -> memref<1x5376xf32, #tpu.memory_space<vmem_shared>>
        %dma_wait3A_109 = tpu.memref_squeeze %dma_wait3A_108 : memref<1x5376xf32, #tpu.memory_space<vmem_shared>> -> memref<5376xf32, #tpu.memory_space<vmem_shared>>
        %dma_wait3A_110 = tpu.memref_slice %dma_wait3A_109[%mul3A_38] : memref<5376xf32, #tpu.memory_space<vmem_shared>> -> memref<640xf32, #tpu.memory_space<vmem_shared>>
        tpu.wait_dma2 semaphore(%run_scoped3A_84 : memref<!tpu.dma_semaphore, #tpu.memory_space<semaphore_mem>>) src(%dma_wait3A_110 : memref<640xf32, #tpu.memory_space<vmem_shared>>) dst(%dma_wait3A_106 : memref<640xf32, #tpu.memory_space<vmem>>)
        tpu.yield
      }) : () -> ()
      %mul3A_41 = arith.constant 640 : i32
      %mul3A_42 = arith.muli %arg1, %mul3A_41 : i32
      %run_scoped3A_43 = arith.constant 7 : i32
      %run_scoped3A_44 = arith.constant 7 : i32
      "tpu.region"() ({
        %run_scoped3A_84 = tpu.sem_alloc : memref<!tpu.dma_semaphore, #tpu.memory_space<semaphore_mem>>
        %dma_start3A = arith.constant 0 : i32
        %dma_start3A_85 = tpu.memref_slice %arg6[%run_scoped3A_44, %dma_start3A] : memref<16x640xf32, #tpu.memory_space<vmem>> -> memref<1x640xf32, #tpu.memory_space<vmem>>
        %dma_start3A_86 = tpu.memref_squeeze %dma_start3A_85 : memref<1x640xf32, #tpu.memory_space<vmem>> -> memref<640xf32, #tpu.memory_space<vmem>>
        %dma_start3A_87 = arith.constant 0 : i32
        %dma_start3A_88 = tpu.memref_slice %arg8[%run_scoped3A_43, %dma_start3A_87] : memref<16x5376xf32, #tpu.memory_space<vmem_shared>> -> memref<1x5376xf32, #tpu.memory_space<vmem_shared>>
        %dma_start3A_89 = tpu.memref_squeeze %dma_start3A_88 : memref<1x5376xf32, #tpu.memory_space<vmem_shared>> -> memref<5376xf32, #tpu.memory_space<vmem_shared>>
        %dma_start3A_90 = tpu.memref_slice %dma_start3A_89[%mul3A_42] : memref<5376xf32, #tpu.memory_space<vmem_shared>> -> memref<640xf32, #tpu.memory_space<vmem_shared>>
        %dma_start3A_91 = arith.constant 0 : i32
        %dma_start3A_92 = tpu.memref_slice %arg6[%run_scoped3A_44, %dma_start3A_91] : memref<16x640xf32, #tpu.memory_space<vmem>> -> memref<1x640xf32, #tpu.memory_space<vmem>>
        %dma_start3A_93 = tpu.memref_squeeze %dma_start3A_92 : memref<1x640xf32, #tpu.memory_space<vmem>> -> memref<640xf32, #tpu.memory_space<vmem>>
        %dma_start3A_94 = arith.constant 0 : i32
        %dma_start3A_95 = tpu.memref_slice %arg8[%run_scoped3A_43, %dma_start3A_94] : memref<16x5376xf32, #tpu.memory_space<vmem_shared>> -> memref<1x5376xf32, #tpu.memory_space<vmem_shared>>
        %dma_start3A_96 = tpu.memref_squeeze %dma_start3A_95 : memref<1x5376xf32, #tpu.memory_space<vmem_shared>> -> memref<5376xf32, #tpu.memory_space<vmem_shared>>
        %dma_start3A_97 = tpu.memref_slice %dma_start3A_96[%mul3A_42] : memref<5376xf32, #tpu.memory_space<vmem_shared>> -> memref<640xf32, #tpu.memory_space<vmem_shared>>
        tpu.enqueue_dma source(%dma_start3A_97 : memref<640xf32, #tpu.memory_space<vmem_shared>>) target(%dma_start3A_93 : memref<640xf32, #tpu.memory_space<vmem>>) target_semaphore(%run_scoped3A_84 : memref<!tpu.dma_semaphore, #tpu.memory_space<semaphore_mem>>)
        %dma_wait3A = arith.constant 0 : i32
        %dma_wait3A_98 = tpu.memref_slice %arg6[%run_scoped3A_44, %dma_wait3A] : memref<16x640xf32, #tpu.memory_space<vmem>> -> memref<1x640xf32, #tpu.memory_space<vmem>>
        %dma_wait3A_99 = tpu.memref_squeeze %dma_wait3A_98 : memref<1x640xf32, #tpu.memory_space<vmem>> -> memref<640xf32, #tpu.memory_space<vmem>>
        %dma_wait3A_100 = arith.constant 0 : i32
        %dma_wait3A_101 = tpu.memref_slice %arg8[%run_scoped3A_43, %dma_wait3A_100] : memref<16x5376xf32, #tpu.memory_space<vmem_shared>> -> memref<1x5376xf32, #tpu.memory_space<vmem_shared>>
        %dma_wait3A_102 = tpu.memref_squeeze %dma_wait3A_101 : memref<1x5376xf32, #tpu.memory_space<vmem_shared>> -> memref<5376xf32, #tpu.memory_space<vmem_shared>>
        %dma_wait3A_103 = tpu.memref_slice %dma_wait3A_102[%mul3A_42] : memref<5376xf32, #tpu.memory_space<vmem_shared>> -> memref<640xf32, #tpu.memory_space<vmem_shared>>
        %dma_wait3A_104 = arith.constant 0 : i32
        %dma_wait3A_105 = tpu.memref_slice %arg6[%run_scoped3A_44, %dma_wait3A_104] : memref<16x640xf32, #tpu.memory_space<vmem>> -> memref<1x640xf32, #tpu.memory_space<vmem>>
        %dma_wait3A_106 = tpu.memref_squeeze %dma_wait3A_105 : memref<1x640xf32, #tpu.memory_space<vmem>> -> memref<640xf32, #tpu.memory_space<vmem>>
        %dma_wait3A_107 = arith.constant 0 : i32
        %dma_wait3A_108 = tpu.memref_slice %arg8[%run_scoped3A_43, %dma_wait3A_107] : memref<16x5376xf32, #tpu.memory_space<vmem_shared>> -> memref<1x5376xf32, #tpu.memory_space<vmem_shared>>
        %dma_wait3A_109 = tpu.memref_squeeze %dma_wait3A_108 : memref<1x5376xf32, #tpu.memory_space<vmem_shared>> -> memref<5376xf32, #tpu.memory_space<vmem_shared>>
        %dma_wait3A_110 = tpu.memref_slice %dma_wait3A_109[%mul3A_42] : memref<5376xf32, #tpu.memory_space<vmem_shared>> -> memref<640xf32, #tpu.memory_space<vmem_shared>>
        tpu.wait_dma2 semaphore(%run_scoped3A_84 : memref<!tpu.dma_semaphore, #tpu.memory_space<semaphore_mem>>) src(%dma_wait3A_110 : memref<640xf32, #tpu.memory_space<vmem_shared>>) dst(%dma_wait3A_106 : memref<640xf32, #tpu.memory_space<vmem>>)
        tpu.yield
      }) : () -> ()
      %mul3A_45 = arith.constant 640 : i32
      %mul3A_46 = arith.muli %arg1, %mul3A_45 : i32
      %run_scoped3A_47 = arith.constant 8 : i32
      %run_scoped3A_48 = arith.constant 8 : i32
      "tpu.region"() ({
        %run_scoped3A_84 = tpu.sem_alloc : memref<!tpu.dma_semaphore, #tpu.memory_space<semaphore_mem>>
        %dma_start3A = arith.constant 0 : i32
        %dma_start3A_85 = tpu.memref_slice %arg6[%run_scoped3A_48, %dma_start3A] : memref<16x640xf32, #tpu.memory_space<vmem>> -> memref<1x640xf32, #tpu.memory_space<vmem>>
        %dma_start3A_86 = tpu.memref_squeeze %dma_start3A_85 : memref<1x640xf32, #tpu.memory_space<vmem>> -> memref<640xf32, #tpu.memory_space<vmem>>
        %dma_start3A_87 = arith.constant 0 : i32
        %dma_start3A_88 = tpu.memref_slice %arg8[%run_scoped3A_47, %dma_start3A_87] : memref<16x5376xf32, #tpu.memory_space<vmem_shared>> -> memref<1x5376xf32, #tpu.memory_space<vmem_shared>>
        %dma_start3A_89 = tpu.memref_squeeze %dma_start3A_88 : memref<1x5376xf32, #tpu.memory_space<vmem_shared>> -> memref<5376xf32, #tpu.memory_space<vmem_shared>>
        %dma_start3A_90 = tpu.memref_slice %dma_start3A_89[%mul3A_46] : memref<5376xf32, #tpu.memory_space<vmem_shared>> -> memref<640xf32, #tpu.memory_space<vmem_shared>>
        %dma_start3A_91 = arith.constant 0 : i32
        %dma_start3A_92 = tpu.memref_slice %arg6[%run_scoped3A_48, %dma_start3A_91] : memref<16x640xf32, #tpu.memory_space<vmem>> -> memref<1x640xf32, #tpu.memory_space<vmem>>
        %dma_start3A_93 = tpu.memref_squeeze %dma_start3A_92 : memref<1x640xf32, #tpu.memory_space<vmem>> -> memref<640xf32, #tpu.memory_space<vmem>>
        %dma_start3A_94 = arith.constant 0 : i32
        %dma_start3A_95 = tpu.memref_slice %arg8[%run_scoped3A_47, %dma_start3A_94] : memref<16x5376xf32, #tpu.memory_space<vmem_shared>> -> memref<1x5376xf32, #tpu.memory_space<vmem_shared>>
        %dma_start3A_96 = tpu.memref_squeeze %dma_start3A_95 : memref<1x5376xf32, #tpu.memory_space<vmem_shared>> -> memref<5376xf32, #tpu.memory_space<vmem_shared>>
        %dma_start3A_97 = tpu.memref_slice %dma_start3A_96[%mul3A_46] : memref<5376xf32, #tpu.memory_space<vmem_shared>> -> memref<640xf32, #tpu.memory_space<vmem_shared>>
        tpu.enqueue_dma source(%dma_start3A_97 : memref<640xf32, #tpu.memory_space<vmem_shared>>) target(%dma_start3A_93 : memref<640xf32, #tpu.memory_space<vmem>>) target_semaphore(%run_scoped3A_84 : memref<!tpu.dma_semaphore, #tpu.memory_space<semaphore_mem>>)
        %dma_wait3A = arith.constant 0 : i32
        %dma_wait3A_98 = tpu.memref_slice %arg6[%run_scoped3A_48, %dma_wait3A] : memref<16x640xf32, #tpu.memory_space<vmem>> -> memref<1x640xf32, #tpu.memory_space<vmem>>
        %dma_wait3A_99 = tpu.memref_squeeze %dma_wait3A_98 : memref<1x640xf32, #tpu.memory_space<vmem>> -> memref<640xf32, #tpu.memory_space<vmem>>
        %dma_wait3A_100 = arith.constant 0 : i32
        %dma_wait3A_101 = tpu.memref_slice %arg8[%run_scoped3A_47, %dma_wait3A_100] : memref<16x5376xf32, #tpu.memory_space<vmem_shared>> -> memref<1x5376xf32, #tpu.memory_space<vmem_shared>>
        %dma_wait3A_102 = tpu.memref_squeeze %dma_wait3A_101 : memref<1x5376xf32, #tpu.memory_space<vmem_shared>> -> memref<5376xf32, #tpu.memory_space<vmem_shared>>
        %dma_wait3A_103 = tpu.memref_slice %dma_wait3A_102[%mul3A_46] : memref<5376xf32, #tpu.memory_space<vmem_shared>> -> memref<640xf32, #tpu.memory_space<vmem_shared>>
        %dma_wait3A_104 = arith.constant 0 : i32
        %dma_wait3A_105 = tpu.memref_slice %arg6[%run_scoped3A_48, %dma_wait3A_104] : memref<16x640xf32, #tpu.memory_space<vmem>> -> memref<1x640xf32, #tpu.memory_space<vmem>>
        %dma_wait3A_106 = tpu.memref_squeeze %dma_wait3A_105 : memref<1x640xf32, #tpu.memory_space<vmem>> -> memref<640xf32, #tpu.memory_space<vmem>>
        %dma_wait3A_107 = arith.constant 0 : i32
        %dma_wait3A_108 = tpu.memref_slice %arg8[%run_scoped3A_47, %dma_wait3A_107] : memref<16x5376xf32, #tpu.memory_space<vmem_shared>> -> memref<1x5376xf32, #tpu.memory_space<vmem_shared>>
        %dma_wait3A_109 = tpu.memref_squeeze %dma_wait3A_108 : memref<1x5376xf32, #tpu.memory_space<vmem_shared>> -> memref<5376xf32, #tpu.memory_space<vmem_shared>>
        %dma_wait3A_110 = tpu.memref_slice %dma_wait3A_109[%mul3A_46] : memref<5376xf32, #tpu.memory_space<vmem_shared>> -> memref<640xf32, #tpu.memory_space<vmem_shared>>
        tpu.wait_dma2 semaphore(%run_scoped3A_84 : memref<!tpu.dma_semaphore, #tpu.memory_space<semaphore_mem>>) src(%dma_wait3A_110 : memref<640xf32, #tpu.memory_space<vmem_shared>>) dst(%dma_wait3A_106 : memref<640xf32, #tpu.memory_space<vmem>>)
        tpu.yield
      }) : () -> ()
      %mul3A_49 = arith.constant 640 : i32
      %mul3A_50 = arith.muli %arg1, %mul3A_49 : i32
      %run_scoped3A_51 = arith.constant 9 : i32
      %run_scoped3A_52 = arith.constant 9 : i32
      "tpu.region"() ({
        %run_scoped3A_84 = tpu.sem_alloc : memref<!tpu.dma_semaphore, #tpu.memory_space<semaphore_mem>>
        %dma_start3A = arith.constant 0 : i32
        %dma_start3A_85 = tpu.memref_slice %arg6[%run_scoped3A_52, %dma_start3A] : memref<16x640xf32, #tpu.memory_space<vmem>> -> memref<1x640xf32, #tpu.memory_space<vmem>>
        %dma_start3A_86 = tpu.memref_squeeze %dma_start3A_85 : memref<1x640xf32, #tpu.memory_space<vmem>> -> memref<640xf32, #tpu.memory_space<vmem>>
        %dma_start3A_87 = arith.constant 0 : i32
        %dma_start3A_88 = tpu.memref_slice %arg8[%run_scoped3A_51, %dma_start3A_87] : memref<16x5376xf32, #tpu.memory_space<vmem_shared>> -> memref<1x5376xf32, #tpu.memory_space<vmem_shared>>
        %dma_start3A_89 = tpu.memref_squeeze %dma_start3A_88 : memref<1x5376xf32, #tpu.memory_space<vmem_shared>> -> memref<5376xf32, #tpu.memory_space<vmem_shared>>
        %dma_start3A_90 = tpu.memref_slice %dma_start3A_89[%mul3A_50] : memref<5376xf32, #tpu.memory_space<vmem_shared>> -> memref<640xf32, #tpu.memory_space<vmem_shared>>
        %dma_start3A_91 = arith.constant 0 : i32
        %dma_start3A_92 = tpu.memref_slice %arg6[%run_scoped3A_52, %dma_start3A_91] : memref<16x640xf32, #tpu.memory_space<vmem>> -> memref<1x640xf32, #tpu.memory_space<vmem>>
        %dma_start3A_93 = tpu.memref_squeeze %dma_start3A_92 : memref<1x640xf32, #tpu.memory_space<vmem>> -> memref<640xf32, #tpu.memory_space<vmem>>
        %dma_start3A_94 = arith.constant 0 : i32
        %dma_start3A_95 = tpu.memref_slice %arg8[%run_scoped3A_51, %dma_start3A_94] : memref<16x5376xf32, #tpu.memory_space<vmem_shared>> -> memref<1x5376xf32, #tpu.memory_space<vmem_shared>>
        %dma_start3A_96 = tpu.memref_squeeze %dma_start3A_95 : memref<1x5376xf32, #tpu.memory_space<vmem_shared>> -> memref<5376xf32, #tpu.memory_space<vmem_shared>>
        %dma_start3A_97 = tpu.memref_slice %dma_start3A_96[%mul3A_50] : memref<5376xf32, #tpu.memory_space<vmem_shared>> -> memref<640xf32, #tpu.memory_space<vmem_shared>>
        tpu.enqueue_dma source(%dma_start3A_97 : memref<640xf32, #tpu.memory_space<vmem_shared>>) target(%dma_start3A_93 : memref<640xf32, #tpu.memory_space<vmem>>) target_semaphore(%run_scoped3A_84 : memref<!tpu.dma_semaphore, #tpu.memory_space<semaphore_mem>>)
        %dma_wait3A = arith.constant 0 : i32
        %dma_wait3A_98 = tpu.memref_slice %arg6[%run_scoped3A_52, %dma_wait3A] : memref<16x640xf32, #tpu.memory_space<vmem>> -> memref<1x640xf32, #tpu.memory_space<vmem>>
        %dma_wait3A_99 = tpu.memref_squeeze %dma_wait3A_98 : memref<1x640xf32, #tpu.memory_space<vmem>> -> memref<640xf32, #tpu.memory_space<vmem>>
        %dma_wait3A_100 = arith.constant 0 : i32
        %dma_wait3A_101 = tpu.memref_slice %arg8[%run_scoped3A_51, %dma_wait3A_100] : memref<16x5376xf32, #tpu.memory_space<vmem_shared>> -> memref<1x5376xf32, #tpu.memory_space<vmem_shared>>
        %dma_wait3A_102 = tpu.memref_squeeze %dma_wait3A_101 : memref<1x5376xf32, #tpu.memory_space<vmem_shared>> -> memref<5376xf32, #tpu.memory_space<vmem_shared>>
        %dma_wait3A_103 = tpu.memref_slice %dma_wait3A_102[%mul3A_50] : memref<5376xf32, #tpu.memory_space<vmem_shared>> -> memref<640xf32, #tpu.memory_space<vmem_shared>>
        %dma_wait3A_104 = arith.constant 0 : i32
        %dma_wait3A_105 = tpu.memref_slice %arg6[%run_scoped3A_52, %dma_wait3A_104] : memref<16x640xf32, #tpu.memory_space<vmem>> -> memref<1x640xf32, #tpu.memory_space<vmem>>
        %dma_wait3A_106 = tpu.memref_squeeze %dma_wait3A_105 : memref<1x640xf32, #tpu.memory_space<vmem>> -> memref<640xf32, #tpu.memory_space<vmem>>
        %dma_wait3A_107 = arith.constant 0 : i32
        %dma_wait3A_108 = tpu.memref_slice %arg8[%run_scoped3A_51, %dma_wait3A_107] : memref<16x5376xf32, #tpu.memory_space<vmem_shared>> -> memref<1x5376xf32, #tpu.memory_space<vmem_shared>>
        %dma_wait3A_109 = tpu.memref_squeeze %dma_wait3A_108 : memref<1x5376xf32, #tpu.memory_space<vmem_shared>> -> memref<5376xf32, #tpu.memory_space<vmem_shared>>
        %dma_wait3A_110 = tpu.memref_slice %dma_wait3A_109[%mul3A_50] : memref<5376xf32, #tpu.memory_space<vmem_shared>> -> memref<640xf32, #tpu.memory_space<vmem_shared>>
        tpu.wait_dma2 semaphore(%run_scoped3A_84 : memref<!tpu.dma_semaphore, #tpu.memory_space<semaphore_mem>>) src(%dma_wait3A_110 : memref<640xf32, #tpu.memory_space<vmem_shared>>) dst(%dma_wait3A_106 : memref<640xf32, #tpu.memory_space<vmem>>)
        tpu.yield
      }) : () -> ()
      %mul3A_53 = arith.constant 640 : i32
      %mul3A_54 = arith.muli %arg1, %mul3A_53 : i32
      %run_scoped3A_55 = arith.constant 10 : i32
      %run_scoped3A_56 = arith.constant 10 : i32
      "tpu.region"() ({
        %run_scoped3A_84 = tpu.sem_alloc : memref<!tpu.dma_semaphore, #tpu.memory_space<semaphore_mem>>
        %dma_start3A = arith.constant 0 : i32
        %dma_start3A_85 = tpu.memref_slice %arg6[%run_scoped3A_56, %dma_start3A] : memref<16x640xf32, #tpu.memory_space<vmem>> -> memref<1x640xf32, #tpu.memory_space<vmem>>
        %dma_start3A_86 = tpu.memref_squeeze %dma_start3A_85 : memref<1x640xf32, #tpu.memory_space<vmem>> -> memref<640xf32, #tpu.memory_space<vmem>>
        %dma_start3A_87 = arith.constant 0 : i32
        %dma_start3A_88 = tpu.memref_slice %arg8[%run_scoped3A_55, %dma_start3A_87] : memref<16x5376xf32, #tpu.memory_space<vmem_shared>> -> memref<1x5376xf32, #tpu.memory_space<vmem_shared>>
        %dma_start3A_89 = tpu.memref_squeeze %dma_start3A_88 : memref<1x5376xf32, #tpu.memory_space<vmem_shared>> -> memref<5376xf32, #tpu.memory_space<vmem_shared>>
        %dma_start3A_90 = tpu.memref_slice %dma_start3A_89[%mul3A_54] : memref<5376xf32, #tpu.memory_space<vmem_shared>> -> memref<640xf32, #tpu.memory_space<vmem_shared>>
        %dma_start3A_91 = arith.constant 0 : i32
        %dma_start3A_92 = tpu.memref_slice %arg6[%run_scoped3A_56, %dma_start3A_91] : memref<16x640xf32, #tpu.memory_space<vmem>> -> memref<1x640xf32, #tpu.memory_space<vmem>>
        %dma_start3A_93 = tpu.memref_squeeze %dma_start3A_92 : memref<1x640xf32, #tpu.memory_space<vmem>> -> memref<640xf32, #tpu.memory_space<vmem>>
        %dma_start3A_94 = arith.constant 0 : i32
        %dma_start3A_95 = tpu.memref_slice %arg8[%run_scoped3A_55, %dma_start3A_94] : memref<16x5376xf32, #tpu.memory_space<vmem_shared>> -> memref<1x5376xf32, #tpu.memory_space<vmem_shared>>
        %dma_start3A_96 = tpu.memref_squeeze %dma_start3A_95 : memref<1x5376xf32, #tpu.memory_space<vmem_shared>> -> memref<5376xf32, #tpu.memory_space<vmem_shared>>
        %dma_start3A_97 = tpu.memref_slice %dma_start3A_96[%mul3A_54] : memref<5376xf32, #tpu.memory_space<vmem_shared>> -> memref<640xf32, #tpu.memory_space<vmem_shared>>
        tpu.enqueue_dma source(%dma_start3A_97 : memref<640xf32, #tpu.memory_space<vmem_shared>>) target(%dma_start3A_93 : memref<640xf32, #tpu.memory_space<vmem>>) target_semaphore(%run_scoped3A_84 : memref<!tpu.dma_semaphore, #tpu.memory_space<semaphore_mem>>)
        %dma_wait3A = arith.constant 0 : i32
        %dma_wait3A_98 = tpu.memref_slice %arg6[%run_scoped3A_56, %dma_wait3A] : memref<16x640xf32, #tpu.memory_space<vmem>> -> memref<1x640xf32, #tpu.memory_space<vmem>>
        %dma_wait3A_99 = tpu.memref_squeeze %dma_wait3A_98 : memref<1x640xf32, #tpu.memory_space<vmem>> -> memref<640xf32, #tpu.memory_space<vmem>>
        %dma_wait3A_100 = arith.constant 0 : i32
        %dma_wait3A_101 = tpu.memref_slice %arg8[%run_scoped3A_55, %dma_wait3A_100] : memref<16x5376xf32, #tpu.memory_space<vmem_shared>> -> memref<1x5376xf32, #tpu.memory_space<vmem_shared>>
        %dma_wait3A_102 = tpu.memref_squeeze %dma_wait3A_101 : memref<1x5376xf32, #tpu.memory_space<vmem_shared>> -> memref<5376xf32, #tpu.memory_space<vmem_shared>>
        %dma_wait3A_103 = tpu.memref_slice %dma_wait3A_102[%mul3A_54] : memref<5376xf32, #tpu.memory_space<vmem_shared>> -> memref<640xf32, #tpu.memory_space<vmem_shared>>
        %dma_wait3A_104 = arith.constant 0 : i32
        %dma_wait3A_105 = tpu.memref_slice %arg6[%run_scoped3A_56, %dma_wait3A_104] : memref<16x640xf32, #tpu.memory_space<vmem>> -> memref<1x640xf32, #tpu.memory_space<vmem>>
        %dma_wait3A_106 = tpu.memref_squeeze %dma_wait3A_105 : memref<1x640xf32, #tpu.memory_space<vmem>> -> memref<640xf32, #tpu.memory_space<vmem>>
        %dma_wait3A_107 = arith.constant 0 : i32
        %dma_wait3A_108 = tpu.memref_slice %arg8[%run_scoped3A_55, %dma_wait3A_107] : memref<16x5376xf32, #tpu.memory_space<vmem_shared>> -> memref<1x5376xf32, #tpu.memory_space<vmem_shared>>
        %dma_wait3A_109 = tpu.memref_squeeze %dma_wait3A_108 : memref<1x5376xf32, #tpu.memory_space<vmem_shared>> -> memref<5376xf32, #tpu.memory_space<vmem_shared>>
        %dma_wait3A_110 = tpu.memref_slice %dma_wait3A_109[%mul3A_54] : memref<5376xf32, #tpu.memory_space<vmem_shared>> -> memref<640xf32, #tpu.memory_space<vmem_shared>>
        tpu.wait_dma2 semaphore(%run_scoped3A_84 : memref<!tpu.dma_semaphore, #tpu.memory_space<semaphore_mem>>) src(%dma_wait3A_110 : memref<640xf32, #tpu.memory_space<vmem_shared>>) dst(%dma_wait3A_106 : memref<640xf32, #tpu.memory_space<vmem>>)
        tpu.yield
      }) : () -> ()
      %mul3A_57 = arith.constant 640 : i32
      %mul3A_58 = arith.muli %arg1, %mul3A_57 : i32
      %run_scoped3A_59 = arith.constant 11 : i32
      %run_scoped3A_60 = arith.constant 11 : i32
      "tpu.region"() ({
        %run_scoped3A_84 = tpu.sem_alloc : memref<!tpu.dma_semaphore, #tpu.memory_space<semaphore_mem>>
        %dma_start3A = arith.constant 0 : i32
        %dma_start3A_85 = tpu.memref_slice %arg6[%run_scoped3A_60, %dma_start3A] : memref<16x640xf32, #tpu.memory_space<vmem>> -> memref<1x640xf32, #tpu.memory_space<vmem>>
        %dma_start3A_86 = tpu.memref_squeeze %dma_start3A_85 : memref<1x640xf32, #tpu.memory_space<vmem>> -> memref<640xf32, #tpu.memory_space<vmem>>
        %dma_start3A_87 = arith.constant 0 : i32
        %dma_start3A_88 = tpu.memref_slice %arg8[%run_scoped3A_59, %dma_start3A_87] : memref<16x5376xf32, #tpu.memory_space<vmem_shared>> -> memref<1x5376xf32, #tpu.memory_space<vmem_shared>>
        %dma_start3A_89 = tpu.memref_squeeze %dma_start3A_88 : memref<1x5376xf32, #tpu.memory_space<vmem_shared>> -> memref<5376xf32, #tpu.memory_space<vmem_shared>>
        %dma_start3A_90 = tpu.memref_slice %dma_start3A_89[%mul3A_58] : memref<5376xf32, #tpu.memory_space<vmem_shared>> -> memref<640xf32, #tpu.memory_space<vmem_shared>>
        %dma_start3A_91 = arith.constant 0 : i32
        %dma_start3A_92 = tpu.memref_slice %arg6[%run_scoped3A_60, %dma_start3A_91] : memref<16x640xf32, #tpu.memory_space<vmem>> -> memref<1x640xf32, #tpu.memory_space<vmem>>
        %dma_start3A_93 = tpu.memref_squeeze %dma_start3A_92 : memref<1x640xf32, #tpu.memory_space<vmem>> -> memref<640xf32, #tpu.memory_space<vmem>>
        %dma_start3A_94 = arith.constant 0 : i32
        %dma_start3A_95 = tpu.memref_slice %arg8[%run_scoped3A_59, %dma_start3A_94] : memref<16x5376xf32, #tpu.memory_space<vmem_shared>> -> memref<1x5376xf32, #tpu.memory_space<vmem_shared>>
        %dma_start3A_96 = tpu.memref_squeeze %dma_start3A_95 : memref<1x5376xf32, #tpu.memory_space<vmem_shared>> -> memref<5376xf32, #tpu.memory_space<vmem_shared>>
        %dma_start3A_97 = tpu.memref_slice %dma_start3A_96[%mul3A_58] : memref<5376xf32, #tpu.memory_space<vmem_shared>> -> memref<640xf32, #tpu.memory_space<vmem_shared>>
        tpu.enqueue_dma source(%dma_start3A_97 : memref<640xf32, #tpu.memory_space<vmem_shared>>) target(%dma_start3A_93 : memref<640xf32, #tpu.memory_space<vmem>>) target_semaphore(%run_scoped3A_84 : memref<!tpu.dma_semaphore, #tpu.memory_space<semaphore_mem>>)
        %dma_wait3A = arith.constant 0 : i32
        %dma_wait3A_98 = tpu.memref_slice %arg6[%run_scoped3A_60, %dma_wait3A] : memref<16x640xf32, #tpu.memory_space<vmem>> -> memref<1x640xf32, #tpu.memory_space<vmem>>
        %dma_wait3A_99 = tpu.memref_squeeze %dma_wait3A_98 : memref<1x640xf32, #tpu.memory_space<vmem>> -> memref<640xf32, #tpu.memory_space<vmem>>
        %dma_wait3A_100 = arith.constant 0 : i32
        %dma_wait3A_101 = tpu.memref_slice %arg8[%run_scoped3A_59, %dma_wait3A_100] : memref<16x5376xf32, #tpu.memory_space<vmem_shared>> -> memref<1x5376xf32, #tpu.memory_space<vmem_shared>>
        %dma_wait3A_102 = tpu.memref_squeeze %dma_wait3A_101 : memref<1x5376xf32, #tpu.memory_space<vmem_shared>> -> memref<5376xf32, #tpu.memory_space<vmem_shared>>
        %dma_wait3A_103 = tpu.memref_slice %dma_wait3A_102[%mul3A_58] : memref<5376xf32, #tpu.memory_space<vmem_shared>> -> memref<640xf32, #tpu.memory_space<vmem_shared>>
        %dma_wait3A_104 = arith.constant 0 : i32
        %dma_wait3A_105 = tpu.memref_slice %arg6[%run_scoped3A_60, %dma_wait3A_104] : memref<16x640xf32, #tpu.memory_space<vmem>> -> memref<1x640xf32, #tpu.memory_space<vmem>>
        %dma_wait3A_106 = tpu.memref_squeeze %dma_wait3A_105 : memref<1x640xf32, #tpu.memory_space<vmem>> -> memref<640xf32, #tpu.memory_space<vmem>>
        %dma_wait3A_107 = arith.constant 0 : i32
        %dma_wait3A_108 = tpu.memref_slice %arg8[%run_scoped3A_59, %dma_wait3A_107] : memref<16x5376xf32, #tpu.memory_space<vmem_shared>> -> memref<1x5376xf32, #tpu.memory_space<vmem_shared>>
        %dma_wait3A_109 = tpu.memref_squeeze %dma_wait3A_108 : memref<1x5376xf32, #tpu.memory_space<vmem_shared>> -> memref<5376xf32, #tpu.memory_space<vmem_shared>>
        %dma_wait3A_110 = tpu.memref_slice %dma_wait3A_109[%mul3A_58] : memref<5376xf32, #tpu.memory_space<vmem_shared>> -> memref<640xf32, #tpu.memory_space<vmem_shared>>
        tpu.wait_dma2 semaphore(%run_scoped3A_84 : memref<!tpu.dma_semaphore, #tpu.memory_space<semaphore_mem>>) src(%dma_wait3A_110 : memref<640xf32, #tpu.memory_space<vmem_shared>>) dst(%dma_wait3A_106 : memref<640xf32, #tpu.memory_space<vmem>>)
        tpu.yield
      }) : () -> ()
      %mul3A_61 = arith.constant 640 : i32
      %mul3A_62 = arith.muli %arg1, %mul3A_61 : i32
      %run_scoped3A_63 = arith.constant 12 : i32
      %run_scoped3A_64 = arith.constant 12 : i32
      "tpu.region"() ({
        %run_scoped3A_84 = tpu.sem_alloc : memref<!tpu.dma_semaphore, #tpu.memory_space<semaphore_mem>>
        %dma_start3A = arith.constant 0 : i32
        %dma_start3A_85 = tpu.memref_slice %arg6[%run_scoped3A_64, %dma_start3A] : memref<16x640xf32, #tpu.memory_space<vmem>> -> memref<1x640xf32, #tpu.memory_space<vmem>>
        %dma_start3A_86 = tpu.memref_squeeze %dma_start3A_85 : memref<1x640xf32, #tpu.memory_space<vmem>> -> memref<640xf32, #tpu.memory_space<vmem>>
        %dma_start3A_87 = arith.constant 0 : i32
        %dma_start3A_88 = tpu.memref_slice %arg8[%run_scoped3A_63, %dma_start3A_87] : memref<16x5376xf32, #tpu.memory_space<vmem_shared>> -> memref<1x5376xf32, #tpu.memory_space<vmem_shared>>
        %dma_start3A_89 = tpu.memref_squeeze %dma_start3A_88 : memref<1x5376xf32, #tpu.memory_space<vmem_shared>> -> memref<5376xf32, #tpu.memory_space<vmem_shared>>
        %dma_start3A_90 = tpu.memref_slice %dma_start3A_89[%mul3A_62] : memref<5376xf32, #tpu.memory_space<vmem_shared>> -> memref<640xf32, #tpu.memory_space<vmem_shared>>
        %dma_start3A_91 = arith.constant 0 : i32
        %dma_start3A_92 = tpu.memref_slice %arg6[%run_scoped3A_64, %dma_start3A_91] : memref<16x640xf32, #tpu.memory_space<vmem>> -> memref<1x640xf32, #tpu.memory_space<vmem>>
        %dma_start3A_93 = tpu.memref_squeeze %dma_start3A_92 : memref<1x640xf32, #tpu.memory_space<vmem>> -> memref<640xf32, #tpu.memory_space<vmem>>
        %dma_start3A_94 = arith.constant 0 : i32
        %dma_start3A_95 = tpu.memref_slice %arg8[%run_scoped3A_63, %dma_start3A_94] : memref<16x5376xf32, #tpu.memory_space<vmem_shared>> -> memref<1x5376xf32, #tpu.memory_space<vmem_shared>>
        %dma_start3A_96 = tpu.memref_squeeze %dma_start3A_95 : memref<1x5376xf32, #tpu.memory_space<vmem_shared>> -> memref<5376xf32, #tpu.memory_space<vmem_shared>>
        %dma_start3A_97 = tpu.memref_slice %dma_start3A_96[%mul3A_62] : memref<5376xf32, #tpu.memory_space<vmem_shared>> -> memref<640xf32, #tpu.memory_space<vmem_shared>>
        tpu.enqueue_dma source(%dma_start3A_97 : memref<640xf32, #tpu.memory_space<vmem_shared>>) target(%dma_start3A_93 : memref<640xf32, #tpu.memory_space<vmem>>) target_semaphore(%run_scoped3A_84 : memref<!tpu.dma_semaphore, #tpu.memory_space<semaphore_mem>>)
        %dma_wait3A = arith.constant 0 : i32
        %dma_wait3A_98 = tpu.memref_slice %arg6[%run_scoped3A_64, %dma_wait3A] : memref<16x640xf32, #tpu.memory_space<vmem>> -> memref<1x640xf32, #tpu.memory_space<vmem>>
        %dma_wait3A_99 = tpu.memref_squeeze %dma_wait3A_98 : memref<1x640xf32, #tpu.memory_space<vmem>> -> memref<640xf32, #tpu.memory_space<vmem>>
        %dma_wait3A_100 = arith.constant 0 : i32
        %dma_wait3A_101 = tpu.memref_slice %arg8[%run_scoped3A_63, %dma_wait3A_100] : memref<16x5376xf32, #tpu.memory_space<vmem_shared>> -> memref<1x5376xf32, #tpu.memory_space<vmem_shared>>
        %dma_wait3A_102 = tpu.memref_squeeze %dma_wait3A_101 : memref<1x5376xf32, #tpu.memory_space<vmem_shared>> -> memref<5376xf32, #tpu.memory_space<vmem_shared>>
        %dma_wait3A_103 = tpu.memref_slice %dma_wait3A_102[%mul3A_62] : memref<5376xf32, #tpu.memory_space<vmem_shared>> -> memref<640xf32, #tpu.memory_space<vmem_shared>>
        %dma_wait3A_104 = arith.constant 0 : i32
        %dma_wait3A_105 = tpu.memref_slice %arg6[%run_scoped3A_64, %dma_wait3A_104] : memref<16x640xf32, #tpu.memory_space<vmem>> -> memref<1x640xf32, #tpu.memory_space<vmem>>
        %dma_wait3A_106 = tpu.memref_squeeze %dma_wait3A_105 : memref<1x640xf32, #tpu.memory_space<vmem>> -> memref<640xf32, #tpu.memory_space<vmem>>
        %dma_wait3A_107 = arith.constant 0 : i32
        %dma_wait3A_108 = tpu.memref_slice %arg8[%run_scoped3A_63, %dma_wait3A_107] : memref<16x5376xf32, #tpu.memory_space<vmem_shared>> -> memref<1x5376xf32, #tpu.memory_space<vmem_shared>>
        %dma_wait3A_109 = tpu.memref_squeeze %dma_wait3A_108 : memref<1x5376xf32, #tpu.memory_space<vmem_shared>> -> memref<5376xf32, #tpu.memory_space<vmem_shared>>
        %dma_wait3A_110 = tpu.memref_slice %dma_wait3A_109[%mul3A_62] : memref<5376xf32, #tpu.memory_space<vmem_shared>> -> memref<640xf32, #tpu.memory_space<vmem_shared>>
        tpu.wait_dma2 semaphore(%run_scoped3A_84 : memref<!tpu.dma_semaphore, #tpu.memory_space<semaphore_mem>>) src(%dma_wait3A_110 : memref<640xf32, #tpu.memory_space<vmem_shared>>) dst(%dma_wait3A_106 : memref<640xf32, #tpu.memory_space<vmem>>)
        tpu.yield
      }) : () -> ()
      %mul3A_65 = arith.constant 640 : i32
      %mul3A_66 = arith.muli %arg1, %mul3A_65 : i32
      %run_scoped3A_67 = arith.constant 13 : i32
      %run_scoped3A_68 = arith.constant 13 : i32
      "tpu.region"() ({
        %run_scoped3A_84 = tpu.sem_alloc : memref<!tpu.dma_semaphore, #tpu.memory_space<semaphore_mem>>
        %dma_start3A = arith.constant 0 : i32
        %dma_start3A_85 = tpu.memref_slice %arg6[%run_scoped3A_68, %dma_start3A] : memref<16x640xf32, #tpu.memory_space<vmem>> -> memref<1x640xf32, #tpu.memory_space<vmem>>
        %dma_start3A_86 = tpu.memref_squeeze %dma_start3A_85 : memref<1x640xf32, #tpu.memory_space<vmem>> -> memref<640xf32, #tpu.memory_space<vmem>>
        %dma_start3A_87 = arith.constant 0 : i32
        %dma_start3A_88 = tpu.memref_slice %arg8[%run_scoped3A_67, %dma_start3A_87] : memref<16x5376xf32, #tpu.memory_space<vmem_shared>> -> memref<1x5376xf32, #tpu.memory_space<vmem_shared>>
        %dma_start3A_89 = tpu.memref_squeeze %dma_start3A_88 : memref<1x5376xf32, #tpu.memory_space<vmem_shared>> -> memref<5376xf32, #tpu.memory_space<vmem_shared>>
        %dma_start3A_90 = tpu.memref_slice %dma_start3A_89[%mul3A_66] : memref<5376xf32, #tpu.memory_space<vmem_shared>> -> memref<640xf32, #tpu.memory_space<vmem_shared>>
        %dma_start3A_91 = arith.constant 0 : i32
        %dma_start3A_92 = tpu.memref_slice %arg6[%run_scoped3A_68, %dma_start3A_91] : memref<16x640xf32, #tpu.memory_space<vmem>> -> memref<1x640xf32, #tpu.memory_space<vmem>>
        %dma_start3A_93 = tpu.memref_squeeze %dma_start3A_92 : memref<1x640xf32, #tpu.memory_space<vmem>> -> memref<640xf32, #tpu.memory_space<vmem>>
        %dma_start3A_94 = arith.constant 0 : i32
        %dma_start3A_95 = tpu.memref_slice %arg8[%run_scoped3A_67, %dma_start3A_94] : memref<16x5376xf32, #tpu.memory_space<vmem_shared>> -> memref<1x5376xf32, #tpu.memory_space<vmem_shared>>
        %dma_start3A_96 = tpu.memref_squeeze %dma_start3A_95 : memref<1x5376xf32, #tpu.memory_space<vmem_shared>> -> memref<5376xf32, #tpu.memory_space<vmem_shared>>
        %dma_start3A_97 = tpu.memref_slice %dma_start3A_96[%mul3A_66] : memref<5376xf32, #tpu.memory_space<vmem_shared>> -> memref<640xf32, #tpu.memory_space<vmem_shared>>
        tpu.enqueue_dma source(%dma_start3A_97 : memref<640xf32, #tpu.memory_space<vmem_shared>>) target(%dma_start3A_93 : memref<640xf32, #tpu.memory_space<vmem>>) target_semaphore(%run_scoped3A_84 : memref<!tpu.dma_semaphore, #tpu.memory_space<semaphore_mem>>)
        %dma_wait3A = arith.constant 0 : i32
        %dma_wait3A_98 = tpu.memref_slice %arg6[%run_scoped3A_68, %dma_wait3A] : memref<16x640xf32, #tpu.memory_space<vmem>> -> memref<1x640xf32, #tpu.memory_space<vmem>>
        %dma_wait3A_99 = tpu.memref_squeeze %dma_wait3A_98 : memref<1x640xf32, #tpu.memory_space<vmem>> -> memref<640xf32, #tpu.memory_space<vmem>>
        %dma_wait3A_100 = arith.constant 0 : i32
        %dma_wait3A_101 = tpu.memref_slice %arg8[%run_scoped3A_67, %dma_wait3A_100] : memref<16x5376xf32, #tpu.memory_space<vmem_shared>> -> memref<1x5376xf32, #tpu.memory_space<vmem_shared>>
        %dma_wait3A_102 = tpu.memref_squeeze %dma_wait3A_101 : memref<1x5376xf32, #tpu.memory_space<vmem_shared>> -> memref<5376xf32, #tpu.memory_space<vmem_shared>>
        %dma_wait3A_103 = tpu.memref_slice %dma_wait3A_102[%mul3A_66] : memref<5376xf32, #tpu.memory_space<vmem_shared>> -> memref<640xf32, #tpu.memory_space<vmem_shared>>
        %dma_wait3A_104 = arith.constant 0 : i32
        %dma_wait3A_105 = tpu.memref_slice %arg6[%run_scoped3A_68, %dma_wait3A_104] : memref<16x640xf32, #tpu.memory_space<vmem>> -> memref<1x640xf32, #tpu.memory_space<vmem>>
        %dma_wait3A_106 = tpu.memref_squeeze %dma_wait3A_105 : memref<1x640xf32, #tpu.memory_space<vmem>> -> memref<640xf32, #tpu.memory_space<vmem>>
        %dma_wait3A_107 = arith.constant 0 : i32
        %dma_wait3A_108 = tpu.memref_slice %arg8[%run_scoped3A_67, %dma_wait3A_107] : memref<16x5376xf32, #tpu.memory_space<vmem_shared>> -> memref<1x5376xf32, #tpu.memory_space<vmem_shared>>
        %dma_wait3A_109 = tpu.memref_squeeze %dma_wait3A_108 : memref<1x5376xf32, #tpu.memory_space<vmem_shared>> -> memref<5376xf32, #tpu.memory_space<vmem_shared>>
        %dma_wait3A_110 = tpu.memref_slice %dma_wait3A_109[%mul3A_66] : memref<5376xf32, #tpu.memory_space<vmem_shared>> -> memref<640xf32, #tpu.memory_space<vmem_shared>>
        tpu.wait_dma2 semaphore(%run_scoped3A_84 : memref<!tpu.dma_semaphore, #tpu.memory_space<semaphore_mem>>) src(%dma_wait3A_110 : memref<640xf32, #tpu.memory_space<vmem_shared>>) dst(%dma_wait3A_106 : memref<640xf32, #tpu.memory_space<vmem>>)
        tpu.yield
      }) : () -> ()
      %mul3A_69 = arith.constant 640 : i32
      %mul3A_70 = arith.muli %arg1, %mul3A_69 : i32
      %run_scoped3A_71 = arith.constant 14 : i32
      %run_scoped3A_72 = arith.constant 14 : i32
      "tpu.region"() ({
        %run_scoped3A_84 = tpu.sem_alloc : memref<!tpu.dma_semaphore, #tpu.memory_space<semaphore_mem>>
        %dma_start3A = arith.constant 0 : i32
        %dma_start3A_85 = tpu.memref_slice %arg6[%run_scoped3A_72, %dma_start3A] : memref<16x640xf32, #tpu.memory_space<vmem>> -> memref<1x640xf32, #tpu.memory_space<vmem>>
        %dma_start3A_86 = tpu.memref_squeeze %dma_start3A_85 : memref<1x640xf32, #tpu.memory_space<vmem>> -> memref<640xf32, #tpu.memory_space<vmem>>
        %dma_start3A_87 = arith.constant 0 : i32
        %dma_start3A_88 = tpu.memref_slice %arg8[%run_scoped3A_71, %dma_start3A_87] : memref<16x5376xf32, #tpu.memory_space<vmem_shared>> -> memref<1x5376xf32, #tpu.memory_space<vmem_shared>>
        %dma_start3A_89 = tpu.memref_squeeze %dma_start3A_88 : memref<1x5376xf32, #tpu.memory_space<vmem_shared>> -> memref<5376xf32, #tpu.memory_space<vmem_shared>>
        %dma_start3A_90 = tpu.memref_slice %dma_start3A_89[%mul3A_70] : memref<5376xf32, #tpu.memory_space<vmem_shared>> -> memref<640xf32, #tpu.memory_space<vmem_shared>>
        %dma_start3A_91 = arith.constant 0 : i32
        %dma_start3A_92 = tpu.memref_slice %arg6[%run_scoped3A_72, %dma_start3A_91] : memref<16x640xf32, #tpu.memory_space<vmem>> -> memref<1x640xf32, #tpu.memory_space<vmem>>
        %dma_start3A_93 = tpu.memref_squeeze %dma_start3A_92 : memref<1x640xf32, #tpu.memory_space<vmem>> -> memref<640xf32, #tpu.memory_space<vmem>>
        %dma_start3A_94 = arith.constant 0 : i32
        %dma_start3A_95 = tpu.memref_slice %arg8[%run_scoped3A_71, %dma_start3A_94] : memref<16x5376xf32, #tpu.memory_space<vmem_shared>> -> memref<1x5376xf32, #tpu.memory_space<vmem_shared>>
        %dma_start3A_96 = tpu.memref_squeeze %dma_start3A_95 : memref<1x5376xf32, #tpu.memory_space<vmem_shared>> -> memref<5376xf32, #tpu.memory_space<vmem_shared>>
        %dma_start3A_97 = tpu.memref_slice %dma_start3A_96[%mul3A_70] : memref<5376xf32, #tpu.memory_space<vmem_shared>> -> memref<640xf32, #tpu.memory_space<vmem_shared>>
        tpu.enqueue_dma source(%dma_start3A_97 : memref<640xf32, #tpu.memory_space<vmem_shared>>) target(%dma_start3A_93 : memref<640xf32, #tpu.memory_space<vmem>>) target_semaphore(%run_scoped3A_84 : memref<!tpu.dma_semaphore, #tpu.memory_space<semaphore_mem>>)
        %dma_wait3A = arith.constant 0 : i32
        %dma_wait3A_98 = tpu.memref_slice %arg6[%run_scoped3A_72, %dma_wait3A] : memref<16x640xf32, #tpu.memory_space<vmem>> -> memref<1x640xf32, #tpu.memory_space<vmem>>
        %dma_wait3A_99 = tpu.memref_squeeze %dma_wait3A_98 : memref<1x640xf32, #tpu.memory_space<vmem>> -> memref<640xf32, #tpu.memory_space<vmem>>
        %dma_wait3A_100 = arith.constant 0 : i32
        %dma_wait3A_101 = tpu.memref_slice %arg8[%run_scoped3A_71, %dma_wait3A_100] : memref<16x5376xf32, #tpu.memory_space<vmem_shared>> -> memref<1x5376xf32, #tpu.memory_space<vmem_shared>>
        %dma_wait3A_102 = tpu.memref_squeeze %dma_wait3A_101 : memref<1x5376xf32, #tpu.memory_space<vmem_shared>> -> memref<5376xf32, #tpu.memory_space<vmem_shared>>
        %dma_wait3A_103 = tpu.memref_slice %dma_wait3A_102[%mul3A_70] : memref<5376xf32, #tpu.memory_space<vmem_shared>> -> memref<640xf32, #tpu.memory_space<vmem_shared>>
        %dma_wait3A_104 = arith.constant 0 : i32
        %dma_wait3A_105 = tpu.memref_slice %arg6[%run_scoped3A_72, %dma_wait3A_104] : memref<16x640xf32, #tpu.memory_space<vmem>> -> memref<1x640xf32, #tpu.memory_space<vmem>>
        %dma_wait3A_106 = tpu.memref_squeeze %dma_wait3A_105 : memref<1x640xf32, #tpu.memory_space<vmem>> -> memref<640xf32, #tpu.memory_space<vmem>>
        %dma_wait3A_107 = arith.constant 0 : i32
        %dma_wait3A_108 = tpu.memref_slice %arg8[%run_scoped3A_71, %dma_wait3A_107] : memref<16x5376xf32, #tpu.memory_space<vmem_shared>> -> memref<1x5376xf32, #tpu.memory_space<vmem_shared>>
        %dma_wait3A_109 = tpu.memref_squeeze %dma_wait3A_108 : memref<1x5376xf32, #tpu.memory_space<vmem_shared>> -> memref<5376xf32, #tpu.memory_space<vmem_shared>>
        %dma_wait3A_110 = tpu.memref_slice %dma_wait3A_109[%mul3A_70] : memref<5376xf32, #tpu.memory_space<vmem_shared>> -> memref<640xf32, #tpu.memory_space<vmem_shared>>
        tpu.wait_dma2 semaphore(%run_scoped3A_84 : memref<!tpu.dma_semaphore, #tpu.memory_space<semaphore_mem>>) src(%dma_wait3A_110 : memref<640xf32, #tpu.memory_space<vmem_shared>>) dst(%dma_wait3A_106 : memref<640xf32, #tpu.memory_space<vmem>>)
        tpu.yield
      }) : () -> ()
      %mul3A_73 = arith.constant 640 : i32
      %mul3A_74 = arith.muli %arg1, %mul3A_73 : i32
      %run_scoped3A_75 = arith.constant 15 : i32
      %run_scoped3A_76 = arith.constant 15 : i32
      "tpu.region"() ({
        %run_scoped3A_84 = tpu.sem_alloc : memref<!tpu.dma_semaphore, #tpu.memory_space<semaphore_mem>>
        %dma_start3A = arith.constant 0 : i32
        %dma_start3A_85 = tpu.memref_slice %arg6[%run_scoped3A_76, %dma_start3A] : memref<16x640xf32, #tpu.memory_space<vmem>> -> memref<1x640xf32, #tpu.memory_space<vmem>>
        %dma_start3A_86 = tpu.memref_squeeze %dma_start3A_85 : memref<1x640xf32, #tpu.memory_space<vmem>> -> memref<640xf32, #tpu.memory_space<vmem>>
        %dma_start3A_87 = arith.constant 0 : i32
        %dma_start3A_88 = tpu.memref_slice %arg8[%run_scoped3A_75, %dma_start3A_87] : memref<16x5376xf32, #tpu.memory_space<vmem_shared>> -> memref<1x5376xf32, #tpu.memory_space<vmem_shared>>
        %dma_start3A_89 = tpu.memref_squeeze %dma_start3A_88 : memref<1x5376xf32, #tpu.memory_space<vmem_shared>> -> memref<5376xf32, #tpu.memory_space<vmem_shared>>
        %dma_start3A_90 = tpu.memref_slice %dma_start3A_89[%mul3A_74] : memref<5376xf32, #tpu.memory_space<vmem_shared>> -> memref<640xf32, #tpu.memory_space<vmem_shared>>
        %dma_start3A_91 = arith.constant 0 : i32
        %dma_start3A_92 = tpu.memref_slice %arg6[%run_scoped3A_76, %dma_start3A_91] : memref<16x640xf32, #tpu.memory_space<vmem>> -> memref<1x640xf32, #tpu.memory_space<vmem>>
        %dma_start3A_93 = tpu.memref_squeeze %dma_start3A_92 : memref<1x640xf32, #tpu.memory_space<vmem>> -> memref<640xf32, #tpu.memory_space<vmem>>
        %dma_start3A_94 = arith.constant 0 : i32
        %dma_start3A_95 = tpu.memref_slice %arg8[%run_scoped3A_75, %dma_start3A_94] : memref<16x5376xf32, #tpu.memory_space<vmem_shared>> -> memref<1x5376xf32, #tpu.memory_space<vmem_shared>>
        %dma_start3A_96 = tpu.memref_squeeze %dma_start3A_95 : memref<1x5376xf32, #tpu.memory_space<vmem_shared>> -> memref<5376xf32, #tpu.memory_space<vmem_shared>>
        %dma_start3A_97 = tpu.memref_slice %dma_start3A_96[%mul3A_74] : memref<5376xf32, #tpu.memory_space<vmem_shared>> -> memref<640xf32, #tpu.memory_space<vmem_shared>>
        tpu.enqueue_dma source(%dma_start3A_97 : memref<640xf32, #tpu.memory_space<vmem_shared>>) target(%dma_start3A_93 : memref<640xf32, #tpu.memory_space<vmem>>) target_semaphore(%run_scoped3A_84 : memref<!tpu.dma_semaphore, #tpu.memory_space<semaphore_mem>>)
        %dma_wait3A = arith.constant 0 : i32
        %dma_wait3A_98 = tpu.memref_slice %arg6[%run_scoped3A_76, %dma_wait3A] : memref<16x640xf32, #tpu.memory_space<vmem>> -> memref<1x640xf32, #tpu.memory_space<vmem>>
        %dma_wait3A_99 = tpu.memref_squeeze %dma_wait3A_98 : memref<1x640xf32, #tpu.memory_space<vmem>> -> memref<640xf32, #tpu.memory_space<vmem>>
        %dma_wait3A_100 = arith.constant 0 : i32
        %dma_wait3A_101 = tpu.memref_slice %arg8[%run_scoped3A_75, %dma_wait3A_100] : memref<16x5376xf32, #tpu.memory_space<vmem_shared>> -> memref<1x5376xf32, #tpu.memory_space<vmem_shared>>
        %dma_wait3A_102 = tpu.memref_squeeze %dma_wait3A_101 : memref<1x5376xf32, #tpu.memory_space<vmem_shared>> -> memref<5376xf32, #tpu.memory_space<vmem_shared>>
        %dma_wait3A_103 = tpu.memref_slice %dma_wait3A_102[%mul3A_74] : memref<5376xf32, #tpu.memory_space<vmem_shared>> -> memref<640xf32, #tpu.memory_space<vmem_shared>>
        %dma_wait3A_104 = arith.constant 0 : i32
        %dma_wait3A_105 = tpu.memref_slice %arg6[%run_scoped3A_76, %dma_wait3A_104] : memref<16x640xf32, #tpu.memory_space<vmem>> -> memref<1x640xf32, #tpu.memory_space<vmem>>
        %dma_wait3A_106 = tpu.memref_squeeze %dma_wait3A_105 : memref<1x640xf32, #tpu.memory_space<vmem>> -> memref<640xf32, #tpu.memory_space<vmem>>
        %dma_wait3A_107 = arith.constant 0 : i32
        %dma_wait3A_108 = tpu.memref_slice %arg8[%run_scoped3A_75, %dma_wait3A_107] : memref<16x5376xf32, #tpu.memory_space<vmem_shared>> -> memref<1x5376xf32, #tpu.memory_space<vmem_shared>>
        %dma_wait3A_109 = tpu.memref_squeeze %dma_wait3A_108 : memref<1x5376xf32, #tpu.memory_space<vmem_shared>> -> memref<5376xf32, #tpu.memory_space<vmem_shared>>
        %dma_wait3A_110 = tpu.memref_slice %dma_wait3A_109[%mul3A_74] : memref<5376xf32, #tpu.memory_space<vmem_shared>> -> memref<640xf32, #tpu.memory_space<vmem_shared>>
        tpu.wait_dma2 semaphore(%run_scoped3A_84 : memref<!tpu.dma_semaphore, #tpu.memory_space<semaphore_mem>>) src(%dma_wait3A_110 : memref<640xf32, #tpu.memory_space<vmem_shared>>) dst(%dma_wait3A_106 : memref<640xf32, #tpu.memory_space<vmem>>)
        tpu.yield
      }) : () -> ()
      %scan3A_77 = arith.constant 0 : i32
      %scan3A_78 = arith.constant 40 : i32
      %scan3A_79 = arith.addi %scan3A_77, %scan3A_78 : i32
      %scan3A_80 = arith.constant 1 : i32
      scf.for %scan3A_84 = %scan3A_77 to %scan3A_79 step %scan3A_80  : i32 {
        %mul3A_85 = arith.constant 16 : i32
        %mul3A_86 = arith.muli %scan3A_84, %mul3A_85 : i32
        %get3A = arith.constant 0 : i32
        %get3A_87 = arith.index_cast %get3A : i32 to index
        %get3A_88 = arith.index_cast %mul3A_86 : i32 to index
        %get3A_89 = tpu.vector_load %arg6[%get3A_87, %get3A_88] {strides = array<i32>} : memref<16x640xf32, #tpu.memory_space<vmem>>, vector<16xf32>,
        %mul3A_90 = arith.constant 16 : i32
        %mul3A_91 = arith.muli %scan3A_84, %mul3A_90 : i32
        %get3A_92 = arith.constant 1 : i32
        %get3A_93 = arith.index_cast %get3A_92 : i32 to index
        %get3A_94 = arith.index_cast %mul3A_91 : i32 to index
        %get3A_95 = tpu.vector_load %arg6[%get3A_93, %get3A_94] {strides = array<i32>} : memref<16x640xf32, #tpu.memory_space<vmem>>, vector<16xf32>,
        %add3A_96 = arith.addf %get3A_89, %get3A_95 : vector<16xf32>
        %mul3A_97 = arith.constant 16 : i32
        %mul3A_98 = arith.muli %scan3A_84, %mul3A_97 : i32
        %get3A_99 = arith.constant 2 : i32
        %get3A_100 = arith.index_cast %get3A_99 : i32 to index
        %get3A_101 = arith.index_cast %mul3A_98 : i32 to index
        %get3A_102 = tpu.vector_load %arg6[%get3A_100, %get3A_101] {strides = array<i32>} : memref<16x640xf32, #tpu.memory_space<vmem>>, vector<16xf32>,
        %add3A_103 = arith.addf %add3A_96, %get3A_102 : vector<16xf32>
        %mul3A_104 = arith.constant 16 : i32
        %mul3A_105 = arith.muli %scan3A_84, %mul3A_104 : i32
        %get3A_106 = arith.constant 3 : i32
        %get3A_107 = arith.index_cast %get3A_106 : i32 to index
        %get3A_108 = arith.index_cast %mul3A_105 : i32 to index
        %get3A_109 = tpu.vector_load %arg6[%get3A_107, %get3A_108] {strides = array<i32>} : memref<16x640xf32, #tpu.memory_space<vmem>>, vector<16xf32>,
        %add3A_110 = arith.addf %add3A_103, %get3A_109 : vector<16xf32>
        %mul3A_111 = arith.constant 16 : i32
        %mul3A_112 = arith.muli %scan3A_84, %mul3A_111 : i32
        %get3A_113 = arith.constant 4 : i32
        %get3A_114 = arith.index_cast %get3A_113 : i32 to index
        %get3A_115 = arith.index_cast %mul3A_112 : i32 to index
        %get3A_116 = tpu.vector_load %arg6[%get3A_114, %get3A_115] {strides = array<i32>} : memref<16x640xf32, #tpu.memory_space<vmem>>, vector<16xf32>,
        %add3A_117 = arith.addf %add3A_110, %get3A_116 : vector<16xf32>
        %mul3A_118 = arith.constant 16 : i32
        %mul3A_119 = arith.muli %scan3A_84, %mul3A_118 : i32
        %get3A_120 = arith.constant 5 : i32
        %get3A_121 = arith.index_cast %get3A_120 : i32 to index
        %get3A_122 = arith.index_cast %mul3A_119 : i32 to index
        %get3A_123 = tpu.vector_load %arg6[%get3A_121, %get3A_122] {strides = array<i32>} : memref<16x640xf32, #tpu.memory_space<vmem>>, vector<16xf32>,
        %add3A_124 = arith.addf %add3A_117, %get3A_123 : vector<16xf32>
        %mul3A_125 = arith.constant 16 : i32
        %mul3A_126 = arith.muli %scan3A_84, %mul3A_125 : i32
        %get3A_127 = arith.constant 6 : i32
        %get3A_128 = arith.index_cast %get3A_127 : i32 to index
        %get3A_129 = arith.index_cast %mul3A_126 : i32 to index
        %get3A_130 = tpu.vector_load %arg6[%get3A_128, %get3A_129] {strides = array<i32>} : memref<16x640xf32, #tpu.memory_space<vmem>>, vector<16xf32>,
        %add3A_131 = arith.addf %add3A_124, %get3A_130 : vector<16xf32>
        %mul3A_132 = arith.constant 16 : i32
        %mul3A_133 = arith.muli %scan3A_84, %mul3A_132 : i32
        %get3A_134 = arith.constant 7 : i32
        %get3A_135 = arith.index_cast %get3A_134 : i32 to index
        %get3A_136 = arith.index_cast %mul3A_133 : i32 to index
        %get3A_137 = tpu.vector_load %arg6[%get3A_135, %get3A_136] {strides = array<i32>} : memref<16x640xf32, #tpu.memory_space<vmem>>, vector<16xf32>,
        %add3A_138 = arith.addf %add3A_131, %get3A_137 : vector<16xf32>
        %mul3A_139 = arith.constant 16 : i32
        %mul3A_140 = arith.muli %scan3A_84, %mul3A_139 : i32
        %get3A_141 = arith.constant 8 : i32
        %get3A_142 = arith.index_cast %get3A_141 : i32 to index
        %get3A_143 = arith.index_cast %mul3A_140 : i32 to index
        %get3A_144 = tpu.vector_load %arg6[%get3A_142, %get3A_143] {strides = array<i32>} : memref<16x640xf32, #tpu.memory_space<vmem>>, vector<16xf32>,
        %add3A_145 = arith.addf %add3A_138, %get3A_144 : vector<16xf32>
        %mul3A_146 = arith.constant 16 : i32
        %mul3A_147 = arith.muli %scan3A_84, %mul3A_146 : i32
        %get3A_148 = arith.constant 9 : i32
        %get3A_149 = arith.index_cast %get3A_148 : i32 to index
        %get3A_150 = arith.index_cast %mul3A_147 : i32 to index
        %get3A_151 = tpu.vector_load %arg6[%get3A_149, %get3A_150] {strides = array<i32>} : memref<16x640xf32, #tpu.memory_space<vmem>>, vector<16xf32>,
        %add3A_152 = arith.addf %add3A_145, %get3A_151 : vector<16xf32>
        %mul3A_153 = arith.constant 16 : i32
        %mul3A_154 = arith.muli %scan3A_84, %mul3A_153 : i32
        %get3A_155 = arith.constant 10 : i32
        %get3A_156 = arith.index_cast %get3A_155 : i32 to index
        %get3A_157 = arith.index_cast %mul3A_154 : i32 to index
        %get3A_158 = tpu.vector_load %arg6[%get3A_156, %get3A_157] {strides = array<i32>} : memref<16x640xf32, #tpu.memory_space<vmem>>, vector<16xf32>,
        %add3A_159 = arith.addf %add3A_152, %get3A_158 : vector<16xf32>
        %mul3A_160 = arith.constant 16 : i32
        %mul3A_161 = arith.muli %scan3A_84, %mul3A_160 : i32
        %get3A_162 = arith.constant 11 : i32
        %get3A_163 = arith.index_cast %get3A_162 : i32 to index
        %get3A_164 = arith.index_cast %mul3A_161 : i32 to index
        %get3A_165 = tpu.vector_load %arg6[%get3A_163, %get3A_164] {strides = array<i32>} : memref<16x640xf32, #tpu.memory_space<vmem>>, vector<16xf32>,
        %add3A_166 = arith.addf %add3A_159, %get3A_165 : vector<16xf32>
        %mul3A_167 = arith.constant 16 : i32
        %mul3A_168 = arith.muli %scan3A_84, %mul3A_167 : i32
        %get3A_169 = arith.constant 12 : i32
        %get3A_170 = arith.index_cast %get3A_169 : i32 to index
        %get3A_171 = arith.index_cast %mul3A_168 : i32 to index
        %get3A_172 = tpu.vector_load %arg6[%get3A_170, %get3A_171] {strides = array<i32>} : memref<16x640xf32, #tpu.memory_space<vmem>>, vector<16xf32>,
        %add3A_173 = arith.addf %add3A_166, %get3A_172 : vector<16xf32>
        %mul3A_174 = arith.constant 16 : i32
        %mul3A_175 = arith.muli %scan3A_84, %mul3A_174 : i32
        %get3A_176 = arith.constant 13 : i32
        %get3A_177 = arith.index_cast %get3A_176 : i32 to index
        %get3A_178 = arith.index_cast %mul3A_175 : i32 to index
        %get3A_179 = tpu.vector_load %arg6[%get3A_177, %get3A_178] {strides = array<i32>} : memref<16x640xf32, #tpu.memory_space<vmem>>, vector<16xf32>,
        %add3A_180 = arith.addf %add3A_173, %get3A_179 : vector<16xf32>
        %mul3A_181 = arith.constant 16 : i32
        %mul3A_182 = arith.muli %scan3A_84, %mul3A_181 : i32
        %get3A_183 = arith.constant 14 : i32
        %get3A_184 = arith.index_cast %get3A_183 : i32 to index
        %get3A_185 = arith.index_cast %mul3A_182 : i32 to index
        %get3A_186 = tpu.vector_load %arg6[%get3A_184, %get3A_185] {strides = array<i32>} : memref<16x640xf32, #tpu.memory_space<vmem>>, vector<16xf32>,
        %add3A_187 = arith.addf %add3A_180, %get3A_186 : vector<16xf32>
        %mul3A_188 = arith.constant 16 : i32
        %mul3A_189 = arith.muli %scan3A_84, %mul3A_188 : i32
        %get3A_190 = arith.constant 15 : i32
        %get3A_191 = arith.index_cast %get3A_190 : i32 to index
        %get3A_192 = arith.index_cast %mul3A_189 : i32 to index
        %get3A_193 = tpu.vector_load %arg6[%get3A_191, %get3A_192] {strides = array<i32>} : memref<16x640xf32, #tpu.memory_space<vmem>>, vector<16xf32>,
        %add3A_194 = arith.addf %add3A_187, %get3A_193 : vector<16xf32>
        %mul3A_195 = arith.constant 16 : i32
        %mul3A_196 = arith.muli %scan3A_84, %mul3A_195 : i32
        %swap3A = arith.index_cast %mul3A_196 : i32 to index
        %swap3A_197 = tpu.vector_load %arg7[%swap3A] {strides = array<i32>} : memref<640xf32, #tpu.memory_space<vmem>>, vector<16xf32>,
        tpu.vector_store %arg7[%swap3A], %add3A_194 {strides = array<i32>} : memref<640xf32, #tpu.memory_space<vmem>>, vector<16xf32>,
      }
      %scan3A_81 = arith.constant 40 : i32
      %mul3A_82 = arith.constant 640 : i32
      %mul3A_83 = arith.muli %arg1, %mul3A_82 : i32
      %add3A = arith.addi %mul3A_6, %mul3A_83 : i32
      "tpu.region"() ({
        %run_scoped3A_84 = tpu.sem_alloc : memref<!tpu.dma_semaphore, #tpu.memory_space<semaphore_mem>>
        %dma_start3A = tpu.memref_slice %arg3[%add3A] : memref<10240xf32, #tpu.memory_space<hbm>> -> memref<640xf32, #tpu.memory_space<hbm>>
        %dma_start3A_85 = tpu.memref_slice %arg3[%add3A] : memref<10240xf32, #tpu.memory_space<hbm>> -> memref<640xf32, #tpu.memory_space<hbm>>
        tpu.enqueue_dma source(%arg7 : memref<640xf32, #tpu.memory_space<vmem>>) target(%dma_start3A_85 : memref<640xf32, #tpu.memory_space<hbm>>) target_semaphore(%run_scoped3A_84 : memref<!tpu.dma_semaphore, #tpu.memory_space<semaphore_mem>>)
        %dma_wait3A = tpu.memref_slice %arg3[%add3A] : memref<10240xf32, #tpu.memory_space<hbm>> -> memref<640xf32, #tpu.memory_space<hbm>>
        %dma_wait3A_86 = tpu.memref_slice %arg3[%add3A] : memref<10240xf32, #tpu.memory_space<hbm>> -> memref<640xf32, #tpu.memory_space<hbm>>
        tpu.wait_dma2 semaphore(%run_scoped3A_84 : memref<!tpu.dma_semaphore, #tpu.memory_space<semaphore_mem>>) src(%arg7 : memref<640xf32, #tpu.memory_space<vmem>>) dst(%dma_wait3A_86 : memref<640xf32, #tpu.memory_space<hbm>>)
        tpu.yield
      }) : () -> ()
    } else {
    }
    return
  }
}

#map = affine_map<(d0, d1) -> (0, 0, 0)>
#map1 = affine_map<(d0, d1) -> (0)>
module attributes {stable_mosaic.version = 14 : i64} {
  func.func @body(%arg0: i32, %arg1: i32, %arg2: memref<2x10240x128xf32, #tpu.memory_space<hbm>>, %arg3: memref<160512xi32, #tpu.memory_space<hbm>>, %arg4: memref<160512xi32, #tpu.memory_space<hbm>>, %arg5: memref<1024xi32, #tpu.memory_space<hbm>>, %arg6: memref<2x1024x128xf32, #tpu.memory_space<hbm>>, %arg7: memref<10032xi32, #tpu.memory_space<vmem>>, %arg8: memref<10032xi32, #tpu.memory_space<vmem>>, %arg9: memref<4x48xi32, #tpu.memory_space<vmem>>, %arg10: memref<4x48xi32, #tpu.memory_space<vmem>>, %arg11: memref<4x48x128xf32, #tpu.memory_space<vmem>>, %arg12: memref<10240x128xf32, #tpu.memory_space<vmem_shared>>, %arg13: memref<!tpu.dma_semaphore, #tpu.memory_space<semaphore_mem>>, %arg14: memref<!tpu.dma_semaphore, #tpu.memory_space<semaphore_mem>>, %arg15: memref<!tpu.dma_semaphore, #tpu.memory_space<semaphore_mem>>, %arg16: memref<!tpu.dma_semaphore, #tpu.memory_space<semaphore_mem>>, %arg17: memref<!tpu.dma_semaphore, #tpu.memory_space<semaphore_mem>>, %arg18: memref<!tpu.dma_semaphore, #tpu.memory_space<semaphore_mem>>, %arg19: memref<!tpu.dma_semaphore, #tpu.memory_space<semaphore_mem>>, %arg20: memref<!tpu.dma_semaphore, #tpu.memory_space<semaphore_mem>>, %arg21: memref<64xi32, #tpu.memory_space<vmem>>, %arg22: memref<16x128xf32, #tpu.memory_space<vmem>>) attributes {dimension_semantics = [#tpu.dimension_semantics<core_parallel>, #tpu.dimension_semantics<subcore_parallel>], iteration_bounds = array<i64: 2, 16>, scalar_prefetch = 0 : i64, scratch_operands = 16 : i64, tpu.core_type = #tpu.core_type<sc_vector_subcore>, window_params = [{transform_indices = #map}, {transform_indices = #map1}, {transform_indices = #map1}, {transform_indices = #map1}, {transform_indices = #map}]} {
    %mul3A = arith.constant 640 : i32
    %mul3A_0 = arith.muli %arg1, %mul3A : i32
    %mul3A_1 = arith.constant 640 : i32
    %mul3A_2 = arith.muli %arg1, %mul3A_1 : i32
    "tpu.region"() ({
      %run_scoped3A = tpu.sem_alloc : memref<!tpu.dma_semaphore, #tpu.memory_space<semaphore_mem>>
      %dma_start3A_143 = arith.constant 0 : i32
      %dma_start3A_144 = tpu.memref_slice %arg12[%mul3A_2, %dma_start3A_143] : memref<10240x128xf32, #tpu.memory_space<vmem_shared>> -> memref<640x128xf32, #tpu.memory_space<vmem_shared>>
      %dma_start3A_145 = arith.constant 0 : i32
      %dma_start3A_146 = arith.constant 0 : i32
      %dma_start3A_147 = tpu.memref_slice %arg2[%arg0, %dma_start3A_145, %dma_start3A_146] : memref<2x10240x128xf32, #tpu.memory_space<hbm>> -> memref<1x10240x128xf32, #tpu.memory_space<hbm>>
      %dma_start3A_148 = tpu.memref_squeeze %dma_start3A_147 : memref<1x10240x128xf32, #tpu.memory_space<hbm>> -> memref<10240x128xf32, #tpu.memory_space<hbm>>
      %dma_start3A_149 = arith.constant 0 : i32
      %dma_start3A_150 = tpu.memref_slice %dma_start3A_148[%mul3A_0, %dma_start3A_149] : memref<10240x128xf32, #tpu.memory_space<hbm>> -> memref<640x128xf32, #tpu.memory_space<hbm>>
      tpu.enqueue_dma source(%dma_start3A_150 : memref<640x128xf32, #tpu.memory_space<hbm>>) target(%dma_start3A_144 : memref<640x128xf32, #tpu.memory_space<vmem_shared>>) target_semaphore(%run_scoped3A : memref<!tpu.dma_semaphore, #tpu.memory_space<semaphore_mem>>)
      %dma_wait3A_151 = arith.constant 0 : i32
      %dma_wait3A_152 = tpu.memref_slice %arg12[%mul3A_2, %dma_wait3A_151] : memref<10240x128xf32, #tpu.memory_space<vmem_shared>> -> memref<640x128xf32, #tpu.memory_space<vmem_shared>>
      %dma_wait3A_153 = arith.constant 0 : i32
      %dma_wait3A_154 = arith.constant 0 : i32
      %dma_wait3A_155 = tpu.memref_slice %arg2[%arg0, %dma_wait3A_153, %dma_wait3A_154] : memref<2x10240x128xf32, #tpu.memory_space<hbm>> -> memref<1x10240x128xf32, #tpu.memory_space<hbm>>
      %dma_wait3A_156 = tpu.memref_squeeze %dma_wait3A_155 : memref<1x10240x128xf32, #tpu.memory_space<hbm>> -> memref<10240x128xf32, #tpu.memory_space<hbm>>
      %dma_wait3A_157 = arith.constant 0 : i32
      %dma_wait3A_158 = tpu.memref_slice %dma_wait3A_156[%mul3A_0, %dma_wait3A_157] : memref<10240x128xf32, #tpu.memory_space<hbm>> -> memref<640x128xf32, #tpu.memory_space<hbm>>
      tpu.wait_dma2 semaphore(%run_scoped3A : memref<!tpu.dma_semaphore, #tpu.memory_space<semaphore_mem>>) src(%dma_wait3A_158 : memref<640x128xf32, #tpu.memory_space<hbm>>) dst(%dma_wait3A_152 : memref<640x128xf32, #tpu.memory_space<vmem_shared>>)
      tpu.yield
    }) : () -> ()
    %mul3A_3 = arith.constant 10032 : i32
    %mul3A_4 = arith.muli %arg1, %mul3A_3 : i32
    "tpu.region"() ({
      %run_scoped3A = tpu.sem_alloc : memref<!tpu.dma_semaphore, #tpu.memory_space<semaphore_mem>>
      %dma_start3A_143 = tpu.memref_slice %arg3[%mul3A_4] : memref<160512xi32, #tpu.memory_space<hbm>> -> memref<10032xi32, #tpu.memory_space<hbm>>
      %dma_start3A_144 = tpu.memref_slice %arg3[%mul3A_4] : memref<160512xi32, #tpu.memory_space<hbm>> -> memref<10032xi32, #tpu.memory_space<hbm>>
      tpu.enqueue_dma source(%dma_start3A_144 : memref<10032xi32, #tpu.memory_space<hbm>>) target(%arg7 : memref<10032xi32, #tpu.memory_space<vmem>>) target_semaphore(%run_scoped3A : memref<!tpu.dma_semaphore, #tpu.memory_space<semaphore_mem>>)
      %dma_wait3A_145 = tpu.memref_slice %arg3[%mul3A_4] : memref<160512xi32, #tpu.memory_space<hbm>> -> memref<10032xi32, #tpu.memory_space<hbm>>
      %dma_wait3A_146 = tpu.memref_slice %arg3[%mul3A_4] : memref<160512xi32, #tpu.memory_space<hbm>> -> memref<10032xi32, #tpu.memory_space<hbm>>
      tpu.wait_dma2 semaphore(%run_scoped3A : memref<!tpu.dma_semaphore, #tpu.memory_space<semaphore_mem>>) src(%dma_wait3A_146 : memref<10032xi32, #tpu.memory_space<hbm>>) dst(%arg7 : memref<10032xi32, #tpu.memory_space<vmem>>)
      tpu.yield
    }) : () -> ()
    %mul3A_5 = arith.constant 10032 : i32
    %mul3A_6 = arith.muli %arg1, %mul3A_5 : i32
    "tpu.region"() ({
      %run_scoped3A = tpu.sem_alloc : memref<!tpu.dma_semaphore, #tpu.memory_space<semaphore_mem>>
      %dma_start3A_143 = tpu.memref_slice %arg4[%mul3A_6] : memref<160512xi32, #tpu.memory_space<hbm>> -> memref<10032xi32, #tpu.memory_space<hbm>>
      %dma_start3A_144 = tpu.memref_slice %arg4[%mul3A_6] : memref<160512xi32, #tpu.memory_space<hbm>> -> memref<10032xi32, #tpu.memory_space<hbm>>
      tpu.enqueue_dma source(%dma_start3A_144 : memref<10032xi32, #tpu.memory_space<hbm>>) target(%arg8 : memref<10032xi32, #tpu.memory_space<vmem>>) target_semaphore(%run_scoped3A : memref<!tpu.dma_semaphore, #tpu.memory_space<semaphore_mem>>)
      %dma_wait3A_145 = tpu.memref_slice %arg4[%mul3A_6] : memref<160512xi32, #tpu.memory_space<hbm>> -> memref<10032xi32, #tpu.memory_space<hbm>>
      %dma_wait3A_146 = tpu.memref_slice %arg4[%mul3A_6] : memref<160512xi32, #tpu.memory_space<hbm>> -> memref<10032xi32, #tpu.memory_space<hbm>>
      tpu.wait_dma2 semaphore(%run_scoped3A : memref<!tpu.dma_semaphore, #tpu.memory_space<semaphore_mem>>) src(%dma_wait3A_146 : memref<10032xi32, #tpu.memory_space<hbm>>) dst(%arg8 : memref<10032xi32, #tpu.memory_space<vmem>>)
      tpu.yield
    }) : () -> ()
    %barrier3A = arith.constant 0 : index
    tpu.barrier barrier_id(%barrier3A)
    %get3A = arith.constant 0 : index
    %get3A_7 = tpu.vector_load %arg8[%get3A] {strides = array<i32>} : memref<10032xi32, #tpu.memory_space<vmem>>, vector<16xi32>,
    %swap3A = arith.constant 0 : i32
    %swap3A_8 = arith.index_cast %swap3A : i32 to index
    %swap3A_9 = arith.constant 0 : index
    %swap3A_10 = tpu.vector_load %arg10[%swap3A_8, %swap3A_9] {strides = array<i32>} : memref<4x48xi32, #tpu.memory_space<vmem>>, vector<16xi32>,
    tpu.vector_store %arg10[%swap3A_8, %swap3A_9], %get3A_7 {strides = array<i32>} : memref<4x48xi32, #tpu.memory_space<vmem>>, vector<16xi32>,
    %get3A_11 = arith.constant 0 : index
    %get3A_12 = tpu.vector_load %arg7[%get3A_11] {strides = array<i32>} : memref<10032xi32, #tpu.memory_space<vmem>>, vector<16xi32>,
    %swap3A_13 = arith.constant 0 : i32
    %swap3A_14 = arith.index_cast %swap3A_13 : i32 to index
    %swap3A_15 = arith.constant 0 : index
    %swap3A_16 = tpu.vector_load %arg9[%swap3A_14, %swap3A_15] {strides = array<i32>} : memref<4x48xi32, #tpu.memory_space<vmem>>, vector<16xi32>,
    tpu.vector_store %arg9[%swap3A_14, %swap3A_15], %get3A_12 {strides = array<i32>} : memref<4x48xi32, #tpu.memory_space<vmem>>, vector<16xi32>,
    %get3A_17 = arith.constant 16 : index
    %get3A_18 = tpu.vector_load %arg8[%get3A_17] {strides = array<i32>} : memref<10032xi32, #tpu.memory_space<vmem>>, vector<16xi32>,
    %swap3A_19 = arith.constant 0 : i32
    %swap3A_20 = arith.index_cast %swap3A_19 : i32 to index
    %swap3A_21 = arith.constant 16 : index
    %swap3A_22 = tpu.vector_load %arg10[%swap3A_20, %swap3A_21] {strides = array<i32>} : memref<4x48xi32, #tpu.memory_space<vmem>>, vector<16xi32>,
    tpu.vector_store %arg10[%swap3A_20, %swap3A_21], %get3A_18 {strides = array<i32>} : memref<4x48xi32, #tpu.memory_space<vmem>>, vector<16xi32>,
    %get3A_23 = arith.constant 16 : index
    %get3A_24 = tpu.vector_load %arg7[%get3A_23] {strides = array<i32>} : memref<10032xi32, #tpu.memory_space<vmem>>, vector<16xi32>,
    %swap3A_25 = arith.constant 0 : i32
    %swap3A_26 = arith.index_cast %swap3A_25 : i32 to index
    %swap3A_27 = arith.constant 16 : index
    %swap3A_28 = tpu.vector_load %arg9[%swap3A_26, %swap3A_27] {strides = array<i32>} : memref<4x48xi32, #tpu.memory_space<vmem>>, vector<16xi32>,
    tpu.vector_store %arg9[%swap3A_26, %swap3A_27], %get3A_24 {strides = array<i32>} : memref<4x48xi32, #tpu.memory_space<vmem>>, vector<16xi32>,
    %get3A_29 = arith.constant 32 : index
    %get3A_30 = tpu.vector_load %arg8[%get3A_29] {strides = array<i32>} : memref<10032xi32, #tpu.memory_space<vmem>>, vector<16xi32>,
    %swap3A_31 = arith.constant 0 : i32
    %swap3A_32 = arith.index_cast %swap3A_31 : i32 to index
    %swap3A_33 = arith.constant 32 : index
    %swap3A_34 = tpu.vector_load %arg10[%swap3A_32, %swap3A_33] {strides = array<i32>} : memref<4x48xi32, #tpu.memory_space<vmem>>, vector<16xi32>,
    tpu.vector_store %arg10[%swap3A_32, %swap3A_33], %get3A_30 {strides = array<i32>} : memref<4x48xi32, #tpu.memory_space<vmem>>, vector<16xi32>,
    %get3A_35 = arith.constant 32 : index
    %get3A_36 = tpu.vector_load %arg7[%get3A_35] {strides = array<i32>} : memref<10032xi32, #tpu.memory_space<vmem>>, vector<16xi32>,
    %swap3A_37 = arith.constant 0 : i32
    %swap3A_38 = arith.index_cast %swap3A_37 : i32 to index
    %swap3A_39 = arith.constant 32 : index
    %swap3A_40 = tpu.vector_load %arg9[%swap3A_38, %swap3A_39] {strides = array<i32>} : memref<4x48xi32, #tpu.memory_space<vmem>>, vector<16xi32>,
    tpu.vector_store %arg9[%swap3A_38, %swap3A_39], %get3A_36 {strides = array<i32>} : memref<4x48xi32, #tpu.memory_space<vmem>>, vector<16xi32>,
    %dma_start3A = arith.constant 0 : i32
    %dma_start3A_41 = arith.constant 0 : i32
    %dma_start3A_42 = arith.constant 0 : i32
    %dma_start3A_43 = arith.constant 0 : i32
    %dma_start3A_44 = tpu.memref_slice %arg11[%dma_start3A_41, %dma_start3A_42, %dma_start3A_43] : memref<4x48x128xf32, #tpu.memory_space<vmem>> -> memref<1x48x128xf32, #tpu.memory_space<vmem>>
    %dma_start3A_45 = tpu.memref_squeeze %dma_start3A_44 : memref<1x48x128xf32, #tpu.memory_space<vmem>> -> memref<48x128xf32, #tpu.memory_space<vmem>>
    %dma_start3A_46 = arith.constant 0 : i32
    %dma_start3A_47 = tpu.memref_slice %arg9[%dma_start3A, %dma_start3A_46] : memref<4x48xi32, #tpu.memory_space<vmem>> -> memref<1x48xi32, #tpu.memory_space<vmem>>
    %dma_start3A_48 = tpu.memref_squeeze %dma_start3A_47 : memref<1x48xi32, #tpu.memory_space<vmem>> -> memref<48xi32, #tpu.memory_space<vmem>>
    %dma_start3A_49 = arith.constant 0 : i32
    %dma_start3A_50 = arith.constant 0 : i32
    %dma_start3A_51 = tpu.memref_slice %arg2[%arg0, %dma_start3A_49, %dma_start3A_50] : memref<2x10240x128xf32, #tpu.memory_space<hbm>> -> memref<1x10240x128xf32, #tpu.memory_space<hbm>>
    %dma_start3A_52 = tpu.memref_squeeze %dma_start3A_51 : memref<1x10240x128xf32, #tpu.memory_space<hbm>> -> memref<10240x128xf32, #tpu.memory_space<hbm>>
    %dma_start3A_53 = arith.constant 0 : i32
    %dma_start3A_54 = arith.constant 0 : i32
    %dma_start3A_55 = tpu.memref_slice %dma_start3A_52[%dma_start3A_53, %dma_start3A_54] : memref<10240x128xf32, #tpu.memory_space<hbm>> -> memref<10240x128xf32, #tpu.memory_space<hbm>>
    tpu.enqueue_indirect_dma source(%dma_start3A_55 : memref<10240x128xf32, #tpu.memory_space<hbm>>) target(%dma_start3A_45 : memref<48x128xf32, #tpu.memory_space<vmem>>) offsets(%dma_start3A_48 : memref<48xi32, #tpu.memory_space<vmem>>) semaphore(%arg13 : memref<!tpu.dma_semaphore, #tpu.memory_space<semaphore_mem>>)
    %scan3A = arith.constant 0 : i32
    %scan3A_56 = arith.constant 52 : i32
    %scan3A_57 = arith.addi %scan3A, %scan3A_56 : i32
    %scan3A_58 = arith.constant 1 : i32
    scf.for %scan3A_143 = %scan3A to %scan3A_57 step %scan3A_58  : i32 {
      %mul3A_144 = arith.constant 4 : i32
      %mul3A_145 = arith.muli %scan3A_143, %mul3A_144 : i32
      %add3A = arith.constant 0 : i32
      %add3A_146 = arith.addi %mul3A_145, %add3A : i32
      %gt3A = arith.constant 0 : i32
      %gt3A_147 = arith.cmpi sgt, %scan3A_143, %gt3A : i32
      %convert_element_type3A = arith.extui %gt3A_147 : i1 to i32
      %cond3A = arith.constant 0 : i32
      %cond3A_148 = arith.cmpi ne, %convert_element_type3A, %cond3A : i32
      scf.if %cond3A_148 {
        %dma_wait3A_567 = arith.constant 1 : i32
        %dma_wait3A_568 = arith.constant 1 : i32
        %dma_wait3A_569 = arith.constant 0 : i32
        %dma_wait3A_570 = arith.constant 0 : i32
        %dma_wait3A_571 = tpu.memref_slice %arg11[%dma_wait3A_567, %dma_wait3A_569, %dma_wait3A_570] : memref<4x48x128xf32, #tpu.memory_space<vmem>> -> memref<1x48x128xf32, #tpu.memory_space<vmem>>
        %dma_wait3A_572 = tpu.memref_squeeze %dma_wait3A_571 : memref<1x48x128xf32, #tpu.memory_space<vmem>> -> memref<48x128xf32, #tpu.memory_space<vmem>>
        %dma_wait3A_573 = arith.constant 0 : i32
        %dma_wait3A_574 = tpu.memref_slice %arg10[%dma_wait3A_568, %dma_wait3A_573] : memref<4x48xi32, #tpu.memory_space<vmem>> -> memref<1x48xi32, #tpu.memory_space<vmem>>
        %dma_wait3A_575 = tpu.memref_squeeze %dma_wait3A_574 : memref<1x48xi32, #tpu.memory_space<vmem>> -> memref<48xi32, #tpu.memory_space<vmem>>
        %dma_wait3A_576 = arith.constant 0 : i32
        %dma_wait3A_577 = arith.constant 0 : i32
        %dma_wait3A_578 = tpu.memref_slice %arg12[%dma_wait3A_576, %dma_wait3A_577] : memref<10240x128xf32, #tpu.memory_space<vmem_shared>> -> memref<10240x128xf32, #tpu.memory_space<vmem_shared>>
        tpu.wait_indirect_dma semaphore(%arg18 : memref<!tpu.dma_semaphore, #tpu.memory_space<semaphore_mem>>) src(%dma_wait3A_572 : memref<48x128xf32, #tpu.memory_space<vmem>>) dst(%dma_wait3A_578 : memref<10240x128xf32, #tpu.memory_space<vmem_shared>>)
      } else {
      }
      %add3A_149 = arith.constant 1 : i32
      %add3A_150 = arith.addi %add3A_146, %add3A_149 : i32
      %mul3A_151 = arith.constant 48 : i32
      %mul3A_152 = arith.muli %add3A_150, %mul3A_151 : i32
      %add3A_153 = arith.constant 0 : i32
      %add3A_154 = arith.addi %mul3A_152, %add3A_153 : i32
      %get3A_155 = arith.index_cast %add3A_154 : i32 to index
      %get3A_156 = tpu.vector_load %arg8[%get3A_155] {strides = array<i32>} : memref<10032xi32, #tpu.memory_space<vmem>>, vector<16xi32>,
      %swap3A_157 = arith.constant 1 : i32
      %swap3A_158 = arith.index_cast %swap3A_157 : i32 to index
      %swap3A_159 = arith.constant 0 : index
      %swap3A_160 = tpu.vector_load %arg10[%swap3A_158, %swap3A_159] {strides = array<i32>} : memref<4x48xi32, #tpu.memory_space<vmem>>, vector<16xi32>,
      tpu.vector_store %arg10[%swap3A_158, %swap3A_159], %get3A_156 {strides = array<i32>} : memref<4x48xi32, #tpu.memory_space<vmem>>, vector<16xi32>,
      %add3A_161 = arith.constant 0 : i32
      %add3A_162 = arith.addi %mul3A_152, %add3A_161 : i32
      %get3A_163 = arith.index_cast %add3A_162 : i32 to index
      %get3A_164 = tpu.vector_load %arg7[%get3A_163] {strides = array<i32>} : memref<10032xi32, #tpu.memory_space<vmem>>, vector<16xi32>,
      %swap3A_165 = arith.constant 1 : i32
      %swap3A_166 = arith.index_cast %swap3A_165 : i32 to index
      %swap3A_167 = arith.constant 0 : index
      %swap3A_168 = tpu.vector_load %arg9[%swap3A_166, %swap3A_167] {strides = array<i32>} : memref<4x48xi32, #tpu.memory_space<vmem>>, vector<16xi32>,
      tpu.vector_store %arg9[%swap3A_166, %swap3A_167], %get3A_164 {strides = array<i32>} : memref<4x48xi32, #tpu.memory_space<vmem>>, vector<16xi32>,
      %add3A_169 = arith.constant 16 : i32
      %add3A_170 = arith.addi %mul3A_152, %add3A_169 : i32
      %get3A_171 = arith.index_cast %add3A_170 : i32 to index
      %get3A_172 = tpu.vector_load %arg8[%get3A_171] {strides = array<i32>} : memref<10032xi32, #tpu.memory_space<vmem>>, vector<16xi32>,
      %swap3A_173 = arith.constant 1 : i32
      %swap3A_174 = arith.index_cast %swap3A_173 : i32 to index
      %swap3A_175 = arith.constant 16 : index
      %swap3A_176 = tpu.vector_load %arg10[%swap3A_174, %swap3A_175] {strides = array<i32>} : memref<4x48xi32, #tpu.memory_space<vmem>>, vector<16xi32>,
      tpu.vector_store %arg10[%swap3A_174, %swap3A_175], %get3A_172 {strides = array<i32>} : memref<4x48xi32, #tpu.memory_space<vmem>>, vector<16xi32>,
      %add3A_177 = arith.constant 16 : i32
      %add3A_178 = arith.addi %mul3A_152, %add3A_177 : i32
      %get3A_179 = arith.index_cast %add3A_178 : i32 to index
      %get3A_180 = tpu.vector_load %arg7[%get3A_179] {strides = array<i32>} : memref<10032xi32, #tpu.memory_space<vmem>>, vector<16xi32>,
      %swap3A_181 = arith.constant 1 : i32
      %swap3A_182 = arith.index_cast %swap3A_181 : i32 to index
      %swap3A_183 = arith.constant 16 : index
      %swap3A_184 = tpu.vector_load %arg9[%swap3A_182, %swap3A_183] {strides = array<i32>} : memref<4x48xi32, #tpu.memory_space<vmem>>, vector<16xi32>,
      tpu.vector_store %arg9[%swap3A_182, %swap3A_183], %get3A_180 {strides = array<i32>} : memref<4x48xi32, #tpu.memory_space<vmem>>, vector<16xi32>,
      %add3A_185 = arith.constant 32 : i32
      %add3A_186 = arith.addi %mul3A_152, %add3A_185 : i32
      %get3A_187 = arith.index_cast %add3A_186 : i32 to index
      %get3A_188 = tpu.vector_load %arg8[%get3A_187] {strides = array<i32>} : memref<10032xi32, #tpu.memory_space<vmem>>, vector<16xi32>,
      %swap3A_189 = arith.constant 1 : i32
      %swap3A_190 = arith.index_cast %swap3A_189 : i32 to index
      %swap3A_191 = arith.constant 32 : index
      %swap3A_192 = tpu.vector_load %arg10[%swap3A_190, %swap3A_191] {strides = array<i32>} : memref<4x48xi32, #tpu.memory_space<vmem>>, vector<16xi32>,
      tpu.vector_store %arg10[%swap3A_190, %swap3A_191], %get3A_188 {strides = array<i32>} : memref<4x48xi32, #tpu.memory_space<vmem>>, vector<16xi32>,
      %add3A_193 = arith.constant 32 : i32
      %add3A_194 = arith.addi %mul3A_152, %add3A_193 : i32
      %get3A_195 = arith.index_cast %add3A_194 : i32 to index
      %get3A_196 = tpu.vector_load %arg7[%get3A_195] {strides = array<i32>} : memref<10032xi32, #tpu.memory_space<vmem>>, vector<16xi32>,
      %swap3A_197 = arith.constant 1 : i32
      %swap3A_198 = arith.index_cast %swap3A_197 : i32 to index
      %swap3A_199 = arith.constant 32 : index
      %swap3A_200 = tpu.vector_load %arg9[%swap3A_198, %swap3A_199] {strides = array<i32>} : memref<4x48xi32, #tpu.memory_space<vmem>>, vector<16xi32>,
      tpu.vector_store %arg9[%swap3A_198, %swap3A_199], %get3A_196 {strides = array<i32>} : memref<4x48xi32, #tpu.memory_space<vmem>>, vector<16xi32>,
      %dma_start3A_201 = arith.constant 1 : i32
      %dma_start3A_202 = arith.constant 1 : i32
      %dma_start3A_203 = arith.constant 0 : i32
      %dma_start3A_204 = arith.constant 0 : i32
      %dma_start3A_205 = tpu.memref_slice %arg11[%dma_start3A_202, %dma_start3A_203, %dma_start3A_204] : memref<4x48x128xf32, #tpu.memory_space<vmem>> -> memref<1x48x128xf32, #tpu.memory_space<vmem>>
      %dma_start3A_206 = tpu.memref_squeeze %dma_start3A_205 : memref<1x48x128xf32, #tpu.memory_space<vmem>> -> memref<48x128xf32, #tpu.memory_space<vmem>>
      %dma_start3A_207 = arith.constant 0 : i32
      %dma_start3A_208 = tpu.memref_slice %arg9[%dma_start3A_201, %dma_start3A_207] : memref<4x48xi32, #tpu.memory_space<vmem>> -> memref<1x48xi32, #tpu.memory_space<vmem>>
      %dma_start3A_209 = tpu.memref_squeeze %dma_start3A_208 : memref<1x48xi32, #tpu.memory_space<vmem>> -> memref<48xi32, #tpu.memory_space<vmem>>
      %dma_start3A_210 = arith.constant 0 : i32
      %dma_start3A_211 = arith.constant 0 : i32
      %dma_start3A_212 = tpu.memref_slice %arg2[%arg0, %dma_start3A_210, %dma_start3A_211] : memref<2x10240x128xf32, #tpu.memory_space<hbm>> -> memref<1x10240x128xf32, #tpu.memory_space<hbm>>
      %dma_start3A_213 = tpu.memref_squeeze %dma_start3A_212 : memref<1x10240x128xf32, #tpu.memory_space<hbm>> -> memref<10240x128xf32, #tpu.memory_space<hbm>>
      %dma_start3A_214 = arith.constant 0 : i32
      %dma_start3A_215 = arith.constant 0 : i32
      %dma_start3A_216 = tpu.memref_slice %dma_start3A_213[%dma_start3A_214, %dma_start3A_215] : memref<10240x128xf32, #tpu.memory_space<hbm>> -> memref<10240x128xf32, #tpu.memory_space<hbm>>
      tpu.enqueue_indirect_dma source(%dma_start3A_216 : memref<10240x128xf32, #tpu.memory_space<hbm>>) target(%dma_start3A_206 : memref<48x128xf32, #tpu.memory_space<vmem>>) offsets(%dma_start3A_209 : memref<48xi32, #tpu.memory_space<vmem>>) semaphore(%arg14 : memref<!tpu.dma_semaphore, #tpu.memory_space<semaphore_mem>>)
      %dma_wait3A_217 = arith.constant 0 : i32
      %dma_wait3A_218 = arith.constant 0 : i32
      %dma_wait3A_219 = arith.constant 0 : i32
      %dma_wait3A_220 = arith.constant 0 : i32
      %dma_wait3A_221 = tpu.memref_slice %arg11[%dma_wait3A_218, %dma_wait3A_219, %dma_wait3A_220] : memref<4x48x128xf32, #tpu.memory_space<vmem>> -> memref<1x48x128xf32, #tpu.memory_space<vmem>>
      %dma_wait3A_222 = tpu.memref_squeeze %dma_wait3A_221 : memref<1x48x128xf32, #tpu.memory_space<vmem>> -> memref<48x128xf32, #tpu.memory_space<vmem>>
      %dma_wait3A_223 = arith.constant 0 : i32
      %dma_wait3A_224 = tpu.memref_slice %arg9[%dma_wait3A_217, %dma_wait3A_223] : memref<4x48xi32, #tpu.memory_space<vmem>> -> memref<1x48xi32, #tpu.memory_space<vmem>>
      %dma_wait3A_225 = tpu.memref_squeeze %dma_wait3A_224 : memref<1x48xi32, #tpu.memory_space<vmem>> -> memref<48xi32, #tpu.memory_space<vmem>>
      %dma_wait3A_226 = arith.constant 0 : i32
      %dma_wait3A_227 = arith.constant 0 : i32
      %dma_wait3A_228 = tpu.memref_slice %arg2[%arg0, %dma_wait3A_226, %dma_wait3A_227] : memref<2x10240x128xf32, #tpu.memory_space<hbm>> -> memref<1x10240x128xf32, #tpu.memory_space<hbm>>
      %dma_wait3A_229 = tpu.memref_squeeze %dma_wait3A_228 : memref<1x10240x128xf32, #tpu.memory_space<hbm>> -> memref<10240x128xf32, #tpu.memory_space<hbm>>
      %dma_wait3A_230 = arith.constant 0 : i32
      %dma_wait3A_231 = arith.constant 0 : i32
      %dma_wait3A_232 = tpu.memref_slice %dma_wait3A_229[%dma_wait3A_230, %dma_wait3A_231] : memref<10240x128xf32, #tpu.memory_space<hbm>> -> memref<10240x128xf32, #tpu.memory_space<hbm>>
      tpu.wait_indirect_dma semaphore(%arg13 : memref<!tpu.dma_semaphore, #tpu.memory_space<semaphore_mem>>) src(%dma_wait3A_232 : memref<10240x128xf32, #tpu.memory_space<hbm>>) dst(%dma_wait3A_222 : memref<48x128xf32, #tpu.memory_space<vmem>>)
      %dma_start3A_233 = arith.constant 0 : i32
      %dma_start3A_234 = arith.constant 0 : i32
      %dma_start3A_235 = arith.constant 0 : i32
      %dma_start3A_236 = arith.constant 0 : i32
      %dma_start3A_237 = tpu.memref_slice %arg11[%dma_start3A_233, %dma_start3A_235, %dma_start3A_236] : memref<4x48x128xf32, #tpu.memory_space<vmem>> -> memref<1x48x128xf32, #tpu.memory_space<vmem>>
      %dma_start3A_238 = tpu.memref_squeeze %dma_start3A_237 : memref<1x48x128xf32, #tpu.memory_space<vmem>> -> memref<48x128xf32, #tpu.memory_space<vmem>>
      %dma_start3A_239 = arith.constant 0 : i32
      %dma_start3A_240 = tpu.memref_slice %arg10[%dma_start3A_234, %dma_start3A_239] : memref<4x48xi32, #tpu.memory_space<vmem>> -> memref<1x48xi32, #tpu.memory_space<vmem>>
      %dma_start3A_241 = tpu.memref_squeeze %dma_start3A_240 : memref<1x48xi32, #tpu.memory_space<vmem>> -> memref<48xi32, #tpu.memory_space<vmem>>
      %dma_start3A_242 = arith.constant 0 : i32
      %dma_start3A_243 = arith.constant 0 : i32
      %dma_start3A_244 = tpu.memref_slice %arg12[%dma_start3A_242, %dma_start3A_243] : memref<10240x128xf32, #tpu.memory_space<vmem_shared>> -> memref<10240x128xf32, #tpu.memory_space<vmem_shared>>
      tpu.enqueue_indirect_dma source(%dma_start3A_238 : memref<48x128xf32, #tpu.memory_space<vmem>>) target(%dma_start3A_244 : memref<10240x128xf32, #tpu.memory_space<vmem_shared>>) offsets(%dma_start3A_241 : memref<48xi32, #tpu.memory_space<vmem>>) semaphore(%arg17 : memref<!tpu.dma_semaphore, #tpu.memory_space<semaphore_mem>>) {add = true}
      %mul3A_245 = arith.constant 4 : i32
      %mul3A_246 = arith.muli %scan3A_143, %mul3A_245 : i32
      %add3A_247 = arith.constant 1 : i32
      %add3A_248 = arith.addi %mul3A_246, %add3A_247 : i32
      %gt3A_249 = arith.constant 0 : i32
      %gt3A_250 = arith.cmpi sgt, %scan3A_143, %gt3A_249 : i32
      %convert_element_type3A_251 = arith.extui %gt3A_250 : i1 to i32
      %cond3A_252 = arith.constant 0 : i32
      %cond3A_253 = arith.cmpi ne, %convert_element_type3A_251, %cond3A_252 : i32
      scf.if %cond3A_253 {
        %dma_wait3A_567 = arith.constant 2 : i32
        %dma_wait3A_568 = arith.constant 2 : i32
        %dma_wait3A_569 = arith.constant 0 : i32
        %dma_wait3A_570 = arith.constant 0 : i32
        %dma_wait3A_571 = tpu.memref_slice %arg11[%dma_wait3A_567, %dma_wait3A_569, %dma_wait3A_570] : memref<4x48x128xf32, #tpu.memory_space<vmem>> -> memref<1x48x128xf32, #tpu.memory_space<vmem>>
        %dma_wait3A_572 = tpu.memref_squeeze %dma_wait3A_571 : memref<1x48x128xf32, #tpu.memory_space<vmem>> -> memref<48x128xf32, #tpu.memory_space<vmem>>
        %dma_wait3A_573 = arith.constant 0 : i32
        %dma_wait3A_574 = tpu.memref_slice %arg10[%dma_wait3A_568, %dma_wait3A_573] : memref<4x48xi32, #tpu.memory_space<vmem>> -> memref<1x48xi32, #tpu.memory_space<vmem>>
        %dma_wait3A_575 = tpu.memref_squeeze %dma_wait3A_574 : memref<1x48xi32, #tpu.memory_space<vmem>> -> memref<48xi32, #tpu.memory_space<vmem>>
        %dma_wait3A_576 = arith.constant 0 : i32
        %dma_wait3A_577 = arith.constant 0 : i32
        %dma_wait3A_578 = tpu.memref_slice %arg12[%dma_wait3A_576, %dma_wait3A_577] : memref<10240x128xf32, #tpu.memory_space<vmem_shared>> -> memref<10240x128xf32, #tpu.memory_space<vmem_shared>>
        tpu.wait_indirect_dma semaphore(%arg19 : memref<!tpu.dma_semaphore, #tpu.memory_space<semaphore_mem>>) src(%dma_wait3A_572 : memref<48x128xf32, #tpu.memory_space<vmem>>) dst(%dma_wait3A_578 : memref<10240x128xf32, #tpu.memory_space<vmem_shared>>)
      } else {
      }
      %add3A_254 = arith.constant 1 : i32
      %add3A_255 = arith.addi %add3A_248, %add3A_254 : i32
      %mul3A_256 = arith.constant 48 : i32
      %mul3A_257 = arith.muli %add3A_255, %mul3A_256 : i32
      %add3A_258 = arith.constant 0 : i32
      %add3A_259 = arith.addi %mul3A_257, %add3A_258 : i32
      %get3A_260 = arith.index_cast %add3A_259 : i32 to index
      %get3A_261 = tpu.vector_load %arg8[%get3A_260] {strides = array<i32>} : memref<10032xi32, #tpu.memory_space<vmem>>, vector<16xi32>,
      %swap3A_262 = arith.constant 2 : i32
      %swap3A_263 = arith.index_cast %swap3A_262 : i32 to index
      %swap3A_264 = arith.constant 0 : index
      %swap3A_265 = tpu.vector_load %arg10[%swap3A_263, %swap3A_264] {strides = array<i32>} : memref<4x48xi32, #tpu.memory_space<vmem>>, vector<16xi32>,
      tpu.vector_store %arg10[%swap3A_263, %swap3A_264], %get3A_261 {strides = array<i32>} : memref<4x48xi32, #tpu.memory_space<vmem>>, vector<16xi32>,
      %add3A_266 = arith.constant 0 : i32
      %add3A_267 = arith.addi %mul3A_257, %add3A_266 : i32
      %get3A_268 = arith.index_cast %add3A_267 : i32 to index
      %get3A_269 = tpu.vector_load %arg7[%get3A_268] {strides = array<i32>} : memref<10032xi32, #tpu.memory_space<vmem>>, vector<16xi32>,
      %swap3A_270 = arith.constant 2 : i32
      %swap3A_271 = arith.index_cast %swap3A_270 : i32 to index
      %swap3A_272 = arith.constant 0 : index
      %swap3A_273 = tpu.vector_load %arg9[%swap3A_271, %swap3A_272] {strides = array<i32>} : memref<4x48xi32, #tpu.memory_space<vmem>>, vector<16xi32>,
      tpu.vector_store %arg9[%swap3A_271, %swap3A_272], %get3A_269 {strides = array<i32>} : memref<4x48xi32, #tpu.memory_space<vmem>>, vector<16xi32>,
      %add3A_274 = arith.constant 16 : i32
      %add3A_275 = arith.addi %mul3A_257, %add3A_274 : i32
      %get3A_276 = arith.index_cast %add3A_275 : i32 to index
      %get3A_277 = tpu.vector_load %arg8[%get3A_276] {strides = array<i32>} : memref<10032xi32, #tpu.memory_space<vmem>>, vector<16xi32>,
      %swap3A_278 = arith.constant 2 : i32
      %swap3A_279 = arith.index_cast %swap3A_278 : i32 to index
      %swap3A_280 = arith.constant 16 : index
      %swap3A_281 = tpu.vector_load %arg10[%swap3A_279, %swap3A_280] {strides = array<i32>} : memref<4x48xi32, #tpu.memory_space<vmem>>, vector<16xi32>,
      tpu.vector_store %arg10[%swap3A_279, %swap3A_280], %get3A_277 {strides = array<i32>} : memref<4x48xi32, #tpu.memory_space<vmem>>, vector<16xi32>,
      %add3A_282 = arith.constant 16 : i32
      %add3A_283 = arith.addi %mul3A_257, %add3A_282 : i32
      %get3A_284 = arith.index_cast %add3A_283 : i32 to index
      %get3A_285 = tpu.vector_load %arg7[%get3A_284] {strides = array<i32>} : memref<10032xi32, #tpu.memory_space<vmem>>, vector<16xi32>,
      %swap3A_286 = arith.constant 2 : i32
      %swap3A_287 = arith.index_cast %swap3A_286 : i32 to index
      %swap3A_288 = arith.constant 16 : index
      %swap3A_289 = tpu.vector_load %arg9[%swap3A_287, %swap3A_288] {strides = array<i32>} : memref<4x48xi32, #tpu.memory_space<vmem>>, vector<16xi32>,
      tpu.vector_store %arg9[%swap3A_287, %swap3A_288], %get3A_285 {strides = array<i32>} : memref<4x48xi32, #tpu.memory_space<vmem>>, vector<16xi32>,
      %add3A_290 = arith.constant 32 : i32
      %add3A_291 = arith.addi %mul3A_257, %add3A_290 : i32
      %get3A_292 = arith.index_cast %add3A_291 : i32 to index
      %get3A_293 = tpu.vector_load %arg8[%get3A_292] {strides = array<i32>} : memref<10032xi32, #tpu.memory_space<vmem>>, vector<16xi32>,
      %swap3A_294 = arith.constant 2 : i32
      %swap3A_295 = arith.index_cast %swap3A_294 : i32 to index
      %swap3A_296 = arith.constant 32 : index
      %swap3A_297 = tpu.vector_load %arg10[%swap3A_295, %swap3A_296] {strides = array<i32>} : memref<4x48xi32, #tpu.memory_space<vmem>>, vector<16xi32>,
      tpu.vector_store %arg10[%swap3A_295, %swap3A_296], %get3A_293 {strides = array<i32>} : memref<4x48xi32, #tpu.memory_space<vmem>>, vector<16xi32>,
      %add3A_298 = arith.constant 32 : i32
      %add3A_299 = arith.addi %mul3A_257, %add3A_298 : i32
      %get3A_300 = arith.index_cast %add3A_299 : i32 to index
      %get3A_301 = tpu.vector_load %arg7[%get3A_300] {strides = array<i32>} : memref<10032xi32, #tpu.memory_space<vmem>>, vector<16xi32>,
      %swap3A_302 = arith.constant 2 : i32
      %swap3A_303 = arith.index_cast %swap3A_302 : i32 to index
      %swap3A_304 = arith.constant 32 : index
      %swap3A_305 = tpu.vector_load %arg9[%swap3A_303, %swap3A_304] {strides = array<i32>} : memref<4x48xi32, #tpu.memory_space<vmem>>, vector<16xi32>,
      tpu.vector_store %arg9[%swap3A_303, %swap3A_304], %get3A_301 {strides = array<i32>} : memref<4x48xi32, #tpu.memory_space<vmem>>, vector<16xi32>,
      %dma_start3A_306 = arith.constant 2 : i32
      %dma_start3A_307 = arith.constant 2 : i32
      %dma_start3A_308 = arith.constant 0 : i32
      %dma_start3A_309 = arith.constant 0 : i32
      %dma_start3A_310 = tpu.memref_slice %arg11[%dma_start3A_307, %dma_start3A_308, %dma_start3A_309] : memref<4x48x128xf32, #tpu.memory_space<vmem>> -> memref<1x48x128xf32, #tpu.memory_space<vmem>>
      %dma_start3A_311 = tpu.memref_squeeze %dma_start3A_310 : memref<1x48x128xf32, #tpu.memory_space<vmem>> -> memref<48x128xf32, #tpu.memory_space<vmem>>
      %dma_start3A_312 = arith.constant 0 : i32
      %dma_start3A_313 = tpu.memref_slice %arg9[%dma_start3A_306, %dma_start3A_312] : memref<4x48xi32, #tpu.memory_space<vmem>> -> memref<1x48xi32, #tpu.memory_space<vmem>>
      %dma_start3A_314 = tpu.memref_squeeze %dma_start3A_313 : memref<1x48xi32, #tpu.memory_space<vmem>> -> memref<48xi32, #tpu.memory_space<vmem>>
      %dma_start3A_315 = arith.constant 0 : i32
      %dma_start3A_316 = arith.constant 0 : i32
      %dma_start3A_317 = tpu.memref_slice %arg2[%arg0, %dma_start3A_315, %dma_start3A_316] : memref<2x10240x128xf32, #tpu.memory_space<hbm>> -> memref<1x10240x128xf32, #tpu.memory_space<hbm>>
      %dma_start3A_318 = tpu.memref_squeeze %dma_start3A_317 : memref<1x10240x128xf32, #tpu.memory_space<hbm>> -> memref<10240x128xf32, #tpu.memory_space<hbm>>
      %dma_start3A_319 = arith.constant 0 : i32
      %dma_start3A_320 = arith.constant 0 : i32
      %dma_start3A_321 = tpu.memref_slice %dma_start3A_318[%dma_start3A_319, %dma_start3A_320] : memref<10240x128xf32, #tpu.memory_space<hbm>> -> memref<10240x128xf32, #tpu.memory_space<hbm>>
      tpu.enqueue_indirect_dma source(%dma_start3A_321 : memref<10240x128xf32, #tpu.memory_space<hbm>>) target(%dma_start3A_311 : memref<48x128xf32, #tpu.memory_space<vmem>>) offsets(%dma_start3A_314 : memref<48xi32, #tpu.memory_space<vmem>>) semaphore(%arg15 : memref<!tpu.dma_semaphore, #tpu.memory_space<semaphore_mem>>)
      %dma_wait3A_322 = arith.constant 1 : i32
      %dma_wait3A_323 = arith.constant 1 : i32
      %dma_wait3A_324 = arith.constant 0 : i32
      %dma_wait3A_325 = arith.constant 0 : i32
      %dma_wait3A_326 = tpu.memref_slice %arg11[%dma_wait3A_323, %dma_wait3A_324, %dma_wait3A_325] : memref<4x48x128xf32, #tpu.memory_space<vmem>> -> memref<1x48x128xf32, #tpu.memory_space<vmem>>
      %dma_wait3A_327 = tpu.memref_squeeze %dma_wait3A_326 : memref<1x48x128xf32, #tpu.memory_space<vmem>> -> memref<48x128xf32, #tpu.memory_space<vmem>>
      %dma_wait3A_328 = arith.constant 0 : i32
      %dma_wait3A_329 = tpu.memref_slice %arg9[%dma_wait3A_322, %dma_wait3A_328] : memref<4x48xi32, #tpu.memory_space<vmem>> -> memref<1x48xi32, #tpu.memory_space<vmem>>
      %dma_wait3A_330 = tpu.memref_squeeze %dma_wait3A_329 : memref<1x48xi32, #tpu.memory_space<vmem>> -> memref<48xi32, #tpu.memory_space<vmem>>
      %dma_wait3A_331 = arith.constant 0 : i32
      %dma_wait3A_332 = arith.constant 0 : i32
      %dma_wait3A_333 = tpu.memref_slice %arg2[%arg0, %dma_wait3A_331, %dma_wait3A_332] : memref<2x10240x128xf32, #tpu.memory_space<hbm>> -> memref<1x10240x128xf32, #tpu.memory_space<hbm>>
      %dma_wait3A_334 = tpu.memref_squeeze %dma_wait3A_333 : memref<1x10240x128xf32, #tpu.memory_space<hbm>> -> memref<10240x128xf32, #tpu.memory_space<hbm>>
      %dma_wait3A_335 = arith.constant 0 : i32
      %dma_wait3A_336 = arith.constant 0 : i32
      %dma_wait3A_337 = tpu.memref_slice %dma_wait3A_334[%dma_wait3A_335, %dma_wait3A_336] : memref<10240x128xf32, #tpu.memory_space<hbm>> -> memref<10240x128xf32, #tpu.memory_space<hbm>>
      tpu.wait_indirect_dma semaphore(%arg14 : memref<!tpu.dma_semaphore, #tpu.memory_space<semaphore_mem>>) src(%dma_wait3A_337 : memref<10240x128xf32, #tpu.memory_space<hbm>>) dst(%dma_wait3A_327 : memref<48x128xf32, #tpu.memory_space<vmem>>)
      %dma_start3A_338 = arith.constant 1 : i32
      %dma_start3A_339 = arith.constant 1 : i32
      %dma_start3A_340 = arith.constant 0 : i32
      %dma_start3A_341 = arith.constant 0 : i32
      %dma_start3A_342 = tpu.memref_slice %arg11[%dma_start3A_338, %dma_start3A_340, %dma_start3A_341] : memref<4x48x128xf32, #tpu.memory_space<vmem>> -> memref<1x48x128xf32, #tpu.memory_space<vmem>>
      %dma_start3A_343 = tpu.memref_squeeze %dma_start3A_342 : memref<1x48x128xf32, #tpu.memory_space<vmem>> -> memref<48x128xf32, #tpu.memory_space<vmem>>
      %dma_start3A_344 = arith.constant 0 : i32
      %dma_start3A_345 = tpu.memref_slice %arg10[%dma_start3A_339, %dma_start3A_344] : memref<4x48xi32, #tpu.memory_space<vmem>> -> memref<1x48xi32, #tpu.memory_space<vmem>>
      %dma_start3A_346 = tpu.memref_squeeze %dma_start3A_345 : memref<1x48xi32, #tpu.memory_space<vmem>> -> memref<48xi32, #tpu.memory_space<vmem>>
      %dma_start3A_347 = arith.constant 0 : i32
      %dma_start3A_348 = arith.constant 0 : i32
      %dma_start3A_349 = tpu.memref_slice %arg12[%dma_start3A_347, %dma_start3A_348] : memref<10240x128xf32, #tpu.memory_space<vmem_shared>> -> memref<10240x128xf32, #tpu.memory_space<vmem_shared>>
      tpu.enqueue_indirect_dma source(%dma_start3A_343 : memref<48x128xf32, #tpu.memory_space<vmem>>) target(%dma_start3A_349 : memref<10240x128xf32, #tpu.memory_space<vmem_shared>>) offsets(%dma_start3A_346 : memref<48xi32, #tpu.memory_space<vmem>>) semaphore(%arg18 : memref<!tpu.dma_semaphore, #tpu.memory_space<semaphore_mem>>) {add = true}
      %mul3A_350 = arith.constant 4 : i32
      %mul3A_351 = arith.muli %scan3A_143, %mul3A_350 : i32
      %add3A_352 = arith.constant 2 : i32
      %add3A_353 = arith.addi %mul3A_351, %add3A_352 : i32
      %gt3A_354 = arith.constant 0 : i32
      %gt3A_355 = arith.cmpi sgt, %scan3A_143, %gt3A_354 : i32
      %convert_element_type3A_356 = arith.extui %gt3A_355 : i1 to i32
      %cond3A_357 = arith.constant 0 : i32
      %cond3A_358 = arith.cmpi ne, %convert_element_type3A_356, %cond3A_357 : i32
      scf.if %cond3A_358 {
        %dma_wait3A_567 = arith.constant 3 : i32
        %dma_wait3A_568 = arith.constant 3 : i32
        %dma_wait3A_569 = arith.constant 0 : i32
        %dma_wait3A_570 = arith.constant 0 : i32
        %dma_wait3A_571 = tpu.memref_slice %arg11[%dma_wait3A_567, %dma_wait3A_569, %dma_wait3A_570] : memref<4x48x128xf32, #tpu.memory_space<vmem>> -> memref<1x48x128xf32, #tpu.memory_space<vmem>>
        %dma_wait3A_572 = tpu.memref_squeeze %dma_wait3A_571 : memref<1x48x128xf32, #tpu.memory_space<vmem>> -> memref<48x128xf32, #tpu.memory_space<vmem>>
        %dma_wait3A_573 = arith.constant 0 : i32
        %dma_wait3A_574 = tpu.memref_slice %arg10[%dma_wait3A_568, %dma_wait3A_573] : memref<4x48xi32, #tpu.memory_space<vmem>> -> memref<1x48xi32, #tpu.memory_space<vmem>>
        %dma_wait3A_575 = tpu.memref_squeeze %dma_wait3A_574 : memref<1x48xi32, #tpu.memory_space<vmem>> -> memref<48xi32, #tpu.memory_space<vmem>>
        %dma_wait3A_576 = arith.constant 0 : i32
        %dma_wait3A_577 = arith.constant 0 : i32
        %dma_wait3A_578 = tpu.memref_slice %arg12[%dma_wait3A_576, %dma_wait3A_577] : memref<10240x128xf32, #tpu.memory_space<vmem_shared>> -> memref<10240x128xf32, #tpu.memory_space<vmem_shared>>
        tpu.wait_indirect_dma semaphore(%arg20 : memref<!tpu.dma_semaphore, #tpu.memory_space<semaphore_mem>>) src(%dma_wait3A_572 : memref<48x128xf32, #tpu.memory_space<vmem>>) dst(%dma_wait3A_578 : memref<10240x128xf32, #tpu.memory_space<vmem_shared>>)
      } else {
      }
      %add3A_359 = arith.constant 1 : i32
      %add3A_360 = arith.addi %add3A_353, %add3A_359 : i32
      %mul3A_361 = arith.constant 48 : i32
      %mul3A_362 = arith.muli %add3A_360, %mul3A_361 : i32
      %add3A_363 = arith.constant 0 : i32
      %add3A_364 = arith.addi %mul3A_362, %add3A_363 : i32
      %get3A_365 = arith.index_cast %add3A_364 : i32 to index
      %get3A_366 = tpu.vector_load %arg8[%get3A_365] {strides = array<i32>} : memref<10032xi32, #tpu.memory_space<vmem>>, vector<16xi32>,
      %swap3A_367 = arith.constant 3 : i32
      %swap3A_368 = arith.index_cast %swap3A_367 : i32 to index
      %swap3A_369 = arith.constant 0 : index
      %swap3A_370 = tpu.vector_load %arg10[%swap3A_368, %swap3A_369] {strides = array<i32>} : memref<4x48xi32, #tpu.memory_space<vmem>>, vector<16xi32>,
      tpu.vector_store %arg10[%swap3A_368, %swap3A_369], %get3A_366 {strides = array<i32>} : memref<4x48xi32, #tpu.memory_space<vmem>>, vector<16xi32>,
      %add3A_371 = arith.constant 0 : i32
      %add3A_372 = arith.addi %mul3A_362, %add3A_371 : i32
      %get3A_373 = arith.index_cast %add3A_372 : i32 to index
      %get3A_374 = tpu.vector_load %arg7[%get3A_373] {strides = array<i32>} : memref<10032xi32, #tpu.memory_space<vmem>>, vector<16xi32>,
      %swap3A_375 = arith.constant 3 : i32
      %swap3A_376 = arith.index_cast %swap3A_375 : i32 to index
      %swap3A_377 = arith.constant 0 : index
      %swap3A_378 = tpu.vector_load %arg9[%swap3A_376, %swap3A_377] {strides = array<i32>} : memref<4x48xi32, #tpu.memory_space<vmem>>, vector<16xi32>,
      tpu.vector_store %arg9[%swap3A_376, %swap3A_377], %get3A_374 {strides = array<i32>} : memref<4x48xi32, #tpu.memory_space<vmem>>, vector<16xi32>,
      %add3A_379 = arith.constant 16 : i32
      %add3A_380 = arith.addi %mul3A_362, %add3A_379 : i32
      %get3A_381 = arith.index_cast %add3A_380 : i32 to index
      %get3A_382 = tpu.vector_load %arg8[%get3A_381] {strides = array<i32>} : memref<10032xi32, #tpu.memory_space<vmem>>, vector<16xi32>,
      %swap3A_383 = arith.constant 3 : i32
      %swap3A_384 = arith.index_cast %swap3A_383 : i32 to index
      %swap3A_385 = arith.constant 16 : index
      %swap3A_386 = tpu.vector_load %arg10[%swap3A_384, %swap3A_385] {strides = array<i32>} : memref<4x48xi32, #tpu.memory_space<vmem>>, vector<16xi32>,
      tpu.vector_store %arg10[%swap3A_384, %swap3A_385], %get3A_382 {strides = array<i32>} : memref<4x48xi32, #tpu.memory_space<vmem>>, vector<16xi32>,
      %add3A_387 = arith.constant 16 : i32
      %add3A_388 = arith.addi %mul3A_362, %add3A_387 : i32
      %get3A_389 = arith.index_cast %add3A_388 : i32 to index
      %get3A_390 = tpu.vector_load %arg7[%get3A_389] {strides = array<i32>} : memref<10032xi32, #tpu.memory_space<vmem>>, vector<16xi32>,
      %swap3A_391 = arith.constant 3 : i32
      %swap3A_392 = arith.index_cast %swap3A_391 : i32 to index
      %swap3A_393 = arith.constant 16 : index
      %swap3A_394 = tpu.vector_load %arg9[%swap3A_392, %swap3A_393] {strides = array<i32>} : memref<4x48xi32, #tpu.memory_space<vmem>>, vector<16xi32>,
      tpu.vector_store %arg9[%swap3A_392, %swap3A_393], %get3A_390 {strides = array<i32>} : memref<4x48xi32, #tpu.memory_space<vmem>>, vector<16xi32>,
      %add3A_395 = arith.constant 32 : i32
      %add3A_396 = arith.addi %mul3A_362, %add3A_395 : i32
      %get3A_397 = arith.index_cast %add3A_396 : i32 to index
      %get3A_398 = tpu.vector_load %arg8[%get3A_397] {strides = array<i32>} : memref<10032xi32, #tpu.memory_space<vmem>>, vector<16xi32>,
      %swap3A_399 = arith.constant 3 : i32
      %swap3A_400 = arith.index_cast %swap3A_399 : i32 to index
      %swap3A_401 = arith.constant 32 : index
      %swap3A_402 = tpu.vector_load %arg10[%swap3A_400, %swap3A_401] {strides = array<i32>} : memref<4x48xi32, #tpu.memory_space<vmem>>, vector<16xi32>,
      tpu.vector_store %arg10[%swap3A_400, %swap3A_401], %get3A_398 {strides = array<i32>} : memref<4x48xi32, #tpu.memory_space<vmem>>, vector<16xi32>,
      %add3A_403 = arith.constant 32 : i32
      %add3A_404 = arith.addi %mul3A_362, %add3A_403 : i32
      %get3A_405 = arith.index_cast %add3A_404 : i32 to index
      %get3A_406 = tpu.vector_load %arg7[%get3A_405] {strides = array<i32>} : memref<10032xi32, #tpu.memory_space<vmem>>, vector<16xi32>,
      %swap3A_407 = arith.constant 3 : i32
      %swap3A_408 = arith.index_cast %swap3A_407 : i32 to index
      %swap3A_409 = arith.constant 32 : index
      %swap3A_410 = tpu.vector_load %arg9[%swap3A_408, %swap3A_409] {strides = array<i32>} : memref<4x48xi32, #tpu.memory_space<vmem>>, vector<16xi32>,
      tpu.vector_store %arg9[%swap3A_408, %swap3A_409], %get3A_406 {strides = array<i32>} : memref<4x48xi32, #tpu.memory_space<vmem>>, vector<16xi32>,
      %dma_start3A_411 = arith.constant 3 : i32
      %dma_start3A_412 = arith.constant 3 : i32
      %dma_start3A_413 = arith.constant 0 : i32
      %dma_start3A_414 = arith.constant 0 : i32
      %dma_start3A_415 = tpu.memref_slice %arg11[%dma_start3A_412, %dma_start3A_413, %dma_start3A_414] : memref<4x48x128xf32, #tpu.memory_space<vmem>> -> memref<1x48x128xf32, #tpu.memory_space<vmem>>
      %dma_start3A_416 = tpu.memref_squeeze %dma_start3A_415 : memref<1x48x128xf32, #tpu.memory_space<vmem>> -> memref<48x128xf32, #tpu.memory_space<vmem>>
      %dma_start3A_417 = arith.constant 0 : i32
      %dma_start3A_418 = tpu.memref_slice %arg9[%dma_start3A_411, %dma_start3A_417] : memref<4x48xi32, #tpu.memory_space<vmem>> -> memref<1x48xi32, #tpu.memory_space<vmem>>
      %dma_start3A_419 = tpu.memref_squeeze %dma_start3A_418 : memref<1x48xi32, #tpu.memory_space<vmem>> -> memref<48xi32, #tpu.memory_space<vmem>>
      %dma_start3A_420 = arith.constant 0 : i32
      %dma_start3A_421 = arith.constant 0 : i32
      %dma_start3A_422 = tpu.memref_slice %arg2[%arg0, %dma_start3A_420, %dma_start3A_421] : memref<2x10240x128xf32, #tpu.memory_space<hbm>> -> memref<1x10240x128xf32, #tpu.memory_space<hbm>>
      %dma_start3A_423 = tpu.memref_squeeze %dma_start3A_422 : memref<1x10240x128xf32, #tpu.memory_space<hbm>> -> memref<10240x128xf32, #tpu.memory_space<hbm>>
      %dma_start3A_424 = arith.constant 0 : i32
      %dma_start3A_425 = arith.constant 0 : i32
      %dma_start3A_426 = tpu.memref_slice %dma_start3A_423[%dma_start3A_424, %dma_start3A_425] : memref<10240x128xf32, #tpu.memory_space<hbm>> -> memref<10240x128xf32, #tpu.memory_space<hbm>>
      tpu.enqueue_indirect_dma source(%dma_start3A_426 : memref<10240x128xf32, #tpu.memory_space<hbm>>) target(%dma_start3A_416 : memref<48x128xf32, #tpu.memory_space<vmem>>) offsets(%dma_start3A_419 : memref<48xi32, #tpu.memory_space<vmem>>) semaphore(%arg16 : memref<!tpu.dma_semaphore, #tpu.memory_space<semaphore_mem>>)
      %dma_wait3A_427 = arith.constant 2 : i32
      %dma_wait3A_428 = arith.constant 2 : i32
      %dma_wait3A_429 = arith.constant 0 : i32
      %dma_wait3A_430 = arith.constant 0 : i32
      %dma_wait3A_431 = tpu.memref_slice %arg11[%dma_wait3A_428, %dma_wait3A_429, %dma_wait3A_430] : memref<4x48x128xf32, #tpu.memory_space<vmem>> -> memref<1x48x128xf32, #tpu.memory_space<vmem>>
      %dma_wait3A_432 = tpu.memref_squeeze %dma_wait3A_431 : memref<1x48x128xf32, #tpu.memory_space<vmem>> -> memref<48x128xf32, #tpu.memory_space<vmem>>
      %dma_wait3A_433 = arith.constant 0 : i32
      %dma_wait3A_434 = tpu.memref_slice %arg9[%dma_wait3A_427, %dma_wait3A_433] : memref<4x48xi32, #tpu.memory_space<vmem>> -> memref<1x48xi32, #tpu.memory_space<vmem>>
      %dma_wait3A_435 = tpu.memref_squeeze %dma_wait3A_434 : memref<1x48xi32, #tpu.memory_space<vmem>> -> memref<48xi32, #tpu.memory_space<vmem>>
      %dma_wait3A_436 = arith.constant 0 : i32
      %dma_wait3A_437 = arith.constant 0 : i32
      %dma_wait3A_438 = tpu.memref_slice %arg2[%arg0, %dma_wait3A_436, %dma_wait3A_437] : memref<2x10240x128xf32, #tpu.memory_space<hbm>> -> memref<1x10240x128xf32, #tpu.memory_space<hbm>>
      %dma_wait3A_439 = tpu.memref_squeeze %dma_wait3A_438 : memref<1x10240x128xf32, #tpu.memory_space<hbm>> -> memref<10240x128xf32, #tpu.memory_space<hbm>>
      %dma_wait3A_440 = arith.constant 0 : i32
      %dma_wait3A_441 = arith.constant 0 : i32
      %dma_wait3A_442 = tpu.memref_slice %dma_wait3A_439[%dma_wait3A_440, %dma_wait3A_441] : memref<10240x128xf32, #tpu.memory_space<hbm>> -> memref<10240x128xf32, #tpu.memory_space<hbm>>
      tpu.wait_indirect_dma semaphore(%arg15 : memref<!tpu.dma_semaphore, #tpu.memory_space<semaphore_mem>>) src(%dma_wait3A_442 : memref<10240x128xf32, #tpu.memory_space<hbm>>) dst(%dma_wait3A_432 : memref<48x128xf32, #tpu.memory_space<vmem>>)
      %dma_start3A_443 = arith.constant 2 : i32
      %dma_start3A_444 = arith.constant 2 : i32
      %dma_start3A_445 = arith.constant 0 : i32
      %dma_start3A_446 = arith.constant 0 : i32
      %dma_start3A_447 = tpu.memref_slice %arg11[%dma_start3A_443, %dma_start3A_445, %dma_start3A_446] : memref<4x48x128xf32, #tpu.memory_space<vmem>> -> memref<1x48x128xf32, #tpu.memory_space<vmem>>
      %dma_start3A_448 = tpu.memref_squeeze %dma_start3A_447 : memref<1x48x128xf32, #tpu.memory_space<vmem>> -> memref<48x128xf32, #tpu.memory_space<vmem>>
      %dma_start3A_449 = arith.constant 0 : i32
      %dma_start3A_450 = tpu.memref_slice %arg10[%dma_start3A_444, %dma_start3A_449] : memref<4x48xi32, #tpu.memory_space<vmem>> -> memref<1x48xi32, #tpu.memory_space<vmem>>
      %dma_start3A_451 = tpu.memref_squeeze %dma_start3A_450 : memref<1x48xi32, #tpu.memory_space<vmem>> -> memref<48xi32, #tpu.memory_space<vmem>>
      %dma_start3A_452 = arith.constant 0 : i32
      %dma_start3A_453 = arith.constant 0 : i32
      %dma_start3A_454 = tpu.memref_slice %arg12[%dma_start3A_452, %dma_start3A_453] : memref<10240x128xf32, #tpu.memory_space<vmem_shared>> -> memref<10240x128xf32, #tpu.memory_space<vmem_shared>>
      tpu.enqueue_indirect_dma source(%dma_start3A_448 : memref<48x128xf32, #tpu.memory_space<vmem>>) target(%dma_start3A_454 : memref<10240x128xf32, #tpu.memory_space<vmem_shared>>) offsets(%dma_start3A_451 : memref<48xi32, #tpu.memory_space<vmem>>) semaphore(%arg19 : memref<!tpu.dma_semaphore, #tpu.memory_space<semaphore_mem>>) {add = true}
      %mul3A_455 = arith.constant 4 : i32
      %mul3A_456 = arith.muli %scan3A_143, %mul3A_455 : i32
      %add3A_457 = arith.constant 3 : i32
      %add3A_458 = arith.addi %mul3A_456, %add3A_457 : i32
      %dma_wait3A_459 = arith.constant 0 : i32
      %dma_wait3A_460 = arith.constant 0 : i32
      %dma_wait3A_461 = arith.constant 0 : i32
      %dma_wait3A_462 = arith.constant 0 : i32
      %dma_wait3A_463 = tpu.memref_slice %arg11[%dma_wait3A_459, %dma_wait3A_461, %dma_wait3A_462] : memref<4x48x128xf32, #tpu.memory_space<vmem>> -> memref<1x48x128xf32, #tpu.memory_space<vmem>>
      %dma_wait3A_464 = tpu.memref_squeeze %dma_wait3A_463 : memref<1x48x128xf32, #tpu.memory_space<vmem>> -> memref<48x128xf32, #tpu.memory_space<vmem>>
      %dma_wait3A_465 = arith.constant 0 : i32
      %dma_wait3A_466 = tpu.memref_slice %arg10[%dma_wait3A_460, %dma_wait3A_465] : memref<4x48xi32, #tpu.memory_space<vmem>> -> memref<1x48xi32, #tpu.memory_space<vmem>>
      %dma_wait3A_467 = tpu.memref_squeeze %dma_wait3A_466 : memref<1x48xi32, #tpu.memory_space<vmem>> -> memref<48xi32, #tpu.memory_space<vmem>>
      %dma_wait3A_468 = arith.constant 0 : i32
      %dma_wait3A_469 = arith.constant 0 : i32
      %dma_wait3A_470 = tpu.memref_slice %arg12[%dma_wait3A_468, %dma_wait3A_469] : memref<10240x128xf32, #tpu.memory_space<vmem_shared>> -> memref<10240x128xf32, #tpu.memory_space<vmem_shared>>
      tpu.wait_indirect_dma semaphore(%arg17 : memref<!tpu.dma_semaphore, #tpu.memory_space<semaphore_mem>>) src(%dma_wait3A_464 : memref<48x128xf32, #tpu.memory_space<vmem>>) dst(%dma_wait3A_470 : memref<10240x128xf32, #tpu.memory_space<vmem_shared>>)
      %add3A_471 = arith.constant 1 : i32
      %add3A_472 = arith.addi %add3A_458, %add3A_471 : i32
      %mul3A_473 = arith.constant 48 : i32
      %mul3A_474 = arith.muli %add3A_472, %mul3A_473 : i32
      %add3A_475 = arith.constant 0 : i32
      %add3A_476 = arith.addi %mul3A_474, %add3A_475 : i32
      %get3A_477 = arith.index_cast %add3A_476 : i32 to index
      %get3A_478 = tpu.vector_load %arg8[%get3A_477] {strides = array<i32>} : memref<10032xi32, #tpu.memory_space<vmem>>, vector<16xi32>,
      %swap3A_479 = arith.constant 0 : i32
      %swap3A_480 = arith.index_cast %swap3A_479 : i32 to index
      %swap3A_481 = arith.constant 0 : index
      %swap3A_482 = tpu.vector_load %arg10[%swap3A_480, %swap3A_481] {strides = array<i32>} : memref<4x48xi32, #tpu.memory_space<vmem>>, vector<16xi32>,
      tpu.vector_store %arg10[%swap3A_480, %swap3A_481], %get3A_478 {strides = array<i32>} : memref<4x48xi32, #tpu.memory_space<vmem>>, vector<16xi32>,
      %add3A_483 = arith.constant 0 : i32
      %add3A_484 = arith.addi %mul3A_474, %add3A_483 : i32
      %get3A_485 = arith.index_cast %add3A_484 : i32 to index
      %get3A_486 = tpu.vector_load %arg7[%get3A_485] {strides = array<i32>} : memref<10032xi32, #tpu.memory_space<vmem>>, vector<16xi32>,
      %swap3A_487 = arith.constant 0 : i32
      %swap3A_488 = arith.index_cast %swap3A_487 : i32 to index
      %swap3A_489 = arith.constant 0 : index
      %swap3A_490 = tpu.vector_load %arg9[%swap3A_488, %swap3A_489] {strides = array<i32>} : memref<4x48xi32, #tpu.memory_space<vmem>>, vector<16xi32>,
      tpu.vector_store %arg9[%swap3A_488, %swap3A_489], %get3A_486 {strides = array<i32>} : memref<4x48xi32, #tpu.memory_space<vmem>>, vector<16xi32>,
      %add3A_491 = arith.constant 16 : i32
      %add3A_492 = arith.addi %mul3A_474, %add3A_491 : i32
      %get3A_493 = arith.index_cast %add3A_492 : i32 to index
      %get3A_494 = tpu.vector_load %arg8[%get3A_493] {strides = array<i32>} : memref<10032xi32, #tpu.memory_space<vmem>>, vector<16xi32>,
      %swap3A_495 = arith.constant 0 : i32
      %swap3A_496 = arith.index_cast %swap3A_495 : i32 to index
      %swap3A_497 = arith.constant 16 : index
      %swap3A_498 = tpu.vector_load %arg10[%swap3A_496, %swap3A_497] {strides = array<i32>} : memref<4x48xi32, #tpu.memory_space<vmem>>, vector<16xi32>,
      tpu.vector_store %arg10[%swap3A_496, %swap3A_497], %get3A_494 {strides = array<i32>} : memref<4x48xi32, #tpu.memory_space<vmem>>, vector<16xi32>,
      %add3A_499 = arith.constant 16 : i32
      %add3A_500 = arith.addi %mul3A_474, %add3A_499 : i32
      %get3A_501 = arith.index_cast %add3A_500 : i32 to index
      %get3A_502 = tpu.vector_load %arg7[%get3A_501] {strides = array<i32>} : memref<10032xi32, #tpu.memory_space<vmem>>, vector<16xi32>,
      %swap3A_503 = arith.constant 0 : i32
      %swap3A_504 = arith.index_cast %swap3A_503 : i32 to index
      %swap3A_505 = arith.constant 16 : index
      %swap3A_506 = tpu.vector_load %arg9[%swap3A_504, %swap3A_505] {strides = array<i32>} : memref<4x48xi32, #tpu.memory_space<vmem>>, vector<16xi32>,
      tpu.vector_store %arg9[%swap3A_504, %swap3A_505], %get3A_502 {strides = array<i32>} : memref<4x48xi32, #tpu.memory_space<vmem>>, vector<16xi32>,
      %add3A_507 = arith.constant 32 : i32
      %add3A_508 = arith.addi %mul3A_474, %add3A_507 : i32
      %get3A_509 = arith.index_cast %add3A_508 : i32 to index
      %get3A_510 = tpu.vector_load %arg8[%get3A_509] {strides = array<i32>} : memref<10032xi32, #tpu.memory_space<vmem>>, vector<16xi32>,
      %swap3A_511 = arith.constant 0 : i32
      %swap3A_512 = arith.index_cast %swap3A_511 : i32 to index
      %swap3A_513 = arith.constant 32 : index
      %swap3A_514 = tpu.vector_load %arg10[%swap3A_512, %swap3A_513] {strides = array<i32>} : memref<4x48xi32, #tpu.memory_space<vmem>>, vector<16xi32>,
      tpu.vector_store %arg10[%swap3A_512, %swap3A_513], %get3A_510 {strides = array<i32>} : memref<4x48xi32, #tpu.memory_space<vmem>>, vector<16xi32>,
      %add3A_515 = arith.constant 32 : i32
      %add3A_516 = arith.addi %mul3A_474, %add3A_515 : i32
      %get3A_517 = arith.index_cast %add3A_516 : i32 to index
      %get3A_518 = tpu.vector_load %arg7[%get3A_517] {strides = array<i32>} : memref<10032xi32, #tpu.memory_space<vmem>>, vector<16xi32>,
      %swap3A_519 = arith.constant 0 : i32
      %swap3A_520 = arith.index_cast %swap3A_519 : i32 to index
      %swap3A_521 = arith.constant 32 : index
      %swap3A_522 = tpu.vector_load %arg9[%swap3A_520, %swap3A_521] {strides = array<i32>} : memref<4x48xi32, #tpu.memory_space<vmem>>, vector<16xi32>,
      tpu.vector_store %arg9[%swap3A_520, %swap3A_521], %get3A_518 {strides = array<i32>} : memref<4x48xi32, #tpu.memory_space<vmem>>, vector<16xi32>,
      %dma_start3A_523 = arith.constant 0 : i32
      %dma_start3A_524 = arith.constant 0 : i32
      %dma_start3A_525 = arith.constant 0 : i32
      %dma_start3A_526 = arith.constant 0 : i32
      %dma_start3A_527 = tpu.memref_slice %arg11[%dma_start3A_524, %dma_start3A_525, %dma_start3A_526] : memref<4x48x128xf32, #tpu.memory_space<vmem>> -> memref<1x48x128xf32, #tpu.memory_space<vmem>>
      %dma_start3A_528 = tpu.memref_squeeze %dma_start3A_527 : memref<1x48x128xf32, #tpu.memory_space<vmem>> -> memref<48x128xf32, #tpu.memory_space<vmem>>
      %dma_start3A_529 = arith.constant 0 : i32
      %dma_start3A_530 = tpu.memref_slice %arg9[%dma_start3A_523, %dma_start3A_529] : memref<4x48xi32, #tpu.memory_space<vmem>> -> memref<1x48xi32, #tpu.memory_space<vmem>>
      %dma_start3A_531 = tpu.memref_squeeze %dma_start3A_530 : memref<1x48xi32, #tpu.memory_space<vmem>> -> memref<48xi32, #tpu.memory_space<vmem>>
      %dma_start3A_532 = arith.constant 0 : i32
      %dma_start3A_533 = arith.constant 0 : i32
      %dma_start3A_534 = tpu.memref_slice %arg2[%arg0, %dma_start3A_532, %dma_start3A_533] : memref<2x10240x128xf32, #tpu.memory_space<hbm>> -> memref<1x10240x128xf32, #tpu.memory_space<hbm>>
      %dma_start3A_535 = tpu.memref_squeeze %dma_start3A_534 : memref<1x10240x128xf32, #tpu.memory_space<hbm>> -> memref<10240x128xf32, #tpu.memory_space<hbm>>
      %dma_start3A_536 = arith.constant 0 : i32
      %dma_start3A_537 = arith.constant 0 : i32
      %dma_start3A_538 = tpu.memref_slice %dma_start3A_535[%dma_start3A_536, %dma_start3A_537] : memref<10240x128xf32, #tpu.memory_space<hbm>> -> memref<10240x128xf32, #tpu.memory_space<hbm>>
      tpu.enqueue_indirect_dma source(%dma_start3A_538 : memref<10240x128xf32, #tpu.memory_space<hbm>>) target(%dma_start3A_528 : memref<48x128xf32, #tpu.memory_space<vmem>>) offsets(%dma_start3A_531 : memref<48xi32, #tpu.memory_space<vmem>>) semaphore(%arg13 : memref<!tpu.dma_semaphore, #tpu.memory_space<semaphore_mem>>)
      %dma_wait3A_539 = arith.constant 3 : i32
      %dma_wait3A_540 = arith.constant 3 : i32
      %dma_wait3A_541 = arith.constant 0 : i32
      %dma_wait3A_542 = arith.constant 0 : i32
      %dma_wait3A_543 = tpu.memref_slice %arg11[%dma_wait3A_540, %dma_wait3A_541, %dma_wait3A_542] : memref<4x48x128xf32, #tpu.memory_space<vmem>> -> memref<1x48x128xf32, #tpu.memory_space<vmem>>
      %dma_wait3A_544 = tpu.memref_squeeze %dma_wait3A_543 : memref<1x48x128xf32, #tpu.memory_space<vmem>> -> memref<48x128xf32, #tpu.memory_space<vmem>>
      %dma_wait3A_545 = arith.constant 0 : i32
      %dma_wait3A_546 = tpu.memref_slice %arg9[%dma_wait3A_539, %dma_wait3A_545] : memref<4x48xi32, #tpu.memory_space<vmem>> -> memref<1x48xi32, #tpu.memory_space<vmem>>
      %dma_wait3A_547 = tpu.memref_squeeze %dma_wait3A_546 : memref<1x48xi32, #tpu.memory_space<vmem>> -> memref<48xi32, #tpu.memory_space<vmem>>
      %dma_wait3A_548 = arith.constant 0 : i32
      %dma_wait3A_549 = arith.constant 0 : i32
      %dma_wait3A_550 = tpu.memref_slice %arg2[%arg0, %dma_wait3A_548, %dma_wait3A_549] : memref<2x10240x128xf32, #tpu.memory_space<hbm>> -> memref<1x10240x128xf32, #tpu.memory_space<hbm>>
      %dma_wait3A_551 = tpu.memref_squeeze %dma_wait3A_550 : memref<1x10240x128xf32, #tpu.memory_space<hbm>> -> memref<10240x128xf32, #tpu.memory_space<hbm>>
      %dma_wait3A_552 = arith.constant 0 : i32
      %dma_wait3A_553 = arith.constant 0 : i32
      %dma_wait3A_554 = tpu.memref_slice %dma_wait3A_551[%dma_wait3A_552, %dma_wait3A_553] : memref<10240x128xf32, #tpu.memory_space<hbm>> -> memref<10240x128xf32, #tpu.memory_space<hbm>>
      tpu.wait_indirect_dma semaphore(%arg16 : memref<!tpu.dma_semaphore, #tpu.memory_space<semaphore_mem>>) src(%dma_wait3A_554 : memref<10240x128xf32, #tpu.memory_space<hbm>>) dst(%dma_wait3A_544 : memref<48x128xf32, #tpu.memory_space<vmem>>)
      %dma_start3A_555 = arith.constant 3 : i32
      %dma_start3A_556 = arith.constant 3 : i32
      %dma_start3A_557 = arith.constant 0 : i32
      %dma_start3A_558 = arith.constant 0 : i32
      %dma_start3A_559 = tpu.memref_slice %arg11[%dma_start3A_555, %dma_start3A_557, %dma_start3A_558] : memref<4x48x128xf32, #tpu.memory_space<vmem>> -> memref<1x48x128xf32, #tpu.memory_space<vmem>>
      %dma_start3A_560 = tpu.memref_squeeze %dma_start3A_559 : memref<1x48x128xf32, #tpu.memory_space<vmem>> -> memref<48x128xf32, #tpu.memory_space<vmem>>
      %dma_start3A_561 = arith.constant 0 : i32
      %dma_start3A_562 = tpu.memref_slice %arg10[%dma_start3A_556, %dma_start3A_561] : memref<4x48xi32, #tpu.memory_space<vmem>> -> memref<1x48xi32, #tpu.memory_space<vmem>>
      %dma_start3A_563 = tpu.memref_squeeze %dma_start3A_562 : memref<1x48xi32, #tpu.memory_space<vmem>> -> memref<48xi32, #tpu.memory_space<vmem>>
      %dma_start3A_564 = arith.constant 0 : i32
      %dma_start3A_565 = arith.constant 0 : i32
      %dma_start3A_566 = tpu.memref_slice %arg12[%dma_start3A_564, %dma_start3A_565] : memref<10240x128xf32, #tpu.memory_space<vmem_shared>> -> memref<10240x128xf32, #tpu.memory_space<vmem_shared>>
      tpu.enqueue_indirect_dma source(%dma_start3A_560 : memref<48x128xf32, #tpu.memory_space<vmem>>) target(%dma_start3A_566 : memref<10240x128xf32, #tpu.memory_space<vmem_shared>>) offsets(%dma_start3A_563 : memref<48xi32, #tpu.memory_space<vmem>>) semaphore(%arg20 : memref<!tpu.dma_semaphore, #tpu.memory_space<semaphore_mem>>) {add = true}
    }
    %scan3A_59 = arith.constant 52 : i32
    %dma_wait3A = arith.constant 0 : i32
    %dma_wait3A_60 = arith.constant 0 : i32
    %dma_wait3A_61 = arith.constant 0 : i32
    %dma_wait3A_62 = arith.constant 0 : i32
    %dma_wait3A_63 = tpu.memref_slice %arg11[%dma_wait3A_60, %dma_wait3A_61, %dma_wait3A_62] : memref<4x48x128xf32, #tpu.memory_space<vmem>> -> memref<1x48x128xf32, #tpu.memory_space<vmem>>
    %dma_wait3A_64 = tpu.memref_squeeze %dma_wait3A_63 : memref<1x48x128xf32, #tpu.memory_space<vmem>> -> memref<48x128xf32, #tpu.memory_space<vmem>>
    %dma_wait3A_65 = arith.constant 0 : i32
    %dma_wait3A_66 = tpu.memref_slice %arg9[%dma_wait3A, %dma_wait3A_65] : memref<4x48xi32, #tpu.memory_space<vmem>> -> memref<1x48xi32, #tpu.memory_space<vmem>>
    %dma_wait3A_67 = tpu.memref_squeeze %dma_wait3A_66 : memref<1x48xi32, #tpu.memory_space<vmem>> -> memref<48xi32, #tpu.memory_space<vmem>>
    %dma_wait3A_68 = arith.constant 0 : i32
    %dma_wait3A_69 = arith.constant 0 : i32
    %dma_wait3A_70 = tpu.memref_slice %arg2[%arg0, %dma_wait3A_68, %dma_wait3A_69] : memref<2x10240x128xf32, #tpu.memory_space<hbm>> -> memref<1x10240x128xf32, #tpu.memory_space<hbm>>
    %dma_wait3A_71 = tpu.memref_squeeze %dma_wait3A_70 : memref<1x10240x128xf32, #tpu.memory_space<hbm>> -> memref<10240x128xf32, #tpu.memory_space<hbm>>
    %dma_wait3A_72 = arith.constant 0 : i32
    %dma_wait3A_73 = arith.constant 0 : i32
    %dma_wait3A_74 = tpu.memref_slice %dma_wait3A_71[%dma_wait3A_72, %dma_wait3A_73] : memref<10240x128xf32, #tpu.memory_space<hbm>> -> memref<10240x128xf32, #tpu.memory_space<hbm>>
    tpu.wait_indirect_dma semaphore(%arg13 : memref<!tpu.dma_semaphore, #tpu.memory_space<semaphore_mem>>) src(%dma_wait3A_74 : memref<10240x128xf32, #tpu.memory_space<hbm>>) dst(%dma_wait3A_64 : memref<48x128xf32, #tpu.memory_space<vmem>>)
    %dma_start3A_75 = arith.constant 0 : i32
    %dma_start3A_76 = arith.constant 0 : i32
    %dma_start3A_77 = arith.constant 0 : i32
    %dma_start3A_78 = arith.constant 0 : i32
    %dma_start3A_79 = tpu.memref_slice %arg11[%dma_start3A_75, %dma_start3A_77, %dma_start3A_78] : memref<4x48x128xf32, #tpu.memory_space<vmem>> -> memref<1x48x128xf32, #tpu.memory_space<vmem>>
    %dma_start3A_80 = tpu.memref_squeeze %dma_start3A_79 : memref<1x48x128xf32, #tpu.memory_space<vmem>> -> memref<48x128xf32, #tpu.memory_space<vmem>>
    %dma_start3A_81 = arith.constant 0 : i32
    %dma_start3A_82 = tpu.memref_slice %arg10[%dma_start3A_76, %dma_start3A_81] : memref<4x48xi32, #tpu.memory_space<vmem>> -> memref<1x48xi32, #tpu.memory_space<vmem>>
    %dma_start3A_83 = tpu.memref_squeeze %dma_start3A_82 : memref<1x48xi32, #tpu.memory_space<vmem>> -> memref<48xi32, #tpu.memory_space<vmem>>
    %dma_start3A_84 = arith.constant 0 : i32
    %dma_start3A_85 = arith.constant 0 : i32
    %dma_start3A_86 = tpu.memref_slice %arg12[%dma_start3A_84, %dma_start3A_85] : memref<10240x128xf32, #tpu.memory_space<vmem_shared>> -> memref<10240x128xf32, #tpu.memory_space<vmem_shared>>
    tpu.enqueue_indirect_dma source(%dma_start3A_80 : memref<48x128xf32, #tpu.memory_space<vmem>>) target(%dma_start3A_86 : memref<10240x128xf32, #tpu.memory_space<vmem_shared>>) offsets(%dma_start3A_83 : memref<48xi32, #tpu.memory_space<vmem>>) semaphore(%arg17 : memref<!tpu.dma_semaphore, #tpu.memory_space<semaphore_mem>>) {add = true}
    %dma_wait3A_87 = arith.constant 1 : i32
    %dma_wait3A_88 = arith.constant 1 : i32
    %dma_wait3A_89 = arith.constant 0 : i32
    %dma_wait3A_90 = arith.constant 0 : i32
    %dma_wait3A_91 = tpu.memref_slice %arg11[%dma_wait3A_87, %dma_wait3A_89, %dma_wait3A_90] : memref<4x48x128xf32, #tpu.memory_space<vmem>> -> memref<1x48x128xf32, #tpu.memory_space<vmem>>
    %dma_wait3A_92 = tpu.memref_squeeze %dma_wait3A_91 : memref<1x48x128xf32, #tpu.memory_space<vmem>> -> memref<48x128xf32, #tpu.memory_space<vmem>>
    %dma_wait3A_93 = arith.constant 0 : i32
    %dma_wait3A_94 = tpu.memref_slice %arg10[%dma_wait3A_88, %dma_wait3A_93] : memref<4x48xi32, #tpu.memory_space<vmem>> -> memref<1x48xi32, #tpu.memory_space<vmem>>
    %dma_wait3A_95 = tpu.memref_squeeze %dma_wait3A_94 : memref<1x48xi32, #tpu.memory_space<vmem>> -> memref<48xi32, #tpu.memory_space<vmem>>
    %dma_wait3A_96 = arith.constant 0 : i32
    %dma_wait3A_97 = arith.constant 0 : i32
    %dma_wait3A_98 = tpu.memref_slice %arg12[%dma_wait3A_96, %dma_wait3A_97] : memref<10240x128xf32, #tpu.memory_space<vmem_shared>> -> memref<10240x128xf32, #tpu.memory_space<vmem_shared>>
    tpu.wait_indirect_dma semaphore(%arg18 : memref<!tpu.dma_semaphore, #tpu.memory_space<semaphore_mem>>) src(%dma_wait3A_92 : memref<48x128xf32, #tpu.memory_space<vmem>>) dst(%dma_wait3A_98 : memref<10240x128xf32, #tpu.memory_space<vmem_shared>>)
    %dma_wait3A_99 = arith.constant 2 : i32
    %dma_wait3A_100 = arith.constant 2 : i32
    %dma_wait3A_101 = arith.constant 0 : i32
    %dma_wait3A_102 = arith.constant 0 : i32
    %dma_wait3A_103 = tpu.memref_slice %arg11[%dma_wait3A_99, %dma_wait3A_101, %dma_wait3A_102] : memref<4x48x128xf32, #tpu.memory_space<vmem>> -> memref<1x48x128xf32, #tpu.memory_space<vmem>>
    %dma_wait3A_104 = tpu.memref_squeeze %dma_wait3A_103 : memref<1x48x128xf32, #tpu.memory_space<vmem>> -> memref<48x128xf32, #tpu.memory_space<vmem>>
    %dma_wait3A_105 = arith.constant 0 : i32
    %dma_wait3A_106 = tpu.memref_slice %arg10[%dma_wait3A_100, %dma_wait3A_105] : memref<4x48xi32, #tpu.memory_space<vmem>> -> memref<1x48xi32, #tpu.memory_space<vmem>>
    %dma_wait3A_107 = tpu.memref_squeeze %dma_wait3A_106 : memref<1x48xi32, #tpu.memory_space<vmem>> -> memref<48xi32, #tpu.memory_space<vmem>>
    %dma_wait3A_108 = arith.constant 0 : i32
    %dma_wait3A_109 = arith.constant 0 : i32
    %dma_wait3A_110 = tpu.memref_slice %arg12[%dma_wait3A_108, %dma_wait3A_109] : memref<10240x128xf32, #tpu.memory_space<vmem_shared>> -> memref<10240x128xf32, #tpu.memory_space<vmem_shared>>
    tpu.wait_indirect_dma semaphore(%arg19 : memref<!tpu.dma_semaphore, #tpu.memory_space<semaphore_mem>>) src(%dma_wait3A_104 : memref<48x128xf32, #tpu.memory_space<vmem>>) dst(%dma_wait3A_110 : memref<10240x128xf32, #tpu.memory_space<vmem_shared>>)
    %dma_wait3A_111 = arith.constant 3 : i32
    %dma_wait3A_112 = arith.constant 3 : i32
    %dma_wait3A_113 = arith.constant 0 : i32
    %dma_wait3A_114 = arith.constant 0 : i32
    %dma_wait3A_115 = tpu.memref_slice %arg11[%dma_wait3A_111, %dma_wait3A_113, %dma_wait3A_114] : memref<4x48x128xf32, #tpu.memory_space<vmem>> -> memref<1x48x128xf32, #tpu.memory_space<vmem>>
    %dma_wait3A_116 = tpu.memref_squeeze %dma_wait3A_115 : memref<1x48x128xf32, #tpu.memory_space<vmem>> -> memref<48x128xf32, #tpu.memory_space<vmem>>
    %dma_wait3A_117 = arith.constant 0 : i32
    %dma_wait3A_118 = tpu.memref_slice %arg10[%dma_wait3A_112, %dma_wait3A_117] : memref<4x48xi32, #tpu.memory_space<vmem>> -> memref<1x48xi32, #tpu.memory_space<vmem>>
    %dma_wait3A_119 = tpu.memref_squeeze %dma_wait3A_118 : memref<1x48xi32, #tpu.memory_space<vmem>> -> memref<48xi32, #tpu.memory_space<vmem>>
    %dma_wait3A_120 = arith.constant 0 : i32
    %dma_wait3A_121 = arith.constant 0 : i32
    %dma_wait3A_122 = tpu.memref_slice %arg12[%dma_wait3A_120, %dma_wait3A_121] : memref<10240x128xf32, #tpu.memory_space<vmem_shared>> -> memref<10240x128xf32, #tpu.memory_space<vmem_shared>>
    tpu.wait_indirect_dma semaphore(%arg20 : memref<!tpu.dma_semaphore, #tpu.memory_space<semaphore_mem>>) src(%dma_wait3A_116 : memref<48x128xf32, #tpu.memory_space<vmem>>) dst(%dma_wait3A_122 : memref<10240x128xf32, #tpu.memory_space<vmem_shared>>)
    %dma_wait3A_123 = arith.constant 0 : i32
    %dma_wait3A_124 = arith.constant 0 : i32
    %dma_wait3A_125 = arith.constant 0 : i32
    %dma_wait3A_126 = arith.constant 0 : i32
    %dma_wait3A_127 = tpu.memref_slice %arg11[%dma_wait3A_123, %dma_wait3A_125, %dma_wait3A_126] : memref<4x48x128xf32, #tpu.memory_space<vmem>> -> memref<1x48x128xf32, #tpu.memory_space<vmem>>
    %dma_wait3A_128 = tpu.memref_squeeze %dma_wait3A_127 : memref<1x48x128xf32, #tpu.memory_space<vmem>> -> memref<48x128xf32, #tpu.memory_space<vmem>>
    %dma_wait3A_129 = arith.constant 0 : i32
    %dma_wait3A_130 = tpu.memref_slice %arg10[%dma_wait3A_124, %dma_wait3A_129] : memref<4x48xi32, #tpu.memory_space<vmem>> -> memref<1x48xi32, #tpu.memory_space<vmem>>
    %dma_wait3A_131 = tpu.memref_squeeze %dma_wait3A_130 : memref<1x48xi32, #tpu.memory_space<vmem>> -> memref<48xi32, #tpu.memory_space<vmem>>
    %dma_wait3A_132 = arith.constant 0 : i32
    %dma_wait3A_133 = arith.constant 0 : i32
    %dma_wait3A_134 = tpu.memref_slice %arg12[%dma_wait3A_132, %dma_wait3A_133] : memref<10240x128xf32, #tpu.memory_space<vmem_shared>> -> memref<10240x128xf32, #tpu.memory_space<vmem_shared>>
    tpu.wait_indirect_dma semaphore(%arg17 : memref<!tpu.dma_semaphore, #tpu.memory_space<semaphore_mem>>) src(%dma_wait3A_128 : memref<48x128xf32, #tpu.memory_space<vmem>>) dst(%dma_wait3A_134 : memref<10240x128xf32, #tpu.memory_space<vmem_shared>>)
    %barrier3A_135 = arith.constant 0 : index
    tpu.barrier barrier_id(%barrier3A_135)
    %mul3A_136 = arith.constant 64 : i32
    %mul3A_137 = arith.muli %arg1, %mul3A_136 : i32
    "tpu.region"() ({
      %run_scoped3A = tpu.sem_alloc : memref<!tpu.dma_semaphore, #tpu.memory_space<semaphore_mem>>
      %dma_start3A_143 = tpu.memref_slice %arg5[%mul3A_137] : memref<1024xi32, #tpu.memory_space<hbm>> -> memref<64xi32, #tpu.memory_space<hbm>>
      %dma_start3A_144 = tpu.memref_slice %arg5[%mul3A_137] : memref<1024xi32, #tpu.memory_space<hbm>> -> memref<64xi32, #tpu.memory_space<hbm>>
      tpu.enqueue_dma source(%dma_start3A_144 : memref<64xi32, #tpu.memory_space<hbm>>) target(%arg21 : memref<64xi32, #tpu.memory_space<vmem>>) target_semaphore(%run_scoped3A : memref<!tpu.dma_semaphore, #tpu.memory_space<semaphore_mem>>)
      %dma_wait3A_145 = tpu.memref_slice %arg5[%mul3A_137] : memref<1024xi32, #tpu.memory_space<hbm>> -> memref<64xi32, #tpu.memory_space<hbm>>
      %dma_wait3A_146 = tpu.memref_slice %arg5[%mul3A_137] : memref<1024xi32, #tpu.memory_space<hbm>> -> memref<64xi32, #tpu.memory_space<hbm>>
      tpu.wait_dma2 semaphore(%run_scoped3A : memref<!tpu.dma_semaphore, #tpu.memory_space<semaphore_mem>>) src(%dma_wait3A_146 : memref<64xi32, #tpu.memory_space<hbm>>) dst(%arg21 : memref<64xi32, #tpu.memory_space<vmem>>)
      tpu.yield
    }) : () -> ()
    %scan3A_138 = arith.constant 0 : i32
    %scan3A_139 = arith.constant 4 : i32
    %scan3A_140 = arith.addi %scan3A_138, %scan3A_139 : i32
    %scan3A_141 = arith.constant 1 : i32
    scf.for %scan3A_143 = %scan3A_138 to %scan3A_140 step %scan3A_141  : i32 {
      %mul3A_144 = arith.constant 16 : i32
      %mul3A_145 = arith.muli %scan3A_143, %mul3A_144 : i32
      %dma_start3A_146 = tpu.memref_slice %arg21[%mul3A_145] : memref<64xi32, #tpu.memory_space<vmem>> -> memref<16xi32, #tpu.memory_space<vmem>>
      %dma_start3A_147 = arith.constant 0 : i32
      %dma_start3A_148 = arith.constant 0 : i32
      %dma_start3A_149 = tpu.memref_slice %arg12[%dma_start3A_147, %dma_start3A_148] : memref<10240x128xf32, #tpu.memory_space<vmem_shared>> -> memref<10240x128xf32, #tpu.memory_space<vmem_shared>>
      tpu.enqueue_indirect_dma source(%dma_start3A_149 : memref<10240x128xf32, #tpu.memory_space<vmem_shared>>) target(%arg22 : memref<16x128xf32, #tpu.memory_space<vmem>>) offsets(%dma_start3A_146 : memref<16xi32, #tpu.memory_space<vmem>>) semaphore(%arg13 : memref<!tpu.dma_semaphore, #tpu.memory_space<semaphore_mem>>)
      %dma_wait3A_150 = tpu.memref_slice %arg21[%mul3A_145] : memref<64xi32, #tpu.memory_space<vmem>> -> memref<16xi32, #tpu.memory_space<vmem>>
      %dma_wait3A_151 = arith.constant 0 : i32
      %dma_wait3A_152 = arith.constant 0 : i32
      %dma_wait3A_153 = tpu.memref_slice %arg12[%dma_wait3A_151, %dma_wait3A_152] : memref<10240x128xf32, #tpu.memory_space<vmem_shared>> -> memref<10240x128xf32, #tpu.memory_space<vmem_shared>>
      tpu.wait_indirect_dma semaphore(%arg13 : memref<!tpu.dma_semaphore, #tpu.memory_space<semaphore_mem>>) src(%dma_wait3A_153 : memref<10240x128xf32, #tpu.memory_space<vmem_shared>>) dst(%arg22 : memref<16x128xf32, #tpu.memory_space<vmem>>)
      %add3A = arith.addi %mul3A_137, %mul3A_145 : i32
      "tpu.region"() ({
        %run_scoped3A = tpu.sem_alloc : memref<!tpu.dma_semaphore, #tpu.memory_space<semaphore_mem>>
        %dma_start3A_154 = arith.constant 0 : i32
        %dma_start3A_155 = arith.constant 0 : i32
        %dma_start3A_156 = tpu.memref_slice %arg6[%arg0, %dma_start3A_154, %dma_start3A_155] : memref<2x1024x128xf32, #tpu.memory_space<hbm>> -> memref<1x1024x128xf32, #tpu.memory_space<hbm>>
        %dma_start3A_157 = tpu.memref_squeeze %dma_start3A_156 : memref<1x1024x128xf32, #tpu.memory_space<hbm>> -> memref<1024x128xf32, #tpu.memory_space<hbm>>
        %dma_start3A_158 = arith.constant 0 : i32
        %dma_start3A_159 = tpu.memref_slice %dma_start3A_157[%add3A, %dma_start3A_158] : memref<1024x128xf32, #tpu.memory_space<hbm>> -> memref<16x128xf32, #tpu.memory_space<hbm>>
        %dma_start3A_160 = arith.constant 0 : i32
        %dma_start3A_161 = arith.constant 0 : i32
        %dma_start3A_162 = tpu.memref_slice %arg6[%arg0, %dma_start3A_160, %dma_start3A_161] : memref<2x1024x128xf32, #tpu.memory_space<hbm>> -> memref<1x1024x128xf32, #tpu.memory_space<hbm>>
        %dma_start3A_163 = tpu.memref_squeeze %dma_start3A_162 : memref<1x1024x128xf32, #tpu.memory_space<hbm>> -> memref<1024x128xf32, #tpu.memory_space<hbm>>
        %dma_start3A_164 = arith.constant 0 : i32
        %dma_start3A_165 = tpu.memref_slice %dma_start3A_163[%add3A, %dma_start3A_164] : memref<1024x128xf32, #tpu.memory_space<hbm>> -> memref<16x128xf32, #tpu.memory_space<hbm>>
        tpu.enqueue_dma source(%arg22 : memref<16x128xf32, #tpu.memory_space<vmem>>) target(%dma_start3A_165 : memref<16x128xf32, #tpu.memory_space<hbm>>) target_semaphore(%run_scoped3A : memref<!tpu.dma_semaphore, #tpu.memory_space<semaphore_mem>>)
        %dma_wait3A_166 = arith.constant 0 : i32
        %dma_wait3A_167 = arith.constant 0 : i32
        %dma_wait3A_168 = tpu.memref_slice %arg6[%arg0, %dma_wait3A_166, %dma_wait3A_167] : memref<2x1024x128xf32, #tpu.memory_space<hbm>> -> memref<1x1024x128xf32, #tpu.memory_space<hbm>>
        %dma_wait3A_169 = tpu.memref_squeeze %dma_wait3A_168 : memref<1x1024x128xf32, #tpu.memory_space<hbm>> -> memref<1024x128xf32, #tpu.memory_space<hbm>>
        %dma_wait3A_170 = arith.constant 0 : i32
        %dma_wait3A_171 = tpu.memref_slice %dma_wait3A_169[%add3A, %dma_wait3A_170] : memref<1024x128xf32, #tpu.memory_space<hbm>> -> memref<16x128xf32, #tpu.memory_space<hbm>>
        %dma_wait3A_172 = arith.constant 0 : i32
        %dma_wait3A_173 = arith.constant 0 : i32
        %dma_wait3A_174 = tpu.memref_slice %arg6[%arg0, %dma_wait3A_172, %dma_wait3A_173] : memref<2x1024x128xf32, #tpu.memory_space<hbm>> -> memref<1x1024x128xf32, #tpu.memory_space<hbm>>
        %dma_wait3A_175 = tpu.memref_squeeze %dma_wait3A_174 : memref<1x1024x128xf32, #tpu.memory_space<hbm>> -> memref<1024x128xf32, #tpu.memory_space<hbm>>
        %dma_wait3A_176 = arith.constant 0 : i32
        %dma_wait3A_177 = tpu.memref_slice %dma_wait3A_175[%add3A, %dma_wait3A_176] : memref<1024x128xf32, #tpu.memory_space<hbm>> -> memref<16x128xf32, #tpu.memory_space<hbm>>
        tpu.wait_dma2 semaphore(%run_scoped3A : memref<!tpu.dma_semaphore, #tpu.memory_space<semaphore_mem>>) src(%arg22 : memref<16x128xf32, #tpu.memory_space<vmem>>) dst(%dma_wait3A_177 : memref<16x128xf32, #tpu.memory_space<hbm>>)
        tpu.yield
      }) : () -> ()
    }
    %scan3A_142 = arith.constant 4 : i32
    return
  }
}

#map = affine_map<(d0, d1) -> (0, 0, 0)>
#map1 = affine_map<(d0, d1) -> (0)>
module attributes {stable_mosaic.version = 14 : i64} {
  func.func @body(%arg0: i32, %arg1: i32, %arg2: memref<2x10240x128xf32, #tpu.memory_space<hbm>>, %arg3: memref<160512xi32, #tpu.memory_space<hbm>>, %arg4: memref<160512xi32, #tpu.memory_space<hbm>>, %arg5: memref<2x10240x128xf32, #tpu.memory_space<hbm>>, %arg6: memref<10032xi32, #tpu.memory_space<vmem>>, %arg7: memref<10032xi32, #tpu.memory_space<vmem>>, %arg8: memref<4x48xi32, #tpu.memory_space<vmem>>, %arg9: memref<4x48xi32, #tpu.memory_space<vmem>>, %arg10: memref<4x48x128xf32, #tpu.memory_space<vmem>>, %arg11: memref<10240x128xf32, #tpu.memory_space<vmem_shared>>, %arg12: memref<!tpu.dma_semaphore, #tpu.memory_space<semaphore_mem>>, %arg13: memref<!tpu.dma_semaphore, #tpu.memory_space<semaphore_mem>>, %arg14: memref<!tpu.dma_semaphore, #tpu.memory_space<semaphore_mem>>, %arg15: memref<!tpu.dma_semaphore, #tpu.memory_space<semaphore_mem>>, %arg16: memref<!tpu.dma_semaphore, #tpu.memory_space<semaphore_mem>>, %arg17: memref<!tpu.dma_semaphore, #tpu.memory_space<semaphore_mem>>, %arg18: memref<!tpu.dma_semaphore, #tpu.memory_space<semaphore_mem>>, %arg19: memref<!tpu.dma_semaphore, #tpu.memory_space<semaphore_mem>>) attributes {dimension_semantics = [#tpu.dimension_semantics<core_parallel>, #tpu.dimension_semantics<subcore_parallel>], iteration_bounds = array<i64: 2, 16>, scalar_prefetch = 0 : i64, scratch_operands = 14 : i64, tpu.core_type = #tpu.core_type<sc_vector_subcore>, window_params = [{transform_indices = #map}, {transform_indices = #map1}, {transform_indices = #map1}, {transform_indices = #map}]} {
    %mul3A = arith.constant 640 : i32
    %mul3A_0 = arith.muli %arg1, %mul3A : i32
    %mul3A_1 = arith.constant 640 : i32
    %mul3A_2 = arith.muli %arg1, %mul3A_1 : i32
    "tpu.region"() ({
      %run_scoped3A = tpu.sem_alloc : memref<!tpu.dma_semaphore, #tpu.memory_space<semaphore_mem>>
      %dma_start3A_140 = arith.constant 0 : i32
      %dma_start3A_141 = tpu.memref_slice %arg11[%mul3A_2, %dma_start3A_140] : memref<10240x128xf32, #tpu.memory_space<vmem_shared>> -> memref<640x128xf32, #tpu.memory_space<vmem_shared>>
      %dma_start3A_142 = arith.constant 0 : i32
      %dma_start3A_143 = arith.constant 0 : i32
      %dma_start3A_144 = tpu.memref_slice %arg2[%arg0, %dma_start3A_142, %dma_start3A_143] : memref<2x10240x128xf32, #tpu.memory_space<hbm>> -> memref<1x10240x128xf32, #tpu.memory_space<hbm>>
      %dma_start3A_145 = tpu.memref_squeeze %dma_start3A_144 : memref<1x10240x128xf32, #tpu.memory_space<hbm>> -> memref<10240x128xf32, #tpu.memory_space<hbm>>
      %dma_start3A_146 = arith.constant 0 : i32
      %dma_start3A_147 = tpu.memref_slice %dma_start3A_145[%mul3A_0, %dma_start3A_146] : memref<10240x128xf32, #tpu.memory_space<hbm>> -> memref<640x128xf32, #tpu.memory_space<hbm>>
      tpu.enqueue_dma source(%dma_start3A_147 : memref<640x128xf32, #tpu.memory_space<hbm>>) target(%dma_start3A_141 : memref<640x128xf32, #tpu.memory_space<vmem_shared>>) target_semaphore(%run_scoped3A : memref<!tpu.dma_semaphore, #tpu.memory_space<semaphore_mem>>)
      %dma_wait3A_148 = arith.constant 0 : i32
      %dma_wait3A_149 = tpu.memref_slice %arg11[%mul3A_2, %dma_wait3A_148] : memref<10240x128xf32, #tpu.memory_space<vmem_shared>> -> memref<640x128xf32, #tpu.memory_space<vmem_shared>>
      %dma_wait3A_150 = arith.constant 0 : i32
      %dma_wait3A_151 = arith.constant 0 : i32
      %dma_wait3A_152 = tpu.memref_slice %arg2[%arg0, %dma_wait3A_150, %dma_wait3A_151] : memref<2x10240x128xf32, #tpu.memory_space<hbm>> -> memref<1x10240x128xf32, #tpu.memory_space<hbm>>
      %dma_wait3A_153 = tpu.memref_squeeze %dma_wait3A_152 : memref<1x10240x128xf32, #tpu.memory_space<hbm>> -> memref<10240x128xf32, #tpu.memory_space<hbm>>
      %dma_wait3A_154 = arith.constant 0 : i32
      %dma_wait3A_155 = tpu.memref_slice %dma_wait3A_153[%mul3A_0, %dma_wait3A_154] : memref<10240x128xf32, #tpu.memory_space<hbm>> -> memref<640x128xf32, #tpu.memory_space<hbm>>
      tpu.wait_dma2 semaphore(%run_scoped3A : memref<!tpu.dma_semaphore, #tpu.memory_space<semaphore_mem>>) src(%dma_wait3A_155 : memref<640x128xf32, #tpu.memory_space<hbm>>) dst(%dma_wait3A_149 : memref<640x128xf32, #tpu.memory_space<vmem_shared>>)
      tpu.yield
    }) : () -> ()
    %mul3A_3 = arith.constant 10032 : i32
    %mul3A_4 = arith.muli %arg1, %mul3A_3 : i32
    "tpu.region"() ({
      %run_scoped3A = tpu.sem_alloc : memref<!tpu.dma_semaphore, #tpu.memory_space<semaphore_mem>>
      %dma_start3A_140 = tpu.memref_slice %arg3[%mul3A_4] : memref<160512xi32, #tpu.memory_space<hbm>> -> memref<10032xi32, #tpu.memory_space<hbm>>
      %dma_start3A_141 = tpu.memref_slice %arg3[%mul3A_4] : memref<160512xi32, #tpu.memory_space<hbm>> -> memref<10032xi32, #tpu.memory_space<hbm>>
      tpu.enqueue_dma source(%dma_start3A_141 : memref<10032xi32, #tpu.memory_space<hbm>>) target(%arg6 : memref<10032xi32, #tpu.memory_space<vmem>>) target_semaphore(%run_scoped3A : memref<!tpu.dma_semaphore, #tpu.memory_space<semaphore_mem>>)
      %dma_wait3A_142 = tpu.memref_slice %arg3[%mul3A_4] : memref<160512xi32, #tpu.memory_space<hbm>> -> memref<10032xi32, #tpu.memory_space<hbm>>
      %dma_wait3A_143 = tpu.memref_slice %arg3[%mul3A_4] : memref<160512xi32, #tpu.memory_space<hbm>> -> memref<10032xi32, #tpu.memory_space<hbm>>
      tpu.wait_dma2 semaphore(%run_scoped3A : memref<!tpu.dma_semaphore, #tpu.memory_space<semaphore_mem>>) src(%dma_wait3A_143 : memref<10032xi32, #tpu.memory_space<hbm>>) dst(%arg6 : memref<10032xi32, #tpu.memory_space<vmem>>)
      tpu.yield
    }) : () -> ()
    %mul3A_5 = arith.constant 10032 : i32
    %mul3A_6 = arith.muli %arg1, %mul3A_5 : i32
    "tpu.region"() ({
      %run_scoped3A = tpu.sem_alloc : memref<!tpu.dma_semaphore, #tpu.memory_space<semaphore_mem>>
      %dma_start3A_140 = tpu.memref_slice %arg4[%mul3A_6] : memref<160512xi32, #tpu.memory_space<hbm>> -> memref<10032xi32, #tpu.memory_space<hbm>>
      %dma_start3A_141 = tpu.memref_slice %arg4[%mul3A_6] : memref<160512xi32, #tpu.memory_space<hbm>> -> memref<10032xi32, #tpu.memory_space<hbm>>
      tpu.enqueue_dma source(%dma_start3A_141 : memref<10032xi32, #tpu.memory_space<hbm>>) target(%arg7 : memref<10032xi32, #tpu.memory_space<vmem>>) target_semaphore(%run_scoped3A : memref<!tpu.dma_semaphore, #tpu.memory_space<semaphore_mem>>)
      %dma_wait3A_142 = tpu.memref_slice %arg4[%mul3A_6] : memref<160512xi32, #tpu.memory_space<hbm>> -> memref<10032xi32, #tpu.memory_space<hbm>>
      %dma_wait3A_143 = tpu.memref_slice %arg4[%mul3A_6] : memref<160512xi32, #tpu.memory_space<hbm>> -> memref<10032xi32, #tpu.memory_space<hbm>>
      tpu.wait_dma2 semaphore(%run_scoped3A : memref<!tpu.dma_semaphore, #tpu.memory_space<semaphore_mem>>) src(%dma_wait3A_143 : memref<10032xi32, #tpu.memory_space<hbm>>) dst(%arg7 : memref<10032xi32, #tpu.memory_space<vmem>>)
      tpu.yield
    }) : () -> ()
    %barrier3A = arith.constant 0 : index
    tpu.barrier barrier_id(%barrier3A)
    %get3A = arith.constant 0 : index
    %get3A_7 = tpu.vector_load %arg7[%get3A] {strides = array<i32>} : memref<10032xi32, #tpu.memory_space<vmem>>, vector<16xi32>,
    %swap3A = arith.constant 0 : i32
    %swap3A_8 = arith.index_cast %swap3A : i32 to index
    %swap3A_9 = arith.constant 0 : index
    %swap3A_10 = tpu.vector_load %arg9[%swap3A_8, %swap3A_9] {strides = array<i32>} : memref<4x48xi32, #tpu.memory_space<vmem>>, vector<16xi32>,
    tpu.vector_store %arg9[%swap3A_8, %swap3A_9], %get3A_7 {strides = array<i32>} : memref<4x48xi32, #tpu.memory_space<vmem>>, vector<16xi32>,
    %get3A_11 = arith.constant 0 : index
    %get3A_12 = tpu.vector_load %arg6[%get3A_11] {strides = array<i32>} : memref<10032xi32, #tpu.memory_space<vmem>>, vector<16xi32>,
    %swap3A_13 = arith.constant 0 : i32
    %swap3A_14 = arith.index_cast %swap3A_13 : i32 to index
    %swap3A_15 = arith.constant 0 : index
    %swap3A_16 = tpu.vector_load %arg8[%swap3A_14, %swap3A_15] {strides = array<i32>} : memref<4x48xi32, #tpu.memory_space<vmem>>, vector<16xi32>,
    tpu.vector_store %arg8[%swap3A_14, %swap3A_15], %get3A_12 {strides = array<i32>} : memref<4x48xi32, #tpu.memory_space<vmem>>, vector<16xi32>,
    %get3A_17 = arith.constant 16 : index
    %get3A_18 = tpu.vector_load %arg7[%get3A_17] {strides = array<i32>} : memref<10032xi32, #tpu.memory_space<vmem>>, vector<16xi32>,
    %swap3A_19 = arith.constant 0 : i32
    %swap3A_20 = arith.index_cast %swap3A_19 : i32 to index
    %swap3A_21 = arith.constant 16 : index
    %swap3A_22 = tpu.vector_load %arg9[%swap3A_20, %swap3A_21] {strides = array<i32>} : memref<4x48xi32, #tpu.memory_space<vmem>>, vector<16xi32>,
    tpu.vector_store %arg9[%swap3A_20, %swap3A_21], %get3A_18 {strides = array<i32>} : memref<4x48xi32, #tpu.memory_space<vmem>>, vector<16xi32>,
    %get3A_23 = arith.constant 16 : index
    %get3A_24 = tpu.vector_load %arg6[%get3A_23] {strides = array<i32>} : memref<10032xi32, #tpu.memory_space<vmem>>, vector<16xi32>,
    %swap3A_25 = arith.constant 0 : i32
    %swap3A_26 = arith.index_cast %swap3A_25 : i32 to index
    %swap3A_27 = arith.constant 16 : index
    %swap3A_28 = tpu.vector_load %arg8[%swap3A_26, %swap3A_27] {strides = array<i32>} : memref<4x48xi32, #tpu.memory_space<vmem>>, vector<16xi32>,
    tpu.vector_store %arg8[%swap3A_26, %swap3A_27], %get3A_24 {strides = array<i32>} : memref<4x48xi32, #tpu.memory_space<vmem>>, vector<16xi32>,
    %get3A_29 = arith.constant 32 : index
    %get3A_30 = tpu.vector_load %arg7[%get3A_29] {strides = array<i32>} : memref<10032xi32, #tpu.memory_space<vmem>>, vector<16xi32>,
    %swap3A_31 = arith.constant 0 : i32
    %swap3A_32 = arith.index_cast %swap3A_31 : i32 to index
    %swap3A_33 = arith.constant 32 : index
    %swap3A_34 = tpu.vector_load %arg9[%swap3A_32, %swap3A_33] {strides = array<i32>} : memref<4x48xi32, #tpu.memory_space<vmem>>, vector<16xi32>,
    tpu.vector_store %arg9[%swap3A_32, %swap3A_33], %get3A_30 {strides = array<i32>} : memref<4x48xi32, #tpu.memory_space<vmem>>, vector<16xi32>,
    %get3A_35 = arith.constant 32 : index
    %get3A_36 = tpu.vector_load %arg6[%get3A_35] {strides = array<i32>} : memref<10032xi32, #tpu.memory_space<vmem>>, vector<16xi32>,
    %swap3A_37 = arith.constant 0 : i32
    %swap3A_38 = arith.index_cast %swap3A_37 : i32 to index
    %swap3A_39 = arith.constant 32 : index
    %swap3A_40 = tpu.vector_load %arg8[%swap3A_38, %swap3A_39] {strides = array<i32>} : memref<4x48xi32, #tpu.memory_space<vmem>>, vector<16xi32>,
    tpu.vector_store %arg8[%swap3A_38, %swap3A_39], %get3A_36 {strides = array<i32>} : memref<4x48xi32, #tpu.memory_space<vmem>>, vector<16xi32>,
    %dma_start3A = arith.constant 0 : i32
    %dma_start3A_41 = arith.constant 0 : i32
    %dma_start3A_42 = arith.constant 0 : i32
    %dma_start3A_43 = arith.constant 0 : i32
    %dma_start3A_44 = tpu.memref_slice %arg10[%dma_start3A_41, %dma_start3A_42, %dma_start3A_43] : memref<4x48x128xf32, #tpu.memory_space<vmem>> -> memref<1x48x128xf32, #tpu.memory_space<vmem>>
    %dma_start3A_45 = tpu.memref_squeeze %dma_start3A_44 : memref<1x48x128xf32, #tpu.memory_space<vmem>> -> memref<48x128xf32, #tpu.memory_space<vmem>>
    %dma_start3A_46 = arith.constant 0 : i32
    %dma_start3A_47 = tpu.memref_slice %arg8[%dma_start3A, %dma_start3A_46] : memref<4x48xi32, #tpu.memory_space<vmem>> -> memref<1x48xi32, #tpu.memory_space<vmem>>
    %dma_start3A_48 = tpu.memref_squeeze %dma_start3A_47 : memref<1x48xi32, #tpu.memory_space<vmem>> -> memref<48xi32, #tpu.memory_space<vmem>>
    %dma_start3A_49 = arith.constant 0 : i32
    %dma_start3A_50 = arith.constant 0 : i32
    %dma_start3A_51 = tpu.memref_slice %arg2[%arg0, %dma_start3A_49, %dma_start3A_50] : memref<2x10240x128xf32, #tpu.memory_space<hbm>> -> memref<1x10240x128xf32, #tpu.memory_space<hbm>>
    %dma_start3A_52 = tpu.memref_squeeze %dma_start3A_51 : memref<1x10240x128xf32, #tpu.memory_space<hbm>> -> memref<10240x128xf32, #tpu.memory_space<hbm>>
    %dma_start3A_53 = arith.constant 0 : i32
    %dma_start3A_54 = arith.constant 0 : i32
    %dma_start3A_55 = tpu.memref_slice %dma_start3A_52[%dma_start3A_53, %dma_start3A_54] : memref<10240x128xf32, #tpu.memory_space<hbm>> -> memref<10240x128xf32, #tpu.memory_space<hbm>>
    tpu.enqueue_indirect_dma source(%dma_start3A_55 : memref<10240x128xf32, #tpu.memory_space<hbm>>) target(%dma_start3A_45 : memref<48x128xf32, #tpu.memory_space<vmem>>) offsets(%dma_start3A_48 : memref<48xi32, #tpu.memory_space<vmem>>) semaphore(%arg12 : memref<!tpu.dma_semaphore, #tpu.memory_space<semaphore_mem>>)
    %scan3A = arith.constant 0 : i32
    %scan3A_56 = arith.constant 52 : i32
    %scan3A_57 = arith.addi %scan3A, %scan3A_56 : i32
    %scan3A_58 = arith.constant 1 : i32
    scf.for %scan3A_140 = %scan3A to %scan3A_57 step %scan3A_58  : i32 {
      %mul3A_141 = arith.constant 4 : i32
      %mul3A_142 = arith.muli %scan3A_140, %mul3A_141 : i32
      %add3A = arith.constant 0 : i32
      %add3A_143 = arith.addi %mul3A_142, %add3A : i32
      %gt3A = arith.constant 0 : i32
      %gt3A_144 = arith.cmpi sgt, %scan3A_140, %gt3A : i32
      %convert_element_type3A = arith.extui %gt3A_144 : i1 to i32
      %cond3A = arith.constant 0 : i32
      %cond3A_145 = arith.cmpi ne, %convert_element_type3A, %cond3A : i32
      scf.if %cond3A_145 {
        %dma_wait3A_564 = arith.constant 1 : i32
        %dma_wait3A_565 = arith.constant 1 : i32
        %dma_wait3A_566 = arith.constant 0 : i32
        %dma_wait3A_567 = arith.constant 0 : i32
        %dma_wait3A_568 = tpu.memref_slice %arg10[%dma_wait3A_564, %dma_wait3A_566, %dma_wait3A_567] : memref<4x48x128xf32, #tpu.memory_space<vmem>> -> memref<1x48x128xf32, #tpu.memory_space<vmem>>
        %dma_wait3A_569 = tpu.memref_squeeze %dma_wait3A_568 : memref<1x48x128xf32, #tpu.memory_space<vmem>> -> memref<48x128xf32, #tpu.memory_space<vmem>>
        %dma_wait3A_570 = arith.constant 0 : i32
        %dma_wait3A_571 = tpu.memref_slice %arg9[%dma_wait3A_565, %dma_wait3A_570] : memref<4x48xi32, #tpu.memory_space<vmem>> -> memref<1x48xi32, #tpu.memory_space<vmem>>
        %dma_wait3A_572 = tpu.memref_squeeze %dma_wait3A_571 : memref<1x48xi32, #tpu.memory_space<vmem>> -> memref<48xi32, #tpu.memory_space<vmem>>
        %dma_wait3A_573 = arith.constant 0 : i32
        %dma_wait3A_574 = arith.constant 0 : i32
        %dma_wait3A_575 = tpu.memref_slice %arg11[%dma_wait3A_573, %dma_wait3A_574] : memref<10240x128xf32, #tpu.memory_space<vmem_shared>> -> memref<10240x128xf32, #tpu.memory_space<vmem_shared>>
        tpu.wait_indirect_dma semaphore(%arg17 : memref<!tpu.dma_semaphore, #tpu.memory_space<semaphore_mem>>) src(%dma_wait3A_569 : memref<48x128xf32, #tpu.memory_space<vmem>>) dst(%dma_wait3A_575 : memref<10240x128xf32, #tpu.memory_space<vmem_shared>>)
      } else {
      }
      %add3A_146 = arith.constant 1 : i32
      %add3A_147 = arith.addi %add3A_143, %add3A_146 : i32
      %mul3A_148 = arith.constant 48 : i32
      %mul3A_149 = arith.muli %add3A_147, %mul3A_148 : i32
      %add3A_150 = arith.constant 0 : i32
      %add3A_151 = arith.addi %mul3A_149, %add3A_150 : i32
      %get3A_152 = arith.index_cast %add3A_151 : i32 to index
      %get3A_153 = tpu.vector_load %arg7[%get3A_152] {strides = array<i32>} : memref<10032xi32, #tpu.memory_space<vmem>>, vector<16xi32>,
      %swap3A_154 = arith.constant 1 : i32
      %swap3A_155 = arith.index_cast %swap3A_154 : i32 to index
      %swap3A_156 = arith.constant 0 : index
      %swap3A_157 = tpu.vector_load %arg9[%swap3A_155, %swap3A_156] {strides = array<i32>} : memref<4x48xi32, #tpu.memory_space<vmem>>, vector<16xi32>,
      tpu.vector_store %arg9[%swap3A_155, %swap3A_156], %get3A_153 {strides = array<i32>} : memref<4x48xi32, #tpu.memory_space<vmem>>, vector<16xi32>,
      %add3A_158 = arith.constant 0 : i32
      %add3A_159 = arith.addi %mul3A_149, %add3A_158 : i32
      %get3A_160 = arith.index_cast %add3A_159 : i32 to index
      %get3A_161 = tpu.vector_load %arg6[%get3A_160] {strides = array<i32>} : memref<10032xi32, #tpu.memory_space<vmem>>, vector<16xi32>,
      %swap3A_162 = arith.constant 1 : i32
      %swap3A_163 = arith.index_cast %swap3A_162 : i32 to index
      %swap3A_164 = arith.constant 0 : index
      %swap3A_165 = tpu.vector_load %arg8[%swap3A_163, %swap3A_164] {strides = array<i32>} : memref<4x48xi32, #tpu.memory_space<vmem>>, vector<16xi32>,
      tpu.vector_store %arg8[%swap3A_163, %swap3A_164], %get3A_161 {strides = array<i32>} : memref<4x48xi32, #tpu.memory_space<vmem>>, vector<16xi32>,
      %add3A_166 = arith.constant 16 : i32
      %add3A_167 = arith.addi %mul3A_149, %add3A_166 : i32
      %get3A_168 = arith.index_cast %add3A_167 : i32 to index
      %get3A_169 = tpu.vector_load %arg7[%get3A_168] {strides = array<i32>} : memref<10032xi32, #tpu.memory_space<vmem>>, vector<16xi32>,
      %swap3A_170 = arith.constant 1 : i32
      %swap3A_171 = arith.index_cast %swap3A_170 : i32 to index
      %swap3A_172 = arith.constant 16 : index
      %swap3A_173 = tpu.vector_load %arg9[%swap3A_171, %swap3A_172] {strides = array<i32>} : memref<4x48xi32, #tpu.memory_space<vmem>>, vector<16xi32>,
      tpu.vector_store %arg9[%swap3A_171, %swap3A_172], %get3A_169 {strides = array<i32>} : memref<4x48xi32, #tpu.memory_space<vmem>>, vector<16xi32>,
      %add3A_174 = arith.constant 16 : i32
      %add3A_175 = arith.addi %mul3A_149, %add3A_174 : i32
      %get3A_176 = arith.index_cast %add3A_175 : i32 to index
      %get3A_177 = tpu.vector_load %arg6[%get3A_176] {strides = array<i32>} : memref<10032xi32, #tpu.memory_space<vmem>>, vector<16xi32>,
      %swap3A_178 = arith.constant 1 : i32
      %swap3A_179 = arith.index_cast %swap3A_178 : i32 to index
      %swap3A_180 = arith.constant 16 : index
      %swap3A_181 = tpu.vector_load %arg8[%swap3A_179, %swap3A_180] {strides = array<i32>} : memref<4x48xi32, #tpu.memory_space<vmem>>, vector<16xi32>,
      tpu.vector_store %arg8[%swap3A_179, %swap3A_180], %get3A_177 {strides = array<i32>} : memref<4x48xi32, #tpu.memory_space<vmem>>, vector<16xi32>,
      %add3A_182 = arith.constant 32 : i32
      %add3A_183 = arith.addi %mul3A_149, %add3A_182 : i32
      %get3A_184 = arith.index_cast %add3A_183 : i32 to index
      %get3A_185 = tpu.vector_load %arg7[%get3A_184] {strides = array<i32>} : memref<10032xi32, #tpu.memory_space<vmem>>, vector<16xi32>,
      %swap3A_186 = arith.constant 1 : i32
      %swap3A_187 = arith.index_cast %swap3A_186 : i32 to index
      %swap3A_188 = arith.constant 32 : index
      %swap3A_189 = tpu.vector_load %arg9[%swap3A_187, %swap3A_188] {strides = array<i32>} : memref<4x48xi32, #tpu.memory_space<vmem>>, vector<16xi32>,
      tpu.vector_store %arg9[%swap3A_187, %swap3A_188], %get3A_185 {strides = array<i32>} : memref<4x48xi32, #tpu.memory_space<vmem>>, vector<16xi32>,
      %add3A_190 = arith.constant 32 : i32
      %add3A_191 = arith.addi %mul3A_149, %add3A_190 : i32
      %get3A_192 = arith.index_cast %add3A_191 : i32 to index
      %get3A_193 = tpu.vector_load %arg6[%get3A_192] {strides = array<i32>} : memref<10032xi32, #tpu.memory_space<vmem>>, vector<16xi32>,
      %swap3A_194 = arith.constant 1 : i32
      %swap3A_195 = arith.index_cast %swap3A_194 : i32 to index
      %swap3A_196 = arith.constant 32 : index
      %swap3A_197 = tpu.vector_load %arg8[%swap3A_195, %swap3A_196] {strides = array<i32>} : memref<4x48xi32, #tpu.memory_space<vmem>>, vector<16xi32>,
      tpu.vector_store %arg8[%swap3A_195, %swap3A_196], %get3A_193 {strides = array<i32>} : memref<4x48xi32, #tpu.memory_space<vmem>>, vector<16xi32>,
      %dma_start3A_198 = arith.constant 1 : i32
      %dma_start3A_199 = arith.constant 1 : i32
      %dma_start3A_200 = arith.constant 0 : i32
      %dma_start3A_201 = arith.constant 0 : i32
      %dma_start3A_202 = tpu.memref_slice %arg10[%dma_start3A_199, %dma_start3A_200, %dma_start3A_201] : memref<4x48x128xf32, #tpu.memory_space<vmem>> -> memref<1x48x128xf32, #tpu.memory_space<vmem>>
      %dma_start3A_203 = tpu.memref_squeeze %dma_start3A_202 : memref<1x48x128xf32, #tpu.memory_space<vmem>> -> memref<48x128xf32, #tpu.memory_space<vmem>>
      %dma_start3A_204 = arith.constant 0 : i32
      %dma_start3A_205 = tpu.memref_slice %arg8[%dma_start3A_198, %dma_start3A_204] : memref<4x48xi32, #tpu.memory_space<vmem>> -> memref<1x48xi32, #tpu.memory_space<vmem>>
      %dma_start3A_206 = tpu.memref_squeeze %dma_start3A_205 : memref<1x48xi32, #tpu.memory_space<vmem>> -> memref<48xi32, #tpu.memory_space<vmem>>
      %dma_start3A_207 = arith.constant 0 : i32
      %dma_start3A_208 = arith.constant 0 : i32
      %dma_start3A_209 = tpu.memref_slice %arg2[%arg0, %dma_start3A_207, %dma_start3A_208] : memref<2x10240x128xf32, #tpu.memory_space<hbm>> -> memref<1x10240x128xf32, #tpu.memory_space<hbm>>
      %dma_start3A_210 = tpu.memref_squeeze %dma_start3A_209 : memref<1x10240x128xf32, #tpu.memory_space<hbm>> -> memref<10240x128xf32, #tpu.memory_space<hbm>>
      %dma_start3A_211 = arith.constant 0 : i32
      %dma_start3A_212 = arith.constant 0 : i32
      %dma_start3A_213 = tpu.memref_slice %dma_start3A_210[%dma_start3A_211, %dma_start3A_212] : memref<10240x128xf32, #tpu.memory_space<hbm>> -> memref<10240x128xf32, #tpu.memory_space<hbm>>
      tpu.enqueue_indirect_dma source(%dma_start3A_213 : memref<10240x128xf32, #tpu.memory_space<hbm>>) target(%dma_start3A_203 : memref<48x128xf32, #tpu.memory_space<vmem>>) offsets(%dma_start3A_206 : memref<48xi32, #tpu.memory_space<vmem>>) semaphore(%arg13 : memref<!tpu.dma_semaphore, #tpu.memory_space<semaphore_mem>>)
      %dma_wait3A_214 = arith.constant 0 : i32
      %dma_wait3A_215 = arith.constant 0 : i32
      %dma_wait3A_216 = arith.constant 0 : i32
      %dma_wait3A_217 = arith.constant 0 : i32
      %dma_wait3A_218 = tpu.memref_slice %arg10[%dma_wait3A_215, %dma_wait3A_216, %dma_wait3A_217] : memref<4x48x128xf32, #tpu.memory_space<vmem>> -> memref<1x48x128xf32, #tpu.memory_space<vmem>>
      %dma_wait3A_219 = tpu.memref_squeeze %dma_wait3A_218 : memref<1x48x128xf32, #tpu.memory_space<vmem>> -> memref<48x128xf32, #tpu.memory_space<vmem>>
      %dma_wait3A_220 = arith.constant 0 : i32
      %dma_wait3A_221 = tpu.memref_slice %arg8[%dma_wait3A_214, %dma_wait3A_220] : memref<4x48xi32, #tpu.memory_space<vmem>> -> memref<1x48xi32, #tpu.memory_space<vmem>>
      %dma_wait3A_222 = tpu.memref_squeeze %dma_wait3A_221 : memref<1x48xi32, #tpu.memory_space<vmem>> -> memref<48xi32, #tpu.memory_space<vmem>>
      %dma_wait3A_223 = arith.constant 0 : i32
      %dma_wait3A_224 = arith.constant 0 : i32
      %dma_wait3A_225 = tpu.memref_slice %arg2[%arg0, %dma_wait3A_223, %dma_wait3A_224] : memref<2x10240x128xf32, #tpu.memory_space<hbm>> -> memref<1x10240x128xf32, #tpu.memory_space<hbm>>
      %dma_wait3A_226 = tpu.memref_squeeze %dma_wait3A_225 : memref<1x10240x128xf32, #tpu.memory_space<hbm>> -> memref<10240x128xf32, #tpu.memory_space<hbm>>
      %dma_wait3A_227 = arith.constant 0 : i32
      %dma_wait3A_228 = arith.constant 0 : i32
      %dma_wait3A_229 = tpu.memref_slice %dma_wait3A_226[%dma_wait3A_227, %dma_wait3A_228] : memref<10240x128xf32, #tpu.memory_space<hbm>> -> memref<10240x128xf32, #tpu.memory_space<hbm>>
      tpu.wait_indirect_dma semaphore(%arg12 : memref<!tpu.dma_semaphore, #tpu.memory_space<semaphore_mem>>) src(%dma_wait3A_229 : memref<10240x128xf32, #tpu.memory_space<hbm>>) dst(%dma_wait3A_219 : memref<48x128xf32, #tpu.memory_space<vmem>>)
      %dma_start3A_230 = arith.constant 0 : i32
      %dma_start3A_231 = arith.constant 0 : i32
      %dma_start3A_232 = arith.constant 0 : i32
      %dma_start3A_233 = arith.constant 0 : i32
      %dma_start3A_234 = tpu.memref_slice %arg10[%dma_start3A_230, %dma_start3A_232, %dma_start3A_233] : memref<4x48x128xf32, #tpu.memory_space<vmem>> -> memref<1x48x128xf32, #tpu.memory_space<vmem>>
      %dma_start3A_235 = tpu.memref_squeeze %dma_start3A_234 : memref<1x48x128xf32, #tpu.memory_space<vmem>> -> memref<48x128xf32, #tpu.memory_space<vmem>>
      %dma_start3A_236 = arith.constant 0 : i32
      %dma_start3A_237 = tpu.memref_slice %arg9[%dma_start3A_231, %dma_start3A_236] : memref<4x48xi32, #tpu.memory_space<vmem>> -> memref<1x48xi32, #tpu.memory_space<vmem>>
      %dma_start3A_238 = tpu.memref_squeeze %dma_start3A_237 : memref<1x48xi32, #tpu.memory_space<vmem>> -> memref<48xi32, #tpu.memory_space<vmem>>
      %dma_start3A_239 = arith.constant 0 : i32
      %dma_start3A_240 = arith.constant 0 : i32
      %dma_start3A_241 = tpu.memref_slice %arg11[%dma_start3A_239, %dma_start3A_240] : memref<10240x128xf32, #tpu.memory_space<vmem_shared>> -> memref<10240x128xf32, #tpu.memory_space<vmem_shared>>
      tpu.enqueue_indirect_dma source(%dma_start3A_235 : memref<48x128xf32, #tpu.memory_space<vmem>>) target(%dma_start3A_241 : memref<10240x128xf32, #tpu.memory_space<vmem_shared>>) offsets(%dma_start3A_238 : memref<48xi32, #tpu.memory_space<vmem>>) semaphore(%arg16 : memref<!tpu.dma_semaphore, #tpu.memory_space<semaphore_mem>>) {add = true}
      %mul3A_242 = arith.constant 4 : i32
      %mul3A_243 = arith.muli %scan3A_140, %mul3A_242 : i32
      %add3A_244 = arith.constant 1 : i32
      %add3A_245 = arith.addi %mul3A_243, %add3A_244 : i32
      %gt3A_246 = arith.constant 0 : i32
      %gt3A_247 = arith.cmpi sgt, %scan3A_140, %gt3A_246 : i32
      %convert_element_type3A_248 = arith.extui %gt3A_247 : i1 to i32
      %cond3A_249 = arith.constant 0 : i32
      %cond3A_250 = arith.cmpi ne, %convert_element_type3A_248, %cond3A_249 : i32
      scf.if %cond3A_250 {
        %dma_wait3A_564 = arith.constant 2 : i32
        %dma_wait3A_565 = arith.constant 2 : i32
        %dma_wait3A_566 = arith.constant 0 : i32
        %dma_wait3A_567 = arith.constant 0 : i32
        %dma_wait3A_568 = tpu.memref_slice %arg10[%dma_wait3A_564, %dma_wait3A_566, %dma_wait3A_567] : memref<4x48x128xf32, #tpu.memory_space<vmem>> -> memref<1x48x128xf32, #tpu.memory_space<vmem>>
        %dma_wait3A_569 = tpu.memref_squeeze %dma_wait3A_568 : memref<1x48x128xf32, #tpu.memory_space<vmem>> -> memref<48x128xf32, #tpu.memory_space<vmem>>
        %dma_wait3A_570 = arith.constant 0 : i32
        %dma_wait3A_571 = tpu.memref_slice %arg9[%dma_wait3A_565, %dma_wait3A_570] : memref<4x48xi32, #tpu.memory_space<vmem>> -> memref<1x48xi32, #tpu.memory_space<vmem>>
        %dma_wait3A_572 = tpu.memref_squeeze %dma_wait3A_571 : memref<1x48xi32, #tpu.memory_space<vmem>> -> memref<48xi32, #tpu.memory_space<vmem>>
        %dma_wait3A_573 = arith.constant 0 : i32
        %dma_wait3A_574 = arith.constant 0 : i32
        %dma_wait3A_575 = tpu.memref_slice %arg11[%dma_wait3A_573, %dma_wait3A_574] : memref<10240x128xf32, #tpu.memory_space<vmem_shared>> -> memref<10240x128xf32, #tpu.memory_space<vmem_shared>>
        tpu.wait_indirect_dma semaphore(%arg18 : memref<!tpu.dma_semaphore, #tpu.memory_space<semaphore_mem>>) src(%dma_wait3A_569 : memref<48x128xf32, #tpu.memory_space<vmem>>) dst(%dma_wait3A_575 : memref<10240x128xf32, #tpu.memory_space<vmem_shared>>)
      } else {
      }
      %add3A_251 = arith.constant 1 : i32
      %add3A_252 = arith.addi %add3A_245, %add3A_251 : i32
      %mul3A_253 = arith.constant 48 : i32
      %mul3A_254 = arith.muli %add3A_252, %mul3A_253 : i32
      %add3A_255 = arith.constant 0 : i32
      %add3A_256 = arith.addi %mul3A_254, %add3A_255 : i32
      %get3A_257 = arith.index_cast %add3A_256 : i32 to index
      %get3A_258 = tpu.vector_load %arg7[%get3A_257] {strides = array<i32>} : memref<10032xi32, #tpu.memory_space<vmem>>, vector<16xi32>,
      %swap3A_259 = arith.constant 2 : i32
      %swap3A_260 = arith.index_cast %swap3A_259 : i32 to index
      %swap3A_261 = arith.constant 0 : index
      %swap3A_262 = tpu.vector_load %arg9[%swap3A_260, %swap3A_261] {strides = array<i32>} : memref<4x48xi32, #tpu.memory_space<vmem>>, vector<16xi32>,
      tpu.vector_store %arg9[%swap3A_260, %swap3A_261], %get3A_258 {strides = array<i32>} : memref<4x48xi32, #tpu.memory_space<vmem>>, vector<16xi32>,
      %add3A_263 = arith.constant 0 : i32
      %add3A_264 = arith.addi %mul3A_254, %add3A_263 : i32
      %get3A_265 = arith.index_cast %add3A_264 : i32 to index
      %get3A_266 = tpu.vector_load %arg6[%get3A_265] {strides = array<i32>} : memref<10032xi32, #tpu.memory_space<vmem>>, vector<16xi32>,
      %swap3A_267 = arith.constant 2 : i32
      %swap3A_268 = arith.index_cast %swap3A_267 : i32 to index
      %swap3A_269 = arith.constant 0 : index
      %swap3A_270 = tpu.vector_load %arg8[%swap3A_268, %swap3A_269] {strides = array<i32>} : memref<4x48xi32, #tpu.memory_space<vmem>>, vector<16xi32>,
      tpu.vector_store %arg8[%swap3A_268, %swap3A_269], %get3A_266 {strides = array<i32>} : memref<4x48xi32, #tpu.memory_space<vmem>>, vector<16xi32>,
      %add3A_271 = arith.constant 16 : i32
      %add3A_272 = arith.addi %mul3A_254, %add3A_271 : i32
      %get3A_273 = arith.index_cast %add3A_272 : i32 to index
      %get3A_274 = tpu.vector_load %arg7[%get3A_273] {strides = array<i32>} : memref<10032xi32, #tpu.memory_space<vmem>>, vector<16xi32>,
      %swap3A_275 = arith.constant 2 : i32
      %swap3A_276 = arith.index_cast %swap3A_275 : i32 to index
      %swap3A_277 = arith.constant 16 : index
      %swap3A_278 = tpu.vector_load %arg9[%swap3A_276, %swap3A_277] {strides = array<i32>} : memref<4x48xi32, #tpu.memory_space<vmem>>, vector<16xi32>,
      tpu.vector_store %arg9[%swap3A_276, %swap3A_277], %get3A_274 {strides = array<i32>} : memref<4x48xi32, #tpu.memory_space<vmem>>, vector<16xi32>,
      %add3A_279 = arith.constant 16 : i32
      %add3A_280 = arith.addi %mul3A_254, %add3A_279 : i32
      %get3A_281 = arith.index_cast %add3A_280 : i32 to index
      %get3A_282 = tpu.vector_load %arg6[%get3A_281] {strides = array<i32>} : memref<10032xi32, #tpu.memory_space<vmem>>, vector<16xi32>,
      %swap3A_283 = arith.constant 2 : i32
      %swap3A_284 = arith.index_cast %swap3A_283 : i32 to index
      %swap3A_285 = arith.constant 16 : index
      %swap3A_286 = tpu.vector_load %arg8[%swap3A_284, %swap3A_285] {strides = array<i32>} : memref<4x48xi32, #tpu.memory_space<vmem>>, vector<16xi32>,
      tpu.vector_store %arg8[%swap3A_284, %swap3A_285], %get3A_282 {strides = array<i32>} : memref<4x48xi32, #tpu.memory_space<vmem>>, vector<16xi32>,
      %add3A_287 = arith.constant 32 : i32
      %add3A_288 = arith.addi %mul3A_254, %add3A_287 : i32
      %get3A_289 = arith.index_cast %add3A_288 : i32 to index
      %get3A_290 = tpu.vector_load %arg7[%get3A_289] {strides = array<i32>} : memref<10032xi32, #tpu.memory_space<vmem>>, vector<16xi32>,
      %swap3A_291 = arith.constant 2 : i32
      %swap3A_292 = arith.index_cast %swap3A_291 : i32 to index
      %swap3A_293 = arith.constant 32 : index
      %swap3A_294 = tpu.vector_load %arg9[%swap3A_292, %swap3A_293] {strides = array<i32>} : memref<4x48xi32, #tpu.memory_space<vmem>>, vector<16xi32>,
      tpu.vector_store %arg9[%swap3A_292, %swap3A_293], %get3A_290 {strides = array<i32>} : memref<4x48xi32, #tpu.memory_space<vmem>>, vector<16xi32>,
      %add3A_295 = arith.constant 32 : i32
      %add3A_296 = arith.addi %mul3A_254, %add3A_295 : i32
      %get3A_297 = arith.index_cast %add3A_296 : i32 to index
      %get3A_298 = tpu.vector_load %arg6[%get3A_297] {strides = array<i32>} : memref<10032xi32, #tpu.memory_space<vmem>>, vector<16xi32>,
      %swap3A_299 = arith.constant 2 : i32
      %swap3A_300 = arith.index_cast %swap3A_299 : i32 to index
      %swap3A_301 = arith.constant 32 : index
      %swap3A_302 = tpu.vector_load %arg8[%swap3A_300, %swap3A_301] {strides = array<i32>} : memref<4x48xi32, #tpu.memory_space<vmem>>, vector<16xi32>,
      tpu.vector_store %arg8[%swap3A_300, %swap3A_301], %get3A_298 {strides = array<i32>} : memref<4x48xi32, #tpu.memory_space<vmem>>, vector<16xi32>,
      %dma_start3A_303 = arith.constant 2 : i32
      %dma_start3A_304 = arith.constant 2 : i32
      %dma_start3A_305 = arith.constant 0 : i32
      %dma_start3A_306 = arith.constant 0 : i32
      %dma_start3A_307 = tpu.memref_slice %arg10[%dma_start3A_304, %dma_start3A_305, %dma_start3A_306] : memref<4x48x128xf32, #tpu.memory_space<vmem>> -> memref<1x48x128xf32, #tpu.memory_space<vmem>>
      %dma_start3A_308 = tpu.memref_squeeze %dma_start3A_307 : memref<1x48x128xf32, #tpu.memory_space<vmem>> -> memref<48x128xf32, #tpu.memory_space<vmem>>
      %dma_start3A_309 = arith.constant 0 : i32
      %dma_start3A_310 = tpu.memref_slice %arg8[%dma_start3A_303, %dma_start3A_309] : memref<4x48xi32, #tpu.memory_space<vmem>> -> memref<1x48xi32, #tpu.memory_space<vmem>>
      %dma_start3A_311 = tpu.memref_squeeze %dma_start3A_310 : memref<1x48xi32, #tpu.memory_space<vmem>> -> memref<48xi32, #tpu.memory_space<vmem>>
      %dma_start3A_312 = arith.constant 0 : i32
      %dma_start3A_313 = arith.constant 0 : i32
      %dma_start3A_314 = tpu.memref_slice %arg2[%arg0, %dma_start3A_312, %dma_start3A_313] : memref<2x10240x128xf32, #tpu.memory_space<hbm>> -> memref<1x10240x128xf32, #tpu.memory_space<hbm>>
      %dma_start3A_315 = tpu.memref_squeeze %dma_start3A_314 : memref<1x10240x128xf32, #tpu.memory_space<hbm>> -> memref<10240x128xf32, #tpu.memory_space<hbm>>
      %dma_start3A_316 = arith.constant 0 : i32
      %dma_start3A_317 = arith.constant 0 : i32
      %dma_start3A_318 = tpu.memref_slice %dma_start3A_315[%dma_start3A_316, %dma_start3A_317] : memref<10240x128xf32, #tpu.memory_space<hbm>> -> memref<10240x128xf32, #tpu.memory_space<hbm>>
      tpu.enqueue_indirect_dma source(%dma_start3A_318 : memref<10240x128xf32, #tpu.memory_space<hbm>>) target(%dma_start3A_308 : memref<48x128xf32, #tpu.memory_space<vmem>>) offsets(%dma_start3A_311 : memref<48xi32, #tpu.memory_space<vmem>>) semaphore(%arg14 : memref<!tpu.dma_semaphore, #tpu.memory_space<semaphore_mem>>)
      %dma_wait3A_319 = arith.constant 1 : i32
      %dma_wait3A_320 = arith.constant 1 : i32
      %dma_wait3A_321 = arith.constant 0 : i32
      %dma_wait3A_322 = arith.constant 0 : i32
      %dma_wait3A_323 = tpu.memref_slice %arg10[%dma_wait3A_320, %dma_wait3A_321, %dma_wait3A_322] : memref<4x48x128xf32, #tpu.memory_space<vmem>> -> memref<1x48x128xf32, #tpu.memory_space<vmem>>
      %dma_wait3A_324 = tpu.memref_squeeze %dma_wait3A_323 : memref<1x48x128xf32, #tpu.memory_space<vmem>> -> memref<48x128xf32, #tpu.memory_space<vmem>>
      %dma_wait3A_325 = arith.constant 0 : i32
      %dma_wait3A_326 = tpu.memref_slice %arg8[%dma_wait3A_319, %dma_wait3A_325] : memref<4x48xi32, #tpu.memory_space<vmem>> -> memref<1x48xi32, #tpu.memory_space<vmem>>
      %dma_wait3A_327 = tpu.memref_squeeze %dma_wait3A_326 : memref<1x48xi32, #tpu.memory_space<vmem>> -> memref<48xi32, #tpu.memory_space<vmem>>
      %dma_wait3A_328 = arith.constant 0 : i32
      %dma_wait3A_329 = arith.constant 0 : i32
      %dma_wait3A_330 = tpu.memref_slice %arg2[%arg0, %dma_wait3A_328, %dma_wait3A_329] : memref<2x10240x128xf32, #tpu.memory_space<hbm>> -> memref<1x10240x128xf32, #tpu.memory_space<hbm>>
      %dma_wait3A_331 = tpu.memref_squeeze %dma_wait3A_330 : memref<1x10240x128xf32, #tpu.memory_space<hbm>> -> memref<10240x128xf32, #tpu.memory_space<hbm>>
      %dma_wait3A_332 = arith.constant 0 : i32
      %dma_wait3A_333 = arith.constant 0 : i32
      %dma_wait3A_334 = tpu.memref_slice %dma_wait3A_331[%dma_wait3A_332, %dma_wait3A_333] : memref<10240x128xf32, #tpu.memory_space<hbm>> -> memref<10240x128xf32, #tpu.memory_space<hbm>>
      tpu.wait_indirect_dma semaphore(%arg13 : memref<!tpu.dma_semaphore, #tpu.memory_space<semaphore_mem>>) src(%dma_wait3A_334 : memref<10240x128xf32, #tpu.memory_space<hbm>>) dst(%dma_wait3A_324 : memref<48x128xf32, #tpu.memory_space<vmem>>)
      %dma_start3A_335 = arith.constant 1 : i32
      %dma_start3A_336 = arith.constant 1 : i32
      %dma_start3A_337 = arith.constant 0 : i32
      %dma_start3A_338 = arith.constant 0 : i32
      %dma_start3A_339 = tpu.memref_slice %arg10[%dma_start3A_335, %dma_start3A_337, %dma_start3A_338] : memref<4x48x128xf32, #tpu.memory_space<vmem>> -> memref<1x48x128xf32, #tpu.memory_space<vmem>>
      %dma_start3A_340 = tpu.memref_squeeze %dma_start3A_339 : memref<1x48x128xf32, #tpu.memory_space<vmem>> -> memref<48x128xf32, #tpu.memory_space<vmem>>
      %dma_start3A_341 = arith.constant 0 : i32
      %dma_start3A_342 = tpu.memref_slice %arg9[%dma_start3A_336, %dma_start3A_341] : memref<4x48xi32, #tpu.memory_space<vmem>> -> memref<1x48xi32, #tpu.memory_space<vmem>>
      %dma_start3A_343 = tpu.memref_squeeze %dma_start3A_342 : memref<1x48xi32, #tpu.memory_space<vmem>> -> memref<48xi32, #tpu.memory_space<vmem>>
      %dma_start3A_344 = arith.constant 0 : i32
      %dma_start3A_345 = arith.constant 0 : i32
      %dma_start3A_346 = tpu.memref_slice %arg11[%dma_start3A_344, %dma_start3A_345] : memref<10240x128xf32, #tpu.memory_space<vmem_shared>> -> memref<10240x128xf32, #tpu.memory_space<vmem_shared>>
      tpu.enqueue_indirect_dma source(%dma_start3A_340 : memref<48x128xf32, #tpu.memory_space<vmem>>) target(%dma_start3A_346 : memref<10240x128xf32, #tpu.memory_space<vmem_shared>>) offsets(%dma_start3A_343 : memref<48xi32, #tpu.memory_space<vmem>>) semaphore(%arg17 : memref<!tpu.dma_semaphore, #tpu.memory_space<semaphore_mem>>) {add = true}
      %mul3A_347 = arith.constant 4 : i32
      %mul3A_348 = arith.muli %scan3A_140, %mul3A_347 : i32
      %add3A_349 = arith.constant 2 : i32
      %add3A_350 = arith.addi %mul3A_348, %add3A_349 : i32
      %gt3A_351 = arith.constant 0 : i32
      %gt3A_352 = arith.cmpi sgt, %scan3A_140, %gt3A_351 : i32
      %convert_element_type3A_353 = arith.extui %gt3A_352 : i1 to i32
      %cond3A_354 = arith.constant 0 : i32
      %cond3A_355 = arith.cmpi ne, %convert_element_type3A_353, %cond3A_354 : i32
      scf.if %cond3A_355 {
        %dma_wait3A_564 = arith.constant 3 : i32
        %dma_wait3A_565 = arith.constant 3 : i32
        %dma_wait3A_566 = arith.constant 0 : i32
        %dma_wait3A_567 = arith.constant 0 : i32
        %dma_wait3A_568 = tpu.memref_slice %arg10[%dma_wait3A_564, %dma_wait3A_566, %dma_wait3A_567] : memref<4x48x128xf32, #tpu.memory_space<vmem>> -> memref<1x48x128xf32, #tpu.memory_space<vmem>>
        %dma_wait3A_569 = tpu.memref_squeeze %dma_wait3A_568 : memref<1x48x128xf32, #tpu.memory_space<vmem>> -> memref<48x128xf32, #tpu.memory_space<vmem>>
        %dma_wait3A_570 = arith.constant 0 : i32
        %dma_wait3A_571 = tpu.memref_slice %arg9[%dma_wait3A_565, %dma_wait3A_570] : memref<4x48xi32, #tpu.memory_space<vmem>> -> memref<1x48xi32, #tpu.memory_space<vmem>>
        %dma_wait3A_572 = tpu.memref_squeeze %dma_wait3A_571 : memref<1x48xi32, #tpu.memory_space<vmem>> -> memref<48xi32, #tpu.memory_space<vmem>>
        %dma_wait3A_573 = arith.constant 0 : i32
        %dma_wait3A_574 = arith.constant 0 : i32
        %dma_wait3A_575 = tpu.memref_slice %arg11[%dma_wait3A_573, %dma_wait3A_574] : memref<10240x128xf32, #tpu.memory_space<vmem_shared>> -> memref<10240x128xf32, #tpu.memory_space<vmem_shared>>
        tpu.wait_indirect_dma semaphore(%arg19 : memref<!tpu.dma_semaphore, #tpu.memory_space<semaphore_mem>>) src(%dma_wait3A_569 : memref<48x128xf32, #tpu.memory_space<vmem>>) dst(%dma_wait3A_575 : memref<10240x128xf32, #tpu.memory_space<vmem_shared>>)
      } else {
      }
      %add3A_356 = arith.constant 1 : i32
      %add3A_357 = arith.addi %add3A_350, %add3A_356 : i32
      %mul3A_358 = arith.constant 48 : i32
      %mul3A_359 = arith.muli %add3A_357, %mul3A_358 : i32
      %add3A_360 = arith.constant 0 : i32
      %add3A_361 = arith.addi %mul3A_359, %add3A_360 : i32
      %get3A_362 = arith.index_cast %add3A_361 : i32 to index
      %get3A_363 = tpu.vector_load %arg7[%get3A_362] {strides = array<i32>} : memref<10032xi32, #tpu.memory_space<vmem>>, vector<16xi32>,
      %swap3A_364 = arith.constant 3 : i32
      %swap3A_365 = arith.index_cast %swap3A_364 : i32 to index
      %swap3A_366 = arith.constant 0 : index
      %swap3A_367 = tpu.vector_load %arg9[%swap3A_365, %swap3A_366] {strides = array<i32>} : memref<4x48xi32, #tpu.memory_space<vmem>>, vector<16xi32>,
      tpu.vector_store %arg9[%swap3A_365, %swap3A_366], %get3A_363 {strides = array<i32>} : memref<4x48xi32, #tpu.memory_space<vmem>>, vector<16xi32>,
      %add3A_368 = arith.constant 0 : i32
      %add3A_369 = arith.addi %mul3A_359, %add3A_368 : i32
      %get3A_370 = arith.index_cast %add3A_369 : i32 to index
      %get3A_371 = tpu.vector_load %arg6[%get3A_370] {strides = array<i32>} : memref<10032xi32, #tpu.memory_space<vmem>>, vector<16xi32>,
      %swap3A_372 = arith.constant 3 : i32
      %swap3A_373 = arith.index_cast %swap3A_372 : i32 to index
      %swap3A_374 = arith.constant 0 : index
      %swap3A_375 = tpu.vector_load %arg8[%swap3A_373, %swap3A_374] {strides = array<i32>} : memref<4x48xi32, #tpu.memory_space<vmem>>, vector<16xi32>,
      tpu.vector_store %arg8[%swap3A_373, %swap3A_374], %get3A_371 {strides = array<i32>} : memref<4x48xi32, #tpu.memory_space<vmem>>, vector<16xi32>,
      %add3A_376 = arith.constant 16 : i32
      %add3A_377 = arith.addi %mul3A_359, %add3A_376 : i32
      %get3A_378 = arith.index_cast %add3A_377 : i32 to index
      %get3A_379 = tpu.vector_load %arg7[%get3A_378] {strides = array<i32>} : memref<10032xi32, #tpu.memory_space<vmem>>, vector<16xi32>,
      %swap3A_380 = arith.constant 3 : i32
      %swap3A_381 = arith.index_cast %swap3A_380 : i32 to index
      %swap3A_382 = arith.constant 16 : index
      %swap3A_383 = tpu.vector_load %arg9[%swap3A_381, %swap3A_382] {strides = array<i32>} : memref<4x48xi32, #tpu.memory_space<vmem>>, vector<16xi32>,
      tpu.vector_store %arg9[%swap3A_381, %swap3A_382], %get3A_379 {strides = array<i32>} : memref<4x48xi32, #tpu.memory_space<vmem>>, vector<16xi32>,
      %add3A_384 = arith.constant 16 : i32
      %add3A_385 = arith.addi %mul3A_359, %add3A_384 : i32
      %get3A_386 = arith.index_cast %add3A_385 : i32 to index
      %get3A_387 = tpu.vector_load %arg6[%get3A_386] {strides = array<i32>} : memref<10032xi32, #tpu.memory_space<vmem>>, vector<16xi32>,
      %swap3A_388 = arith.constant 3 : i32
      %swap3A_389 = arith.index_cast %swap3A_388 : i32 to index
      %swap3A_390 = arith.constant 16 : index
      %swap3A_391 = tpu.vector_load %arg8[%swap3A_389, %swap3A_390] {strides = array<i32>} : memref<4x48xi32, #tpu.memory_space<vmem>>, vector<16xi32>,
      tpu.vector_store %arg8[%swap3A_389, %swap3A_390], %get3A_387 {strides = array<i32>} : memref<4x48xi32, #tpu.memory_space<vmem>>, vector<16xi32>,
      %add3A_392 = arith.constant 32 : i32
      %add3A_393 = arith.addi %mul3A_359, %add3A_392 : i32
      %get3A_394 = arith.index_cast %add3A_393 : i32 to index
      %get3A_395 = tpu.vector_load %arg7[%get3A_394] {strides = array<i32>} : memref<10032xi32, #tpu.memory_space<vmem>>, vector<16xi32>,
      %swap3A_396 = arith.constant 3 : i32
      %swap3A_397 = arith.index_cast %swap3A_396 : i32 to index
      %swap3A_398 = arith.constant 32 : index
      %swap3A_399 = tpu.vector_load %arg9[%swap3A_397, %swap3A_398] {strides = array<i32>} : memref<4x48xi32, #tpu.memory_space<vmem>>, vector<16xi32>,
      tpu.vector_store %arg9[%swap3A_397, %swap3A_398], %get3A_395 {strides = array<i32>} : memref<4x48xi32, #tpu.memory_space<vmem>>, vector<16xi32>,
      %add3A_400 = arith.constant 32 : i32
      %add3A_401 = arith.addi %mul3A_359, %add3A_400 : i32
      %get3A_402 = arith.index_cast %add3A_401 : i32 to index
      %get3A_403 = tpu.vector_load %arg6[%get3A_402] {strides = array<i32>} : memref<10032xi32, #tpu.memory_space<vmem>>, vector<16xi32>,
      %swap3A_404 = arith.constant 3 : i32
      %swap3A_405 = arith.index_cast %swap3A_404 : i32 to index
      %swap3A_406 = arith.constant 32 : index
      %swap3A_407 = tpu.vector_load %arg8[%swap3A_405, %swap3A_406] {strides = array<i32>} : memref<4x48xi32, #tpu.memory_space<vmem>>, vector<16xi32>,
      tpu.vector_store %arg8[%swap3A_405, %swap3A_406], %get3A_403 {strides = array<i32>} : memref<4x48xi32, #tpu.memory_space<vmem>>, vector<16xi32>,
      %dma_start3A_408 = arith.constant 3 : i32
      %dma_start3A_409 = arith.constant 3 : i32
      %dma_start3A_410 = arith.constant 0 : i32
      %dma_start3A_411 = arith.constant 0 : i32
      %dma_start3A_412 = tpu.memref_slice %arg10[%dma_start3A_409, %dma_start3A_410, %dma_start3A_411] : memref<4x48x128xf32, #tpu.memory_space<vmem>> -> memref<1x48x128xf32, #tpu.memory_space<vmem>>
      %dma_start3A_413 = tpu.memref_squeeze %dma_start3A_412 : memref<1x48x128xf32, #tpu.memory_space<vmem>> -> memref<48x128xf32, #tpu.memory_space<vmem>>
      %dma_start3A_414 = arith.constant 0 : i32
      %dma_start3A_415 = tpu.memref_slice %arg8[%dma_start3A_408, %dma_start3A_414] : memref<4x48xi32, #tpu.memory_space<vmem>> -> memref<1x48xi32, #tpu.memory_space<vmem>>
      %dma_start3A_416 = tpu.memref_squeeze %dma_start3A_415 : memref<1x48xi32, #tpu.memory_space<vmem>> -> memref<48xi32, #tpu.memory_space<vmem>>
      %dma_start3A_417 = arith.constant 0 : i32
      %dma_start3A_418 = arith.constant 0 : i32
      %dma_start3A_419 = tpu.memref_slice %arg2[%arg0, %dma_start3A_417, %dma_start3A_418] : memref<2x10240x128xf32, #tpu.memory_space<hbm>> -> memref<1x10240x128xf32, #tpu.memory_space<hbm>>
      %dma_start3A_420 = tpu.memref_squeeze %dma_start3A_419 : memref<1x10240x128xf32, #tpu.memory_space<hbm>> -> memref<10240x128xf32, #tpu.memory_space<hbm>>
      %dma_start3A_421 = arith.constant 0 : i32
      %dma_start3A_422 = arith.constant 0 : i32
      %dma_start3A_423 = tpu.memref_slice %dma_start3A_420[%dma_start3A_421, %dma_start3A_422] : memref<10240x128xf32, #tpu.memory_space<hbm>> -> memref<10240x128xf32, #tpu.memory_space<hbm>>
      tpu.enqueue_indirect_dma source(%dma_start3A_423 : memref<10240x128xf32, #tpu.memory_space<hbm>>) target(%dma_start3A_413 : memref<48x128xf32, #tpu.memory_space<vmem>>) offsets(%dma_start3A_416 : memref<48xi32, #tpu.memory_space<vmem>>) semaphore(%arg15 : memref<!tpu.dma_semaphore, #tpu.memory_space<semaphore_mem>>)
      %dma_wait3A_424 = arith.constant 2 : i32
      %dma_wait3A_425 = arith.constant 2 : i32
      %dma_wait3A_426 = arith.constant 0 : i32
      %dma_wait3A_427 = arith.constant 0 : i32
      %dma_wait3A_428 = tpu.memref_slice %arg10[%dma_wait3A_425, %dma_wait3A_426, %dma_wait3A_427] : memref<4x48x128xf32, #tpu.memory_space<vmem>> -> memref<1x48x128xf32, #tpu.memory_space<vmem>>
      %dma_wait3A_429 = tpu.memref_squeeze %dma_wait3A_428 : memref<1x48x128xf32, #tpu.memory_space<vmem>> -> memref<48x128xf32, #tpu.memory_space<vmem>>
      %dma_wait3A_430 = arith.constant 0 : i32
      %dma_wait3A_431 = tpu.memref_slice %arg8[%dma_wait3A_424, %dma_wait3A_430] : memref<4x48xi32, #tpu.memory_space<vmem>> -> memref<1x48xi32, #tpu.memory_space<vmem>>
      %dma_wait3A_432 = tpu.memref_squeeze %dma_wait3A_431 : memref<1x48xi32, #tpu.memory_space<vmem>> -> memref<48xi32, #tpu.memory_space<vmem>>
      %dma_wait3A_433 = arith.constant 0 : i32
      %dma_wait3A_434 = arith.constant 0 : i32
      %dma_wait3A_435 = tpu.memref_slice %arg2[%arg0, %dma_wait3A_433, %dma_wait3A_434] : memref<2x10240x128xf32, #tpu.memory_space<hbm>> -> memref<1x10240x128xf32, #tpu.memory_space<hbm>>
      %dma_wait3A_436 = tpu.memref_squeeze %dma_wait3A_435 : memref<1x10240x128xf32, #tpu.memory_space<hbm>> -> memref<10240x128xf32, #tpu.memory_space<hbm>>
      %dma_wait3A_437 = arith.constant 0 : i32
      %dma_wait3A_438 = arith.constant 0 : i32
      %dma_wait3A_439 = tpu.memref_slice %dma_wait3A_436[%dma_wait3A_437, %dma_wait3A_438] : memref<10240x128xf32, #tpu.memory_space<hbm>> -> memref<10240x128xf32, #tpu.memory_space<hbm>>
      tpu.wait_indirect_dma semaphore(%arg14 : memref<!tpu.dma_semaphore, #tpu.memory_space<semaphore_mem>>) src(%dma_wait3A_439 : memref<10240x128xf32, #tpu.memory_space<hbm>>) dst(%dma_wait3A_429 : memref<48x128xf32, #tpu.memory_space<vmem>>)
      %dma_start3A_440 = arith.constant 2 : i32
      %dma_start3A_441 = arith.constant 2 : i32
      %dma_start3A_442 = arith.constant 0 : i32
      %dma_start3A_443 = arith.constant 0 : i32
      %dma_start3A_444 = tpu.memref_slice %arg10[%dma_start3A_440, %dma_start3A_442, %dma_start3A_443] : memref<4x48x128xf32, #tpu.memory_space<vmem>> -> memref<1x48x128xf32, #tpu.memory_space<vmem>>
      %dma_start3A_445 = tpu.memref_squeeze %dma_start3A_444 : memref<1x48x128xf32, #tpu.memory_space<vmem>> -> memref<48x128xf32, #tpu.memory_space<vmem>>
      %dma_start3A_446 = arith.constant 0 : i32
      %dma_start3A_447 = tpu.memref_slice %arg9[%dma_start3A_441, %dma_start3A_446] : memref<4x48xi32, #tpu.memory_space<vmem>> -> memref<1x48xi32, #tpu.memory_space<vmem>>
      %dma_start3A_448 = tpu.memref_squeeze %dma_start3A_447 : memref<1x48xi32, #tpu.memory_space<vmem>> -> memref<48xi32, #tpu.memory_space<vmem>>
      %dma_start3A_449 = arith.constant 0 : i32
      %dma_start3A_450 = arith.constant 0 : i32
      %dma_start3A_451 = tpu.memref_slice %arg11[%dma_start3A_449, %dma_start3A_450] : memref<10240x128xf32, #tpu.memory_space<vmem_shared>> -> memref<10240x128xf32, #tpu.memory_space<vmem_shared>>
      tpu.enqueue_indirect_dma source(%dma_start3A_445 : memref<48x128xf32, #tpu.memory_space<vmem>>) target(%dma_start3A_451 : memref<10240x128xf32, #tpu.memory_space<vmem_shared>>) offsets(%dma_start3A_448 : memref<48xi32, #tpu.memory_space<vmem>>) semaphore(%arg18 : memref<!tpu.dma_semaphore, #tpu.memory_space<semaphore_mem>>) {add = true}
      %mul3A_452 = arith.constant 4 : i32
      %mul3A_453 = arith.muli %scan3A_140, %mul3A_452 : i32
      %add3A_454 = arith.constant 3 : i32
      %add3A_455 = arith.addi %mul3A_453, %add3A_454 : i32
      %dma_wait3A_456 = arith.constant 0 : i32
      %dma_wait3A_457 = arith.constant 0 : i32
      %dma_wait3A_458 = arith.constant 0 : i32
      %dma_wait3A_459 = arith.constant 0 : i32
      %dma_wait3A_460 = tpu.memref_slice %arg10[%dma_wait3A_456, %dma_wait3A_458, %dma_wait3A_459] : memref<4x48x128xf32, #tpu.memory_space<vmem>> -> memref<1x48x128xf32, #tpu.memory_space<vmem>>
      %dma_wait3A_461 = tpu.memref_squeeze %dma_wait3A_460 : memref<1x48x128xf32, #tpu.memory_space<vmem>> -> memref<48x128xf32, #tpu.memory_space<vmem>>
      %dma_wait3A_462 = arith.constant 0 : i32
      %dma_wait3A_463 = tpu.memref_slice %arg9[%dma_wait3A_457, %dma_wait3A_462] : memref<4x48xi32, #tpu.memory_space<vmem>> -> memref<1x48xi32, #tpu.memory_space<vmem>>
      %dma_wait3A_464 = tpu.memref_squeeze %dma_wait3A_463 : memref<1x48xi32, #tpu.memory_space<vmem>> -> memref<48xi32, #tpu.memory_space<vmem>>
      %dma_wait3A_465 = arith.constant 0 : i32
      %dma_wait3A_466 = arith.constant 0 : i32
      %dma_wait3A_467 = tpu.memref_slice %arg11[%dma_wait3A_465, %dma_wait3A_466] : memref<10240x128xf32, #tpu.memory_space<vmem_shared>> -> memref<10240x128xf32, #tpu.memory_space<vmem_shared>>
      tpu.wait_indirect_dma semaphore(%arg16 : memref<!tpu.dma_semaphore, #tpu.memory_space<semaphore_mem>>) src(%dma_wait3A_461 : memref<48x128xf32, #tpu.memory_space<vmem>>) dst(%dma_wait3A_467 : memref<10240x128xf32, #tpu.memory_space<vmem_shared>>)
      %add3A_468 = arith.constant 1 : i32
      %add3A_469 = arith.addi %add3A_455, %add3A_468 : i32
      %mul3A_470 = arith.constant 48 : i32
      %mul3A_471 = arith.muli %add3A_469, %mul3A_470 : i32
      %add3A_472 = arith.constant 0 : i32
      %add3A_473 = arith.addi %mul3A_471, %add3A_472 : i32
      %get3A_474 = arith.index_cast %add3A_473 : i32 to index
      %get3A_475 = tpu.vector_load %arg7[%get3A_474] {strides = array<i32>} : memref<10032xi32, #tpu.memory_space<vmem>>, vector<16xi32>,
      %swap3A_476 = arith.constant 0 : i32
      %swap3A_477 = arith.index_cast %swap3A_476 : i32 to index
      %swap3A_478 = arith.constant 0 : index
      %swap3A_479 = tpu.vector_load %arg9[%swap3A_477, %swap3A_478] {strides = array<i32>} : memref<4x48xi32, #tpu.memory_space<vmem>>, vector<16xi32>,
      tpu.vector_store %arg9[%swap3A_477, %swap3A_478], %get3A_475 {strides = array<i32>} : memref<4x48xi32, #tpu.memory_space<vmem>>, vector<16xi32>,
      %add3A_480 = arith.constant 0 : i32
      %add3A_481 = arith.addi %mul3A_471, %add3A_480 : i32
      %get3A_482 = arith.index_cast %add3A_481 : i32 to index
      %get3A_483 = tpu.vector_load %arg6[%get3A_482] {strides = array<i32>} : memref<10032xi32, #tpu.memory_space<vmem>>, vector<16xi32>,
      %swap3A_484 = arith.constant 0 : i32
      %swap3A_485 = arith.index_cast %swap3A_484 : i32 to index
      %swap3A_486 = arith.constant 0 : index
      %swap3A_487 = tpu.vector_load %arg8[%swap3A_485, %swap3A_486] {strides = array<i32>} : memref<4x48xi32, #tpu.memory_space<vmem>>, vector<16xi32>,
      tpu.vector_store %arg8[%swap3A_485, %swap3A_486], %get3A_483 {strides = array<i32>} : memref<4x48xi32, #tpu.memory_space<vmem>>, vector<16xi32>,
      %add3A_488 = arith.constant 16 : i32
      %add3A_489 = arith.addi %mul3A_471, %add3A_488 : i32
      %get3A_490 = arith.index_cast %add3A_489 : i32 to index
      %get3A_491 = tpu.vector_load %arg7[%get3A_490] {strides = array<i32>} : memref<10032xi32, #tpu.memory_space<vmem>>, vector<16xi32>,
      %swap3A_492 = arith.constant 0 : i32
      %swap3A_493 = arith.index_cast %swap3A_492 : i32 to index
      %swap3A_494 = arith.constant 16 : index
      %swap3A_495 = tpu.vector_load %arg9[%swap3A_493, %swap3A_494] {strides = array<i32>} : memref<4x48xi32, #tpu.memory_space<vmem>>, vector<16xi32>,
      tpu.vector_store %arg9[%swap3A_493, %swap3A_494], %get3A_491 {strides = array<i32>} : memref<4x48xi32, #tpu.memory_space<vmem>>, vector<16xi32>,
      %add3A_496 = arith.constant 16 : i32
      %add3A_497 = arith.addi %mul3A_471, %add3A_496 : i32
      %get3A_498 = arith.index_cast %add3A_497 : i32 to index
      %get3A_499 = tpu.vector_load %arg6[%get3A_498] {strides = array<i32>} : memref<10032xi32, #tpu.memory_space<vmem>>, vector<16xi32>,
      %swap3A_500 = arith.constant 0 : i32
      %swap3A_501 = arith.index_cast %swap3A_500 : i32 to index
      %swap3A_502 = arith.constant 16 : index
      %swap3A_503 = tpu.vector_load %arg8[%swap3A_501, %swap3A_502] {strides = array<i32>} : memref<4x48xi32, #tpu.memory_space<vmem>>, vector<16xi32>,
      tpu.vector_store %arg8[%swap3A_501, %swap3A_502], %get3A_499 {strides = array<i32>} : memref<4x48xi32, #tpu.memory_space<vmem>>, vector<16xi32>,
      %add3A_504 = arith.constant 32 : i32
      %add3A_505 = arith.addi %mul3A_471, %add3A_504 : i32
      %get3A_506 = arith.index_cast %add3A_505 : i32 to index
      %get3A_507 = tpu.vector_load %arg7[%get3A_506] {strides = array<i32>} : memref<10032xi32, #tpu.memory_space<vmem>>, vector<16xi32>,
      %swap3A_508 = arith.constant 0 : i32
      %swap3A_509 = arith.index_cast %swap3A_508 : i32 to index
      %swap3A_510 = arith.constant 32 : index
      %swap3A_511 = tpu.vector_load %arg9[%swap3A_509, %swap3A_510] {strides = array<i32>} : memref<4x48xi32, #tpu.memory_space<vmem>>, vector<16xi32>,
      tpu.vector_store %arg9[%swap3A_509, %swap3A_510], %get3A_507 {strides = array<i32>} : memref<4x48xi32, #tpu.memory_space<vmem>>, vector<16xi32>,
      %add3A_512 = arith.constant 32 : i32
      %add3A_513 = arith.addi %mul3A_471, %add3A_512 : i32
      %get3A_514 = arith.index_cast %add3A_513 : i32 to index
      %get3A_515 = tpu.vector_load %arg6[%get3A_514] {strides = array<i32>} : memref<10032xi32, #tpu.memory_space<vmem>>, vector<16xi32>,
      %swap3A_516 = arith.constant 0 : i32
      %swap3A_517 = arith.index_cast %swap3A_516 : i32 to index
      %swap3A_518 = arith.constant 32 : index
      %swap3A_519 = tpu.vector_load %arg8[%swap3A_517, %swap3A_518] {strides = array<i32>} : memref<4x48xi32, #tpu.memory_space<vmem>>, vector<16xi32>,
      tpu.vector_store %arg8[%swap3A_517, %swap3A_518], %get3A_515 {strides = array<i32>} : memref<4x48xi32, #tpu.memory_space<vmem>>, vector<16xi32>,
      %dma_start3A_520 = arith.constant 0 : i32
      %dma_start3A_521 = arith.constant 0 : i32
      %dma_start3A_522 = arith.constant 0 : i32
      %dma_start3A_523 = arith.constant 0 : i32
      %dma_start3A_524 = tpu.memref_slice %arg10[%dma_start3A_521, %dma_start3A_522, %dma_start3A_523] : memref<4x48x128xf32, #tpu.memory_space<vmem>> -> memref<1x48x128xf32, #tpu.memory_space<vmem>>
      %dma_start3A_525 = tpu.memref_squeeze %dma_start3A_524 : memref<1x48x128xf32, #tpu.memory_space<vmem>> -> memref<48x128xf32, #tpu.memory_space<vmem>>
      %dma_start3A_526 = arith.constant 0 : i32
      %dma_start3A_527 = tpu.memref_slice %arg8[%dma_start3A_520, %dma_start3A_526] : memref<4x48xi32, #tpu.memory_space<vmem>> -> memref<1x48xi32, #tpu.memory_space<vmem>>
      %dma_start3A_528 = tpu.memref_squeeze %dma_start3A_527 : memref<1x48xi32, #tpu.memory_space<vmem>> -> memref<48xi32, #tpu.memory_space<vmem>>
      %dma_start3A_529 = arith.constant 0 : i32
      %dma_start3A_530 = arith.constant 0 : i32
      %dma_start3A_531 = tpu.memref_slice %arg2[%arg0, %dma_start3A_529, %dma_start3A_530] : memref<2x10240x128xf32, #tpu.memory_space<hbm>> -> memref<1x10240x128xf32, #tpu.memory_space<hbm>>
      %dma_start3A_532 = tpu.memref_squeeze %dma_start3A_531 : memref<1x10240x128xf32, #tpu.memory_space<hbm>> -> memref<10240x128xf32, #tpu.memory_space<hbm>>
      %dma_start3A_533 = arith.constant 0 : i32
      %dma_start3A_534 = arith.constant 0 : i32
      %dma_start3A_535 = tpu.memref_slice %dma_start3A_532[%dma_start3A_533, %dma_start3A_534] : memref<10240x128xf32, #tpu.memory_space<hbm>> -> memref<10240x128xf32, #tpu.memory_space<hbm>>
      tpu.enqueue_indirect_dma source(%dma_start3A_535 : memref<10240x128xf32, #tpu.memory_space<hbm>>) target(%dma_start3A_525 : memref<48x128xf32, #tpu.memory_space<vmem>>) offsets(%dma_start3A_528 : memref<48xi32, #tpu.memory_space<vmem>>) semaphore(%arg12 : memref<!tpu.dma_semaphore, #tpu.memory_space<semaphore_mem>>)
      %dma_wait3A_536 = arith.constant 3 : i32
      %dma_wait3A_537 = arith.constant 3 : i32
      %dma_wait3A_538 = arith.constant 0 : i32
      %dma_wait3A_539 = arith.constant 0 : i32
      %dma_wait3A_540 = tpu.memref_slice %arg10[%dma_wait3A_537, %dma_wait3A_538, %dma_wait3A_539] : memref<4x48x128xf32, #tpu.memory_space<vmem>> -> memref<1x48x128xf32, #tpu.memory_space<vmem>>
      %dma_wait3A_541 = tpu.memref_squeeze %dma_wait3A_540 : memref<1x48x128xf32, #tpu.memory_space<vmem>> -> memref<48x128xf32, #tpu.memory_space<vmem>>
      %dma_wait3A_542 = arith.constant 0 : i32
      %dma_wait3A_543 = tpu.memref_slice %arg8[%dma_wait3A_536, %dma_wait3A_542] : memref<4x48xi32, #tpu.memory_space<vmem>> -> memref<1x48xi32, #tpu.memory_space<vmem>>
      %dma_wait3A_544 = tpu.memref_squeeze %dma_wait3A_543 : memref<1x48xi32, #tpu.memory_space<vmem>> -> memref<48xi32, #tpu.memory_space<vmem>>
      %dma_wait3A_545 = arith.constant 0 : i32
      %dma_wait3A_546 = arith.constant 0 : i32
      %dma_wait3A_547 = tpu.memref_slice %arg2[%arg0, %dma_wait3A_545, %dma_wait3A_546] : memref<2x10240x128xf32, #tpu.memory_space<hbm>> -> memref<1x10240x128xf32, #tpu.memory_space<hbm>>
      %dma_wait3A_548 = tpu.memref_squeeze %dma_wait3A_547 : memref<1x10240x128xf32, #tpu.memory_space<hbm>> -> memref<10240x128xf32, #tpu.memory_space<hbm>>
      %dma_wait3A_549 = arith.constant 0 : i32
      %dma_wait3A_550 = arith.constant 0 : i32
      %dma_wait3A_551 = tpu.memref_slice %dma_wait3A_548[%dma_wait3A_549, %dma_wait3A_550] : memref<10240x128xf32, #tpu.memory_space<hbm>> -> memref<10240x128xf32, #tpu.memory_space<hbm>>
      tpu.wait_indirect_dma semaphore(%arg15 : memref<!tpu.dma_semaphore, #tpu.memory_space<semaphore_mem>>) src(%dma_wait3A_551 : memref<10240x128xf32, #tpu.memory_space<hbm>>) dst(%dma_wait3A_541 : memref<48x128xf32, #tpu.memory_space<vmem>>)
      %dma_start3A_552 = arith.constant 3 : i32
      %dma_start3A_553 = arith.constant 3 : i32
      %dma_start3A_554 = arith.constant 0 : i32
      %dma_start3A_555 = arith.constant 0 : i32
      %dma_start3A_556 = tpu.memref_slice %arg10[%dma_start3A_552, %dma_start3A_554, %dma_start3A_555] : memref<4x48x128xf32, #tpu.memory_space<vmem>> -> memref<1x48x128xf32, #tpu.memory_space<vmem>>
      %dma_start3A_557 = tpu.memref_squeeze %dma_start3A_556 : memref<1x48x128xf32, #tpu.memory_space<vmem>> -> memref<48x128xf32, #tpu.memory_space<vmem>>
      %dma_start3A_558 = arith.constant 0 : i32
      %dma_start3A_559 = tpu.memref_slice %arg9[%dma_start3A_553, %dma_start3A_558] : memref<4x48xi32, #tpu.memory_space<vmem>> -> memref<1x48xi32, #tpu.memory_space<vmem>>
      %dma_start3A_560 = tpu.memref_squeeze %dma_start3A_559 : memref<1x48xi32, #tpu.memory_space<vmem>> -> memref<48xi32, #tpu.memory_space<vmem>>
      %dma_start3A_561 = arith.constant 0 : i32
      %dma_start3A_562 = arith.constant 0 : i32
      %dma_start3A_563 = tpu.memref_slice %arg11[%dma_start3A_561, %dma_start3A_562] : memref<10240x128xf32, #tpu.memory_space<vmem_shared>> -> memref<10240x128xf32, #tpu.memory_space<vmem_shared>>
      tpu.enqueue_indirect_dma source(%dma_start3A_557 : memref<48x128xf32, #tpu.memory_space<vmem>>) target(%dma_start3A_563 : memref<10240x128xf32, #tpu.memory_space<vmem_shared>>) offsets(%dma_start3A_560 : memref<48xi32, #tpu.memory_space<vmem>>) semaphore(%arg19 : memref<!tpu.dma_semaphore, #tpu.memory_space<semaphore_mem>>) {add = true}
    }
    %scan3A_59 = arith.constant 52 : i32
    %dma_wait3A = arith.constant 0 : i32
    %dma_wait3A_60 = arith.constant 0 : i32
    %dma_wait3A_61 = arith.constant 0 : i32
    %dma_wait3A_62 = arith.constant 0 : i32
    %dma_wait3A_63 = tpu.memref_slice %arg10[%dma_wait3A_60, %dma_wait3A_61, %dma_wait3A_62] : memref<4x48x128xf32, #tpu.memory_space<vmem>> -> memref<1x48x128xf32, #tpu.memory_space<vmem>>
    %dma_wait3A_64 = tpu.memref_squeeze %dma_wait3A_63 : memref<1x48x128xf32, #tpu.memory_space<vmem>> -> memref<48x128xf32, #tpu.memory_space<vmem>>
    %dma_wait3A_65 = arith.constant 0 : i32
    %dma_wait3A_66 = tpu.memref_slice %arg8[%dma_wait3A, %dma_wait3A_65] : memref<4x48xi32, #tpu.memory_space<vmem>> -> memref<1x48xi32, #tpu.memory_space<vmem>>
    %dma_wait3A_67 = tpu.memref_squeeze %dma_wait3A_66 : memref<1x48xi32, #tpu.memory_space<vmem>> -> memref<48xi32, #tpu.memory_space<vmem>>
    %dma_wait3A_68 = arith.constant 0 : i32
    %dma_wait3A_69 = arith.constant 0 : i32
    %dma_wait3A_70 = tpu.memref_slice %arg2[%arg0, %dma_wait3A_68, %dma_wait3A_69] : memref<2x10240x128xf32, #tpu.memory_space<hbm>> -> memref<1x10240x128xf32, #tpu.memory_space<hbm>>
    %dma_wait3A_71 = tpu.memref_squeeze %dma_wait3A_70 : memref<1x10240x128xf32, #tpu.memory_space<hbm>> -> memref<10240x128xf32, #tpu.memory_space<hbm>>
    %dma_wait3A_72 = arith.constant 0 : i32
    %dma_wait3A_73 = arith.constant 0 : i32
    %dma_wait3A_74 = tpu.memref_slice %dma_wait3A_71[%dma_wait3A_72, %dma_wait3A_73] : memref<10240x128xf32, #tpu.memory_space<hbm>> -> memref<10240x128xf32, #tpu.memory_space<hbm>>
    tpu.wait_indirect_dma semaphore(%arg12 : memref<!tpu.dma_semaphore, #tpu.memory_space<semaphore_mem>>) src(%dma_wait3A_74 : memref<10240x128xf32, #tpu.memory_space<hbm>>) dst(%dma_wait3A_64 : memref<48x128xf32, #tpu.memory_space<vmem>>)
    %dma_start3A_75 = arith.constant 0 : i32
    %dma_start3A_76 = arith.constant 0 : i32
    %dma_start3A_77 = arith.constant 0 : i32
    %dma_start3A_78 = arith.constant 0 : i32
    %dma_start3A_79 = tpu.memref_slice %arg10[%dma_start3A_75, %dma_start3A_77, %dma_start3A_78] : memref<4x48x128xf32, #tpu.memory_space<vmem>> -> memref<1x48x128xf32, #tpu.memory_space<vmem>>
    %dma_start3A_80 = tpu.memref_squeeze %dma_start3A_79 : memref<1x48x128xf32, #tpu.memory_space<vmem>> -> memref<48x128xf32, #tpu.memory_space<vmem>>
    %dma_start3A_81 = arith.constant 0 : i32
    %dma_start3A_82 = tpu.memref_slice %arg9[%dma_start3A_76, %dma_start3A_81] : memref<4x48xi32, #tpu.memory_space<vmem>> -> memref<1x48xi32, #tpu.memory_space<vmem>>
    %dma_start3A_83 = tpu.memref_squeeze %dma_start3A_82 : memref<1x48xi32, #tpu.memory_space<vmem>> -> memref<48xi32, #tpu.memory_space<vmem>>
    %dma_start3A_84 = arith.constant 0 : i32
    %dma_start3A_85 = arith.constant 0 : i32
    %dma_start3A_86 = tpu.memref_slice %arg11[%dma_start3A_84, %dma_start3A_85] : memref<10240x128xf32, #tpu.memory_space<vmem_shared>> -> memref<10240x128xf32, #tpu.memory_space<vmem_shared>>
    tpu.enqueue_indirect_dma source(%dma_start3A_80 : memref<48x128xf32, #tpu.memory_space<vmem>>) target(%dma_start3A_86 : memref<10240x128xf32, #tpu.memory_space<vmem_shared>>) offsets(%dma_start3A_83 : memref<48xi32, #tpu.memory_space<vmem>>) semaphore(%arg16 : memref<!tpu.dma_semaphore, #tpu.memory_space<semaphore_mem>>) {add = true}
    %dma_wait3A_87 = arith.constant 1 : i32
    %dma_wait3A_88 = arith.constant 1 : i32
    %dma_wait3A_89 = arith.constant 0 : i32
    %dma_wait3A_90 = arith.constant 0 : i32
    %dma_wait3A_91 = tpu.memref_slice %arg10[%dma_wait3A_87, %dma_wait3A_89, %dma_wait3A_90] : memref<4x48x128xf32, #tpu.memory_space<vmem>> -> memref<1x48x128xf32, #tpu.memory_space<vmem>>
    %dma_wait3A_92 = tpu.memref_squeeze %dma_wait3A_91 : memref<1x48x128xf32, #tpu.memory_space<vmem>> -> memref<48x128xf32, #tpu.memory_space<vmem>>
    %dma_wait3A_93 = arith.constant 0 : i32
    %dma_wait3A_94 = tpu.memref_slice %arg9[%dma_wait3A_88, %dma_wait3A_93] : memref<4x48xi32, #tpu.memory_space<vmem>> -> memref<1x48xi32, #tpu.memory_space<vmem>>
    %dma_wait3A_95 = tpu.memref_squeeze %dma_wait3A_94 : memref<1x48xi32, #tpu.memory_space<vmem>> -> memref<48xi32, #tpu.memory_space<vmem>>
    %dma_wait3A_96 = arith.constant 0 : i32
    %dma_wait3A_97 = arith.constant 0 : i32
    %dma_wait3A_98 = tpu.memref_slice %arg11[%dma_wait3A_96, %dma_wait3A_97] : memref<10240x128xf32, #tpu.memory_space<vmem_shared>> -> memref<10240x128xf32, #tpu.memory_space<vmem_shared>>
    tpu.wait_indirect_dma semaphore(%arg17 : memref<!tpu.dma_semaphore, #tpu.memory_space<semaphore_mem>>) src(%dma_wait3A_92 : memref<48x128xf32, #tpu.memory_space<vmem>>) dst(%dma_wait3A_98 : memref<10240x128xf32, #tpu.memory_space<vmem_shared>>)
    %dma_wait3A_99 = arith.constant 2 : i32
    %dma_wait3A_100 = arith.constant 2 : i32
    %dma_wait3A_101 = arith.constant 0 : i32
    %dma_wait3A_102 = arith.constant 0 : i32
    %dma_wait3A_103 = tpu.memref_slice %arg10[%dma_wait3A_99, %dma_wait3A_101, %dma_wait3A_102] : memref<4x48x128xf32, #tpu.memory_space<vmem>> -> memref<1x48x128xf32, #tpu.memory_space<vmem>>
    %dma_wait3A_104 = tpu.memref_squeeze %dma_wait3A_103 : memref<1x48x128xf32, #tpu.memory_space<vmem>> -> memref<48x128xf32, #tpu.memory_space<vmem>>
    %dma_wait3A_105 = arith.constant 0 : i32
    %dma_wait3A_106 = tpu.memref_slice %arg9[%dma_wait3A_100, %dma_wait3A_105] : memref<4x48xi32, #tpu.memory_space<vmem>> -> memref<1x48xi32, #tpu.memory_space<vmem>>
    %dma_wait3A_107 = tpu.memref_squeeze %dma_wait3A_106 : memref<1x48xi32, #tpu.memory_space<vmem>> -> memref<48xi32, #tpu.memory_space<vmem>>
    %dma_wait3A_108 = arith.constant 0 : i32
    %dma_wait3A_109 = arith.constant 0 : i32
    %dma_wait3A_110 = tpu.memref_slice %arg11[%dma_wait3A_108, %dma_wait3A_109] : memref<10240x128xf32, #tpu.memory_space<vmem_shared>> -> memref<10240x128xf32, #tpu.memory_space<vmem_shared>>
    tpu.wait_indirect_dma semaphore(%arg18 : memref<!tpu.dma_semaphore, #tpu.memory_space<semaphore_mem>>) src(%dma_wait3A_104 : memref<48x128xf32, #tpu.memory_space<vmem>>) dst(%dma_wait3A_110 : memref<10240x128xf32, #tpu.memory_space<vmem_shared>>)
    %dma_wait3A_111 = arith.constant 3 : i32
    %dma_wait3A_112 = arith.constant 3 : i32
    %dma_wait3A_113 = arith.constant 0 : i32
    %dma_wait3A_114 = arith.constant 0 : i32
    %dma_wait3A_115 = tpu.memref_slice %arg10[%dma_wait3A_111, %dma_wait3A_113, %dma_wait3A_114] : memref<4x48x128xf32, #tpu.memory_space<vmem>> -> memref<1x48x128xf32, #tpu.memory_space<vmem>>
    %dma_wait3A_116 = tpu.memref_squeeze %dma_wait3A_115 : memref<1x48x128xf32, #tpu.memory_space<vmem>> -> memref<48x128xf32, #tpu.memory_space<vmem>>
    %dma_wait3A_117 = arith.constant 0 : i32
    %dma_wait3A_118 = tpu.memref_slice %arg9[%dma_wait3A_112, %dma_wait3A_117] : memref<4x48xi32, #tpu.memory_space<vmem>> -> memref<1x48xi32, #tpu.memory_space<vmem>>
    %dma_wait3A_119 = tpu.memref_squeeze %dma_wait3A_118 : memref<1x48xi32, #tpu.memory_space<vmem>> -> memref<48xi32, #tpu.memory_space<vmem>>
    %dma_wait3A_120 = arith.constant 0 : i32
    %dma_wait3A_121 = arith.constant 0 : i32
    %dma_wait3A_122 = tpu.memref_slice %arg11[%dma_wait3A_120, %dma_wait3A_121] : memref<10240x128xf32, #tpu.memory_space<vmem_shared>> -> memref<10240x128xf32, #tpu.memory_space<vmem_shared>>
    tpu.wait_indirect_dma semaphore(%arg19 : memref<!tpu.dma_semaphore, #tpu.memory_space<semaphore_mem>>) src(%dma_wait3A_116 : memref<48x128xf32, #tpu.memory_space<vmem>>) dst(%dma_wait3A_122 : memref<10240x128xf32, #tpu.memory_space<vmem_shared>>)
    %dma_wait3A_123 = arith.constant 0 : i32
    %dma_wait3A_124 = arith.constant 0 : i32
    %dma_wait3A_125 = arith.constant 0 : i32
    %dma_wait3A_126 = arith.constant 0 : i32
    %dma_wait3A_127 = tpu.memref_slice %arg10[%dma_wait3A_123, %dma_wait3A_125, %dma_wait3A_126] : memref<4x48x128xf32, #tpu.memory_space<vmem>> -> memref<1x48x128xf32, #tpu.memory_space<vmem>>
    %dma_wait3A_128 = tpu.memref_squeeze %dma_wait3A_127 : memref<1x48x128xf32, #tpu.memory_space<vmem>> -> memref<48x128xf32, #tpu.memory_space<vmem>>
    %dma_wait3A_129 = arith.constant 0 : i32
    %dma_wait3A_130 = tpu.memref_slice %arg9[%dma_wait3A_124, %dma_wait3A_129] : memref<4x48xi32, #tpu.memory_space<vmem>> -> memref<1x48xi32, #tpu.memory_space<vmem>>
    %dma_wait3A_131 = tpu.memref_squeeze %dma_wait3A_130 : memref<1x48xi32, #tpu.memory_space<vmem>> -> memref<48xi32, #tpu.memory_space<vmem>>
    %dma_wait3A_132 = arith.constant 0 : i32
    %dma_wait3A_133 = arith.constant 0 : i32
    %dma_wait3A_134 = tpu.memref_slice %arg11[%dma_wait3A_132, %dma_wait3A_133] : memref<10240x128xf32, #tpu.memory_space<vmem_shared>> -> memref<10240x128xf32, #tpu.memory_space<vmem_shared>>
    tpu.wait_indirect_dma semaphore(%arg16 : memref<!tpu.dma_semaphore, #tpu.memory_space<semaphore_mem>>) src(%dma_wait3A_128 : memref<48x128xf32, #tpu.memory_space<vmem>>) dst(%dma_wait3A_134 : memref<10240x128xf32, #tpu.memory_space<vmem_shared>>)
    %barrier3A_135 = arith.constant 0 : index
    tpu.barrier barrier_id(%barrier3A_135)
    %mul3A_136 = arith.constant 640 : i32
    %mul3A_137 = arith.muli %arg1, %mul3A_136 : i32
    %mul3A_138 = arith.constant 640 : i32
    %mul3A_139 = arith.muli %arg1, %mul3A_138 : i32
    "tpu.region"() ({
      %run_scoped3A = tpu.sem_alloc : memref<!tpu.dma_semaphore, #tpu.memory_space<semaphore_mem>>
      %dma_start3A_140 = arith.constant 0 : i32
      %dma_start3A_141 = arith.constant 0 : i32
      %dma_start3A_142 = tpu.memref_slice %arg5[%arg0, %dma_start3A_140, %dma_start3A_141] : memref<2x10240x128xf32, #tpu.memory_space<hbm>> -> memref<1x10240x128xf32, #tpu.memory_space<hbm>>
      %dma_start3A_143 = tpu.memref_squeeze %dma_start3A_142 : memref<1x10240x128xf32, #tpu.memory_space<hbm>> -> memref<10240x128xf32, #tpu.memory_space<hbm>>
      %dma_start3A_144 = arith.constant 0 : i32
      %dma_start3A_145 = tpu.memref_slice %dma_start3A_143[%mul3A_139, %dma_start3A_144] : memref<10240x128xf32, #tpu.memory_space<hbm>> -> memref<640x128xf32, #tpu.memory_space<hbm>>
      %dma_start3A_146 = arith.constant 0 : i32
      %dma_start3A_147 = tpu.memref_slice %arg11[%mul3A_137, %dma_start3A_146] : memref<10240x128xf32, #tpu.memory_space<vmem_shared>> -> memref<640x128xf32, #tpu.memory_space<vmem_shared>>
      tpu.enqueue_dma source(%dma_start3A_147 : memref<640x128xf32, #tpu.memory_space<vmem_shared>>) target(%dma_start3A_145 : memref<640x128xf32, #tpu.memory_space<hbm>>) target_semaphore(%run_scoped3A : memref<!tpu.dma_semaphore, #tpu.memory_space<semaphore_mem>>)
      %dma_wait3A_148 = arith.constant 0 : i32
      %dma_wait3A_149 = arith.constant 0 : i32
      %dma_wait3A_150 = tpu.memref_slice %arg5[%arg0, %dma_wait3A_148, %dma_wait3A_149] : memref<2x10240x128xf32, #tpu.memory_space<hbm>> -> memref<1x10240x128xf32, #tpu.memory_space<hbm>>
      %dma_wait3A_151 = tpu.memref_squeeze %dma_wait3A_150 : memref<1x10240x128xf32, #tpu.memory_space<hbm>> -> memref<10240x128xf32, #tpu.memory_space<hbm>>
      %dma_wait3A_152 = arith.constant 0 : i32
      %dma_wait3A_153 = tpu.memref_slice %dma_wait3A_151[%mul3A_139, %dma_wait3A_152] : memref<10240x128xf32, #tpu.memory_space<hbm>> -> memref<640x128xf32, #tpu.memory_space<hbm>>
      %dma_wait3A_154 = arith.constant 0 : i32
      %dma_wait3A_155 = tpu.memref_slice %arg11[%mul3A_137, %dma_wait3A_154] : memref<10240x128xf32, #tpu.memory_space<vmem_shared>> -> memref<640x128xf32, #tpu.memory_space<vmem_shared>>
      tpu.wait_dma2 semaphore(%run_scoped3A : memref<!tpu.dma_semaphore, #tpu.memory_space<semaphore_mem>>) src(%dma_wait3A_155 : memref<640x128xf32, #tpu.memory_space<vmem_shared>>) dst(%dma_wait3A_153 : memref<640x128xf32, #tpu.memory_space<hbm>>)
      tpu.yield
    }) : () -> ()
    return
  }
}

module attributes {stable_mosaic.version = 14 : i64} {
  func.func @_tc_in_body(%arg0: i32, %arg1: memref<256x1xf32, #tpu.memory_space<vmem>>, %arg2: memref<256x256xf32, #tpu.memory_space<vmem>>, %arg3: memref<256x256xf32, #tpu.memory_space<vmem>>, %arg4: memref<2x256x128xf32, #tpu.memory_space<vmem>>) attributes {dimension_semantics = [#tpu.dimension_semantics<arbitrary>], iteration_bounds = array<i64: 40>, scalar_prefetch = 0 : i64, scratch_operands = 0 : i64, tpu.core_type = #tpu.core_type<tc>, window_params = [{transform_indices = @transform_0, window_bounds = array<i64: 256, 1>}, {transform_indices = @transform_1, window_bounds = array<i64: 256, 256>}, {pipeline_mode = #tpu.pipeline_mode<synchronous>, transform_indices = @transform_2, window_bounds = array<i64: 256, 256>}, {transform_indices = @transform_3, window_bounds = array<i64: 2, 256, 128>}]} {
    %get3A = arith.constant 0 : index
    %get3A_0 = arith.constant 0 : index
    %get3A_1 = vector.load %arg1[%get3A, %get3A_0] : memref<256x1xf32, #tpu.memory_space<vmem>>, vector<256x1xf32>
    %add3A = arith.constant 1.000000e+00 : f32
    %add3A_2 = vector.broadcast %add3A : f32 to vector<256x1xf32>
    %add3A_3 = arith.addf %get3A_1, %add3A_2 : vector<256x1xf32>
    %rsqrt3A = math.rsqrt %add3A_3 : vector<256x1xf32>
    %get3A_4 = arith.constant 0 : index
    %get3A_5 = arith.constant 0 : index
    %get3A_6 = vector.load %arg2[%get3A_4, %get3A_5] : memref<256x256xf32, #tpu.memory_space<vmem>>, vector<256x256xf32>
    %get3A_7 = arith.constant 0 : index
    %get3A_8 = arith.constant 0 : index
    %get3A_9 = vector.load %arg3[%get3A_7, %get3A_8] : memref<256x256xf32, #tpu.memory_space<vmem>>, vector<256x256xf32>
    %dot_general3A = arith.constant dense<0.000000e+00> : vector<256x256xf32>
    %dot_general3A_10 = tpu.matmul %get3A_6, %get3A_9, %dot_general3A {dimension_numbers = #tpu.dot_dimension_numbers<[1], [0], [0], [1], [0, 0, 1, 1], [], []>, transpose_lhs_hint = false} : vector<256x256xf32>, vector<256x256xf32>, vector<256x256xf32> -> vector<256x256xf32>
    %mul3A = vector.broadcast %rsqrt3A : vector<256x1xf32> to vector<256x256xf32>
    %mul3A_11 = arith.mulf %dot_general3A_10, %mul3A : vector<256x256xf32>
    %slice3A = vector.extract_strided_slice %mul3A_11 {offsets = [0, 0], sizes = [256, 128], strides = [1, 1]} : vector<256x256xf32> to vector<256x128xf32>
    %swap3A = arith.constant 0 : index
    %swap3A_12 = arith.constant 0 : index
    %swap3A_13 = arith.constant 0 : index
    %swap3A_14 = vector.load %arg4[%swap3A, %swap3A_12, %swap3A_13] : memref<2x256x128xf32, #tpu.memory_space<vmem>>, vector<1x256x128xf32>
    %swap3A_15 = vector.shape_cast %swap3A_14 : vector<1x256x128xf32> to vector<256x128xf32>
    %swap3A_16 = vector.shape_cast %slice3A : vector<256x128xf32> to vector<1x256x128xf32>
    tpu.vector_store %arg4[%swap3A, %swap3A_12, %swap3A_13], %swap3A_16 {strides = array<i32>} : memref<2x256x128xf32, #tpu.memory_space<vmem>>, vector<1x256x128xf32>,
    %slice3A_17 = vector.extract_strided_slice %mul3A_11 {offsets = [0, 128], sizes = [256, 128], strides = [1, 1]} : vector<256x256xf32> to vector<256x128xf32>
    %swap3A_18 = arith.constant 1 : index
    %swap3A_19 = arith.constant 0 : index
    %swap3A_20 = arith.constant 0 : index
    %swap3A_21 = vector.load %arg4[%swap3A_18, %swap3A_19, %swap3A_20] : memref<2x256x128xf32, #tpu.memory_space<vmem>>, vector<1x256x128xf32>
    %swap3A_22 = vector.shape_cast %swap3A_21 : vector<1x256x128xf32> to vector<256x128xf32>
    %swap3A_23 = vector.shape_cast %slice3A_17 : vector<256x128xf32> to vector<1x256x128xf32>
    tpu.vector_store %arg4[%swap3A_18, %swap3A_19, %swap3A_20], %swap3A_23 {strides = array<i32>} : memref<2x256x128xf32, #tpu.memory_space<vmem>>, vector<1x256x128xf32>,
    return
  }
  func.func @transform_0(%arg0: i32) -> (i32, i32) {
    %c0_i32 = arith.constant 0 : i32
    %c0_i32_0 = arith.constant 0 : i32
    return %arg0, %c0_i32 : i32, i32
  }
  func.func @transform_1(%arg0: i32) -> (i32, i32) {
    %c0_i32 = arith.constant 0 : i32
    %c0_i32_0 = arith.constant 0 : i32
    return %arg0, %c0_i32 : i32, i32
  }
  func.func @transform_2(%arg0: i32) -> (i32, i32) {
    %c0_i32 = arith.constant 0 : i32
    %c0_i32_0 = arith.constant 0 : i32
    %c0_i32_1 = arith.constant 0 : i32
    return %c0_i32, %c0_i32_0 : i32, i32
  }
  func.func @transform_3(%arg0: i32) -> (i32, i32, i32) {
    %c0_i32 = arith.constant 0 : i32
    %c0_i32_0 = arith.constant 0 : i32
    %c0_i32_1 = arith.constant 0 : i32
    return %c0_i32, %arg0, %c0_i32_0 : i32, i32, i32
  }
}

module attributes {stable_mosaic.version = 14 : i64} {
  func.func @_tc_mid_body(%arg0: i32, %arg1: memref<2x256x128xf32, #tpu.memory_space<vmem>>, %arg2: memref<256x1xf32, #tpu.memory_space<vmem>>, %arg3: memref<1x256xf32, #tpu.memory_space<vmem>>, %arg4: memref<256x256xf32, #tpu.memory_space<vmem>>, %arg5: memref<2x256x128xf32, #tpu.memory_space<vmem>>) attributes {dimension_semantics = [#tpu.dimension_semantics<arbitrary>], iteration_bounds = array<i64: 40>, scalar_prefetch = 0 : i64, scratch_operands = 0 : i64, tpu.core_type = #tpu.core_type<tc>, window_params = [{transform_indices = @transform_0, window_bounds = array<i64: 2, 256, 128>}, {transform_indices = @transform_1, window_bounds = array<i64: 256, 1>}, {pipeline_mode = #tpu.pipeline_mode<synchronous>, transform_indices = @transform_2, window_bounds = array<i64: 1, 256>}, {pipeline_mode = #tpu.pipeline_mode<synchronous>, transform_indices = @transform_3, window_bounds = array<i64: 256, 256>}, {transform_indices = @transform_4, window_bounds = array<i64: 2, 256, 128>}]} {
    %get3A = arith.constant 0 : index
    %get3A_0 = arith.constant 0 : index
    %get3A_1 = arith.constant 0 : index
    %get3A_2 = vector.load %arg1[%get3A, %get3A_0, %get3A_1] : memref<2x256x128xf32, #tpu.memory_space<vmem>>, vector<1x256x128xf32>
    %get3A_3 = vector.shape_cast %get3A_2 : vector<1x256x128xf32> to vector<256x128xf32>
    %get3A_4 = arith.constant 1 : index
    %get3A_5 = arith.constant 0 : index
    %get3A_6 = arith.constant 0 : index
    %get3A_7 = vector.load %arg1[%get3A_4, %get3A_5, %get3A_6] : memref<2x256x128xf32, #tpu.memory_space<vmem>>, vector<1x256x128xf32>
    %get3A_8 = vector.shape_cast %get3A_7 : vector<1x256x128xf32> to vector<256x128xf32>
    %concatenate3A = tpu.concatenate %get3A_3, %get3A_8 in 1 : vector<256x128xf32>, vector<256x128xf32> -> vector<256x256xf32>
    %get3A_9 = arith.constant 0 : index
    %get3A_10 = arith.constant 0 : index
    %get3A_11 = vector.load %arg2[%get3A_9, %get3A_10] : memref<256x1xf32, #tpu.memory_space<vmem>>, vector<256x1xf32>
    %add3A = arith.constant 1.000000e+00 : f32
    %add3A_12 = vector.broadcast %add3A : f32 to vector<256x1xf32>
    %add3A_13 = arith.addf %get3A_11, %add3A_12 : vector<256x1xf32>
    %rsqrt3A = math.rsqrt %add3A_13 : vector<256x1xf32>
    %mul3A = vector.broadcast %rsqrt3A : vector<256x1xf32> to vector<256x256xf32>
    %mul3A_14 = arith.mulf %concatenate3A, %mul3A : vector<256x256xf32>
    %get3A_15 = arith.constant 0 : index
    %get3A_16 = arith.constant 0 : index
    %get3A_17 = vector.load %arg3[%get3A_15, %get3A_16] : memref<1x256xf32, #tpu.memory_space<vmem>>, vector<1x256xf32>
    %add3A_18 = vector.broadcast %get3A_17 : vector<1x256xf32> to vector<256x256xf32>
    %add3A_19 = arith.addf %mul3A_14, %add3A_18 : vector<256x256xf32>
    %max3A = arith.constant 0.000000e+00 : f32
    %max3A_20 = vector.broadcast %max3A : f32 to vector<256x256xf32>
    %max3A_21 = arith.maximumf %add3A_19, %max3A_20 : vector<256x256xf32>
    %get3A_22 = arith.constant 0 : index
    %get3A_23 = arith.constant 0 : index
    %get3A_24 = vector.load %arg4[%get3A_22, %get3A_23] : memref<256x256xf32, #tpu.memory_space<vmem>>, vector<256x256xf32>
    %dot_general3A = arith.constant dense<0.000000e+00> : vector<256x256xf32>
    %dot_general3A_25 = tpu.matmul %max3A_21, %get3A_24, %dot_general3A {dimension_numbers = #tpu.dot_dimension_numbers<[1], [0], [0], [1], [0, 0, 1, 1], [], []>, transpose_lhs_hint = false} : vector<256x256xf32>, vector<256x256xf32>, vector<256x256xf32> -> vector<256x256xf32>
    %mul3A_26 = vector.broadcast %rsqrt3A : vector<256x1xf32> to vector<256x256xf32>
    %mul3A_27 = arith.mulf %dot_general3A_25, %mul3A_26 : vector<256x256xf32>
    %slice3A = vector.extract_strided_slice %mul3A_27 {offsets = [0, 0], sizes = [256, 128], strides = [1, 1]} : vector<256x256xf32> to vector<256x128xf32>
    %swap3A = arith.constant 0 : index
    %swap3A_28 = arith.constant 0 : index
    %swap3A_29 = arith.constant 0 : index
    %swap3A_30 = vector.load %arg5[%swap3A, %swap3A_28, %swap3A_29] : memref<2x256x128xf32, #tpu.memory_space<vmem>>, vector<1x256x128xf32>
    %swap3A_31 = vector.shape_cast %swap3A_30 : vector<1x256x128xf32> to vector<256x128xf32>
    %swap3A_32 = vector.shape_cast %slice3A : vector<256x128xf32> to vector<1x256x128xf32>
    tpu.vector_store %arg5[%swap3A, %swap3A_28, %swap3A_29], %swap3A_32 {strides = array<i32>} : memref<2x256x128xf32, #tpu.memory_space<vmem>>, vector<1x256x128xf32>,
    %slice3A_33 = vector.extract_strided_slice %mul3A_27 {offsets = [0, 128], sizes = [256, 128], strides = [1, 1]} : vector<256x256xf32> to vector<256x128xf32>
    %swap3A_34 = arith.constant 1 : index
    %swap3A_35 = arith.constant 0 : index
    %swap3A_36 = arith.constant 0 : index
    %swap3A_37 = vector.load %arg5[%swap3A_34, %swap3A_35, %swap3A_36] : memref<2x256x128xf32, #tpu.memory_space<vmem>>, vector<1x256x128xf32>
    %swap3A_38 = vector.shape_cast %swap3A_37 : vector<1x256x128xf32> to vector<256x128xf32>
    %swap3A_39 = vector.shape_cast %slice3A_33 : vector<256x128xf32> to vector<1x256x128xf32>
    tpu.vector_store %arg5[%swap3A_34, %swap3A_35, %swap3A_36], %swap3A_39 {strides = array<i32>} : memref<2x256x128xf32, #tpu.memory_space<vmem>>, vector<1x256x128xf32>,
    return
  }
  func.func @transform_0(%arg0: i32) -> (i32, i32, i32) {
    %c0_i32 = arith.constant 0 : i32
    %c0_i32_0 = arith.constant 0 : i32
    %c0_i32_1 = arith.constant 0 : i32
    return %c0_i32, %arg0, %c0_i32_0 : i32, i32, i32
  }
  func.func @transform_1(%arg0: i32) -> (i32, i32) {
    %c0_i32 = arith.constant 0 : i32
    %c0_i32_0 = arith.constant 0 : i32
    return %arg0, %c0_i32 : i32, i32
  }
  func.func @transform_2(%arg0: i32) -> (i32, i32) {
    %c0_i32 = arith.constant 0 : i32
    %c0_i32_0 = arith.constant 0 : i32
    %c0_i32_1 = arith.constant 0 : i32
    return %c0_i32, %c0_i32_0 : i32, i32
  }
  func.func @transform_3(%arg0: i32) -> (i32, i32) {
    %c0_i32 = arith.constant 0 : i32
    %c0_i32_0 = arith.constant 0 : i32
    %c0_i32_1 = arith.constant 0 : i32
    return %c0_i32, %c0_i32_0 : i32, i32
  }
  func.func @transform_4(%arg0: i32) -> (i32, i32, i32) {
    %c0_i32 = arith.constant 0 : i32
    %c0_i32_0 = arith.constant 0 : i32
    %c0_i32_1 = arith.constant 0 : i32
    return %c0_i32, %arg0, %c0_i32_0 : i32, i32, i32
  }
}

module attributes {stable_mosaic.version = 14 : i64} {
  func.func @_tc_head_body(%arg0: i32, %arg1: memref<2x256x128xf32, #tpu.memory_space<vmem>>, %arg2: memref<10240x1xf32, #tpu.memory_space<vmem>>, %arg3: memref<256x1xi32, #tpu.memory_space<vmem>>, %arg4: memref<1x256xf32, #tpu.memory_space<vmem>>, %arg5: memref<1024x256xf32, #tpu.memory_space<vmem>>, %arg6: memref<1x1024xf32, #tpu.memory_space<vmem>>, %arg7: memref<1024x256xf32, #tpu.memory_space<vmem>>, %arg8: memref<1x1024xf32, #tpu.memory_space<vmem>>, %arg9: memref<64x256xf32, #tpu.memory_space<vmem>>, %arg10: memref<1x64xf32, #tpu.memory_space<vmem>>, %arg11: memref<256x64xf32, #tpu.memory_space<vmem>>) attributes {dimension_semantics = [#tpu.dimension_semantics<arbitrary>], iteration_bounds = array<i64: 4>, scalar_prefetch = 0 : i64, scratch_operands = 0 : i64, tpu.core_type = #tpu.core_type<tc>, window_params = [{transform_indices = @transform_0, window_bounds = array<i64: 2, 256, 128>}, {pipeline_mode = #tpu.pipeline_mode<synchronous>, transform_indices = @transform_1, window_bounds = array<i64: 10240, 1>}, {transform_indices = @transform_2, window_bounds = array<i64: 256, 1>}, {pipeline_mode = #tpu.pipeline_mode<synchronous>, transform_indices = @transform_3, window_bounds = array<i64: 1, 256>}, {pipeline_mode = #tpu.pipeline_mode<synchronous>, transform_indices = @transform_4, window_bounds = array<i64: 1024, 256>}, {pipeline_mode = #tpu.pipeline_mode<synchronous>, transform_indices = @transform_5, window_bounds = array<i64: 1, 1024>}, {pipeline_mode = #tpu.pipeline_mode<synchronous>, transform_indices = @transform_6, window_bounds = array<i64: 1024, 256>}, {pipeline_mode = #tpu.pipeline_mode<synchronous>, transform_indices = @transform_7, window_bounds = array<i64: 1, 1024>}, {pipeline_mode = #tpu.pipeline_mode<synchronous>, transform_indices = @transform_8, window_bounds = array<i64: 64, 256>}, {pipeline_mode = #tpu.pipeline_mode<synchronous>, transform_indices = @transform_9, window_bounds = array<i64: 1, 64>}, {transform_indices = @transform_10, window_bounds = array<i64: 256, 64>}]} {
    %get3A = arith.constant 0 : index
    %get3A_0 = arith.constant 0 : index
    %get3A_1 = arith.constant 0 : index
    %get3A_2 = vector.load %arg1[%get3A, %get3A_0, %get3A_1] : memref<2x256x128xf32, #tpu.memory_space<vmem>>, vector<1x256x128xf32>
    %get3A_3 = vector.shape_cast %get3A_2 : vector<1x256x128xf32> to vector<256x128xf32>
    %get3A_4 = arith.constant 1 : index
    %get3A_5 = arith.constant 0 : index
    %get3A_6 = arith.constant 0 : index
    %get3A_7 = vector.load %arg1[%get3A_4, %get3A_5, %get3A_6] : memref<2x256x128xf32, #tpu.memory_space<vmem>>, vector<1x256x128xf32>
    %get3A_8 = vector.shape_cast %get3A_7 : vector<1x256x128xf32> to vector<256x128xf32>
    %concatenate3A = tpu.concatenate %get3A_3, %get3A_8 in 1 : vector<256x128xf32>, vector<256x128xf32> -> vector<256x256xf32>
    %get3A_9 = arith.constant 0 : index
    %get3A_10 = arith.constant 0 : index
    %get3A_11 = vector.load %arg3[%get3A_9, %get3A_10] : memref<256x1xi32, #tpu.memory_space<vmem>>, vector<256x1xi32>
    %broadcast_in_dim3A = arith.constant 0.000000e+00 : f32
    %broadcast_in_dim3A_12 = vector.broadcast %broadcast_in_dim3A : f32 to vector<256x1xf32>
    %scan3A = arith.constant 0 : i32
    %scan3A_13 = arith.constant 5 : i32
    %scan3A_14 = arith.addi %scan3A, %scan3A_13 : i32
    %scan3A_15 = arith.constant 1 : i32
    %scan3A_16 = scf.for %scan3A_94 = %scan3A to %scan3A_14 step %scan3A_15 iter_args(%scan3A_95 = %broadcast_in_dim3A_12) -> (vector<256x1xf32>)  : i32 {
      %mul3A_96 = arith.constant 2048 : i32
      %mul3A_97 = arith.muli %scan3A_94, %mul3A_96 : i32
      %iota3A = tpu.iota {dimensions = array<i32: 1>} : vector<1x2048xi32>
      %add3A_98 = vector.broadcast %mul3A_97 : i32 to vector<1x2048xi32>
      %add3A_99 = arith.addi %add3A_98, %iota3A : vector<1x2048xi32>
      %eq3A = vector.broadcast %get3A_11 : vector<256x1xi32> to vector<256x2048xi32>
      %eq3A_100 = vector.broadcast %add3A_99 : vector<1x2048xi32> to vector<256x2048xi32>
      %eq3A_101 = arith.cmpi eq, %eq3A, %eq3A_100 : vector<256x2048xi32>
      %convert_element_type3A = arith.extui %eq3A_101 : vector<256x2048xi1> to vector<256x2048xi32>
      %convert_element_type3A_102 = arith.sitofp %convert_element_type3A : vector<256x2048xi32> to vector<256x2048xf32>
      %get3A_103 = arith.index_cast %mul3A_97 : i32 to index
      %get3A_104 = arith.constant 0 : index
      %get3A_105 = vector.load %arg2[%get3A_103, %get3A_104] : memref<10240x1xf32, #tpu.memory_space<vmem>>, vector<2048x1xf32>
      %dot_general3A_106 = arith.constant dense<0.000000e+00> : vector<256x1xf32>
      %dot_general3A_107 = tpu.matmul %convert_element_type3A_102, %get3A_105, %dot_general3A_106 {dimension_numbers = #tpu.dot_dimension_numbers<[1], [0], [0], [1], [0, 0, 1, 1], [], []>, transpose_lhs_hint = false} : vector<256x2048xf32>, vector<2048x1xf32>, vector<256x1xf32> -> vector<256x1xf32>
      %add3A_108 = arith.addf %scan3A_95, %dot_general3A_107 : vector<256x1xf32>
      scf.yield %add3A_108 : vector<256x1xf32>
    }
    %scan3A_17 = arith.constant 5 : i32
    %add3A = arith.constant 1.000000e+00 : f32
    %add3A_18 = vector.broadcast %add3A : f32 to vector<256x1xf32>
    %add3A_19 = arith.addf %scan3A_16, %add3A_18 : vector<256x1xf32>
    %rsqrt3A = math.rsqrt %add3A_19 : vector<256x1xf32>
    %mul3A = vector.broadcast %rsqrt3A : vector<256x1xf32> to vector<256x256xf32>
    %mul3A_20 = arith.mulf %concatenate3A, %mul3A : vector<256x256xf32>
    %get3A_21 = arith.constant 0 : index
    %get3A_22 = arith.constant 0 : index
    %get3A_23 = vector.load %arg4[%get3A_21, %get3A_22] : memref<1x256xf32, #tpu.memory_space<vmem>>, vector<1x256xf32>
    %add3A_24 = vector.broadcast %get3A_23 : vector<1x256xf32> to vector<256x256xf32>
    %add3A_25 = arith.addf %mul3A_20, %add3A_24 : vector<256x256xf32>
    %max3A = arith.constant 0.000000e+00 : f32
    %max3A_26 = vector.broadcast %max3A : f32 to vector<256x256xf32>
    %max3A_27 = arith.maximumf %add3A_25, %max3A_26 : vector<256x256xf32>
    %get3A_28 = arith.constant 0 : index
    %get3A_29 = arith.constant 0 : index
    %get3A_30 = vector.load %arg5[%get3A_28, %get3A_29] : memref<1024x256xf32, #tpu.memory_space<vmem>>, vector<1024x256xf32>
    %dot_general3A = arith.constant dense<0.000000e+00> : vector<256x1024xf32>
    %dot_general3A_31 = tpu.matmul %max3A_27, %get3A_30, %dot_general3A {dimension_numbers = #tpu.dot_dimension_numbers<[1], [1], [0], [0], [0, 0, 1, 0], [], []>, transpose_lhs_hint = false} : vector<256x256xf32>, vector<1024x256xf32>, vector<256x1024xf32> -> vector<256x1024xf32>
    %get3A_32 = arith.constant 0 : index
    %get3A_33 = arith.constant 0 : index
    %get3A_34 = vector.load %arg6[%get3A_32, %get3A_33] : memref<1x1024xf32, #tpu.memory_space<vmem>>, vector<1x1024xf32>
    %add3A_35 = vector.broadcast %get3A_34 : vector<1x1024xf32> to vector<256x1024xf32>
    %add3A_36 = arith.addf %dot_general3A_31, %add3A_35 : vector<256x1024xf32>
    %slice3A = vector.extract_strided_slice %add3A_36 {offsets = [0, 0], sizes = [256, 256], strides = [1, 1]} : vector<256x1024xf32> to vector<256x256xf32>
    %logistic3A = arith.negf %slice3A : vector<256x256xf32>
    %logistic3A_37 = math.exp %logistic3A : vector<256x256xf32>
    %logistic3A_38 = arith.constant 1.000000e+00 : f32
    %logistic3A_39 = vector.broadcast %logistic3A_38 : f32 to vector<256x256xf32>
    %logistic3A_40 = arith.addf %logistic3A_39, %logistic3A_37 : vector<256x256xf32>
    %logistic3A_41 = arith.divf %logistic3A_39, %logistic3A_40 : vector<256x256xf32>
    %slice3A_42 = vector.extract_strided_slice %add3A_36 {offsets = [0, 512], sizes = [256, 256], strides = [1, 1]} : vector<256x1024xf32> to vector<256x256xf32>
    %tanh3A = math.tanh %slice3A_42 : vector<256x256xf32>
    %slice3A_43 = vector.extract_strided_slice %add3A_36 {offsets = [0, 768], sizes = [256, 256], strides = [1, 1]} : vector<256x1024xf32> to vector<256x256xf32>
    %logistic3A_44 = arith.negf %slice3A_43 : vector<256x256xf32>
    %logistic3A_45 = math.exp %logistic3A_44 : vector<256x256xf32>
    %logistic3A_46 = arith.constant 1.000000e+00 : f32
    %logistic3A_47 = vector.broadcast %logistic3A_46 : f32 to vector<256x256xf32>
    %logistic3A_48 = arith.addf %logistic3A_47, %logistic3A_45 : vector<256x256xf32>
    %logistic3A_49 = arith.divf %logistic3A_47, %logistic3A_48 : vector<256x256xf32>
    %mul3A_50 = arith.mulf %logistic3A_41, %tanh3A : vector<256x256xf32>
    %tanh3A_51 = math.tanh %mul3A_50 : vector<256x256xf32>
    %mul3A_52 = arith.mulf %logistic3A_49, %tanh3A_51 : vector<256x256xf32>
    %get3A_53 = arith.constant 0 : index
    %get3A_54 = arith.constant 0 : index
    %get3A_55 = vector.load %arg7[%get3A_53, %get3A_54] : memref<1024x256xf32, #tpu.memory_space<vmem>>, vector<1024x256xf32>
    %dot_general3A_56 = arith.constant dense<0.000000e+00> : vector<256x1024xf32>
    %dot_general3A_57 = tpu.matmul %mul3A_52, %get3A_55, %dot_general3A_56 {dimension_numbers = #tpu.dot_dimension_numbers<[1], [1], [0], [0], [0, 0, 1, 0], [], []>, transpose_lhs_hint = false} : vector<256x256xf32>, vector<1024x256xf32>, vector<256x1024xf32> -> vector<256x1024xf32>
    %get3A_58 = arith.constant 0 : index
    %get3A_59 = arith.constant 0 : index
    %get3A_60 = vector.load %arg8[%get3A_58, %get3A_59] : memref<1x1024xf32, #tpu.memory_space<vmem>>, vector<1x1024xf32>
    %add3A_61 = vector.broadcast %get3A_60 : vector<1x1024xf32> to vector<256x1024xf32>
    %add3A_62 = arith.addf %dot_general3A_57, %add3A_61 : vector<256x1024xf32>
    %slice3A_63 = vector.extract_strided_slice %add3A_62 {offsets = [0, 0], sizes = [256, 256], strides = [1, 1]} : vector<256x1024xf32> to vector<256x256xf32>
    %logistic3A_64 = arith.negf %slice3A_63 : vector<256x256xf32>
    %logistic3A_65 = math.exp %logistic3A_64 : vector<256x256xf32>
    %logistic3A_66 = arith.constant 1.000000e+00 : f32
    %logistic3A_67 = vector.broadcast %logistic3A_66 : f32 to vector<256x256xf32>
    %logistic3A_68 = arith.addf %logistic3A_67, %logistic3A_65 : vector<256x256xf32>
    %logistic3A_69 = arith.divf %logistic3A_67, %logistic3A_68 : vector<256x256xf32>
    %slice3A_70 = vector.extract_strided_slice %add3A_62 {offsets = [0, 512], sizes = [256, 256], strides = [1, 1]} : vector<256x1024xf32> to vector<256x256xf32>
    %tanh3A_71 = math.tanh %slice3A_70 : vector<256x256xf32>
    %slice3A_72 = vector.extract_strided_slice %add3A_62 {offsets = [0, 768], sizes = [256, 256], strides = [1, 1]} : vector<256x1024xf32> to vector<256x256xf32>
    %logistic3A_73 = arith.negf %slice3A_72 : vector<256x256xf32>
    %logistic3A_74 = math.exp %logistic3A_73 : vector<256x256xf32>
    %logistic3A_75 = arith.constant 1.000000e+00 : f32
    %logistic3A_76 = vector.broadcast %logistic3A_75 : f32 to vector<256x256xf32>
    %logistic3A_77 = arith.addf %logistic3A_76, %logistic3A_74 : vector<256x256xf32>
    %logistic3A_78 = arith.divf %logistic3A_76, %logistic3A_77 : vector<256x256xf32>
    %mul3A_79 = arith.mulf %logistic3A_69, %tanh3A_71 : vector<256x256xf32>
    %tanh3A_80 = math.tanh %mul3A_79 : vector<256x256xf32>
    %mul3A_81 = arith.mulf %logistic3A_78, %tanh3A_80 : vector<256x256xf32>
    %get3A_82 = arith.constant 0 : index
    %get3A_83 = arith.constant 0 : index
    %get3A_84 = vector.load %arg9[%get3A_82, %get3A_83] : memref<64x256xf32, #tpu.memory_space<vmem>>, vector<64x256xf32>
    %dot_general3A_85 = arith.constant dense<0.000000e+00> : vector<256x64xf32>
    %dot_general3A_86 = tpu.matmul %mul3A_81, %get3A_84, %dot_general3A_85 {dimension_numbers = #tpu.dot_dimension_numbers<[1], [1], [0], [0], [0, 0, 1, 0], [], []>, transpose_lhs_hint = false} : vector<256x256xf32>, vector<64x256xf32>, vector<256x64xf32> -> vector<256x64xf32>
    %get3A_87 = arith.constant 0 : index
    %get3A_88 = arith.constant 0 : index
    %get3A_89 = vector.load %arg10[%get3A_87, %get3A_88] : memref<1x64xf32, #tpu.memory_space<vmem>>, vector<1x64xf32>
    %add3A_90 = vector.broadcast %get3A_89 : vector<1x64xf32> to vector<256x64xf32>
    %add3A_91 = arith.addf %dot_general3A_86, %add3A_90 : vector<256x64xf32>
    %swap3A = arith.constant 0 : index
    %swap3A_92 = arith.constant 0 : index
    %swap3A_93 = vector.load %arg11[%swap3A, %swap3A_92] : memref<256x64xf32, #tpu.memory_space<vmem>>, vector<256x64xf32>
    tpu.vector_store %arg11[%swap3A, %swap3A_92], %add3A_91 {strides = array<i32>} : memref<256x64xf32, #tpu.memory_space<vmem>>, vector<256x64xf32>,
    return
  }
  func.func @transform_0(%arg0: i32) -> (i32, i32, i32) {
    %c0_i32 = arith.constant 0 : i32
    %c0_i32_0 = arith.constant 0 : i32
    %c0_i32_1 = arith.constant 0 : i32
    return %c0_i32, %arg0, %c0_i32_0 : i32, i32, i32
  }
  func.func @transform_1(%arg0: i32) -> (i32, i32) {
    %c0_i32 = arith.constant 0 : i32
    %c0_i32_0 = arith.constant 0 : i32
    %c0_i32_1 = arith.constant 0 : i32
    return %c0_i32, %c0_i32_0 : i32, i32
  }
  func.func @transform_2(%arg0: i32) -> (i32, i32) {
    %c0_i32 = arith.constant 0 : i32
    %c0_i32_0 = arith.constant 0 : i32
    return %arg0, %c0_i32 : i32, i32
  }
  func.func @transform_3(%arg0: i32) -> (i32, i32) {
    %c0_i32 = arith.constant 0 : i32
    %c0_i32_0 = arith.constant 0 : i32
    %c0_i32_1 = arith.constant 0 : i32
    return %c0_i32, %c0_i32_0 : i32, i32
  }
  func.func @transform_4(%arg0: i32) -> (i32, i32) {
    %c0_i32 = arith.constant 0 : i32
    %c0_i32_0 = arith.constant 0 : i32
    %c0_i32_1 = arith.constant 0 : i32
    return %c0_i32, %c0_i32_0 : i32, i32
  }
  func.func @transform_5(%arg0: i32) -> (i32, i32) {
    %c0_i32 = arith.constant 0 : i32
    %c0_i32_0 = arith.constant 0 : i32
    %c0_i32_1 = arith.constant 0 : i32
    return %c0_i32, %c0_i32_0 : i32, i32
  }
  func.func @transform_6(%arg0: i32) -> (i32, i32) {
    %c0_i32 = arith.constant 0 : i32
    %c0_i32_0 = arith.constant 0 : i32
    %c0_i32_1 = arith.constant 0 : i32
    return %c0_i32, %c0_i32_0 : i32, i32
  }
  func.func @transform_7(%arg0: i32) -> (i32, i32) {
    %c0_i32 = arith.constant 0 : i32
    %c0_i32_0 = arith.constant 0 : i32
    %c0_i32_1 = arith.constant 0 : i32
    return %c0_i32, %c0_i32_0 : i32, i32
  }
  func.func @transform_8(%arg0: i32) -> (i32, i32) {
    %c0_i32 = arith.constant 0 : i32
    %c0_i32_0 = arith.constant 0 : i32
    %c0_i32_1 = arith.constant 0 : i32
    return %c0_i32, %c0_i32_0 : i32, i32
  }
  func.func @transform_9(%arg0: i32) -> (i32, i32) {
    %c0_i32 = arith.constant 0 : i32
    %c0_i32_0 = arith.constant 0 : i32
    %c0_i32_1 = arith.constant 0 : i32
    return %c0_i32, %c0_i32_0 : i32, i32
  }
  func.func @transform_10(%arg0: i32) -> (i32, i32) {
    %c0_i32 = arith.constant 0 : i32
    %c0_i32_0 = arith.constant 0 : i32
    return %arg0, %c0_i32 : i32, i32
  }
}

</mosaic_0001>

<sc_bundles>
// kernel: kernel.11.cloned.1.call-start
scs
__scs_entry_jumppad:
0x0: {  	(pc) =	sbr.rel $0x88, $3  }
0x1: {  	(tag) =	ssettag $0x0;
	lr =	simm.s32 $0x1  }
0x2: {  	[smem:$0x3F92] =	sst lr;
	_ =	strace $0xD0000000  }
0x3: {  	_ = 	snop  }
0x4: {  	_ = 	snop  }
0x5: {  	_ = 	snop  }
0x6: {  	_ = 	snop  }
0x7: {  	_ = 	snop  }
__scs_overlays_trampoline_lowered:
0x8: {  	[smem:$0x3FA1] =	sst s0  }
0x9: {  	[smem:$0x3FA2] =	sst s1  }
0xa: {  	[smem:$0x3FA3] =	sst s2  }
0xb: {  	[smem:$0x3FA4] =	sst s3  }
0xc: {  	[smem:$0x3FA5] =	sst s4  }
0xd: {  	[smem:$0x3FA6] =	sst s5  }
0xe: {  	[smem:$0x3FA7] =	sst s6  }
0xf: {  	[smem:$0x3FA8] =	sst s7  }
0x10: {  	[smem:$0x3FA9] =	sst s8  }
0x11: {  	[smem:$0x3FAA] =	sst s9;
	s0 =	simm.s32 @!p0 $0x0  }
0x12: {  	s1 =	sld [smem:$0x3F90];
	s0 =	simm.s32 @p0 $0x1  }
0x13: {  	[smem:$0x3FAB] =	sst s0;
	s0 =	simm.s32 @!p1 $0x0  }
0x14: {  	s2 =	sld [smem:$0x3F8F];
	s0 =	simm.s32 @p1 $0x1  }
0x15: {  	[smem:$0x3FAC] =	sst s0;
	s0 =	simm.s32 @!p2 $0x0  }
0x16: {  	s3 =	sld [smem:$0x3FDB];
	s0 =	simm.s32 @p2 $0x1  }
0x17: {  	s4 =	simm.s32 $0x1BF5;
	[smem:$0x3FAE] =	sst s0  }
0x18: {  	s0 =	sld [smem:$0x3F91];
	_ =	swait.ge [sflag:s4], $0x0  }
0x19: {  	s7 =	sld [smem:$0x3F92]  }
0x1a: {  	s8 =	sadd.s32 $0xFFFFE003, lr  }
0x1b: {  	s9 =	sadd.s32 $0xFFFFFEF7, lr;
	s5 =	simm.s32 $0xFFFFFFFF;
	p2 =	slt.u32 s8, $0xFFFFF086  }
0x1c: {  	p1 =	slt.u32 s9, $0xF7A;
	s5 =	simm.s32 @!p2 $0x0  }
0x1d: {  	s5 =	simm.s32 @p1 $0x1;
	p0 =	seq.s32 s7, s2  }
0x1e: {  	s7 =	smul.u32 @!p0 $0xF7A, s2;
	p2 =	seq.s32 @!p0 s5, $0x0  }
0x1f: {  	s9 =	smul.u32 $0xF7A, s1;
	s8 =	simm.s32 @!p0 $0x1BF5;
	p2 =	por !p2, p0  }
0x20: {  	[sflag:s8] =	ssyncset.s32 @!p0 $0xFFFFF086;
	s6 =	sadd.s32 @!p0 s3, s7;
	s7 =	simm.s32 @!p0 $0x108  }
0x21: {  	s3 =	sadd.s32 s3, s9;
	s6 =	sadd.s32 @!p0 $0x88, s6;
	s7 =	simm.s32 @p2 $0x1082  }
0x22: {  	[simem:s7], [sflag:s8] =	dma.local @!p0 [hbm:s6], $0xF7A  }
0x23: {  	s9 =	sor.u32 $0xD0000000, s2;
	s6 =	simm.s32 $0x108;
	_ =	swait.ge @!p0 [sflag:s8], $0x0  }
0x24: {  	s3 =	sadd.s32 $0x88, s3;
	s6 =	simm.s32 @!p1 $0x1082;
	[sflag:s4] =	ssyncset.s32 $0xFFFFF086  }
0x25: {  	[simem:s6], [sflag:s4] =	dma.local [hbm:s3], $0xF7A  }
0x26: {  	[smem:$0x3F92] =	sst s1;
	(tag) =	ssettag s2;
	_ =	strace s9  }
0x27: {  	s1 =	sld [smem:$0x3FA2]  }
0x28: {  	s2 =	sld [smem:$0x3FA3]  }
0x29: {  	s4 =	sld [smem:$0x3FA5]  }
0x2a: {  	p0 =	seq.s32 s5, $0x0;
	s5 =	sld [smem:$0x3FA6]  }
0x2b: {  	s6 =	sld [smem:$0x3FA7]  }
0x2c: {  	s7 =	sld [smem:$0x3FA8]  }
0x2d: {  	s3 =	simm.s32 $0x108;
	s8 =	sld [smem:$0x3FA9]  }
0x2e: {  	s3 =	simm.s32 @!p0 $0x1082;
	s9 =	sld [smem:$0x3FAA]  }
0x2f: {  	lr =	sadd.s32 s0, s3;
	s0 =	sld [smem:$0x3FA1]  }
0x30: {  	s3 =	sld [smem:$0x3FA4]  }
0x31: {  	[smem:$0x3FAD] =	sst s10  }
0x32: {  	s10 =	sld [smem:$0x3FAB];
	_ =	sdelay $0x3  }
0x33: {  	p0 =	seq.s32 s10, $0x1;
	s10 =	sld [smem:$0x3FAD];
	_ =	sdelay $0x3  }
0x34: {  	[smem:$0x3FAD] =	sst s10  }
0x35: {  	s10 =	sld [smem:$0x3FAC];
	_ =	sdelay $0x3  }
0x36: {  	p1 =	seq.s32 s10, $0x1;
	s10 =	sld [smem:$0x3FAD];
	_ =	sdelay $0x3  }
0x37: {  	[smem:$0x3FAD] =	sst s10  }
0x38: {  	s10 =	sld [smem:$0x3FAE]  }
0x39: {  	_ = 	snop;
	(pc) =	sbr.ind lr, $3  }
0x3a: {  	_ = 	snop  }
0x3b: {  	_ = 	snop  }
0x3c: {  	p2 =	seq.s32 s10, $0x1;
	s10 =	sld [smem:$0x3FAD]  }
0x3d: {  	_ =	shalt  }
0x3e: {  	_ =	shalt  }
0x3f: {  	_ =	shalt  }
0x40: {  	_ =	shalt  }
0x41: {  	_ =	shalt  }
0x42: {  	_ =	shalt  }
0x43: {  	_ =	shalt  }
0x44: {  	_ =	shalt  }
0x45: {  	_ =	shalt  }
0x46: {  	_ =	shalt  }
0x47: {  	_ =	shalt  }
0x48: {  	_ =	shalt  }
0x49: {  	_ =	shalt  }
0x4a: {  	_ =	shalt  }
0x4b: {  	_ =	shalt  }
0x4c: {  	_ =	shalt  }
0x4d: {  	_ =	shalt  }
0x4e: {  	_ =	shalt  }
0x4f: {  	_ =	shalt  }
0x50: {  	_ =	shalt  }
0x51: {  	_ =	shalt  }
0x52: {  	_ =	shalt  }
0x53: {  	_ =	shalt  }
0x54: {  	_ =	shalt  }
0x55: {  	_ =	shalt  }
0x56: {  	_ =	shalt  }
0x57: {  	_ =	shalt  }
0x58: {  	_ =	shalt  }
0x59: {  	_ =	shalt  }
0x5a: {  	_ =	shalt  }
0x5b: {  	_ =	shalt  }
0x5c: {  	_ =	shalt  }
0x5d: {  	_ =	shalt  }
0x5e: {  	_ =	shalt  }
0x5f: {  	_ =	shalt  }
0x60: {  	_ =	shalt  }
0x61: {  	_ =	shalt  }
0x62: {  	_ =	shalt  }
0x63: {  	_ =	shalt  }
0x64: {  	_ =	shalt  }
0x65: {  	_ =	shalt  }
0x66: {  	_ =	shalt  }
0x67: {  	_ =	shalt  }
0x68: {  	_ =	shalt  }
0x69: {  	_ =	shalt  }
0x6a: {  	_ =	shalt  }
0x6b: {  	_ =	shalt  }
0x6c: {  	_ =	shalt  }
0x6d: {  	_ =	shalt  }
0x6e: {  	_ =	shalt  }
0x6f: {  	_ =	shalt  }
0x70: {  	_ =	shalt  }
0x71: {  	_ =	shalt  }
0x72: {  	_ =	shalt  }
0x73: {  	_ =	shalt  }
0x74: {  	_ =	shalt  }
0x75: {  	_ =	shalt  }
0x76: {  	_ =	shalt  }
0x77: {  	_ =	shalt  }
0x78: {  	_ =	shalt  }
0x79: {  	_ =	shalt  }
0x7a: {  	_ =	shalt  }
0x7b: {  	_ =	shalt  }
0x7c: {  	_ =	shalt  }
0x7d: {  	_ =	shalt  }
0x7e: {  	_ =	shalt  }
0x7f: {  	_ =	shalt  }
0x80: {  	_ =	shalt  }
0x81: {  	_ =	shalt  }
0x82: {  	_ =	shalt  }
0x83: {  	_ =	shalt  }
0x84: {  	_ =	shalt  }
0x85: {  	_ =	shalt  }
0x86: {  	_ =	shalt  }
0x87: {  	_ =	shalt  }
.Lfunc_end0:
.L_simem_size_0:
called_computation.1_lowered:
.L_overlay_start_0:
0x88: {  	s2 =	sld [smem:$0x3FD9]  }
0x89: {  	s3 =	sld [smem:$0x3FFE];
	_ =	sdelay $0x1  }
0x8a: {  	s1 =	srdreg.scid  }
0x8b: {  	s0 =	sand.u32 $0x1, s1  }
0x8c: {  	s16 =	sshll.u32 s0, $0xA;
	s2 =	sadd.s32 s3, s2  }
0x8d: {  	s2 =	sadd.s32 s2, s16  }
0x8e: {  	[smem:$0x3FB9] =	sst s2  }
0x8f: {  	_ = 	snop  }
0x90: {  	(tm) =	ssettm $0x1  }
0x91: {  	s17 =	sld [smem:$0x3FFB];
	_ =	sdelay $0x3  }
0x92: {  	_ =	strace s17  }
0x93: {  	s2 =	sld [smem:$0x3FFC];
	_ =	sdelay $0x3  }
0x94: {  	_ =	strace s2  }
0x95: {  	s2 =	sld [smem:$0x3FFD];
	_ =	sdelay $0x3  }
0x96: {  	_ =	strace s2  }
0x97: {  	_ =	strace $0x8FFFFFFF  }
0x98: {  	s18 =	sld [smem:$0x3FDB];
	_ =	sdelay $0x1  }
0x99: {  	s19 =	simm.s32 $_scs_section_size  }
0x9a: {  	s4 =	simm.s32 $_size__tile_overlayer_lowered;
	s5 =	simm.s32 $_tile_overlayer_lowered  }
0x9b: {  	s22 =	simm.s32 $0x1BFF;
	s21 =	sshll.u32 s5, $0x1;
	s2 =	sadd.s32 s19, s18  }
0x9c: {  	s6 =	simm.s32 $0x0;
	s20 =	sshll.u32 s4, $0x1;
	s4 =	sadd.s32 s21, s2  }
0x9d: {  	[timem:s6], [sflag:s22] =	dma.local [hbm:s4], s20  }
0x9e: {  	_ =	swait.ge [sflag:s22], s20  }
0x9f: {  	s3 =	ssub.s32 $0x0, s20;
	[sflag:s22] =	ssyncset.done $0x0  }
0xa0: {  	[sflag:s22] =	ssyncadd.s32 s3;
	_ =	sdelay $0x1  }
0xa1: {  	s23 =	simm.s32 $0x1B8B  }
0xa2: {  	_ =	swait.ge [sflag:s23], $0x1  }
0xa3: {  	[sflag:s23] =	ssyncset.done $0x0  }
0xa4: {  	s25 =	simm.s32 $0x1B8E;
	s24 =	sld [smem:$0x3FFE];
	[sflag:s23] =	ssyncadd.s32 $0xFFFFFFFF  }
0xa5: {  	s26 =	simm.s32 $execute0_lowered;
	[smem:$0x3FD2] =	sst s25  }
0xa6: {  	s4 =	sshll.u32 s26, $0x1;
	_ =	strace $0x80000049;
	[dreg:$0x1] =	wrdreg $0xFFFFFFFF  }
0xa7: {  	s28 =	simm.s32 $_size_execute0_lowered;
	s2 =	sadd.s32 s2, s4;
	[dreg:$0x0] =	wrdreg $0x0  }
0xa8: {  	s4 =	sshll.u32 s28, $0x1;
	[dreg:$0x2] =	wrdreg s2  }
0xa9: {  	[dreg:$0x3] =	wrdreg s4  }
0xaa: {  	[dreg:$0x4] =	wrdreg $0xC0  }
0xab: {  	_ =	task [dreg:s6], $0x5FFFF  }
0xac: {  	[dreg:$0x1] =	wrdreg $0xFFFFFFFF  }
0xad: {  	[dreg:$0x0] =	wrdreg $0x60  }
0xae: {  	[dreg:$0x2] =	wrdreg s24  }
0xaf: {  	[dreg:$0x3] =	wrdreg $0xB3000  }
0xb0: {  	[dreg:$0x4] =	wrdreg $0x9  }
0xb1: {  	_ =	task.clear_ibuf [dreg:s6], $0x5FFFF;
	_ =	strace $0x90000049  }
0xb2: {  	s29 =	simm.s32 $0x9;
	_ =	strace $0x8000004B  }
0xb3: {  	_ =	swait.ge [sflag:s29], $0x1  }
0xb4: {  	[sflag:s29] =	ssyncadd.s32 $0xFFFFFFFF  }
0xb5: {  	_ =	strace $0x9000004B  }
0xb6: {  	_ =	sfence  }
0xb7: {  	s30 =	sld [smem:$0x0];
	_ =	sdelay $0x2  }
0xb8: {  	s31 =	sshll.u32 s1, $0xD;
	s1 =	sshrl.u32 s1, $0x2  }
0xb9: {  	s3 =	sand.u32 $0x4000, s31;
	s1 =	sadd.s32 s1, s30  }
0xba: {  	s0 =	sor.u32 s3, s0;
	s1 =	sshll.u32 s1, $0x11  }
0xbb: {  	s0 =	sor.u32 s1, s0  }
0xbc: {  	s0 =	sadd.s32 $0x8F2B, s0  }
0xbd: {  	[sflag:s0] =	ssyncadd.remote.s32 $0x1  }
0xbe: {  	_ =	sfence.sel $0xFFFF  }
0xbf: {  	[dreg:$0x0] =	wrdreg $0xFFFFFFFF;
	(pc) =	sbr.abs _section_cstart, $3  }
0xc0: {  	[dreg:$0x1] =	wrdreg $0xFFFFFFFF  }
0xc1: {  	_ =	task.clear_ibuf [dreg:s6], $0x2FFFF;
	_ =	strace $0x9FFFFFFF  }
0xc2: {  	(tm) =	ssettm $0x7FFFFFFF  }
0xc3: {  	_ =	shalt  }
tec
execute0_lowered:
.L_overlay_start_1:
0x0: {  	(tag) =	ssettag $0x1  }
0x1: {  	s0 =	rddreg [dreg:$0x0]  }
0x2: {  	s2 =	rddreg [dreg:$0x1];
	s3 =	simm.s32 $0x0;
	s7 =	stileid.u32  }
0x3: {  	s1 =	srdreg.scid;
	s11 =	simm.s32 $0x9;
	s13 =	simm.s32 $0x30  }
0x4: {  	s14 =	simm.s32 $0x4F00;
	s15 =	simm.s32 $0x5300;
	s16 =	simm.s32 $0x4F80  }
0x5: {  	s17 =	simm.s32 $0x6B00;
	s18 =	simm.s32 $0x1;
	s19 =	simm.s32 $0x5100  }
0x6: {  	s20 =	simm.s32 $0x5000;
	s21 =	simm.s32 $0x8300;
	s22 =	simm.s32 $0x2  }
0x7: {  	s28 =	simm.s32 $0x3;
	s29 =	simm.s32 $0x5200;
	s23 =	smul.u32 $0x4E6, s7  }
0x8: {  	s30 =	simm.s32 $0x5;
	s31 =	simm.s32 $0x4;
	s6 =	smul.u32 $0x50000, s7  }
0x9: {  	[smem:$0x7FF] =	sst s3;
	s1 =	sand.u32 $0x1, s1;
	s24 =	smul.u32 $0x2800, s7  }
0xa: {  	s7 =	sshll.u32 s7, $0x6;
	s4 =	smul.u32 $0x28000, s1;
	s1 =	ssub.s32 $0x2, s1  }
0xb: {  	_ =	strace $0x8000004A;
	s3 =	sadd.s32 s23, s0;
	s5 =	sshrl.u32 s1, $0x1  }
0xc: {  	s6 =	sshrl.u32 s6, $0x2;
	s23 =	simm.s32 $0x5180;
	s0 =	sadd.s32 s4, s0  }
0xd: {  	s1 =	ssub.s32 s1, s5;
	s8 =	sadd.s32 s6, s2;
	s6 =	sor.u32 $0x1C09, s7  }
0xe: {  	s26 =	sadd.s32 $0x7800, s3;
	s3 =	sadd.s32 $0xC800, s3;
	s5 =	simm.s32 $0x8  }
0xf: {  	s7 =	simm.s32 $0x0;
	s4 =	sadd.s32 $0x11800, s0;
	[dreg:$0x4] =	wrdreg s26  }
0x10: {  	[dreg:$0x5] =	wrdreg s3;
	s0 =	sadd.s32 $0x61800, s0;
	s1 =	smax.u32 s1, $0x1  }
0x11: {  	s10 =	sshrl.u32 s8, $0x3;
	s25 =	sadd.s32 s24, s4;
	[dreg:$0x6] =	wrdreg s1  }
0x12: {  	s26 =	simm.s32 $0x9B00;
	s0 =	sadd.s32 s24, s0;
	[dreg:$0x3] =	wrdreg s25  }
0x13: {  	[dreg:$0x7] =	wrdreg s0;
	s25 =	simm.s32 $0x5080;
	s0 =	simm.s32 $0x5280  }
.LBB2_1:
0x14: {  	s1 =	rddreg [dreg:$0x3]  }
0x15: {  	[spmem:s10], [sflag:s6] =	dma.local [hbm:s1], $0x2800  }
0x16: {  	_ =	swait.ge [sflag:s11], $0x2800  }
0x17: {  	[sflag:s11] =	ssyncset.done $0x0  }
0x18: {  	s9 =	simm.s32 $0x0;
	s3 =	rddreg [dreg:$0x4];
	[sflag:s11] =	ssyncadd.s32 $0xFFFFD800  }
0x19: {  	[tilespmem:s9], [sflag:$0x9] =	stream.linear.gather [hbm4b:s3+s9], $0x2730, $0x38;
	[tilespmem:$0x1F300] =	vst v63  }
0x1a: {  	_ =	swait.ge [sflag:s11], $0x2730  }
0x1b: {  	[sflag:s11] =	ssyncset.done $0x0  }
0x1c: {  	s3 =	simm.s32 $0x2780;
	s8 =	rddreg [dreg:$0x5];
	[sflag:s11] =	ssyncadd.s32 $0xFFFFD8D0  }
0x1d: {  	[tilespmem:s3], [sflag:$0x9] =	stream.linear.gather [hbm4b:s8+s9], $0x2730, $0x38;
	[tilespmem:$0x1F300] =	vst v63  }
0x1e: {  	_ =	swait.ge [sflag:s11], $0x2730  }
0x1f: {  	[sflag:s11] =	ssyncset.done $0x0  }
0x20: {  	[sflag:s11] =	ssyncadd.s32 $0xFFFFD8D0  }
0x21: {  	[bflag:$0x0] =	sbarrier.arrive $0xFFFF  }
0x22: {  	v0 =	vld [tilespmem:$0x2780]  }
0x23: {  	v1 =	vld [tilespmem:$0x0]  }
0x24: {  	v2 =	vld [tilespmem:$0x2790]  }
0x25: {  	v3 =	vld [tilespmem:$0x10]  }
0x26: {  	v4 =	vld [tilespmem:$0x27A0]  }
0x27: {  	v59 =	vld [tilespmem:$0x20];
	[tilespmem:$0x5100] =	vst v0  }
0x28: {  	[tilespmem:$0x4F00] =	vst v1  }
0x29: {  	[tilespmem:$0x5110] =	vst v2  }
0x2a: {  	[tilespmem:$0x4F10] =	vst v3  }
0x2b: {  	p0 =	por $0x1, $0x1;
	[tilespmem:$0x5120] =	vst v4  }
0x2c: {  	s3 =	simm.s32 @!p0 $0x6;
	[tilespmem:$0x4F20] =	vst v59  }
0x2d: {  	[tilespmem:s15], [sflag:$0x1] =	stream.indirect.gather [hbm4b:s4+s13], $0x80, s14, s13, $0xb8;
	[tilespmem:$0x1F300] =	vst v63  }
0x2e: {  	_ =	swait.ge @!p0 [sflag:s3], $0x1800  }
0x2f: {  	[sflag:s3] =	ssyncset.done @!p0 $0x0  }
0x30: {  	s1 =	simm.s32 $0x27F0;
	[sflag:s3] =	ssyncadd.s32 @!p0 $0xFFFFE800  }
0x31: {  	v60 =	vld [tilespmem:s1+$0xFFFFFFC0];
	_ =	sdelay $0x4  }
0x32: {  	s12 =	simm.s32 $0x70;
	[tilespmem:$0x5180] =	vst v60  }
0x33: {  	v0 =	vld [tilespmem:s12+$0xFFFFFFC0];
	_ =	sdelay $0x4  }
0x34: {  	[tilespmem:$0x4F80] =	vst v0  }
0x35: {  	v0 =	vld [tilespmem:s1+$0xFFFFFFD0];
	_ =	sdelay $0x4  }
0x36: {  	[tilespmem:$0x5190] =	vst v0  }
0x37: {  	v0 =	vld [tilespmem:s12+$0xFFFFFFD0];
	_ =	sdelay $0x4  }
0x38: {  	[tilespmem:$0x4F90] =	vst v0  }
0x39: {  	v0 =	vld [tilespmem:s1+$0xFFFFFFE0];
	_ =	sdelay $0x4  }
0x3a: {  	[tilespmem:$0x51A0] =	vst v0  }
0x3b: {  	v0 =	vld [tilespmem:s12+$0xFFFFFFE0];
	_ =	sdelay $0x4  }
0x3c: {  	[tilespmem:$0x4FA0] =	vst v0  }
0x3d: {  	[tilespmem:s17], [sflag:$0x2] =	stream.indirect.gather [hbm4b:s4+s13], $0x80, s16, s13, $0xb8;
	[tilespmem:$0x1F300] =	vst v63  }
0x3e: {  	_ =	swait.ge [sflag:s18], $0x1800  }
0x3f: {  	[sflag:s18] =	ssyncset.done $0x0  }
0x40: {  	s8 =	simm.s32 @!p0 $0x7;
	[sflag:s18] =	ssyncadd.s32 $0xFFFFE800  }
0x41: {  	[spmem:s2] =	stream.indirect.scatter.add.f32 [tilespmem:s15], [sflag:$0x5], $0x80, s19, s13, $0xb8;
	[tilespmem:$0x1F300] =	vst v63  }
0x42: {  	_ =	swait.ge @!p0 [sflag:s8], $0x1800  }
0x43: {  	[sflag:s8] =	ssyncset.done @!p0 $0x0  }
0x44: {  	[sflag:s8] =	ssyncadd.s32 @!p0 $0xFFFFE800  }
0x45: {  	v61 =	vld [tilespmem:s1+$0xFFFFFFF0];
	_ =	sdelay $0x4  }
0x46: {  	[tilespmem:$0x5200] =	vst v61  }
0x47: {  	v0 =	vld [tilespmem:s12+$0xFFFFFFF0];
	_ =	sdelay $0x4  }
0x48: {  	[tilespmem:$0x5000] =	vst v0  }
0x49: {  	v0 =	vld [tilespmem:s1+$0x0];
	_ =	sdelay $0x4  }
0x4a: {  	[tilespmem:$0x5210] =	vst v0  }
0x4b: {  	v0 =	vld [tilespmem:s12+$0x0];
	_ =	sdelay $0x4  }
0x4c: {  	s24 =	sand.u32 $0x3FC0, s9;
	[tilespmem:$0x5010] =	vst v0  }
0x4d: {  	v0 =	vld [tilespmem:s24+$0x2800];
	_ =	sdelay $0x4  }
0x4e: {  	[tilespmem:$0x5220] =	vst v0  }
0x4f: {  	v0 =	vld [tilespmem:s24+$0x80];
	_ =	sdelay $0x4  }
0x50: {  	[tilespmem:$0x5020] =	vst v0  }
0x51: {  	[tilespmem:s21], [sflag:$0x3] =	stream.indirect.gather [hbm4b:s4+s13], $0x80, s20, s13, $0xb8;
	[tilespmem:$0x1F300] =	vst v63  }
0x52: {  	_ =	swait.ge [sflag:s22], $0x1800  }
0x53: {  	[sflag:s22] =	ssyncset.done $0x0  }
0x54: {  	s8 =	simm.s32 @!p0 $0x8;
	[sflag:s22] =	ssyncadd.s32 $0xFFFFE800  }
0x55: {  	[spmem:s2] =	stream.indirect.scatter.add.f32 [tilespmem:s17], [sflag:$0x6], $0x80, s23, s13, $0xb8;
	[tilespmem:$0x1F300] =	vst v63  }
0x56: {  	_ =	swait.ge @!p0 [sflag:s8], $0x1800  }
0x57: {  	[sflag:s8] =	ssyncset.done @!p0 $0x0  }
0x58: {  	[sflag:s8] =	ssyncadd.s32 @!p0 $0xFFFFE800  }
0x59: {  	v62 =	vld [tilespmem:s1+$0x20];
	_ =	sdelay $0x4  }
0x5a: {  	[tilespmem:$0x5280] =	vst v62  }
0x5b: {  	v0 =	vld [tilespmem:s12+$0x20];
	_ =	sdelay $0x4  }
0x5c: {  	[tilespmem:$0x5080] =	vst v0  }
0x5d: {  	v0 =	vld [tilespmem:s1+$0x30];
	_ =	sdelay $0x4  }
0x5e: {  	[tilespmem:$0x5290] =	vst v0  }
0x5f: {  	v0 =	vld [tilespmem:s12+$0x30];
	_ =	sdelay $0x4  }
0x60: {  	[tilespmem:$0x5090] =	vst v0  }
0x61: {  	v0 =	vld [tilespmem:s1+$0x40];
	_ =	sdelay $0x4  }
0x62: {  	[tilespmem:$0x52A0] =	vst v0  }
0x63: {  	v0 =	vld [tilespmem:s12+$0x40];
	_ =	sdelay $0x4  }
0x64: {  	[tilespmem:$0x50A0] =	vst v0  }
0x65: {  	[tilespmem:s26], [sflag:$0x4] =	stream.indirect.gather [hbm4b:s4+s13], $0x80, s25, s13, $0xb8;
	[tilespmem:$0x1F300] =	vst v63  }
0x66: {  	_ =	swait.ge [sflag:s28], $0x1800  }
0x67: {  	[sflag:s28] =	ssyncset.done $0x0  }
0x68: {  	[sflag:s28] =	ssyncadd.s32 $0xFFFFE800  }
0x69: {  	[spmem:s2] =	stream.indirect.scatter.add.f32 [tilespmem:s21], [sflag:$0x7], $0x80, s29, s13, $0xb8;
	[tilespmem:$0x1F300] =	vst v63  }
0x6a: {  	_ =	swait.ge [sflag:s30], $0x1800  }
0x6b: {  	[sflag:s30] =	ssyncset.done $0x0  }
0x6c: {  	[sflag:s30] =	ssyncadd.s32 $0xFFFFE800  }
0x6d: {  	v63 =	vld [tilespmem:s1+$0x50];
	_ =	sdelay $0x4  }
0x6e: {  	[tilespmem:$0x5100] =	vst v63  }
0x6f: {  	v0 =	vld [tilespmem:s12+$0x50];
	_ =	sdelay $0x4  }
0x70: {  	[tilespmem:$0x4F00] =	vst v0  }
0x71: {  	v0 =	vld [tilespmem:s1+$0x60];
	_ =	sdelay $0x4  }
0x72: {  	[tilespmem:$0x5110] =	vst v0  }
0x73: {  	v0 =	vld [tilespmem:s12+$0x60];
	_ =	sdelay $0x4  }
0x74: {  	[tilespmem:$0x4F10] =	vst v0  }
0x75: {  	v0 =	vld [tilespmem:s1+$0x70];
	_ =	sdelay $0x4  }
0x76: {  	[tilespmem:$0x5120] =	vst v0  }
0x77: {  	v0 =	vld [tilespmem:s12+$0x70];
	_ =	sdelay $0x4  }
0x78: {  	p1 =	por $0x0, $0x0;
	[tilespmem:$0x4F20] =	vst v0  }
0x79: {  	[tilespmem:s15], [sflag:$0x1] =	stream.indirect.gather [hbm4b:s4+s13], $0x80, s14, s13, $0xb8;
	[tilespmem:$0x1F300] =	vst v63  }
0x7a: {  	s9 =	simm.s32 $0x130;
	s3 =	simm.s32 $0x180;
	_ =	swait.ge [sflag:s31], $0x1800  }
0x7b: {  	s24 =	simm.s32 $0xC0;
	s8 =	simm.s32 $0x28B0;
	[sflag:s31] =	ssyncset.done $0x0  }
.LBB2_2:
0x7c: {  	s12 =	simm.s32 @!p1 $0x6  }
0x7d: {  	[sflag:s31] =	ssyncadd.s32 $0xFFFFE800;
	s1 =	smov.u32 s3;
	s3 =	sadd.s32 $0xC0, s3  }
0x7e: {  	[spmem:s2] =	stream.indirect.scatter.add.f32 [tilespmem:s26], [sflag:$0x8], $0x80, s0, s13, $0xb8;
	[tilespmem:$0x1F300] =	vst v63  }
0x7f: {  	p0 =	sne.s32 s3, $0x2700;
	_ =	swait.ge @!p1 [sflag:s12], $0x1800  }
0x80: {  	[sflag:s12] =	ssyncset.done @!p1 $0x0  }
0x81: {  	[sflag:s12] =	ssyncadd.s32 @!p1 $0xFFFFE800  }
0x82: {  	v0 =	vld [tilespmem:s8+$0xFFFFFFC0];
	_ =	sdelay $0x4  }
0x83: {  	[tilespmem:$0x5180] =	vst v0  }
0x84: {  	v0 =	vld [tilespmem:s9+$0xFFFFFFC0];
	_ =	sdelay $0x4  }
0x85: {  	[tilespmem:$0x4F80] =	vst v0  }
0x86: {  	v0 =	vld [tilespmem:s8+$0xFFFFFFD0];
	_ =	sdelay $0x4  }
0x87: {  	[tilespmem:$0x5190] =	vst v0  }
0x88: {  	v0 =	vld [tilespmem:s9+$0xFFFFFFD0];
	_ =	sdelay $0x4  }
0x89: {  	[tilespmem:$0x4F90] =	vst v0  }
0x8a: {  	v0 =	vld [tilespmem:s8+$0xFFFFFFE0];
	_ =	sdelay $0x4  }
0x8b: {  	[tilespmem:$0x51A0] =	vst v0  }
0x8c: {  	v0 =	vld [tilespmem:s9+$0xFFFFFFE0];
	_ =	sdelay $0x4  }
0x8d: {  	[tilespmem:$0x4FA0] =	vst v0  }
0x8e: {  	[tilespmem:s17], [sflag:$0x2] =	stream.indirect.gather [hbm4b:s4+s13], $0x80, s16, s13, $0xb8;
	[tilespmem:$0x1F300] =	vst v63  }
0x8f: {  	_ =	swait.ge [sflag:s18], $0x1800  }
0x90: {  	[sflag:s18] =	ssyncset.done $0x0  }
0x91: {  	s12 =	simm.s32 @!p1 $0x7;
	[sflag:s18] =	ssyncadd.s32 $0xFFFFE800  }
0x92: {  	[spmem:s2] =	stream.indirect.scatter.add.f32 [tilespmem:s15], [sflag:$0x5], $0x80, s19, s13, $0xb8;
	[tilespmem:$0x1F300] =	vst v63  }
0x93: {  	_ =	swait.ge @!p1 [sflag:s12], $0x1800  }
0x94: {  	[sflag:s12] =	ssyncset.done @!p1 $0x0  }
0x95: {  	[sflag:s12] =	ssyncadd.s32 @!p1 $0xFFFFE800  }
0x96: {  	v0 =	vld [tilespmem:s8+$0xFFFFFFF0];
	_ =	sdelay $0x4  }
0x97: {  	[tilespmem:$0x5200] =	vst v0  }
0x98: {  	v0 =	vld [tilespmem:s9+$0xFFFFFFF0];
	_ =	sdelay $0x4  }
0x99: {  	[tilespmem:$0x5000] =	vst v0  }
0x9a: {  	v0 =	vld [tilespmem:s8+$0x0];
	_ =	sdelay $0x4  }
0x9b: {  	[tilespmem:$0x5210] =	vst v0  }
0x9c: {  	v0 =	vld [tilespmem:s9+$0x0];
	_ =	sdelay $0x4  }
0x9d: {  	s12 =	sand.u32 $0x3FC0, s24;
	s24 =	smov.u32 s1;
	[tilespmem:$0x5010] =	vst v0  }
0x9e: {  	v0 =	vld [tilespmem:s12+$0x2800];
	_ =	sdelay $0x4  }
0x9f: {  	[tilespmem:$0x5220] =	vst v0  }
0xa0: {  	v0 =	vld [tilespmem:s12+$0x80];
	_ =	sdelay $0x4  }
0xa1: {  	[tilespmem:$0x5020] =	vst v0  }
0xa2: {  	[tilespmem:s21], [sflag:$0x3] =	stream.indirect.gather [hbm4b:s4+s13], $0x80, s20, s13, $0xb8;
	[tilespmem:$0x1F300] =	vst v63  }
0xa3: {  	_ =	swait.ge [sflag:s22], $0x1800  }
0xa4: {  	[sflag:s22] =	ssyncset.done $0x0  }
0xa5: {  	s1 =	simm.s32 @!p1 $0x8;
	[sflag:s22] =	ssyncadd.s32 $0xFFFFE800  }
0xa6: {  	[spmem:s2] =	stream.indirect.scatter.add.f32 [tilespmem:s17], [sflag:$0x6], $0x80, s23, s13, $0xb8;
	[tilespmem:$0x1F300] =	vst v63  }
0xa7: {  	_ =	swait.ge @!p1 [sflag:s1], $0x1800  }
0xa8: {  	[sflag:s1] =	ssyncset.done @!p1 $0x0  }
0xa9: {  	[sflag:s1] =	ssyncadd.s32 @!p1 $0xFFFFE800  }
0xaa: {  	v0 =	vld [tilespmem:s8+$0x20];
	_ =	sdelay $0x4  }
0xab: {  	[tilespmem:$0x5280] =	vst v0  }
0xac: {  	v0 =	vld [tilespmem:s9+$0x20];
	_ =	sdelay $0x4  }
0xad: {  	[tilespmem:$0x5080] =	vst v0  }
0xae: {  	v0 =	vld [tilespmem:s8+$0x30];
	_ =	sdelay $0x4  }
0xaf: {  	[tilespmem:$0x5290] =	vst v0  }
0xb0: {  	v0 =	vld [tilespmem:s9+$0x30];
	_ =	sdelay $0x4  }
0xb1: {  	[tilespmem:$0x5090] =	vst v0  }
0xb2: {  	v0 =	vld [tilespmem:s8+$0x40];
	_ =	sdelay $0x4  }
0xb3: {  	[tilespmem:$0x52A0] =	vst v0  }
0xb4: {  	v0 =	vld [tilespmem:s9+$0x40];
	_ =	sdelay $0x4  }
0xb5: {  	[tilespmem:$0x50A0] =	vst v0  }
0xb6: {  	[tilespmem:s26], [sflag:$0x4] =	stream.indirect.gather [hbm4b:s4+s13], $0x80, s25, s13, $0xb8;
	[tilespmem:$0x1F300] =	vst v63  }
0xb7: {  	_ =	swait.ge [sflag:s28], $0x1800  }
0xb8: {  	[sflag:s28] =	ssyncset.done $0x0  }
0xb9: {  	[sflag:s28] =	ssyncadd.s32 $0xFFFFE800  }
0xba: {  	[spmem:s2] =	stream.indirect.scatter.add.f32 [tilespmem:s21], [sflag:$0x7], $0x80, s29, s13, $0xb8;
	[tilespmem:$0x1F300] =	vst v63  }
0xbb: {  	_ =	swait.ge [sflag:s30], $0x1800  }
0xbc: {  	[sflag:s30] =	ssyncset.done $0x0  }
0xbd: {  	[sflag:s30] =	ssyncadd.s32 $0xFFFFE800  }
0xbe: {  	v0 =	vld [tilespmem:s8+$0x50];
	_ =	sdelay $0x4  }
0xbf: {  	[tilespmem:$0x5100] =	vst v0  }
0xc0: {  	v0 =	vld [tilespmem:s9+$0x50];
	_ =	sdelay $0x4  }
0xc1: {  	[tilespmem:$0x4F00] =	vst v0  }
0xc2: {  	v0 =	vld [tilespmem:s8+$0x60];
	_ =	sdelay $0x4  }
0xc3: {  	[tilespmem:$0x5110] =	vst v0  }
0xc4: {  	v0 =	vld [tilespmem:s9+$0x60];
	_ =	sdelay $0x4  }
0xc5: {  	[tilespmem:$0x4F10] =	vst v0  }
0xc6: {  	v0 =	vld [tilespmem:s8+$0x70];
	_ =	sdelay $0x4  }
0xc7: {  	[tilespmem:$0x5120] =	vst v0  }
0xc8: {  	v0 =	vld [tilespmem:s9+$0x70];
	_ =	sdelay $0x3  }
.Ltmp0:
0xc9: {  	(pc) =	sbr.rel @p0 .LBB2_2-.Ltmp0, $4  }
0xca: {  	[tilespmem:$0x4F20] =	vst v0  }
0xcb: {  	[tilespmem:s15], [sflag:$0x1] =	stream.indirect.gather [hbm4b:s4+s13], $0x80, s14, s13, $0xb8;
	[tilespmem:$0x1F300] =	vst v63  }
0xcc: {  	s8 =	sadd.s32 $0xC0, s8;
	_ =	swait.ge [sflag:s31], $0x1800  }
0xcd: {  	p1 =	seq.s32 s24, $0x0;
	s9 =	sadd.s32 $0xC0, s9;
	[sflag:s31] =	ssyncset.done $0x0  }
0xce: {  	s1 =	simm.s32 @!p1 $0x6;
	[sflag:s31] =	ssyncadd.s32 $0xFFFFE800  }
0xcf: {  	[spmem:s2] =	stream.indirect.scatter.add.f32 [tilespmem:s26], [sflag:$0x8], $0x80, s0, s13, $0xb8;
	[tilespmem:$0x1F300] =	vst v63  }
0xd0: {  	_ =	swait.ge @!p1 [sflag:s1], $0x1800  }
0xd1: {  	[sflag:s1] =	ssyncset.done @!p1 $0x0  }
0xd2: {  	[sflag:s1] =	ssyncadd.s32 @!p1 $0xFFFFE800  }
0xd3: {  	v0 =	vld [tilespmem:s8+$0xFFFFFFC0];
	_ =	sdelay $0x4  }
0xd4: {  	[tilespmem:$0x5180] =	vst v0  }
0xd5: {  	v0 =	vld [tilespmem:s9+$0xFFFFFFC0];
	_ =	sdelay $0x4  }
0xd6: {  	[tilespmem:$0x4F80] =	vst v0  }
0xd7: {  	v0 =	vld [tilespmem:s8+$0xFFFFFFD0];
	_ =	sdelay $0x4  }
0xd8: {  	[tilespmem:$0x5190] =	vst v0  }
0xd9: {  	v0 =	vld [tilespmem:s9+$0xFFFFFFD0];
	_ =	sdelay $0x4  }
0xda: {  	[tilespmem:$0x4F90] =	vst v0  }
0xdb: {  	v0 =	vld [tilespmem:s8+$0xFFFFFFE0];
	_ =	sdelay $0x4  }
0xdc: {  	[tilespmem:$0x51A0] =	vst v0  }
0xdd: {  	v0 =	vld [tilespmem:s9+$0xFFFFFFE0];
	_ =	sdelay $0x4  }
0xde: {  	[tilespmem:$0x4FA0] =	vst v0  }
0xdf: {  	[tilespmem:s17], [sflag:$0x2] =	stream.indirect.gather [hbm4b:s4+s13], $0x80, s16, s13, $0xb8;
	[tilespmem:$0x1F300] =	vst v63  }
0xe0: {  	_ =	swait.ge [sflag:s18], $0x1800  }
0xe1: {  	[sflag:s18] =	ssyncset.done $0x0  }
0xe2: {  	s1 =	simm.s32 @!p1 $0x7;
	[sflag:s18] =	ssyncadd.s32 $0xFFFFE800  }
0xe3: {  	[spmem:s2] =	stream.indirect.scatter.add.f32 [tilespmem:s15], [sflag:$0x5], $0x80, s19, s13, $0xb8;
	[tilespmem:$0x1F300] =	vst v63  }
0xe4: {  	_ =	swait.ge @!p1 [sflag:s1], $0x1800  }
0xe5: {  	[sflag:s1] =	ssyncset.done @!p1 $0x0  }
0xe6: {  	[sflag:s1] =	ssyncadd.s32 @!p1 $0xFFFFE800  }
0xe7: {  	v61 =	vld [tilespmem:s8+$0xFFFFFFF0];
	_ =	sdelay $0x4  }
0xe8: {  	[tilespmem:$0x5200] =	vst v61  }
0xe9: {  	v0 =	vld [tilespmem:s9+$0xFFFFFFF0];
	_ =	sdelay $0x4  }
0xea: {  	[tilespmem:$0x5000] =	vst v0  }
0xeb: {  	v0 =	vld [tilespmem:s8+$0x0];
	_ =	sdelay $0x4  }
0xec: {  	[tilespmem:$0x5210] =	vst v0  }
0xed: {  	v0 =	vld [tilespmem:s9+$0x0];
	_ =	sdelay $0x4  }
0xee: {  	s3 =	sand.u32 $0x3FC0, s24;
	[tilespmem:$0x5010] =	vst v0  }
0xef: {  	v0 =	vld [tilespmem:s3+$0x2800];
	_ =	sdelay $0x4  }
0xf0: {  	[tilespmem:$0x5220] =	vst v0  }
0xf1: {  	v0 =	vld [tilespmem:s3+$0x80];
	_ =	sdelay $0x4  }
0xf2: {  	[tilespmem:$0x5020] =	vst v0  }
0xf3: {  	[tilespmem:s21], [sflag:$0x3] =	stream.indirect.gather [hbm4b:s4+s13], $0x80, s20, s13, $0xb8;
	[tilespmem:$0x1F300] =	vst v63  }
0xf4: {  	_ =	swait.ge [sflag:s22], $0x1800  }
0xf5: {  	[sflag:s22] =	ssyncset.done $0x0  }
0xf6: {  	s1 =	simm.s32 @!p1 $0x8;
	[sflag:s22] =	ssyncadd.s32 $0xFFFFE800  }
0xf7: {  	[spmem:s2] =	stream.indirect.scatter.add.f32 [tilespmem:s17], [sflag:$0x6], $0x80, s23, s13, $0xb8;
	[tilespmem:$0x1F300] =	vst v63  }
0xf8: {  	_ =	swait.ge @!p1 [sflag:s1], $0x1800  }
0xf9: {  	[sflag:s1] =	ssyncset.done @!p1 $0x0  }
0xfa: {  	[sflag:s1] =	ssyncadd.s32 @!p1 $0xFFFFE800  }
0xfb: {  	v62 =	vld [tilespmem:s8+$0x20];
	_ =	sdelay $0x4  }
0xfc: {  	[tilespmem:$0x5280] =	vst v62  }
0xfd: {  	v0 =	vld [tilespmem:s9+$0x20];
	_ =	sdelay $0x4  }
0xfe: {  	[tilespmem:$0x5080] =	vst v0  }
0xff: {  	v0 =	vld [tilespmem:s8+$0x30];
	_ =	sdelay $0x4  }
0x100: {  	[tilespmem:$0x5290] =	vst v0  }
0x101: {  	v0 =	vld [tilespmem:s9+$0x30];
	_ =	sdelay $0x4  }
0x102: {  	[tilespmem:$0x5090] =	vst v0  }
0x103: {  	v0 =	vld [tilespmem:s8+$0x40];
	_ =	sdelay $0x4  }
0x104: {  	[tilespmem:$0x52A0] =	vst v0  }
0x105: {  	v0 =	vld [tilespmem:s9+$0x40];
	_ =	sdelay $0x4  }
0x106: {  	[tilespmem:$0x50A0] =	vst v0  }
0x107: {  	[tilespmem:s26], [sflag:$0x4] =	stream.indirect.gather [hbm4b:s4+s13], $0x80, s25, s13, $0xb8;
	[tilespmem:$0x1F300] =	vst v63  }
0x108: {  	_ =	swait.ge [sflag:s28], $0x1800  }
0x109: {  	[sflag:s28] =	ssyncset.done $0x0  }
0x10a: {  	[sflag:s28] =	ssyncadd.s32 $0xFFFFE800  }
0x10b: {  	[spmem:s2] =	stream.indirect.scatter.add.f32 [tilespmem:s21], [sflag:$0x7], $0x80, s29, s13, $0xb8;
	[tilespmem:$0x1F300] =	vst v63  }
0x10c: {  	_ =	swait.ge [sflag:s30], $0x1800  }
0x10d: {  	[sflag:s30] =	ssyncset.done $0x0  }
0x10e: {  	[sflag:s30] =	ssyncadd.s32 $0xFFFFE800  }
0x10f: {  	v63 =	vld [tilespmem:s8+$0x50];
	_ =	sdelay $0x4  }
0x110: {  	[tilespmem:$0x5100] =	vst v63  }
0x111: {  	v0 =	vld [tilespmem:s9+$0x50];
	_ =	sdelay $0x4  }
0x112: {  	[tilespmem:$0x4F00] =	vst v0  }
0x113: {  	v0 =	vld [tilespmem:s8+$0x60];
	_ =	sdelay $0x4  }
0x114: {  	[tilespmem:$0x5110] =	vst v0  }
0x115: {  	v0 =	vld [tilespmem:s9+$0x60];
	_ =	sdelay $0x4  }
0x116: {  	[tilespmem:$0x4F10] =	vst v0  }
0x117: {  	v0 =	vld [tilespmem:s8+$0x70];
	_ =	sdelay $0x4  }
0x118: {  	[tilespmem:$0x5120] =	vst v0  }
0x119: {  	v0 =	vld [tilespmem:s9+$0x70];
	_ =	sdelay $0x4  }
0x11a: {  	[tilespmem:$0x4F20] =	vst v0  }
0x11b: {  	[tilespmem:s15], [sflag:$0x1] =	stream.indirect.gather [hbm4b:s4+s13], $0x80, s14, s13, $0xb8;
	[tilespmem:$0x1F300] =	vst v63  }
0x11c: {  	_ =	swait.ge [sflag:s31], $0x1800  }
0x11d: {  	[sflag:s31] =	ssyncset.done $0x0  }
0x11e: {  	[sflag:s31] =	ssyncadd.s32 $0xFFFFE800  }
0x11f: {  	[spmem:s2] =	stream.indirect.scatter.add.f32 [tilespmem:s26], [sflag:$0x8], $0x80, s0, s13, $0xb8;
	[tilespmem:$0x1F300] =	vst v63  }
0x120: {  	_ =	swait.ge [sflag:s18], $0x1800  }
0x121: {  	[sflag:s18] =	ssyncset.done $0x0  }
0x122: {  	s8 =	simm.s32 $0x6;
	[sflag:s18] =	ssyncadd.s32 $0xFFFFE800  }
0x123: {  	[spmem:s2] =	stream.indirect.scatter.add.f32 [tilespmem:s15], [sflag:$0x5], $0x80, s19, s13, $0xb8;
	[tilespmem:$0x1F300] =	vst v63  }
0x124: {  	_ =	swait.ge [sflag:s8], $0x1800  }
0x125: {  	[sflag:s8] =	ssyncset.done $0x0  }
0x126: {  	s9 =	simm.s32 $0x7;
	[sflag:s8] =	ssyncadd.s32 $0xFFFFE800  }
0x127: {  	_ =	swait.ge [sflag:s9], $0x1800  }
0x128: {  	[sflag:s9] =	ssyncset.done $0x0  }
0x129: {  	[sflag:s9] =	ssyncadd.s32 $0xFFFFE800  }
0x12a: {  	_ =	swait.ge [sflag:s5], $0x1800  }
0x12b: {  	[sflag:s5] =	ssyncset.done $0x0  }
0x12c: {  	[sflag:s5] =	ssyncadd.s32 $0xFFFFE800  }
0x12d: {  	_ =	swait.ge [sflag:s30], $0x1800  }
0x12e: {  	[sflag:s30] =	ssyncset.done $0x0  }
0x12f: {  	[sflag:s30] =	ssyncadd.s32 $0xFFFFE800  }
0x130: {  	[bflag:$0x0] =	sbarrier.arrive $0xFFFF  }
0x131: {  	s12 =	rddreg [dreg:$0x7]  }
0x132: {  	[hbm:s12], [sflag:s6] =	dma.local [spmem:s10], $0x2800  }
0x133: {  	_ =	swait.ge [sflag:s11], $0x2800  }
0x134: {  	s7 =	sadd.s32 $0x1, s7;
	s24 =	rddreg [dreg:$0x6]  }
0x135: {  	p0 =	sne.s32 s7, s24  }
.Ltmp1:
0x136: {  	_ = 	snop;
	(pc) =	sbr.rel @p0 .LBB2_1-.Ltmp1, $3  }
0x137: {  	_ =	sdelay $0x1  }
0x138: {  	[sflag:s11] =	ssyncset.done $0x0  }
0x139: {  	[sflag:s11] =	ssyncadd.s32 $0xFFFFD800  }
0x13a: {  	_ =	sfence.sel $0x180000  }
0x13b: {  	[bflag:$0x0] =	sbarrier.arrive $0xFFFF  }
0x13c: {  	_ =	strace $0x9000004A  }
0x13d: {  	s0 =	stileid.u32;
	[bflag:$0x2] =	sbarrier.arrive $0xFFFF  }
0x13e: {  	p0 =	sne.s32 s0, $0x0;
	s0 =	rddreg [dreg:$0x2]  }
0x13f: {  	s0 =	sadd.s32 @!p0 $0x100000, s0  }
0x140: {  	[sflag:s0] =	ssyncadd.tile.s32 @!p0 $0x1;
	_ =	shalt  }
.Lfunc_end2:
_tile_overlayer_lowered:
.L_overlay_start_2:
0x141: {  	(tag) =	ssettag $0x2  }
0x142: {  	s0 =	rddreg [dreg:$0x0];
	s2 =	stileid.u32  }
0x143: {  	s1 =	rddreg [dreg:$0x1];
	p0 =	sne.s32 s2, $0x0  }
0x144: {  	s3 =	rddreg [dreg:$0x2];
	[bflag:$0x3] =	sbarrier.arrive $0xFFFF;
	s2 =	simm.s32 @!p0 $0x1C09  }
0x145: {  	[timem:s3], [sflag:s2] =	dma.local @!p0 [hbm:s0], s1  }
0x146: {  	s0 =	simm.s32 @!p0 $0x9  }
0x147: {  	_ =	swait.ge @!p0 [sflag:s0], s1  }
0x148: {  	s1 =	ssub.s32 @!p0 $0x0, s1;
	[sflag:s0] =	ssyncset.done @!p0 $0x0  }
0x149: {  	[sflag:s0] =	ssyncadd.s32 @!p0 s1  }
0x14a: {  	[bflag:$0x3] =	sbarrier.arrive $0xFFFF  }
0x14b: {  	_ =	shalt  }

// kernel: kernel.14.cloned.1.call-start
scs
__scs_entry_jumppad:
0x0: {  	(pc) =	sbr.rel $0x88, $3  }
0x1: {  	(tag) =	ssettag $0x0;
	lr =	simm.s32 $0x1  }
0x2: {  	[smem:$0x3F92] =	sst lr;
	_ =	strace $0xD0000000  }
0x3: {  	_ = 	snop  }
0x4: {  	_ = 	snop  }
0x5: {  	_ = 	snop  }
0x6: {  	_ = 	snop  }
0x7: {  	_ = 	snop  }
__scs_overlays_trampoline_lowered:
0x8: {  	[smem:$0x3FA1] =	sst s0  }
0x9: {  	[smem:$0x3FA2] =	sst s1  }
0xa: {  	[smem:$0x3FA3] =	sst s2  }
0xb: {  	[smem:$0x3FA4] =	sst s3  }
0xc: {  	[smem:$0x3FA5] =	sst s4  }
0xd: {  	[smem:$0x3FA6] =	sst s5  }
0xe: {  	[smem:$0x3FA7] =	sst s6  }
0xf: {  	[smem:$0x3FA8] =	sst s7  }
0x10: {  	[smem:$0x3FA9] =	sst s8  }
0x11: {  	[smem:$0x3FAA] =	sst s9;
	s0 =	simm.s32 @!p0 $0x0  }
0x12: {  	s1 =	sld [smem:$0x3F90];
	s0 =	simm.s32 @p0 $0x1  }
0x13: {  	[smem:$0x3FAB] =	sst s0;
	s0 =	simm.s32 @!p1 $0x0  }
0x14: {  	s2 =	sld [smem:$0x3F8F];
	s0 =	simm.s32 @p1 $0x1  }
0x15: {  	[smem:$0x3FAC] =	sst s0;
	s0 =	simm.s32 @!p2 $0x0  }
0x16: {  	s3 =	sld [smem:$0x3FDB];
	s0 =	simm.s32 @p2 $0x1  }
0x17: {  	s4 =	simm.s32 $0x1BF5;
	[smem:$0x3FAE] =	sst s0  }
0x18: {  	s0 =	sld [smem:$0x3F91];
	_ =	swait.ge [sflag:s4], $0x0  }
0x19: {  	s7 =	sld [smem:$0x3F92]  }
0x1a: {  	s8 =	sadd.s32 $0xFFFFE003, lr  }
0x1b: {  	s9 =	sadd.s32 $0xFFFFFEF7, lr;
	s5 =	simm.s32 $0xFFFFFFFF;
	p2 =	slt.u32 s8, $0xFFFFF086  }
0x1c: {  	p1 =	slt.u32 s9, $0xF7A;
	s5 =	simm.s32 @!p2 $0x0  }
0x1d: {  	s5 =	simm.s32 @p1 $0x1;
	p0 =	seq.s32 s7, s2  }
0x1e: {  	s7 =	smul.u32 @!p0 $0xF7A, s2;
	p2 =	seq.s32 @!p0 s5, $0x0  }
0x1f: {  	s9 =	smul.u32 $0xF7A, s1;
	s8 =	simm.s32 @!p0 $0x1BF5;
	p2 =	por !p2, p0  }
0x20: {  	[sflag:s8] =	ssyncset.s32 @!p0 $0xFFFFF086;
	s6 =	sadd.s32 @!p0 s3, s7;
	s7 =	simm.s32 @!p0 $0x108  }
0x21: {  	s3 =	sadd.s32 s3, s9;
	s6 =	sadd.s32 @!p0 $0x88, s6;
	s7 =	simm.s32 @p2 $0x1082  }
0x22: {  	[simem:s7], [sflag:s8] =	dma.local @!p0 [hbm:s6], $0xF7A  }
0x23: {  	s9 =	sor.u32 $0xD0000000, s2;
	s6 =	simm.s32 $0x108;
	_ =	swait.ge @!p0 [sflag:s8], $0x0  }
0x24: {  	s3 =	sadd.s32 $0x88, s3;
	s6 =	simm.s32 @!p1 $0x1082;
	[sflag:s4] =	ssyncset.s32 $0xFFFFF086  }
0x25: {  	[simem:s6], [sflag:s4] =	dma.local [hbm:s3], $0xF7A  }
0x26: {  	[smem:$0x3F92] =	sst s1;
	(tag) =	ssettag s2;
	_ =	strace s9  }
0x27: {  	s1 =	sld [smem:$0x3FA2]  }
0x28: {  	s2 =	sld [smem:$0x3FA3]  }
0x29: {  	s4 =	sld [smem:$0x3FA5]  }
0x2a: {  	p0 =	seq.s32 s5, $0x0;
	s5 =	sld [smem:$0x3FA6]  }
0x2b: {  	s6 =	sld [smem:$0x3FA7]  }
0x2c: {  	s7 =	sld [smem:$0x3FA8]  }
0x2d: {  	s3 =	simm.s32 $0x108;
	s8 =	sld [smem:$0x3FA9]  }
0x2e: {  	s3 =	simm.s32 @!p0 $0x1082;
	s9 =	sld [smem:$0x3FAA]  }
0x2f: {  	lr =	sadd.s32 s0, s3;
	s0 =	sld [smem:$0x3FA1]  }
0x30: {  	s3 =	sld [smem:$0x3FA4]  }
0x31: {  	[smem:$0x3FAD] =	sst s10  }
0x32: {  	s10 =	sld [smem:$0x3FAB];
	_ =	sdelay $0x3  }
0x33: {  	p0 =	seq.s32 s10, $0x1;
	s10 =	sld [smem:$0x3FAD];
	_ =	sdelay $0x3  }
0x34: {  	[smem:$0x3FAD] =	sst s10  }
0x35: {  	s10 =	sld [smem:$0x3FAC];
	_ =	sdelay $0x3  }
0x36: {  	p1 =	seq.s32 s10, $0x1;
	s10 =	sld [smem:$0x3FAD];
	_ =	sdelay $0x3  }
0x37: {  	[smem:$0x3FAD] =	sst s10  }
0x38: {  	s10 =	sld [smem:$0x3FAE]  }
0x39: {  	_ = 	snop;
	(pc) =	sbr.ind lr, $3  }
0x3a: {  	_ = 	snop  }
0x3b: {  	_ = 	snop  }
0x3c: {  	p2 =	seq.s32 s10, $0x1;
	s10 =	sld [smem:$0x3FAD]  }
0x3d: {  	_ =	shalt  }
0x3e: {  	_ =	shalt  }
0x3f: {  	_ =	shalt  }
0x40: {  	_ =	shalt  }
0x41: {  	_ =	shalt  }
0x42: {  	_ =	shalt  }
0x43: {  	_ =	shalt  }
0x44: {  	_ =	shalt  }
0x45: {  	_ =	shalt  }
0x46: {  	_ =	shalt  }
0x47: {  	_ =	shalt  }
0x48: {  	_ =	shalt  }
0x49: {  	_ =	shalt  }
0x4a: {  	_ =	shalt  }
0x4b: {  	_ =	shalt  }
0x4c: {  	_ =	shalt  }
0x4d: {  	_ =	shalt  }
0x4e: {  	_ =	shalt  }
0x4f: {  	_ =	shalt  }
0x50: {  	_ =	shalt  }
0x51: {  	_ =	shalt  }
0x52: {  	_ =	shalt  }
0x53: {  	_ =	shalt  }
0x54: {  	_ =	shalt  }
0x55: {  	_ =	shalt  }
0x56: {  	_ =	shalt  }
0x57: {  	_ =	shalt  }
0x58: {  	_ =	shalt  }
0x59: {  	_ =	shalt  }
0x5a: {  	_ =	shalt  }
0x5b: {  	_ =	shalt  }
0x5c: {  	_ =	shalt  }
0x5d: {  	_ =	shalt  }
0x5e: {  	_ =	shalt  }
0x5f: {  	_ =	shalt  }
0x60: {  	_ =	shalt  }
0x61: {  	_ =	shalt  }
0x62: {  	_ =	shalt  }
0x63: {  	_ =	shalt  }
0x64: {  	_ =	shalt  }
0x65: {  	_ =	shalt  }
0x66: {  	_ =	shalt  }
0x67: {  	_ =	shalt  }
0x68: {  	_ =	shalt  }
0x69: {  	_ =	shalt  }
0x6a: {  	_ =	shalt  }
0x6b: {  	_ =	shalt  }
0x6c: {  	_ =	shalt  }
0x6d: {  	_ =	shalt  }
0x6e: {  	_ =	shalt  }
0x6f: {  	_ =	shalt  }
0x70: {  	_ =	shalt  }
0x71: {  	_ =	shalt  }
0x72: {  	_ =	shalt  }
0x73: {  	_ =	shalt  }
0x74: {  	_ =	shalt  }
0x75: {  	_ =	shalt  }
0x76: {  	_ =	shalt  }
0x77: {  	_ =	shalt  }
0x78: {  	_ =	shalt  }
0x79: {  	_ =	shalt  }
0x7a: {  	_ =	shalt  }
0x7b: {  	_ =	shalt  }
0x7c: {  	_ =	shalt  }
0x7d: {  	_ =	shalt  }
0x7e: {  	_ =	shalt  }
0x7f: {  	_ =	shalt  }
0x80: {  	_ =	shalt  }
0x81: {  	_ =	shalt  }
0x82: {  	_ =	shalt  }
0x83: {  	_ =	shalt  }
0x84: {  	_ =	shalt  }
0x85: {  	_ =	shalt  }
0x86: {  	_ =	shalt  }
0x87: {  	_ =	shalt  }
.Lfunc_end0:
.L_simem_size_0:
called_computation.2_lowered:
.L_overlay_start_0:
0x88: {  	s2 =	sld [smem:$0x3FD9]  }
0x89: {  	s3 =	sld [smem:$0x3FFE];
	_ =	sdelay $0x1  }
0x8a: {  	s1 =	srdreg.scid  }
0x8b: {  	s0 =	sand.u32 $0x1, s1  }
0x8c: {  	s17 =	sshll.u32 s0, $0xA;
	s2 =	sadd.s32 s3, s2  }
0x8d: {  	s2 =	sadd.s32 s2, s17  }
0x8e: {  	[smem:$0x3FB9] =	sst s2  }
0x8f: {  	_ = 	snop  }
0x90: {  	s2 =	sld [smem:$0x3FC7];
	(tm) =	ssettm $0x1  }
0x91: {  	s18 =	sld [smem:$0x3FFB];
	_ =	sdelay $0x3  }
0x92: {  	_ =	strace s18  }
0x93: {  	s3 =	sld [smem:$0x3FFC];
	_ =	sdelay $0x3  }
0x94: {  	_ =	strace s3  }
0x95: {  	s3 =	sld [smem:$0x3FFD];
	_ =	sdelay $0x3  }
0x96: {  	_ =	strace s3  }
0x97: {  	_ =	strace $0x8FFFFFFF  }
0x98: {  	s19 =	sld [smem:$0x3FDB];
	_ =	sdelay $0x1  }
0x99: {  	s4 =	simm.s32 $_scs_section_size  }
0x9a: {  	s5 =	simm.s32 $_size__tile_overlayer_lowered;
	s6 =	simm.s32 $_tile_overlayer_lowered  }
0x9b: {  	s22 =	simm.s32 $0x1BFF;
	s21 =	sshll.u32 s6, $0x1;
	s3 =	sadd.s32 s4, s19  }
0x9c: {  	s7 =	simm.s32 $0x0;
	s20 =	sshll.u32 s5, $0x1;
	s5 =	sadd.s32 s21, s3  }
0x9d: {  	[timem:s7], [sflag:s22] =	dma.local [hbm:s5], s20  }
0x9e: {  	_ =	swait.ge [sflag:s22], s20  }
0x9f: {  	s4 =	ssub.s32 $0x0, s20;
	[sflag:s22] =	ssyncset.done $0x0  }
0xa0: {  	[sflag:s22] =	ssyncadd.s32 s4;
	_ =	sdelay $0x1  }
0xa1: {  	s23 =	simm.s32 $0x1B8B  }
0xa2: {  	_ =	swait.ge [sflag:s23], $0x1  }
0xa3: {  	[sflag:s23] =	ssyncset.done $0x0  }
0xa4: {  	s25 =	simm.s32 $0x1B8E;
	s24 =	sld [smem:$0x3FFE];
	[sflag:s23] =	ssyncadd.s32 $0xFFFFFFFF  }
0xa5: {  	s26 =	simm.s32 $execute0_lowered;
	[smem:$0x3FD2] =	sst s25  }
0xa6: {  	s5 =	sshll.u32 s26, $0x1;
	_ =	strace $0x8000004C;
	[dreg:$0x1] =	wrdreg $0xFFFFFFFF  }
0xa7: {  	s28 =	simm.s32 $_size_execute0_lowered;
	s3 =	sadd.s32 s3, s5;
	[dreg:$0x0] =	wrdreg $0x0  }
0xa8: {  	s5 =	sshll.u32 s28, $0x1;
	[dreg:$0x2] =	wrdreg s3  }
0xa9: {  	[dreg:$0x3] =	wrdreg s5  }
0xaa: {  	[dreg:$0x4] =	wrdreg $0xC0  }
0xab: {  	_ =	task [dreg:s7], $0x5FFFF  }
0xac: {  	[dreg:$0x1] =	wrdreg $0xFFFFFFFF  }
0xad: {  	[dreg:$0x0] =	wrdreg $0x60  }
0xae: {  	[dreg:$0x2] =	wrdreg s24  }
0xaf: {  	[dreg:$0x3] =	wrdreg s2  }
0xb0: {  	[dreg:$0x4] =	wrdreg $0xB3000  }
0xb1: {  	[dreg:$0x5] =	wrdreg $0x9  }
0xb2: {  	_ =	task.clear_ibuf [dreg:s7], $0x6FFFF;
	_ =	strace $0x9000004C  }
0xb3: {  	s29 =	simm.s32 $0x9;
	_ =	strace $0x8000004E  }
0xb4: {  	_ =	swait.ge [sflag:s29], $0x1  }
0xb5: {  	[sflag:s29] =	ssyncadd.s32 $0xFFFFFFFF  }
0xb6: {  	_ =	strace $0x9000004E  }
0xb7: {  	_ =	sfence  }
0xb8: {  	s30 =	sld [smem:$0x0];
	_ =	sdelay $0x2  }
0xb9: {  	s31 =	sshll.u32 s1, $0xD;
	s1 =	sshrl.u32 s1, $0x2  }
0xba: {  	s3 =	sand.u32 $0x4000, s31;
	s1 =	sadd.s32 s1, s30  }
0xbb: {  	s0 =	sor.u32 s3, s0;
	s1 =	sshll.u32 s1, $0x11  }
0xbc: {  	s0 =	sor.u32 s1, s0  }
0xbd: {  	s0 =	sadd.s32 $0x8F2B, s0  }
0xbe: {  	[sflag:s0] =	ssyncadd.remote.s32 $0x1  }
0xbf: {  	_ =	sfence.sel $0xFFFF  }
0xc0: {  	[dreg:$0x0] =	wrdreg $0xFFFFFFFF;
	(pc) =	sbr.abs _section_cstart, $3  }
0xc1: {  	[dreg:$0x1] =	wrdreg $0xFFFFFFFF  }
0xc2: {  	_ =	task.clear_ibuf [dreg:s7], $0x2FFFF;
	_ =	strace $0x9FFFFFFF  }
0xc3: {  	(tm) =	ssettm $0x7FFFFFFF  }
tec
execute0_lowered:
.L_overlay_start_1:
0x0: {  	(tag) =	ssettag $0x1  }
0x1: {  	s0 =	rddreg [dreg:$0x0]  }
0x2: {  	s1 =	rddreg [dreg:$0x1];
	s3 =	srdreg.scid  }
0x3: {  	s2 =	rddreg [dreg:$0x2];
	s10 =	stileid.u32  }
0x4: {  	s16 =	simm.s32 $0x30;
	s17 =	simm.s32 $0x4F00;
	s18 =	simm.s32 $0x5300  }
0x5: {  	s19 =	simm.s32 $0x4F80;
	s20 =	simm.s32 $0x6B00;
	s21 =	simm.s32 $0x1  }
0x6: {  	s28 =	simm.s32 $0x8300;
	s29 =	simm.s32 $0x2;
	s6 =	smul.u32 $0x4E6, s10  }
0x7: {  	s30 =	simm.s32 $0x5180;
	s31 =	simm.s32 $0x5080;
	s8 =	smul.u32 $0x50000, s10  }
0x8: {  	s4 =	sand.u32 $0x1, s3;
	s3 =	simm.s32 $0x0;
	s9 =	smul.u32 $0x2800, s10  }
0x9: {  	s11 =	sshll.u32 s10, $0x6;
	s13 =	sshll.u32 s10, $0x3;
	s14 =	sshll.u32 s10, $0xA  }
0xa: {  	s5 =	smul.u32 $0x28000, s4;
	[smem:$0x7FF] =	sst s3;
	s7 =	sshll.u32 s4, $0xE  }
0xb: {  	s4 =	ssub.s32 $0x2, s4;
	s1 =	sadd.s32 s1, s13;
	s23 =	sor.u32 $0x100, s14  }
0xc: {  	s24 =	sor.u32 $0x200, s14;
	_ =	strace $0x8000004D;
	s6 =	sadd.s32 s6, s0  }
0xd: {  	s25 =	sshrl.u32 s4, $0x1;
	s8 =	sshrl.u32 s8, $0x2;
	[dreg:$0x8] =	wrdreg s1  }
0xe: {  	[dreg:$0x9] =	wrdreg s14;
	s1 =	simm.s32 $0x3;
	s5 =	sadd.s32 s5, s0  }
0xf: {  	s0 =	sadd.s32 s7, s0;
	s26 =	sadd.s32 s8, s2;
	s8 =	sor.u32 $0x1C09, s11  }
0x10: {  	s7 =	ssub.s32 s4, s25;
	s12 =	sadd.s32 $0x7800, s6;
	[dreg:$0x5] =	wrdreg s8  }
0x11: {  	s6 =	sadd.s32 $0xC800, s6;
	s4 =	sadd.s32 $0x11800, s5;
	[dreg:$0x6] =	wrdreg s12  }
0x12: {  	[dreg:$0x7] =	wrdreg s6;
	s15 =	sadd.s32 $0x61800, s0;
	s22 =	smax.u32 s7, $0x1  }
0x13: {  	s6 =	sor.u32 $0x300, s14;
	s5 =	sshrl.u32 s26, $0x3;
	[dreg:$0xb] =	wrdreg s22  }
0x14: {  	s14 =	simm.s32 $0x9;
	s7 =	simm.s32 $0x5280;
	[dreg:$0xc] =	wrdreg s5  }
0x15: {  	s9 =	sadd.s32 s9, s4;
	s22 =	simm.s32 $0x5100;
	[dreg:$0xa] =	wrdreg s15  }
0x16: {  	s0 =	sadd.s32 s15, s23;
	s25 =	sadd.s32 s15, s24;
	[dreg:$0x4] =	wrdreg s9  }
0x17: {  	s26 =	sadd.s32 s15, s6;
	s15 =	simm.s32 $0x5200;
	[dreg:$0xd] =	wrdreg s0  }
0x18: {  	s5 =	simm.s32 $0x5;
	s6 =	simm.s32 $0x4;
	[dreg:$0xe] =	wrdreg s25  }
0x19: {  	s23 =	simm.s32 $0x10;
	s24 =	simm.s32 $0x1F380;
	[dreg:$0xf] =	wrdreg s26  }
0x1a: {  	s26 =	simm.s32 $0x5000;
	s0 =	simm.s32 $0x9B00;
	s25 =	simm.s32 $0x0  }
.LBB2_1:
0x1b: {  	s8 =	rddreg [dreg:$0x4]  }
0x1c: {  	s9 =	rddreg [dreg:$0x5]  }
0x1d: {  	s10 =	rddreg [dreg:$0xc]  }
0x1e: {  	[spmem:s10], [sflag:s9] =	dma.local [hbm:s8], $0x2800  }
0x1f: {  	_ =	swait.ge [sflag:s14], $0x2800  }
0x20: {  	[sflag:s14] =	ssyncset.done $0x0  }
0x21: {  	s13 =	rddreg [dreg:$0x6];
	[sflag:s14] =	ssyncadd.s32 $0xFFFFD800  }
0x22: {  	[tilespmem:s3], [sflag:$0x9] =	stream.linear.gather [hbm4b:s13+s3], $0x2730, $0x38;
	[tilespmem:$0x1FB80] =	vst v63  }
0x23: {  	_ =	swait.ge [sflag:s14], $0x2730  }
0x24: {  	[sflag:s14] =	ssyncset.done $0x0  }
0x25: {  	s10 =	simm.s32 $0x2780;
	s9 =	rddreg [dreg:$0x7];
	[sflag:s14] =	ssyncadd.s32 $0xFFFFD8D0  }
0x26: {  	[tilespmem:s10], [sflag:$0x9] =	stream.linear.gather [hbm4b:s9+s3], $0x2730, $0x38;
	[tilespmem:$0x1FB80] =	vst v63  }
0x27: {  	_ =	swait.ge [sflag:s14], $0x2730  }
0x28: {  	[sflag:s14] =	ssyncset.done $0x0  }
0x29: {  	[sflag:s14] =	ssyncadd.s32 $0xFFFFD8D0  }
0x2a: {  	[bflag:$0x0] =	sbarrier.arrive $0xFFFF  }
0x2b: {  	v0 =	vld [tilespmem:$0x2780]  }
0x2c: {  	v1 =	vld [tilespmem:$0x0]  }
0x2d: {  	v2 =	vld [tilespmem:$0x2790]  }
0x2e: {  	v3 =	vld [tilespmem:$0x10]  }
0x2f: {  	v4 =	vld [tilespmem:$0x27A0]  }
0x30: {  	v59 =	vld [tilespmem:$0x20];
	[tilespmem:$0x5100] =	vst v0  }
0x31: {  	[tilespmem:$0x4F00] =	vst v1  }
0x32: {  	[tilespmem:$0x5110] =	vst v2  }
0x33: {  	[tilespmem:$0x4F10] =	vst v3  }
0x34: {  	p0 =	por $0x1, $0x1;
	[tilespmem:$0x5120] =	vst v4  }
0x35: {  	s9 =	simm.s32 @!p0 $0x6;
	[tilespmem:$0x4F20] =	vst v59  }
0x36: {  	[tilespmem:s18], [sflag:$0x1] =	stream.indirect.gather [hbm4b:s4+s16], $0x80, s17, s16, $0xb8;
	[tilespmem:$0x1FB80] =	vst v63  }
0x37: {  	_ =	swait.ge @!p0 [sflag:s9], $0x1800  }
0x38: {  	[sflag:s9] =	ssyncset.done @!p0 $0x0  }
0x39: {  	s11 =	simm.s32 $0x27F0;
	[sflag:s9] =	ssyncadd.s32 @!p0 $0xFFFFE800  }
0x3a: {  	v60 =	vld [tilespmem:s11+$0xFFFFFFC0];
	_ =	sdelay $0x4  }
0x3b: {  	s12 =	simm.s32 $0x70;
	[tilespmem:$0x5180] =	vst v60  }
0x3c: {  	v0 =	vld [tilespmem:s12+$0xFFFFFFC0];
	_ =	sdelay $0x4  }
0x3d: {  	[tilespmem:$0x4F80] =	vst v0  }
0x3e: {  	v0 =	vld [tilespmem:s11+$0xFFFFFFD0];
	_ =	sdelay $0x4  }
0x3f: {  	[tilespmem:$0x5190] =	vst v0  }
0x40: {  	v0 =	vld [tilespmem:s12+$0xFFFFFFD0];
	_ =	sdelay $0x4  }
0x41: {  	[tilespmem:$0x4F90] =	vst v0  }
0x42: {  	v0 =	vld [tilespmem:s11+$0xFFFFFFE0];
	_ =	sdelay $0x4  }
0x43: {  	[tilespmem:$0x51A0] =	vst v0  }
0x44: {  	v0 =	vld [tilespmem:s12+$0xFFFFFFE0];
	_ =	sdelay $0x4  }
0x45: {  	[tilespmem:$0x4FA0] =	vst v0  }
0x46: {  	[tilespmem:s20], [sflag:$0x2] =	stream.indirect.gather [hbm4b:s4+s16], $0x80, s19, s16, $0xb8;
	[tilespmem:$0x1FB80] =	vst v63  }
0x47: {  	_ =	swait.ge [sflag:s21], $0x1800  }
0x48: {  	[sflag:s21] =	ssyncset.done $0x0  }
0x49: {  	s10 =	simm.s32 @!p0 $0x7;
	[sflag:s21] =	ssyncadd.s32 $0xFFFFE800  }
0x4a: {  	[spmem:s2] =	stream.indirect.scatter.add.f32 [tilespmem:s18], [sflag:$0x5], $0x80, s22, s16, $0xb8;
	[tilespmem:$0x1FB80] =	vst v63  }
0x4b: {  	_ =	swait.ge @!p0 [sflag:s10], $0x1800  }
0x4c: {  	[sflag:s10] =	ssyncset.done @!p0 $0x0  }
0x4d: {  	[sflag:s10] =	ssyncadd.s32 @!p0 $0xFFFFE800  }
0x4e: {  	v61 =	vld [tilespmem:s11+$0xFFFFFFF0];
	_ =	sdelay $0x4  }
0x4f: {  	[tilespmem:$0x5200] =	vst v61  }
0x50: {  	v0 =	vld [tilespmem:s12+$0xFFFFFFF0];
	_ =	sdelay $0x4  }
0x51: {  	[tilespmem:$0x5000] =	vst v0  }
0x52: {  	v0 =	vld [tilespmem:s11+$0x0];
	_ =	sdelay $0x4  }
0x53: {  	[tilespmem:$0x5210] =	vst v0  }
0x54: {  	v0 =	vld [tilespmem:s12+$0x0];
	_ =	sdelay $0x4  }
0x55: {  	s13 =	sand.u32 $0x3FC0, s3;
	[tilespmem:$0x5010] =	vst v0  }
0x56: {  	v0 =	vld [tilespmem:s13+$0x2800];
	_ =	sdelay $0x4  }
0x57: {  	[tilespmem:$0x5220] =	vst v0  }
0x58: {  	v0 =	vld [tilespmem:s13+$0x80];
	_ =	sdelay $0x4  }
0x59: {  	[tilespmem:$0x5020] =	vst v0  }
0x5a: {  	[tilespmem:s28], [sflag:$0x3] =	stream.indirect.gather [hbm4b:s4+s16], $0x80, s26, s16, $0xb8;
	[tilespmem:$0x1FB80] =	vst v63  }
0x5b: {  	_ =	swait.ge [sflag:s29], $0x1800  }
0x5c: {  	[sflag:s29] =	ssyncset.done $0x0  }
0x5d: {  	s10 =	simm.s32 @!p0 $0x8;
	[sflag:s29] =	ssyncadd.s32 $0xFFFFE800  }
0x5e: {  	[spmem:s2] =	stream.indirect.scatter.add.f32 [tilespmem:s20], [sflag:$0x6], $0x80, s30, s16, $0xb8;
	[tilespmem:$0x1FB80] =	vst v63  }
0x5f: {  	_ =	swait.ge @!p0 [sflag:s10], $0x1800  }
0x60: {  	[sflag:s10] =	ssyncset.done @!p0 $0x0  }
0x61: {  	[sflag:s10] =	ssyncadd.s32 @!p0 $0xFFFFE800  }
0x62: {  	v62 =	vld [tilespmem:s11+$0x20];
	_ =	sdelay $0x4  }
0x63: {  	[tilespmem:$0x5280] =	vst v62  }
0x64: {  	v0 =	vld [tilespmem:s12+$0x20];
	_ =	sdelay $0x4  }
0x65: {  	[tilespmem:$0x5080] =	vst v0  }
0x66: {  	v0 =	vld [tilespmem:s11+$0x30];
	_ =	sdelay $0x4  }
0x67: {  	[tilespmem:$0x5290] =	vst v0  }
0x68: {  	v0 =	vld [tilespmem:s12+$0x30];
	_ =	sdelay $0x4  }
0x69: {  	[tilespmem:$0x5090] =	vst v0  }
0x6a: {  	v0 =	vld [tilespmem:s11+$0x40];
	_ =	sdelay $0x4  }
0x6b: {  	[tilespmem:$0x52A0] =	vst v0  }
0x6c: {  	v0 =	vld [tilespmem:s12+$0x40];
	_ =	sdelay $0x4  }
0x6d: {  	[tilespmem:$0x50A0] =	vst v0  }
0x6e: {  	[tilespmem:s0], [sflag:$0x4] =	stream.indirect.gather [hbm4b:s4+s16], $0x80, s31, s16, $0xb8;
	[tilespmem:$0x1FB80] =	vst v63  }
0x6f: {  	_ =	swait.ge [sflag:s1], $0x1800  }
0x70: {  	[sflag:s1] =	ssyncset.done $0x0  }
0x71: {  	[sflag:s1] =	ssyncadd.s32 $0xFFFFE800  }
0x72: {  	[spmem:s2] =	stream.indirect.scatter.add.f32 [tilespmem:s28], [sflag:$0x7], $0x80, s15, s16, $0xb8;
	[tilespmem:$0x1FB80] =	vst v63  }
0x73: {  	_ =	swait.ge [sflag:s5], $0x1800  }
0x74: {  	[sflag:s5] =	ssyncset.done $0x0  }
0x75: {  	[sflag:s5] =	ssyncadd.s32 $0xFFFFE800  }
0x76: {  	v63 =	vld [tilespmem:s11+$0x50];
	_ =	sdelay $0x4  }
0x77: {  	[tilespmem:$0x5100] =	vst v63  }
0x78: {  	v0 =	vld [tilespmem:s12+$0x50];
	_ =	sdelay $0x4  }
0x79: {  	[tilespmem:$0x4F00] =	vst v0  }
0x7a: {  	v0 =	vld [tilespmem:s11+$0x60];
	_ =	sdelay $0x4  }
0x7b: {  	[tilespmem:$0x5110] =	vst v0  }
0x7c: {  	v0 =	vld [tilespmem:s12+$0x60];
	_ =	sdelay $0x4  }
0x7d: {  	[tilespmem:$0x4F10] =	vst v0  }
0x7e: {  	v0 =	vld [tilespmem:s11+$0x70];
	_ =	sdelay $0x4  }
0x7f: {  	[tilespmem:$0x5120] =	vst v0  }
0x80: {  	v0 =	vld [tilespmem:s12+$0x70];
	_ =	sdelay $0x4  }
0x81: {  	p1 =	por $0x0, $0x0;
	[tilespmem:$0x4F20] =	vst v0  }
0x82: {  	[tilespmem:s18], [sflag:$0x1] =	stream.indirect.gather [hbm4b:s4+s16], $0x80, s17, s16, $0xb8;
	[tilespmem:$0x1FB80] =	vst v63  }
0x83: {  	s8 =	simm.s32 $0x180;
	s13 =	simm.s32 $0x28B0;
	_ =	swait.ge [sflag:s6], $0x1800  }
0x84: {  	s10 =	simm.s32 $0x130;
	s11 =	simm.s32 $0xC0;
	[sflag:s6] =	ssyncset.done $0x0  }
.LBB2_2:
0x85: {  	s12 =	simm.s32 @!p1 $0x6  }
0x86: {  	[sflag:s6] =	ssyncadd.s32 $0xFFFFE800;
	s9 =	smov.u32 s8;
	s8 =	sadd.s32 $0xC0, s8  }
0x87: {  	[spmem:s2] =	stream.indirect.scatter.add.f32 [tilespmem:s0], [sflag:$0x8], $0x80, s7, s16, $0xb8;
	[tilespmem:$0x1FB80] =	vst v63  }
0x88: {  	p0 =	sne.s32 s8, $0x2700;
	_ =	swait.ge @!p1 [sflag:s12], $0x1800  }
0x89: {  	[sflag:s12] =	ssyncset.done @!p1 $0x0  }
0x8a: {  	[sflag:s12] =	ssyncadd.s32 @!p1 $0xFFFFE800  }
0x8b: {  	v0 =	vld [tilespmem:s13+$0xFFFFFFC0];
	_ =	sdelay $0x4  }
0x8c: {  	[tilespmem:$0x5180] =	vst v0  }
0x8d: {  	v0 =	vld [tilespmem:s10+$0xFFFFFFC0];
	_ =	sdelay $0x4  }
0x8e: {  	[tilespmem:$0x4F80] =	vst v0  }
0x8f: {  	v0 =	vld [tilespmem:s13+$0xFFFFFFD0];
	_ =	sdelay $0x4  }
0x90: {  	[tilespmem:$0x5190] =	vst v0  }
0x91: {  	v0 =	vld [tilespmem:s10+$0xFFFFFFD0];
	_ =	sdelay $0x4  }
0x92: {  	[tilespmem:$0x4F90] =	vst v0  }
0x93: {  	v0 =	vld [tilespmem:s13+$0xFFFFFFE0];
	_ =	sdelay $0x4  }
0x94: {  	[tilespmem:$0x51A0] =	vst v0  }
0x95: {  	v0 =	vld [tilespmem:s10+$0xFFFFFFE0];
	_ =	sdelay $0x4  }
0x96: {  	[tilespmem:$0x4FA0] =	vst v0  }
0x97: {  	[tilespmem:s20], [sflag:$0x2] =	stream.indirect.gather [hbm4b:s4+s16], $0x80, s19, s16, $0xb8;
	[tilespmem:$0x1FB80] =	vst v63  }
0x98: {  	_ =	swait.ge [sflag:s21], $0x1800  }
0x99: {  	[sflag:s21] =	ssyncset.done $0x0  }
0x9a: {  	s12 =	simm.s32 @!p1 $0x7;
	[sflag:s21] =	ssyncadd.s32 $0xFFFFE800  }
0x9b: {  	[spmem:s2] =	stream.indirect.scatter.add.f32 [tilespmem:s18], [sflag:$0x5], $0x80, s22, s16, $0xb8;
	[tilespmem:$0x1FB80] =	vst v63  }
0x9c: {  	_ =	swait.ge @!p1 [sflag:s12], $0x1800  }
0x9d: {  	[sflag:s12] =	ssyncset.done @!p1 $0x0  }
0x9e: {  	[sflag:s12] =	ssyncadd.s32 @!p1 $0xFFFFE800  }
0x9f: {  	v0 =	vld [tilespmem:s13+$0xFFFFFFF0];
	_ =	sdelay $0x4  }
0xa0: {  	[tilespmem:$0x5200] =	vst v0  }
0xa1: {  	v0 =	vld [tilespmem:s10+$0xFFFFFFF0];
	_ =	sdelay $0x4  }
0xa2: {  	[tilespmem:$0x5000] =	vst v0  }
0xa3: {  	v0 =	vld [tilespmem:s13+$0x0];
	_ =	sdelay $0x4  }
0xa4: {  	[tilespmem:$0x5210] =	vst v0  }
0xa5: {  	v0 =	vld [tilespmem:s10+$0x0];
	_ =	sdelay $0x4  }
0xa6: {  	s12 =	sand.u32 $0x3FC0, s11;
	s11 =	smov.u32 s9;
	[tilespmem:$0x5010] =	vst v0  }
0xa7: {  	v0 =	vld [tilespmem:s12+$0x2800];
	_ =	sdelay $0x4  }
0xa8: {  	[tilespmem:$0x5220] =	vst v0  }
0xa9: {  	v0 =	vld [tilespmem:s12+$0x80];
	_ =	sdelay $0x4  }
0xaa: {  	[tilespmem:$0x5020] =	vst v0  }
0xab: {  	[tilespmem:s28], [sflag:$0x3] =	stream.indirect.gather [hbm4b:s4+s16], $0x80, s26, s16, $0xb8;
	[tilespmem:$0x1FB80] =	vst v63  }
0xac: {  	_ =	swait.ge [sflag:s29], $0x1800  }
0xad: {  	[sflag:s29] =	ssyncset.done $0x0  }
0xae: {  	s9 =	simm.s32 @!p1 $0x8;
	[sflag:s29] =	ssyncadd.s32 $0xFFFFE800  }
0xaf: {  	[spmem:s2] =	stream.indirect.scatter.add.f32 [tilespmem:s20], [sflag:$0x6], $0x80, s30, s16, $0xb8;
	[tilespmem:$0x1FB80] =	vst v63  }
0xb0: {  	_ =	swait.ge @!p1 [sflag:s9], $0x1800  }
0xb1: {  	[sflag:s9] =	ssyncset.done @!p1 $0x0  }
0xb2: {  	[sflag:s9] =	ssyncadd.s32 @!p1 $0xFFFFE800  }
0xb3: {  	v0 =	vld [tilespmem:s13+$0x20];
	_ =	sdelay $0x4  }
0xb4: {  	[tilespmem:$0x5280] =	vst v0  }
0xb5: {  	v0 =	vld [tilespmem:s10+$0x20];
	_ =	sdelay $0x4  }
0xb6: {  	[tilespmem:$0x5080] =	vst v0  }
0xb7: {  	v0 =	vld [tilespmem:s13+$0x30];
	_ =	sdelay $0x4  }
0xb8: {  	[tilespmem:$0x5290] =	vst v0  }
0xb9: {  	v0 =	vld [tilespmem:s10+$0x30];
	_ =	sdelay $0x4  }
0xba: {  	[tilespmem:$0x5090] =	vst v0  }
0xbb: {  	v0 =	vld [tilespmem:s13+$0x40];
	_ =	sdelay $0x4  }
0xbc: {  	[tilespmem:$0x52A0] =	vst v0  }
0xbd: {  	v0 =	vld [tilespmem:s10+$0x40];
	_ =	sdelay $0x4  }
0xbe: {  	[tilespmem:$0x50A0] =	vst v0  }
0xbf: {  	[tilespmem:s0], [sflag:$0x4] =	stream.indirect.gather [hbm4b:s4+s16], $0x80, s31, s16, $0xb8;
	[tilespmem:$0x1FB80] =	vst v63  }
0xc0: {  	_ =	swait.ge [sflag:s1], $0x1800  }
0xc1: {  	[sflag:s1] =	ssyncset.done $0x0  }
0xc2: {  	[sflag:s1] =	ssyncadd.s32 $0xFFFFE800  }
0xc3: {  	[spmem:s2] =	stream.indirect.scatter.add.f32 [tilespmem:s28], [sflag:$0x7], $0x80, s15, s16, $0xb8;
	[tilespmem:$0x1FB80] =	vst v63  }
0xc4: {  	_ =	swait.ge [sflag:s5], $0x1800  }
0xc5: {  	[sflag:s5] =	ssyncset.done $0x0  }
0xc6: {  	[sflag:s5] =	ssyncadd.s32 $0xFFFFE800  }
0xc7: {  	v0 =	vld [tilespmem:s13+$0x50];
	_ =	sdelay $0x4  }
0xc8: {  	[tilespmem:$0x5100] =	vst v0  }
0xc9: {  	v0 =	vld [tilespmem:s10+$0x50];
	_ =	sdelay $0x4  }
0xca: {  	[tilespmem:$0x4F00] =	vst v0  }
0xcb: {  	v0 =	vld [tilespmem:s13+$0x60];
	_ =	sdelay $0x4  }
0xcc: {  	[tilespmem:$0x5110] =	vst v0  }
0xcd: {  	v0 =	vld [tilespmem:s10+$0x60];
	_ =	sdelay $0x4  }
0xce: {  	[tilespmem:$0x4F10] =	vst v0  }
0xcf: {  	v0 =	vld [tilespmem:s13+$0x70];
	_ =	sdelay $0x4  }
0xd0: {  	[tilespmem:$0x5120] =	vst v0  }
0xd1: {  	v0 =	vld [tilespmem:s10+$0x70];
	_ =	sdelay $0x3  }
.Ltmp0:
0xd2: {  	(pc) =	sbr.rel @p0 .LBB2_2-.Ltmp0, $4  }
0xd3: {  	[tilespmem:$0x4F20] =	vst v0  }
0xd4: {  	[tilespmem:s18], [sflag:$0x1] =	stream.indirect.gather [hbm4b:s4+s16], $0x80, s17, s16, $0xb8;
	[tilespmem:$0x1FB80] =	vst v63  }
0xd5: {  	s13 =	sadd.s32 $0xC0, s13;
	_ =	swait.ge [sflag:s6], $0x1800  }
0xd6: {  	p1 =	seq.s32 s11, $0x0;
	s10 =	sadd.s32 $0xC0, s10;
	[sflag:s6] =	ssyncset.done $0x0  }
0xd7: {  	s8 =	simm.s32 @!p1 $0x6;
	[sflag:s6] =	ssyncadd.s32 $0xFFFFE800  }
0xd8: {  	[spmem:s2] =	stream.indirect.scatter.add.f32 [tilespmem:s0], [sflag:$0x8], $0x80, s7, s16, $0xb8;
	[tilespmem:$0x1FB80] =	vst v63  }
0xd9: {  	_ =	swait.ge @!p1 [sflag:s8], $0x1800  }
0xda: {  	[sflag:s8] =	ssyncset.done @!p1 $0x0  }
0xdb: {  	[sflag:s8] =	ssyncadd.s32 @!p1 $0xFFFFE800  }
0xdc: {  	v0 =	vld [tilespmem:s13+$0xFFFFFFC0];
	_ =	sdelay $0x4  }
0xdd: {  	[tilespmem:$0x5180] =	vst v0  }
0xde: {  	v0 =	vld [tilespmem:s10+$0xFFFFFFC0];
	_ =	sdelay $0x4  }
0xdf: {  	[tilespmem:$0x4F80] =	vst v0  }
0xe0: {  	v0 =	vld [tilespmem:s13+$0xFFFFFFD0];
	_ =	sdelay $0x4  }
0xe1: {  	[tilespmem:$0x5190] =	vst v0  }
0xe2: {  	v0 =	vld [tilespmem:s10+$0xFFFFFFD0];
	_ =	sdelay $0x4  }
0xe3: {  	[tilespmem:$0x4F90] =	vst v0  }
0xe4: {  	v0 =	vld [tilespmem:s13+$0xFFFFFFE0];
	_ =	sdelay $0x4  }
0xe5: {  	[tilespmem:$0x51A0] =	vst v0  }
0xe6: {  	v0 =	vld [tilespmem:s10+$0xFFFFFFE0];
	_ =	sdelay $0x4  }
0xe7: {  	[tilespmem:$0x4FA0] =	vst v0  }
0xe8: {  	[tilespmem:s20], [sflag:$0x2] =	stream.indirect.gather [hbm4b:s4+s16], $0x80, s19, s16, $0xb8;
	[tilespmem:$0x1FB80] =	vst v63  }
0xe9: {  	_ =	swait.ge [sflag:s21], $0x1800  }
0xea: {  	[sflag:s21] =	ssyncset.done $0x0  }
0xeb: {  	s8 =	simm.s32 @!p1 $0x7;
	[sflag:s21] =	ssyncadd.s32 $0xFFFFE800  }
0xec: {  	[spmem:s2] =	stream.indirect.scatter.add.f32 [tilespmem:s18], [sflag:$0x5], $0x80, s22, s16, $0xb8;
	[tilespmem:$0x1FB80] =	vst v63  }
0xed: {  	_ =	swait.ge @!p1 [sflag:s8], $0x1800  }
0xee: {  	[sflag:s8] =	ssyncset.done @!p1 $0x0  }
0xef: {  	[sflag:s8] =	ssyncadd.s32 @!p1 $0xFFFFE800  }
0xf0: {  	v61 =	vld [tilespmem:s13+$0xFFFFFFF0];
	_ =	sdelay $0x4  }
0xf1: {  	[tilespmem:$0x5200] =	vst v61  }
0xf2: {  	v0 =	vld [tilespmem:s10+$0xFFFFFFF0];
	_ =	sdelay $0x4  }
0xf3: {  	[tilespmem:$0x5000] =	vst v0  }
0xf4: {  	v0 =	vld [tilespmem:s13+$0x0];
	_ =	sdelay $0x4  }
0xf5: {  	[tilespmem:$0x5210] =	vst v0  }
0xf6: {  	v0 =	vld [tilespmem:s10+$0x0];
	_ =	sdelay $0x4  }
0xf7: {  	s9 =	sand.u32 $0x3FC0, s11;
	[tilespmem:$0x5010] =	vst v0  }
0xf8: {  	v0 =	vld [tilespmem:s9+$0x2800];
	_ =	sdelay $0x4  }
0xf9: {  	[tilespmem:$0x5220] =	vst v0  }
0xfa: {  	v0 =	vld [tilespmem:s9+$0x80];
	_ =	sdelay $0x4  }
0xfb: {  	[tilespmem:$0x5020] =	vst v0  }
0xfc: {  	[tilespmem:s28], [sflag:$0x3] =	stream.indirect.gather [hbm4b:s4+s16], $0x80, s26, s16, $0xb8;
	[tilespmem:$0x1FB80] =	vst v63  }
0xfd: {  	_ =	swait.ge [sflag:s29], $0x1800  }
0xfe: {  	[sflag:s29] =	ssyncset.done $0x0  }
0xff: {  	s8 =	simm.s32 @!p1 $0x8;
	[sflag:s29] =	ssyncadd.s32 $0xFFFFE800  }
0x100: {  	[spmem:s2] =	stream.indirect.scatter.add.f32 [tilespmem:s20], [sflag:$0x6], $0x80, s30, s16, $0xb8;
	[tilespmem:$0x1FB80] =	vst v63  }
0x101: {  	_ =	swait.ge @!p1 [sflag:s8], $0x1800  }
0x102: {  	[sflag:s8] =	ssyncset.done @!p1 $0x0  }
0x103: {  	[sflag:s8] =	ssyncadd.s32 @!p1 $0xFFFFE800  }
0x104: {  	v62 =	vld [tilespmem:s13+$0x20];
	_ =	sdelay $0x4  }
0x105: {  	[tilespmem:$0x5280] =	vst v62  }
0x106: {  	v0 =	vld [tilespmem:s10+$0x20];
	_ =	sdelay $0x4  }
0x107: {  	[tilespmem:$0x5080] =	vst v0  }
0x108: {  	v0 =	vld [tilespmem:s13+$0x30];
	_ =	sdelay $0x4  }
0x109: {  	[tilespmem:$0x5290] =	vst v0  }
0x10a: {  	v0 =	vld [tilespmem:s10+$0x30];
	_ =	sdelay $0x4  }
0x10b: {  	[tilespmem:$0x5090] =	vst v0  }
0x10c: {  	v0 =	vld [tilespmem:s13+$0x40];
	_ =	sdelay $0x4  }
0x10d: {  	[tilespmem:$0x52A0] =	vst v0  }
0x10e: {  	v0 =	vld [tilespmem:s10+$0x40];
	_ =	sdelay $0x4  }
0x10f: {  	[tilespmem:$0x50A0] =	vst v0  }
0x110: {  	[tilespmem:s0], [sflag:$0x4] =	stream.indirect.gather [hbm4b:s4+s16], $0x80, s31, s16, $0xb8;
	[tilespmem:$0x1FB80] =	vst v63  }
0x111: {  	_ =	swait.ge [sflag:s1], $0x1800  }
0x112: {  	[sflag:s1] =	ssyncset.done $0x0  }
0x113: {  	[sflag:s1] =	ssyncadd.s32 $0xFFFFE800  }
0x114: {  	[spmem:s2] =	stream.indirect.scatter.add.f32 [tilespmem:s28], [sflag:$0x7], $0x80, s15, s16, $0xb8;
	[tilespmem:$0x1FB80] =	vst v63  }
0x115: {  	_ =	swait.ge [sflag:s5], $0x1800  }
0x116: {  	[sflag:s5] =	ssyncset.done $0x0  }
0x117: {  	[sflag:s5] =	ssyncadd.s32 $0xFFFFE800  }
0x118: {  	v63 =	vld [tilespmem:s13+$0x50];
	_ =	sdelay $0x4  }
0x119: {  	[tilespmem:$0x5100] =	vst v63  }
0x11a: {  	v0 =	vld [tilespmem:s10+$0x50];
	_ =	sdelay $0x4  }
0x11b: {  	[tilespmem:$0x4F00] =	vst v0  }
0x11c: {  	v0 =	vld [tilespmem:s13+$0x60];
	_ =	sdelay $0x4  }
0x11d: {  	[tilespmem:$0x5110] =	vst v0  }
0x11e: {  	v0 =	vld [tilespmem:s10+$0x60];
	_ =	sdelay $0x4  }
0x11f: {  	[tilespmem:$0x4F10] =	vst v0  }
0x120: {  	v0 =	vld [tilespmem:s13+$0x70];
	_ =	sdelay $0x4  }
0x121: {  	[tilespmem:$0x5120] =	vst v0  }
0x122: {  	v0 =	vld [tilespmem:s10+$0x70];
	_ =	sdelay $0x4  }
0x123: {  	[tilespmem:$0x4F20] =	vst v0  }
0x124: {  	[tilespmem:s18], [sflag:$0x1] =	stream.indirect.gather [hbm4b:s4+s16], $0x80, s17, s16, $0xb8;
	[tilespmem:$0x1FB80] =	vst v63  }
0x125: {  	_ =	swait.ge [sflag:s6], $0x1800  }
0x126: {  	[sflag:s6] =	ssyncset.done $0x0  }
0x127: {  	[sflag:s6] =	ssyncadd.s32 $0xFFFFE800  }
0x128: {  	[spmem:s2] =	stream.indirect.scatter.add.f32 [tilespmem:s0], [sflag:$0x8], $0x80, s7, s16, $0xb8;
	[tilespmem:$0x1FB80] =	vst v63  }
0x129: {  	_ =	swait.ge [sflag:s21], $0x1800  }
0x12a: {  	[sflag:s21] =	ssyncset.done $0x0  }
0x12b: {  	s10 =	simm.s32 $0x6;
	[sflag:s21] =	ssyncadd.s32 $0xFFFFE800  }
0x12c: {  	[spmem:s2] =	stream.indirect.scatter.add.f32 [tilespmem:s18], [sflag:$0x5], $0x80, s22, s16, $0xb8;
	[tilespmem:$0x1FB80] =	vst v63  }
0x12d: {  	_ =	swait.ge [sflag:s10], $0x1800  }
0x12e: {  	[sflag:s10] =	ssyncset.done $0x0  }
0x12f: {  	s11 =	simm.s32 $0x7;
	[sflag:s10] =	ssyncadd.s32 $0xFFFFE800  }
0x130: {  	_ =	swait.ge [sflag:s11], $0x1800  }
0x131: {  	[sflag:s11] =	ssyncset.done $0x0  }
0x132: {  	s12 =	simm.s32 $0x8;
	[sflag:s11] =	ssyncadd.s32 $0xFFFFE800  }
0x133: {  	_ =	swait.ge [sflag:s12], $0x1800  }
0x134: {  	[sflag:s12] =	ssyncset.done $0x0  }
0x135: {  	[sflag:s12] =	ssyncadd.s32 $0xFFFFE800  }
0x136: {  	_ =	swait.ge [sflag:s5], $0x1800  }
0x137: {  	[sflag:s5] =	ssyncset.done $0x0  }
0x138: {  	[sflag:s5] =	ssyncadd.s32 $0xFFFFE800  }
0x139: {  	[bflag:$0x0] =	sbarrier.arrive $0xFFFF  }
0x13a: {  	s9 =	simm.s32 $0x1F300;
	s13 =	rddreg [dreg:$0x8]  }
0x13b: {  	[tilespmem:s9], [sflag:$0x9] =	stream.linear.gather [hbm4b:s13+s3], $0x40, $0x38;
	[tilespmem:$0x1FB80] =	vst v63  }
0x13c: {  	_ =	swait.ge [sflag:s14], $0x40  }
0x13d: {  	[sflag:s14] =	ssyncset.done $0x0  }
0x13e: {  	[sflag:s14] =	ssyncadd.s32 $0xFFFFFFC0  }
0x13f: {  	[tilespmem:s24], [sflag:$0x1] =	stream.indirect.gather [spmem:s2], $0x80, s9, s23, $0xb8;
	[tilespmem:$0x1FB80] =	vst v63  }
0x140: {  	_ =	swait.ge [sflag:s21], $0x800  }
0x141: {  	s10 =	rddreg [dreg:$0x9]  }
0x142: {  	[sflag:s21] =	ssyncset.done $0x0;
	s11 =	rddreg [dreg:$0xa]  }
0x143: {  	[sflag:s21] =	ssyncadd.s32 $0xFFFFF800;
	s8 =	sadd.s32 s11, s10  }
0x144: {  	[hbm4b:s8+s3] =	stream.linear.scatter [tilespmem:s24], [sflag:$0x9], $0x800, $0x38;
	[tilespmem:$0x1FB80] =	vst v63  }
0x145: {  	_ =	swait.ge [sflag:s14], $0x800  }
0x146: {  	[sflag:s14] =	ssyncset.done $0x0  }
0x147: {  	s12 =	simm.s32 $0x1F310;
	[sflag:s14] =	ssyncadd.s32 $0xFFFFF800  }
0x148: {  	[tilespmem:s24], [sflag:$0x1] =	stream.indirect.gather [spmem:s2], $0x80, s12, s23, $0xb8;
	[tilespmem:$0x1FB80] =	vst v63  }
0x149: {  	_ =	swait.ge [sflag:s21], $0x800  }
0x14a: {  	[sflag:s21] =	ssyncset.done $0x0  }
0x14b: {  	s13 =	rddreg [dreg:$0xd];
	[sflag:s21] =	ssyncadd.s32 $0xFFFFF800  }
0x14c: {  	[hbm4b:s13+s3] =	stream.linear.scatter [tilespmem:s24], [sflag:$0x9], $0x800, $0x38;
	[tilespmem:$0x1FB80] =	vst v63  }
0x14d: {  	_ =	swait.ge [sflag:s14], $0x800  }
0x14e: {  	[sflag:s14] =	ssyncset.done $0x0  }
0x14f: {  	s9 =	simm.s32 $0x1F320;
	[sflag:s14] =	ssyncadd.s32 $0xFFFFF800  }
0x150: {  	[tilespmem:s24], [sflag:$0x1] =	stream.indirect.gather [spmem:s2], $0x80, s9, s23, $0xb8;
	[tilespmem:$0x1FB80] =	vst v63  }
0x151: {  	_ =	swait.ge [sflag:s21], $0x800  }
0x152: {  	[sflag:s21] =	ssyncset.done $0x0  }
0x153: {  	s10 =	rddreg [dreg:$0xe];
	[sflag:s21] =	ssyncadd.s32 $0xFFFFF800  }
0x154: {  	[hbm4b:s10+s3] =	stream.linear.scatter [tilespmem:s24], [sflag:$0x9], $0x800, $0x38;
	[tilespmem:$0x1FB80] =	vst v63  }
0x155: {  	_ =	swait.ge [sflag:s14], $0x800  }
0x156: {  	[sflag:s14] =	ssyncset.done $0x0  }
0x157: {  	s11 =	simm.s32 $0x1F330;
	[sflag:s14] =	ssyncadd.s32 $0xFFFFF800  }
0x158: {  	[tilespmem:s24], [sflag:$0x1] =	stream.indirect.gather [spmem:s2], $0x80, s11, s23, $0xb8;
	[tilespmem:$0x1FB80] =	vst v63  }
0x159: {  	_ =	swait.ge [sflag:s21], $0x800  }
0x15a: {  	[sflag:s21] =	ssyncset.done $0x0  }
0x15b: {  	s12 =	rddreg [dreg:$0xf];
	[sflag:s21] =	ssyncadd.s32 $0xFFFFF800  }
0x15c: {  	[hbm4b:s12+s3] =	stream.linear.scatter [tilespmem:s24], [sflag:$0x9], $0x800, $0x38;
	[tilespmem:$0x1FB80] =	vst v63  }
0x15d: {  	_ =	swait.ge [sflag:s14], $0x800  }
0x15e: {  	s25 =	sadd.s32 $0x1, s25;
	s13 =	rddreg [dreg:$0xb]  }
0x15f: {  	p0 =	sne.s32 s25, s13  }
.Ltmp1:
0x160: {  	_ = 	snop;
	(pc) =	sbr.rel @p0 .LBB2_1-.Ltmp1, $3  }
0x161: {  	_ =	sdelay $0x1  }
0x162: {  	[sflag:s14] =	ssyncset.done $0x0  }
0x163: {  	[sflag:s14] =	ssyncadd.s32 $0xFFFFF800  }
0x164: {  	_ =	sfence.sel $0x180000  }
0x165: {  	[bflag:$0x0] =	sbarrier.arrive $0xFFFF  }
0x166: {  	_ =	strace $0x9000004D  }
0x167: {  	s0 =	stileid.u32;
	[bflag:$0x2] =	sbarrier.arrive $0xFFFF  }
0x168: {  	p0 =	sne.s32 s0, $0x0;
	s0 =	rddreg [dreg:$0x3]  }
0x169: {  	s0 =	sadd.s32 @!p0 $0x100000, s0  }
0x16a: {  	[sflag:s0] =	ssyncadd.tile.s32 @!p0 $0x1;
	_ =	shalt  }
.Lfunc_end2:
_tile_overlayer_lowered:
.L_overlay_start_2:
0x16b: {  	(tag) =	ssettag $0x2  }
0x16c: {  	s0 =	rddreg [dreg:$0x0];
	s2 =	stileid.u32  }
0x16d: {  	s1 =	rddreg [dreg:$0x1];
	p0 =	sne.s32 s2, $0x0  }
0x16e: {  	s3 =	rddreg [dreg:$0x2];
	[bflag:$0x3] =	sbarrier.arrive $0xFFFF;
	s2 =	simm.s32 @!p0 $0x1C09  }
0x16f: {  	[timem:s3], [sflag:s2] =	dma.local @!p0 [hbm:s0], s1  }
0x170: {  	s0 =	simm.s32 @!p0 $0x9  }
0x171: {  	_ =	swait.ge @!p0 [sflag:s0], s1  }
0x172: {  	s1 =	ssub.s32 @!p0 $0x0, s1;
	[sflag:s0] =	ssyncset.done @!p0 $0x0  }
0x173: {  	[sflag:s0] =	ssyncadd.s32 @!p0 s1  }
0x174: {  	[bflag:$0x3] =	sbarrier.arrive $0xFFFF  }
0x175: {  	_ =	shalt  }

// kernel: kernel.8.cloned.1.call-start
scs
__scs_entry_jumppad:
0x0: {  	(pc) =	sbr.rel $0x88, $3  }
0x1: {  	(tag) =	ssettag $0x0;
	lr =	simm.s32 $0x1  }
0x2: {  	[smem:$0x3F92] =	sst lr;
	_ =	strace $0xD0000000  }
0x3: {  	_ = 	snop  }
0x4: {  	_ = 	snop  }
0x5: {  	_ = 	snop  }
0x6: {  	_ = 	snop  }
0x7: {  	_ = 	snop  }
__scs_overlays_trampoline_lowered:
0x8: {  	[smem:$0x3FA1] =	sst s0  }
0x9: {  	[smem:$0x3FA2] =	sst s1  }
0xa: {  	[smem:$0x3FA3] =	sst s2  }
0xb: {  	[smem:$0x3FA4] =	sst s3  }
0xc: {  	[smem:$0x3FA5] =	sst s4  }
0xd: {  	[smem:$0x3FA6] =	sst s5  }
0xe: {  	[smem:$0x3FA7] =	sst s6  }
0xf: {  	[smem:$0x3FA8] =	sst s7  }
0x10: {  	[smem:$0x3FA9] =	sst s8  }
0x11: {  	[smem:$0x3FAA] =	sst s9;
	s0 =	simm.s32 @!p0 $0x0  }
0x12: {  	s1 =	sld [smem:$0x3F90];
	s0 =	simm.s32 @p0 $0x1  }
0x13: {  	[smem:$0x3FAB] =	sst s0;
	s0 =	simm.s32 @!p1 $0x0  }
0x14: {  	s2 =	sld [smem:$0x3F8F];
	s0 =	simm.s32 @p1 $0x1  }
0x15: {  	[smem:$0x3FAC] =	sst s0;
	s0 =	simm.s32 @!p2 $0x0  }
0x16: {  	s3 =	sld [smem:$0x3FDB];
	s0 =	simm.s32 @p2 $0x1  }
0x17: {  	s4 =	simm.s32 $0x1BF5;
	[smem:$0x3FAE] =	sst s0  }
0x18: {  	s0 =	sld [smem:$0x3F91];
	_ =	swait.ge [sflag:s4], $0x0  }
0x19: {  	s7 =	sld [smem:$0x3F92]  }
0x1a: {  	s8 =	sadd.s32 $0xFFFFE003, lr  }
0x1b: {  	s9 =	sadd.s32 $0xFFFFFEF7, lr;
	s5 =	simm.s32 $0xFFFFFFFF;
	p2 =	slt.u32 s8, $0xFFFFF086  }
0x1c: {  	p1 =	slt.u32 s9, $0xF7A;
	s5 =	simm.s32 @!p2 $0x0  }
0x1d: {  	s5 =	simm.s32 @p1 $0x1;
	p0 =	seq.s32 s7, s2  }
0x1e: {  	s7 =	smul.u32 @!p0 $0xF7A, s2;
	p2 =	seq.s32 @!p0 s5, $0x0  }
0x1f: {  	s9 =	smul.u32 $0xF7A, s1;
	s8 =	simm.s32 @!p0 $0x1BF5;
	p2 =	por !p2, p0  }
0x20: {  	[sflag:s8] =	ssyncset.s32 @!p0 $0xFFFFF086;
	s6 =	sadd.s32 @!p0 s3, s7;
	s7 =	simm.s32 @!p0 $0x108  }
0x21: {  	s3 =	sadd.s32 s3, s9;
	s6 =	sadd.s32 @!p0 $0x88, s6;
	s7 =	simm.s32 @p2 $0x1082  }
0x22: {  	[simem:s7], [sflag:s8] =	dma.local @!p0 [hbm:s6], $0xF7A  }
0x23: {  	s9 =	sor.u32 $0xD0000000, s2;
	s6 =	simm.s32 $0x108;
	_ =	swait.ge @!p0 [sflag:s8], $0x0  }
0x24: {  	s3 =	sadd.s32 $0x88, s3;
	s6 =	simm.s32 @!p1 $0x1082;
	[sflag:s4] =	ssyncset.s32 $0xFFFFF086  }
0x25: {  	[simem:s6], [sflag:s4] =	dma.local [hbm:s3], $0xF7A  }
0x26: {  	[smem:$0x3F92] =	sst s1;
	(tag) =	ssettag s2;
	_ =	strace s9  }
0x27: {  	s1 =	sld [smem:$0x3FA2]  }
0x28: {  	s2 =	sld [smem:$0x3FA3]  }
0x29: {  	s4 =	sld [smem:$0x3FA5]  }
0x2a: {  	p0 =	seq.s32 s5, $0x0;
	s5 =	sld [smem:$0x3FA6]  }
0x2b: {  	s6 =	sld [smem:$0x3FA7]  }
0x2c: {  	s7 =	sld [smem:$0x3FA8]  }
0x2d: {  	s3 =	simm.s32 $0x108;
	s8 =	sld [smem:$0x3FA9]  }
0x2e: {  	s3 =	simm.s32 @!p0 $0x1082;
	s9 =	sld [smem:$0x3FAA]  }
0x2f: {  	lr =	sadd.s32 s0, s3;
	s0 =	sld [smem:$0x3FA1]  }
0x30: {  	s3 =	sld [smem:$0x3FA4]  }
0x31: {  	[smem:$0x3FAD] =	sst s10  }
0x32: {  	s10 =	sld [smem:$0x3FAB];
	_ =	sdelay $0x3  }
0x33: {  	p0 =	seq.s32 s10, $0x1;
	s10 =	sld [smem:$0x3FAD];
	_ =	sdelay $0x3  }
0x34: {  	[smem:$0x3FAD] =	sst s10  }
0x35: {  	s10 =	sld [smem:$0x3FAC];
	_ =	sdelay $0x3  }
0x36: {  	p1 =	seq.s32 s10, $0x1;
	s10 =	sld [smem:$0x3FAD];
	_ =	sdelay $0x3  }
0x37: {  	[smem:$0x3FAD] =	sst s10  }
0x38: {  	s10 =	sld [smem:$0x3FAE]  }
0x39: {  	_ = 	snop;
	(pc) =	sbr.ind lr, $3  }
0x3a: {  	_ = 	snop  }
0x3b: {  	_ = 	snop  }
0x3c: {  	p2 =	seq.s32 s10, $0x1;
	s10 =	sld [smem:$0x3FAD]  }
0x3d: {  	_ =	shalt  }
0x3e: {  	_ =	shalt  }
0x3f: {  	_ =	shalt  }
0x40: {  	_ =	shalt  }
0x41: {  	_ =	shalt  }
0x42: {  	_ =	shalt  }
0x43: {  	_ =	shalt  }
0x44: {  	_ =	shalt  }
0x45: {  	_ =	shalt  }
0x46: {  	_ =	shalt  }
0x47: {  	_ =	shalt  }
0x48: {  	_ =	shalt  }
0x49: {  	_ =	shalt  }
0x4a: {  	_ =	shalt  }
0x4b: {  	_ =	shalt  }
0x4c: {  	_ =	shalt  }
0x4d: {  	_ =	shalt  }
0x4e: {  	_ =	shalt  }
0x4f: {  	_ =	shalt  }
0x50: {  	_ =	shalt  }
0x51: {  	_ =	shalt  }
0x52: {  	_ =	shalt  }
0x53: {  	_ =	shalt  }
0x54: {  	_ =	shalt  }
0x55: {  	_ =	shalt  }
0x56: {  	_ =	shalt  }
0x57: {  	_ =	shalt  }
0x58: {  	_ =	shalt  }
0x59: {  	_ =	shalt  }
0x5a: {  	_ =	shalt  }
0x5b: {  	_ =	shalt  }
0x5c: {  	_ =	shalt  }
0x5d: {  	_ =	shalt  }
0x5e: {  	_ =	shalt  }
0x5f: {  	_ =	shalt  }
0x60: {  	_ =	shalt  }
0x61: {  	_ =	shalt  }
0x62: {  	_ =	shalt  }
0x63: {  	_ =	shalt  }
0x64: {  	_ =	shalt  }
0x65: {  	_ =	shalt  }
0x66: {  	_ =	shalt  }
0x67: {  	_ =	shalt  }
0x68: {  	_ =	shalt  }
0x69: {  	_ =	shalt  }
0x6a: {  	_ =	shalt  }
0x6b: {  	_ =	shalt  }
0x6c: {  	_ =	shalt  }
0x6d: {  	_ =	shalt  }
0x6e: {  	_ =	shalt  }
0x6f: {  	_ =	shalt  }
0x70: {  	_ =	shalt  }
0x71: {  	_ =	shalt  }
0x72: {  	_ =	shalt  }
0x73: {  	_ =	shalt  }
0x74: {  	_ =	shalt  }
0x75: {  	_ =	shalt  }
0x76: {  	_ =	shalt  }
0x77: {  	_ =	shalt  }
0x78: {  	_ =	shalt  }
0x79: {  	_ =	shalt  }
0x7a: {  	_ =	shalt  }
0x7b: {  	_ =	shalt  }
0x7c: {  	_ =	shalt  }
0x7d: {  	_ =	shalt  }
0x7e: {  	_ =	shalt  }
0x7f: {  	_ =	shalt  }
0x80: {  	_ =	shalt  }
0x81: {  	_ =	shalt  }
0x82: {  	_ =	shalt  }
0x83: {  	_ =	shalt  }
0x84: {  	_ =	shalt  }
0x85: {  	_ =	shalt  }
0x86: {  	_ =	shalt  }
0x87: {  	_ =	shalt  }
.Lfunc_end0:
.L_simem_size_0:
called_computation_lowered:
.L_overlay_start_0:
0x88: {  	s2 =	sld [smem:$0x3FD9]  }
0x89: {  	s3 =	sld [smem:$0x3FFE];
	_ =	sdelay $0x1  }
0x8a: {  	s1 =	srdreg.scid  }
0x8b: {  	s0 =	sand.u32 $0x1, s1  }
0x8c: {  	s17 =	sshll.u32 s0, $0xA;
	s2 =	sadd.s32 s3, s2  }
0x8d: {  	s2 =	sadd.s32 s2, s17  }
0x8e: {  	[smem:$0x3FB9] =	sst s2  }
0x8f: {  	_ = 	snop  }
0x90: {  	s2 =	sld [smem:$0x3FD0];
	(tm) =	ssettm $0x1  }
0x91: {  	s18 =	sld [smem:$0x3FFB];
	_ =	sdelay $0x3  }
0x92: {  	_ =	strace s18  }
0x93: {  	s3 =	sld [smem:$0x3FFC];
	_ =	sdelay $0x3  }
0x94: {  	_ =	strace s3  }
0x95: {  	s3 =	sld [smem:$0x3FFD];
	_ =	sdelay $0x3  }
0x96: {  	_ =	strace s3  }
0x97: {  	_ =	strace $0x8FFFFFFF  }
0x98: {  	s19 =	sld [smem:$0x3FDB];
	_ =	sdelay $0x1  }
0x99: {  	s4 =	simm.s32 $_scs_section_size  }
0x9a: {  	s5 =	simm.s32 $_size__tile_overlayer_lowered;
	s6 =	simm.s32 $_tile_overlayer_lowered  }
0x9b: {  	s22 =	simm.s32 $0x1BFF;
	s21 =	sshll.u32 s6, $0x1;
	s3 =	sadd.s32 s4, s19  }
0x9c: {  	s7 =	simm.s32 $0x0;
	s20 =	sshll.u32 s5, $0x1;
	s5 =	sadd.s32 s21, s3  }
0x9d: {  	[timem:s7], [sflag:s22] =	dma.local [hbm:s5], s20  }
0x9e: {  	_ =	swait.ge [sflag:s22], s20  }
0x9f: {  	s4 =	ssub.s32 $0x0, s20;
	[sflag:s22] =	ssyncset.done $0x0  }
0xa0: {  	[sflag:s22] =	ssyncadd.s32 s4;
	_ =	sdelay $0x1  }
0xa1: {  	s23 =	simm.s32 $0x1B8B  }
0xa2: {  	_ =	swait.ge [sflag:s23], $0x1  }
0xa3: {  	[sflag:s23] =	ssyncset.done $0x0  }
0xa4: {  	s25 =	simm.s32 $0x1B8E;
	s24 =	sld [smem:$0x3FFE];
	[sflag:s23] =	ssyncadd.s32 $0xFFFFFFFF  }
0xa5: {  	s26 =	simm.s32 $execute0_lowered;
	[smem:$0x3FD2] =	sst s25  }
0xa6: {  	s5 =	sshll.u32 s26, $0x1;
	_ =	strace $0x80000046;
	[dreg:$0x1] =	wrdreg $0xFFFFFFFF  }
0xa7: {  	s28 =	simm.s32 $_size_execute0_lowered;
	s3 =	sadd.s32 s3, s5;
	[dreg:$0x0] =	wrdreg $0x0  }
0xa8: {  	s5 =	sshll.u32 s28, $0x1;
	[dreg:$0x2] =	wrdreg s3  }
0xa9: {  	[dreg:$0x3] =	wrdreg s5  }
0xaa: {  	[dreg:$0x4] =	wrdreg $0xC0  }
0xab: {  	_ =	task [dreg:s7], $0x5FFFF  }
0xac: {  	[dreg:$0x1] =	wrdreg $0xFFFFFFFF  }
0xad: {  	[dreg:$0x0] =	wrdreg $0x60  }
0xae: {  	[dreg:$0x2] =	wrdreg s24  }
0xaf: {  	[dreg:$0x3] =	wrdreg s2  }
0xb0: {  	[dreg:$0x4] =	wrdreg $0x67000  }
0xb1: {  	[dreg:$0x5] =	wrdreg $0x9  }
0xb2: {  	_ =	task.clear_ibuf [dreg:s7], $0x6FFFF;
	_ =	strace $0x90000046  }
0xb3: {  	s29 =	simm.s32 $0x9;
	_ =	strace $0x80000048  }
0xb4: {  	_ =	swait.ge [sflag:s29], $0x1  }
0xb5: {  	[sflag:s29] =	ssyncadd.s32 $0xFFFFFFFF  }
0xb6: {  	_ =	strace $0x90000048  }
0xb7: {  	_ =	sfence  }
0xb8: {  	s30 =	sld [smem:$0x0];
	_ =	sdelay $0x2  }
0xb9: {  	s31 =	sshll.u32 s1, $0xD;
	s1 =	sshrl.u32 s1, $0x2  }
0xba: {  	s3 =	sand.u32 $0x4000, s31;
	s1 =	sadd.s32 s1, s30  }
0xbb: {  	s0 =	sor.u32 s3, s0;
	s1 =	sshll.u32 s1, $0x11  }
0xbc: {  	s0 =	sor.u32 s1, s0  }
0xbd: {  	s0 =	sadd.s32 $0x8F2B, s0  }
0xbe: {  	[sflag:s0] =	ssyncadd.remote.s32 $0x1  }
0xbf: {  	_ =	sfence.sel $0xFFFF  }
0xc0: {  	[dreg:$0x0] =	wrdreg $0xFFFFFFFF;
	(pc) =	sbr.abs _section_cstart, $3  }
0xc1: {  	[dreg:$0x1] =	wrdreg $0xFFFFFFFF  }
0xc2: {  	_ =	task.clear_ibuf [dreg:s7], $0x2FFFF;
	_ =	strace $0x9FFFFFFF  }
0xc3: {  	(tm) =	ssettm $0x7FFFFFFF  }
tec
execute0_lowered:
.L_overlay_start_1:
0x0: {  	(tag) =	ssettag $0x1  }
0x1: {  	s0 =	rddreg [dreg:$0x0]  }
0x2: {  	s2 =	rddreg [dreg:$0x2]  }
0x3: {  	s3 =	srdreg.scid;
	s10 =	stileid.u32  }
0x4: {  	s4 =	sand.u32 $0x1, s3;
	s6 =	sshrl.u32 s10, $0x3;
	s8 =	smul.u32 $0x1400, s10  }
0x5: {  	s7 =	simm.s32 $0x0;
	s5 =	ssub.s32 $0x2, s4;
	s6 =	smul.u32 $0x2A000, s6  }
0x6: {  	[smem:$0x7FF] =	sst s7;
	s20 =	sshrl.u32 s5, $0x1  }
0x7: {  	s7 =	ssub.s32 s5, s20;
	s6 =	sshrl.u32 s6, $0x2;
	s5 =	sadd.s32 s8, s2  }
0x8: {  	s1 =	rddreg [dreg:$0x1];
	s23 =	sadd.s32 s6, s2;
	s2 =	sadd.s32 $0x80, s5  }
0x9: {  	_ =	strace $0x80000047;
	s25 =	sadd.s32 $0x100, s5;
	[dreg:$0x4] =	wrdreg s2  }
0xa: {  	s26 =	sadd.s32 $0x180, s5;
	[dreg:$0x5] =	wrdreg s25  }
0xb: {  	s6 =	sadd.s32 $0x200, s5;
	[dreg:$0x6] =	wrdreg s26  }
0xc: {  	s8 =	sadd.s32 $0x280, s5;
	[dreg:$0x7] =	wrdreg s6  }
0xd: {  	s11 =	sadd.s32 $0x300, s5;
	[dreg:$0x8] =	wrdreg s8  }
0xe: {  	s12 =	sadd.s32 $0x380, s5;
	[dreg:$0x9] =	wrdreg s11  }
0xf: {  	s13 =	sadd.s32 $0xA800, s5;
	[dreg:$0xa] =	wrdreg s12  }
0x10: {  	s19 =	smul.u32 $0x4E2, s10;
	s14 =	sadd.s32 $0xA880, s5;
	[dreg:$0xb] =	wrdreg s13  }
0x11: {  	s21 =	sshll.u32 s10, $0x7;
	s15 =	sadd.s32 $0xA900, s5;
	[dreg:$0xc] =	wrdreg s14  }
0x12: {  	s24 =	smul.u32 $0x280, s10;
	s16 =	sadd.s32 $0xA980, s5;
	[dreg:$0xd] =	wrdreg s15  }
0x13: {  	p0 =	sgt.u32 s10, $0x7;
	s17 =	sadd.s32 $0xAA00, s5;
	[dreg:$0xe] =	wrdreg s16  }
0x14: {  	s22 =	sand.u32 $0x380, s21;
	s18 =	sadd.s32 $0xAA80, s5;
	[dreg:$0xf] =	wrdreg s17  }
0x15: {  	s0 =	sadd.s32 s19, s0;
	s19 =	sadd.s32 $0xAB00, s5;
	[dreg:$0x10] =	wrdreg s18  }
0x16: {  	s9 =	smul.u32 $0x1400, s4;
	s20 =	sadd.s32 $0xAB80, s5;
	[dreg:$0x11] =	wrdreg s19  }
0x17: {  	s3 =	sadd.s32 $0x2800, s0;
	s21 =	sadd.s32 $0x400, s5;
	[dreg:$0x12] =	wrdreg s20  }
0x18: {  	s0 =	sadd.s32 s24, s9;
	s24 =	sadd.s32 $0xC00, s5;
	[dreg:$0x14] =	wrdreg s21  }
0x19: {  	s0 =	sshrl.u32 s0, $0x3;
	s10 =	sadd.s32 $0xD00, s5;
	[dreg:$0x16] =	wrdreg s24  }
0x1a: {  	s0 =	sadd.s32 s1, s0;
	[dreg:$0x1e] =	wrdreg s10  }
0x1b: {  	s4 =	sadd.s32 s22, s23;
	s23 =	sadd.s32 $0x800, s5;
	[dreg:$0x13] =	wrdreg s0  }
0x1c: {  	s25 =	sadd.s32 $0x1000, s5;
	[dreg:$0x15] =	wrdreg s23  }
0x1d: {  	s26 =	sadd.s32 $0x480, s5;
	[dreg:$0x17] =	wrdreg s25  }
0x1e: {  	s1 =	sadd.s32 $0x880, s5;
	[dreg:$0x18] =	wrdreg s26  }
0x1f: {  	s2 =	sadd.s32 $0xC80, s5;
	[dreg:$0x19] =	wrdreg s1  }
0x20: {  	s6 =	sadd.s32 $0x1080, s5;
	[dreg:$0x1a] =	wrdreg s2  }
0x21: {  	s22 =	smax.u32 s7, $0x1;
	s7 =	sadd.s32 $0x500, s5;
	[dreg:$0x1b] =	wrdreg s6  }
0x22: {  	s8 =	sadd.s32 $0x900, s5;
	[dreg:$0x1c] =	wrdreg s7  }
0x23: {  	s11 =	sadd.s32 $0x1100, s5;
	[dreg:$0x1d] =	wrdreg s8  }
0x24: {  	s12 =	sadd.s32 $0x580, s5;
	[dreg:$0x1f] =	wrdreg s11  }
0x25: {  	s13 =	sadd.s32 $0x980, s5;
	[smem:$0x7DB] =	sst s12  }
0x26: {  	s14 =	sadd.s32 $0xD80, s5;
	[smem:$0x7DC] =	sst s13  }
0x27: {  	s15 =	sadd.s32 $0x1180, s5;
	[smem:$0x7DD] =	sst s14  }
0x28: {  	s16 =	sadd.s32 $0x600, s5;
	[smem:$0x7DE] =	sst s15  }
0x29: {  	s17 =	sadd.s32 $0xA00, s5;
	[smem:$0x7DF] =	sst s16  }
0x2a: {  	s18 =	sadd.s32 $0xE00, s5;
	[smem:$0x7E0] =	sst s17  }
0x2b: {  	s19 =	sadd.s32 $0x1200, s5;
	[smem:$0x7E1] =	sst s18  }
0x2c: {  	s20 =	sadd.s32 $0x680, s5;
	[smem:$0x7E2] =	sst s19  }
0x2d: {  	s21 =	sadd.s32 $0xA80, s5;
	[smem:$0x7E3] =	sst s20  }
0x2e: {  	s24 =	sadd.s32 $0x1280, s5;
	[smem:$0x7E4] =	sst s21  }
0x2f: {  	s10 =	sadd.s32 $0x1380, s5;
	[smem:$0x7E6] =	sst s24  }
0x30: {  	s23 =	sadd.s32 $0xE80, s5;
	[smem:$0x7EE] =	sst s10  }
0x31: {  	s25 =	sadd.s32 $0x700, s5;
	[smem:$0x7E5] =	sst s23  }
0x32: {  	s26 =	sadd.s32 $0xB00, s5;
	[smem:$0x7E7] =	sst s25  }
0x33: {  	s1 =	sadd.s32 $0xF00, s5;
	[smem:$0x7E8] =	sst s26  }
0x34: {  	s2 =	sadd.s32 $0x1300, s5;
	[smem:$0x7E9] =	sst s1  }
0x35: {  	s6 =	sadd.s32 $0x780, s5;
	[smem:$0x7EA] =	sst s2  }
0x36: {  	s7 =	sadd.s32 $0xB80, s5;
	[smem:$0x7EB] =	sst s6  }
0x37: {  	s8 =	sadd.s32 $0xF80, s5;
	[smem:$0x7EC] =	sst s7  }
0x38: {  	s11 =	sadd.s32 $0xAC00, s5;
	[smem:$0x7ED] =	sst s8  }
0x39: {  	s12 =	sadd.s32 $0xB000, s5;
	[smem:$0x7EF] =	sst s11  }
0x3a: {  	s13 =	sadd.s32 $0xB400, s5;
	[smem:$0x7F0] =	sst s12  }
0x3b: {  	s14 =	sadd.s32 $0xB800, s5;
	[smem:$0x7F1] =	sst s13  }
0x3c: {  	s15 =	sadd.s32 $0xAC80, s5;
	[smem:$0x7F2] =	sst s14  }
0x3d: {  	s16 =	sadd.s32 $0xB080, s5;
	[smem:$0x7F3] =	sst s15  }
0x3e: {  	v0 =	vmov s9;
	s9 =	simm.s32 $0x0;
	s17 =	sadd.s32 $0xB480, s5;
	[smem:$0x7F4] =	sst s16  }
0x3f: {  	s28 =	sadd.s32 $0xB700, s5;
	s18 =	sadd.s32 $0xB880, s5;
	[smem:$0x7F5] =	sst s17  }
0x40: {  	s29 =	sadd.s32 $0xBB00, s5;
	s19 =	sadd.s32 $0xAD00, s5;
	[smem:$0x7F6] =	sst s18  }
0x41: {  	s30 =	sadd.s32 $0xAF80, s5;
	s20 =	sadd.s32 $0xB100, s5;
	[smem:$0x7F7] =	sst s19  }
0x42: {  	s31 =	sadd.s32 $0xB380, s5;
	s21 =	sadd.s32 $0xB500, s5;
	[smem:$0x7F8] =	sst s20  }
0x43: {  	s24 =	sadd.s32 $0xAD80, s5;
	s0 =	sadd.s32 $0xB780, s5;
	[smem:$0x7F9] =	sst s21  }
0x44: {  	s23 =	sadd.s32 $0xB900, s5;
	[smem:$0x7FB] =	sst s24;
	s25 =	sadd.s32 $0xB180, s5  }
0x45: {  	s26 =	sadd.s32 $0xB580, s5;
	s15 =	sadd.s32 $0xB980, s5;
	s16 =	sadd.s32 $0xAE00, s5  }
0x46: {  	s17 =	sadd.s32 $0xB200, s5;
	s18 =	sadd.s32 $0xB600, s5;
	s19 =	sadd.s32 $0xBA00, s5  }
.Ltmp0:
0x47: {  	s20 =	sadd.s32 $0xAE80, s5;
	s21 =	sadd.s32 $0xB280, s5;
	(pc) =	sbr.rel .LBB2_1-.Ltmp0, $4  }
0x48: {  	s24 =	sadd.s32 $0xBA80, s5;
	s1 =	sadd.s32 $0xBB80, s5;
	[smem:$0x7FA] =	sst s23  }
0x49: {  	s2 =	simm.s32 $0x1;
	s6 =	simm.s32 $0x2780;
	[smem:$0x7FC] =	sst s25  }
0x4a: {  	s7 =	simm.s32 $0x80;
	s8 =	simm.s32 $0x400;
	[smem:$0x7FD] =	sst s26  }
0x4b: {  	v1 =	vimm.f32 $0.0e+00;
	v2 =	vimm.f32 $1.000000000e+00;
	s23 =	sadd.s32 $0xB680, s5;
	s25 =	sadd.s32 $0xAF00, s5;
	s26 =	sadd.s32 $0xB300, s5  }
.LBB2_8:
0x4c: {  	v3 =	vld [tilespmem:s11+$0x3D00]  }
0x4d: {  	v4 =	vld [tilespmem:s11+$0x3C80];
	_ =	sdelay $0x1  }
0x4e: {  	v5 =	vld [tilespmem:s11+$0x3D80];
	_ =	sdelay $0x1  }
0x4f: {  	v6 =	vld [tilespmem:s11+$0x3E00]  }
0x50: {  	v3 =	vadd.f32 v3, v4  }
0x51: {  	v52 =	vld [tilespmem:s11+$0x3E80]  }
0x52: {  	v3 =	vadd.f32 v5, v3  }
0x53: {  	v53 =	vld [tilespmem:s11+$0x3F00]  }
0x54: {  	v3 =	vadd.f32 v6, v3  }
0x55: {  	v54 =	vld [tilespmem:s11+$0x3F80]  }
0x56: {  	v3 =	vadd.f32 v52, v3  }
0x57: {  	v55 =	vld [tilespmem:s11+$0x4000]  }
0x58: {  	v3 =	vadd.f32 v53, v3  }
0x59: {  	v56 =	vld [tilespmem:s11+$0x5080]  }
0x5a: {  	v3 =	vadd.f32 v54, v3  }
0x5b: {  	v57 =	vld [tilespmem:s11+$0x5100]  }
0x5c: {  	v3 =	vadd.f32 v55, v3  }
0x5d: {  	v58 =	vld [tilespmem:s11+$0x5180]  }
0x5e: {  	v3 =	vadd.f32 v56, v3  }
0x5f: {  	v59 =	vld [tilespmem:s11+$0x5200]  }
0x60: {  	v3 =	vadd.f32 v57, v3  }
0x61: {  	v60 =	vld [tilespmem:s11+$0x5280]  }
0x62: {  	v3 =	vadd.f32 v58, v3  }
0x63: {  	v61 =	vld [tilespmem:s11+$0x5300]  }
0x64: {  	v3 =	vadd.f32 v59, v3  }
0x65: {  	v62 =	vld [tilespmem:s11+$0x5380]  }
0x66: {  	v3 =	vadd.f32 v60, v3  }
0x67: {  	v63 =	vld [tilespmem:s11+$0x5400]  }
0x68: {  	v3 =	vadd.f32 v61, v3;
	_ =	sdelay $0x1  }
0x69: {  	v3 =	vadd.f32 v62, v3;
	_ =	sdelay $0x1  }
0x6a: {  	v3 =	vadd.f32 v63, v3  }
0x6b: {  	s10 =	sadd.s32 $0x10, s10  }
0x6c: {  	s13 =	simm.s32 $0x0;
	s14 =	rddreg [dreg:$0x13];
	s12 =	simm.s32 $0x6480;
	[tilespmem:s10+$0x0] =	vst v3  }
0x6d: {  	[hbm4b:s14+s13] =	stream.linear.scatter [tilespmem:s12], [sflag:$0x1], $0x280, $0x38;
	[tilespmem:$0x7C00] =	vst v63  }
0x6e: {  	_ =	swait.ge [sflag:s2], $0x280  }
0x6f: {  	[sflag:s2] =	ssyncset.done $0x0  }
0x70: {  	[sflag:s2] =	ssyncadd.s32 $0xFFFFFD80  }
.LBB2_9:
0x71: {  	s9 =	sadd.s32 $0x1, s9  }
0x72: {  	p1 =	sne.s32 s9, s22  }
.Ltmp1:
0x73: {  	_ = 	snop;
	(pc) =	sbr.rel @!p1 .LBB2_10-.Ltmp1, $1  }
0x74: {  	_ =	sdelay $0x3  }
.LBB2_1:
0x75: {  	s10 =	simm.s32 $0x40;
	s11 =	simm.s32 $0x0  }
.LBB2_2:
0x76: {  	p1 =	sne.s32 s10, $0x53C0;
	[tilespmem:s11+$0x2780] =	vst v1;
	s11 =	smov.u32 s10;
	s10 =	sadd.s32 $0x40, s10  }
.Ltmp2:
0x77: {  	(pc) =	sbr.rel @p1 .LBB2_2-.Ltmp2, $2  }
0x78: {  	_ =	sdelay $0x2  }
0x79: {  	s11 =	sshra.s32 s11, $0x2  }
0x7a: {  	[tilespmem:s11+$0x2780] =	vst v1;
	s10 =	simm.s32 $0x0  }
0x7b: {  	[tilespmem:s10], [sflag:$0x1] =	stream.linear.gather [hbm4b:s3+s10], $0x2710, $0x38;
	[tilespmem:$0x7C00] =	vst v63  }
0x7c: {  	_ =	swait.ge [sflag:s2], $0x2710  }
0x7d: {  	[sflag:s2] =	ssyncset.done $0x0  }
0x7e: {  	s11 =	simm.s32 $0x0;
	s10 =	simm.s32 $0x40;
	[sflag:s2] =	ssyncadd.s32 $0xFFFFD8F0  }
.LBB2_4:
0x7f: {  	p1 =	sne.s32 s10, $0x9C00;
	v3 =	vld [tilespmem:s11+$0x0];
	_ =	sdelay $0x4  }
0x80: {  	v3 =	vsub.s32 v3, v0  }
0x81: {  	v3 =	vmin.u32 v3, $0x1400  }
.Ltmp3:
0x82: {  	(pc) =	sbr.rel @p1 .LBB2_4-.Ltmp3, $2  }
0x83: {  	_ =	sdelay $0x2  }
0x84: {  	s11 =	sshra.s32 s10, $0x2;
	s10 =	sadd.s32 $0x40, s10;
	[tilespmem:v3+s6+$0x0] =	vst.idx.add.f32.msk $0xffff, v2  }
0x85: {  	v3 =	vld [tilespmem:s11+$0x0];
	_ =	sdelay $0x4  }
0x86: {  	v3 =	vsub.s32 v3, v0  }
0x87: {  	v3 =	vmin.u32 v3, $0x1400;
	_ =	sdelay $0x4  }
0x88: {  	[tilespmem:v3+s6+$0x0] =	vst.idx.add.f32.msk $0xffff, v2  }
0x89: {  	[spmem:s4] =	stream.strided.scatter [tilespmem:s6], [sflag:$0x1], $0x1500, s8, s7, $0x38;
	[tilespmem:$0x7C00] =	vst v63  }
.Ltmp4:
0x8a: {  	_ =	swait.ge [sflag:s2], $0x1500;
	(pc) =	sbr.rel @p0 .LBB2_9-.Ltmp4, $3  }
0x8b: {  	[sflag:s2] =	ssyncset.done $0x0  }
0x8c: {  	[sflag:s2] =	ssyncadd.s32 $0xFFFFEB00  }
0x8d: {  	[bflag:$0x0] =	sbarrier.arrive $0xFFFF;
	_ =	sdelay $0x1  }
0x8e: {  	s10 =	simm.s32 $0x3C80  }
0x8f: {  	[tilespmem:s10], [sflag:$0x1] =	stream.linear.gather [spmem:s5], $0x80, $0x38;
	[tilespmem:$0x7C00] =	vst v63  }
0x90: {  	s14 =	rddreg [dreg:$0x14];
	s11 =	simm.s32 $0x4080  }
0x91: {  	[tilespmem:s11], [sflag:$0x1] =	stream.linear.gather [spmem:s14], $0x80, $0x38;
	[tilespmem:$0x7C00] =	vst v63  }
0x92: {  	s12 =	simm.s32 $0x4480;
	s11 =	rddreg [dreg:$0x15]  }
0x93: {  	[tilespmem:s12], [sflag:$0x1] =	stream.linear.gather [spmem:s11], $0x80, $0x38;
	[tilespmem:$0x7C00] =	vst v63  }
0x94: {  	s13 =	rddreg [dreg:$0x16];
	s14 =	simm.s32 $0x4880  }
0x95: {  	[tilespmem:s14], [sflag:$0x1] =	stream.linear.gather [spmem:s13], $0x80, $0x38;
	[tilespmem:$0x7C00] =	vst v63  }
0x96: {  	s11 =	rddreg [dreg:$0x17];
	s12 =	simm.s32 $0x4C80  }
0x97: {  	[tilespmem:s12], [sflag:$0x1] =	stream.linear.gather [spmem:s11], $0x80, $0x38;
	[tilespmem:$0x7C00] =	vst v63  }
0x98: {  	_ =	swait.ge [sflag:s2], $0x280  }
0x99: {  	[sflag:s2] =	ssyncset.done $0x0  }
0x9a: {  	s14 =	simm.s32 $0x3D00;
	s13 =	rddreg [dreg:$0x4];
	[sflag:s2] =	ssyncadd.s32 $0xFFFFFD80  }
0x9b: {  	[tilespmem:s14], [sflag:$0x1] =	stream.linear.gather [spmem:s13], $0x80, $0x38;
	[tilespmem:$0x7C00] =	vst v63  }
0x9c: {  	s12 =	simm.s32 $0x4100;
	s11 =	rddreg [dreg:$0x18]  }
0x9d: {  	[tilespmem:s12], [sflag:$0x1] =	stream.linear.gather [spmem:s11], $0x80, $0x38;
	[tilespmem:$0x7C00] =	vst v63  }
0x9e: {  	s13 =	rddreg [dreg:$0x19];
	s14 =	simm.s32 $0x4500  }
0x9f: {  	[tilespmem:s14], [sflag:$0x1] =	stream.linear.gather [spmem:s13], $0x80, $0x38;
	[tilespmem:$0x7C00] =	vst v63  }
0xa0: {  	s11 =	rddreg [dreg:$0x1a];
	s12 =	simm.s32 $0x4900  }
0xa1: {  	[tilespmem:s12], [sflag:$0x1] =	stream.linear.gather [spmem:s11], $0x80, $0x38;
	[tilespmem:$0x7C00] =	vst v63  }
0xa2: {  	s13 =	rddreg [dreg:$0x1b];
	s14 =	simm.s32 $0x4D00  }
0xa3: {  	[tilespmem:s14], [sflag:$0x1] =	stream.linear.gather [spmem:s13], $0x80, $0x38;
	[tilespmem:$0x7C00] =	vst v63  }
0xa4: {  	_ =	swait.ge [sflag:s2], $0x280  }
0xa5: {  	[sflag:s2] =	ssyncset.done $0x0  }
0xa6: {  	s12 =	simm.s32 $0x3D80;
	s11 =	rddreg [dreg:$0x5];
	[sflag:s2] =	ssyncadd.s32 $0xFFFFFD80  }
0xa7: {  	[tilespmem:s12], [sflag:$0x1] =	stream.linear.gather [spmem:s11], $0x80, $0x38;
	[tilespmem:$0x7C00] =	vst v63  }
0xa8: {  	s14 =	simm.s32 $0x4180;
	s13 =	rddreg [dreg:$0x1c]  }
0xa9: {  	[tilespmem:s14], [sflag:$0x1] =	stream.linear.gather [spmem:s13], $0x80, $0x38;
	[tilespmem:$0x7C00] =	vst v63  }
0xaa: {  	s11 =	rddreg [dreg:$0x1d];
	s12 =	simm.s32 $0x4580  }
0xab: {  	[tilespmem:s12], [sflag:$0x1] =	stream.linear.gather [spmem:s11], $0x80, $0x38;
	[tilespmem:$0x7C00] =	vst v63  }
0xac: {  	s13 =	rddreg [dreg:$0x1e];
	s14 =	simm.s32 $0x4980  }
0xad: {  	[tilespmem:s14], [sflag:$0x1] =	stream.linear.gather [spmem:s13], $0x80, $0x38;
	[tilespmem:$0x7C00] =	vst v63  }
0xae: {  	s11 =	rddreg [dreg:$0x1f];
	s12 =	simm.s32 $0x4D80  }
0xaf: {  	[tilespmem:s12], [sflag:$0x1] =	stream.linear.gather [spmem:s11], $0x80, $0x38;
	[tilespmem:$0x7C00] =	vst v63  }
0xb0: {  	_ =	swait.ge [sflag:s2], $0x280  }
0xb1: {  	[sflag:s2] =	ssyncset.done $0x0;
	s13 =	rddreg [dreg:$0x6]  }
0xb2: {  	s14 =	simm.s32 $0x3E00;
	s11 =	sld [smem:$0x7DB];
	[sflag:s2] =	ssyncadd.s32 $0xFFFFFD80  }
0xb3: {  	[tilespmem:s14], [sflag:$0x1] =	stream.linear.gather [spmem:s13], $0x80, $0x38;
	[tilespmem:$0x7C00] =	vst v63  }
0xb4: {  	s12 =	simm.s32 $0x4200;
	s13 =	sld [smem:$0x7DC]  }
0xb5: {  	[tilespmem:s12], [sflag:$0x1] =	stream.linear.gather [spmem:s11], $0x80, $0x38;
	[tilespmem:$0x7C00] =	vst v63  }
0xb6: {  	s14 =	simm.s32 $0x4600;
	s11 =	sld [smem:$0x7DD]  }
0xb7: {  	[tilespmem:s14], [sflag:$0x1] =	stream.linear.gather [spmem:s13], $0x80, $0x38;
	[tilespmem:$0x7C00] =	vst v63  }
0xb8: {  	s12 =	simm.s32 $0x4A00;
	s13 =	sld [smem:$0x7DE]  }
0xb9: {  	[tilespmem:s12], [sflag:$0x1] =	stream.linear.gather [spmem:s11], $0x80, $0x38;
	[tilespmem:$0x7C00] =	vst v63  }
0xba: {  	s14 =	simm.s32 $0x4E00  }
0xbb: {  	[tilespmem:s14], [sflag:$0x1] =	stream.linear.gather [spmem:s13], $0x80, $0x38;
	[tilespmem:$0x7C00] =	vst v63  }
0xbc: {  	_ =	swait.ge [sflag:s2], $0x280  }
0xbd: {  	[sflag:s2] =	ssyncset.done $0x0;
	s11 =	rddreg [dreg:$0x7]  }
0xbe: {  	s12 =	simm.s32 $0x3E80;
	s13 =	sld [smem:$0x7DF];
	[sflag:s2] =	ssyncadd.s32 $0xFFFFFD80  }
0xbf: {  	[tilespmem:s12], [sflag:$0x1] =	stream.linear.gather [spmem:s11], $0x80, $0x38;
	[tilespmem:$0x7C00] =	vst v63  }
0xc0: {  	s14 =	simm.s32 $0x4280;
	s11 =	sld [smem:$0x7E0]  }
0xc1: {  	[tilespmem:s14], [sflag:$0x1] =	stream.linear.gather [spmem:s13], $0x80, $0x38;
	[tilespmem:$0x7C00] =	vst v63  }
0xc2: {  	s12 =	simm.s32 $0x4680;
	s13 =	sld [smem:$0x7E1]  }
0xc3: {  	[tilespmem:s12], [sflag:$0x1] =	stream.linear.gather [spmem:s11], $0x80, $0x38;
	[tilespmem:$0x7C00] =	vst v63  }
0xc4: {  	s14 =	simm.s32 $0x4A80;
	s11 =	sld [smem:$0x7E2]  }
0xc5: {  	[tilespmem:s14], [sflag:$0x1] =	stream.linear.gather [spmem:s13], $0x80, $0x38;
	[tilespmem:$0x7C00] =	vst v63  }
0xc6: {  	s12 =	simm.s32 $0x4E80  }
0xc7: {  	[tilespmem:s12], [sflag:$0x1] =	stream.linear.gather [spmem:s11], $0x80, $0x38;
	[tilespmem:$0x7C00] =	vst v63  }
0xc8: {  	_ =	swait.ge [sflag:s2], $0x280  }
0xc9: {  	[sflag:s2] =	ssyncset.done $0x0;
	s13 =	rddreg [dreg:$0x8]  }
0xca: {  	s14 =	simm.s32 $0x3F00;
	s11 =	sld [smem:$0x7E3];
	[sflag:s2] =	ssyncadd.s32 $0xFFFFFD80  }
0xcb: {  	[tilespmem:s14], [sflag:$0x1] =	stream.linear.gather [spmem:s13], $0x80, $0x38;
	[tilespmem:$0x7C00] =	vst v63  }
0xcc: {  	s12 =	simm.s32 $0x4300;
	s13 =	sld [smem:$0x7E4]  }
0xcd: {  	[tilespmem:s12], [sflag:$0x1] =	stream.linear.gather [spmem:s11], $0x80, $0x38;
	[tilespmem:$0x7C00] =	vst v63  }
0xce: {  	s14 =	simm.s32 $0x4700;
	s11 =	sld [smem:$0x7E5]  }
0xcf: {  	[tilespmem:s14], [sflag:$0x1] =	stream.linear.gather [spmem:s13], $0x80, $0x38;
	[tilespmem:$0x7C00] =	vst v63  }
0xd0: {  	s12 =	simm.s32 $0x4B00;
	s13 =	sld [smem:$0x7E6]  }
0xd1: {  	[tilespmem:s12], [sflag:$0x1] =	stream.linear.gather [spmem:s11], $0x80, $0x38;
	[tilespmem:$0x7C00] =	vst v63  }
0xd2: {  	s14 =	simm.s32 $0x4F00  }
0xd3: {  	[tilespmem:s14], [sflag:$0x1] =	stream.linear.gather [spmem:s13], $0x80, $0x38;
	[tilespmem:$0x7C00] =	vst v63  }
0xd4: {  	_ =	swait.ge [sflag:s2], $0x280  }
0xd5: {  	[sflag:s2] =	ssyncset.done $0x0;
	s11 =	rddreg [dreg:$0x9]  }
0xd6: {  	s12 =	simm.s32 $0x3F80;
	s13 =	sld [smem:$0x7E7];
	[sflag:s2] =	ssyncadd.s32 $0xFFFFFD80  }
0xd7: {  	[tilespmem:s12], [sflag:$0x1] =	stream.linear.gather [spmem:s11], $0x80, $0x38;
	[tilespmem:$0x7C00] =	vst v63  }
0xd8: {  	s14 =	simm.s32 $0x4380;
	s11 =	sld [smem:$0x7E8]  }
0xd9: {  	[tilespmem:s14], [sflag:$0x1] =	stream.linear.gather [spmem:s13], $0x80, $0x38;
	[tilespmem:$0x7C00] =	vst v63  }
0xda: {  	s12 =	simm.s32 $0x4780;
	s13 =	sld [smem:$0x7E9]  }
0xdb: {  	[tilespmem:s12], [sflag:$0x1] =	stream.linear.gather [spmem:s11], $0x80, $0x38;
	[tilespmem:$0x7C00] =	vst v63  }
0xdc: {  	s14 =	simm.s32 $0x4B80;
	s11 =	sld [smem:$0x7EA]  }
0xdd: {  	[tilespmem:s14], [sflag:$0x1] =	stream.linear.gather [spmem:s13], $0x80, $0x38;
	[tilespmem:$0x7C00] =	vst v63  }
0xde: {  	s12 =	simm.s32 $0x4F80  }
0xdf: {  	[tilespmem:s12], [sflag:$0x1] =	stream.linear.gather [spmem:s11], $0x80, $0x38;
	[tilespmem:$0x7C00] =	vst v63  }
0xe0: {  	_ =	swait.ge [sflag:s2], $0x280  }
0xe1: {  	[sflag:s2] =	ssyncset.done $0x0;
	s13 =	rddreg [dreg:$0xa]  }
0xe2: {  	s14 =	simm.s32 $0x4000;
	s11 =	sld [smem:$0x7EB];
	[sflag:s2] =	ssyncadd.s32 $0xFFFFFD80  }
0xe3: {  	[tilespmem:s14], [sflag:$0x1] =	stream.linear.gather [spmem:s13], $0x80, $0x38;
	[tilespmem:$0x7C00] =	vst v63  }
0xe4: {  	s12 =	simm.s32 $0x4400;
	s13 =	sld [smem:$0x7EC]  }
0xe5: {  	[tilespmem:s12], [sflag:$0x1] =	stream.linear.gather [spmem:s11], $0x80, $0x38;
	[tilespmem:$0x7C00] =	vst v63  }
0xe6: {  	s14 =	simm.s32 $0x4800;
	s11 =	sld [smem:$0x7ED]  }
0xe7: {  	[tilespmem:s14], [sflag:$0x1] =	stream.linear.gather [spmem:s13], $0x80, $0x38;
	[tilespmem:$0x7C00] =	vst v63  }
0xe8: {  	s12 =	simm.s32 $0x4C00;
	s13 =	sld [smem:$0x7EE]  }
0xe9: {  	[tilespmem:s12], [sflag:$0x1] =	stream.linear.gather [spmem:s11], $0x80, $0x38;
	[tilespmem:$0x7C00] =	vst v63  }
0xea: {  	s14 =	simm.s32 $0x5000  }
0xeb: {  	[tilespmem:s14], [sflag:$0x1] =	stream.linear.gather [spmem:s13], $0x80, $0x38;
	[tilespmem:$0x7C00] =	vst v63  }
0xec: {  	_ =	swait.ge [sflag:s2], $0x280  }
0xed: {  	[sflag:s2] =	ssyncset.done $0x0;
	s11 =	rddreg [dreg:$0xb]  }
0xee: {  	s12 =	simm.s32 $0x5080;
	s13 =	sld [smem:$0x7EF];
	[sflag:s2] =	ssyncadd.s32 $0xFFFFFD80  }
0xef: {  	[tilespmem:s12], [sflag:$0x1] =	stream.linear.gather [spmem:s11], $0x80, $0x38;
	[tilespmem:$0x7C00] =	vst v63  }
0xf0: {  	s14 =	simm.s32 $0x5480;
	s11 =	sld [smem:$0x7F0]  }
0xf1: {  	[tilespmem:s14], [sflag:$0x1] =	stream.linear.gather [spmem:s13], $0x80, $0x38;
	[tilespmem:$0x7C00] =	vst v63  }
0xf2: {  	s12 =	simm.s32 $0x5880;
	s13 =	sld [smem:$0x7F1]  }
0xf3: {  	[tilespmem:s12], [sflag:$0x1] =	stream.linear.gather [spmem:s11], $0x80, $0x38;
	[tilespmem:$0x7C00] =	vst v63  }
0xf4: {  	s14 =	simm.s32 $0x5C80;
	s11 =	sld [smem:$0x7F2]  }
0xf5: {  	[tilespmem:s14], [sflag:$0x1] =	stream.linear.gather [spmem:s13], $0x80, $0x38;
	[tilespmem:$0x7C00] =	vst v63  }
0xf6: {  	s12 =	simm.s32 $0x6080  }
0xf7: {  	[tilespmem:s12], [sflag:$0x1] =	stream.linear.gather [spmem:s11], $0x80, $0x38;
	[tilespmem:$0x7C00] =	vst v63  }
0xf8: {  	_ =	swait.ge [sflag:s2], $0x280  }
0xf9: {  	[sflag:s2] =	ssyncset.done $0x0;
	s13 =	rddreg [dreg:$0xc]  }
0xfa: {  	s14 =	simm.s32 $0x5100;
	s11 =	sld [smem:$0x7F3];
	[sflag:s2] =	ssyncadd.s32 $0xFFFFFD80  }
0xfb: {  	[tilespmem:s14], [sflag:$0x1] =	stream.linear.gather [spmem:s13], $0x80, $0x38;
	[tilespmem:$0x7C00] =	vst v63  }
0xfc: {  	s12 =	simm.s32 $0x5500;
	s13 =	sld [smem:$0x7F4]  }
0xfd: {  	[tilespmem:s12], [sflag:$0x1] =	stream.linear.gather [spmem:s11], $0x80, $0x38;
	[tilespmem:$0x7C00] =	vst v63  }
0xfe: {  	s14 =	simm.s32 $0x5900;
	s11 =	sld [smem:$0x7F5]  }
0xff: {  	[tilespmem:s14], [sflag:$0x1] =	stream.linear.gather [spmem:s13], $0x80, $0x38;
	[tilespmem:$0x7C00] =	vst v63  }
0x100: {  	s12 =	simm.s32 $0x5D00;
	s13 =	sld [smem:$0x7F6]  }
0x101: {  	[tilespmem:s12], [sflag:$0x1] =	stream.linear.gather [spmem:s11], $0x80, $0x38;
	[tilespmem:$0x7C00] =	vst v63  }
0x102: {  	s14 =	simm.s32 $0x6100  }
0x103: {  	[tilespmem:s14], [sflag:$0x1] =	stream.linear.gather [spmem:s13], $0x80, $0x38;
	[tilespmem:$0x7C00] =	vst v63  }
0x104: {  	_ =	swait.ge [sflag:s2], $0x280  }
0x105: {  	[sflag:s2] =	ssyncset.done $0x0;
	s11 =	rddreg [dreg:$0xd]  }
0x106: {  	s12 =	simm.s32 $0x5180;
	s13 =	sld [smem:$0x7F7];
	[sflag:s2] =	ssyncadd.s32 $0xFFFFFD80  }
0x107: {  	[tilespmem:s12], [sflag:$0x1] =	stream.linear.gather [spmem:s11], $0x80, $0x38;
	[tilespmem:$0x7C00] =	vst v63  }
0x108: {  	s14 =	simm.s32 $0x5580;
	s11 =	sld [smem:$0x7F8]  }
0x109: {  	[tilespmem:s14], [sflag:$0x1] =	stream.linear.gather [spmem:s13], $0x80, $0x38;
	[tilespmem:$0x7C00] =	vst v63  }
0x10a: {  	s12 =	simm.s32 $0x5980;
	s13 =	sld [smem:$0x7F9]  }
0x10b: {  	[tilespmem:s12], [sflag:$0x1] =	stream.linear.gather [spmem:s11], $0x80, $0x38;
	[tilespmem:$0x7C00] =	vst v63  }
0x10c: {  	s14 =	simm.s32 $0x5D80;
	s11 =	sld [smem:$0x7FA]  }
0x10d: {  	[tilespmem:s14], [sflag:$0x1] =	stream.linear.gather [spmem:s13], $0x80, $0x38;
	[tilespmem:$0x7C00] =	vst v63  }
0x10e: {  	s12 =	simm.s32 $0x6180  }
0x10f: {  	[tilespmem:s12], [sflag:$0x1] =	stream.linear.gather [spmem:s11], $0x80, $0x38;
	[tilespmem:$0x7C00] =	vst v63  }
0x110: {  	_ =	swait.ge [sflag:s2], $0x280  }
0x111: {  	[sflag:s2] =	ssyncset.done $0x0;
	s13 =	rddreg [dreg:$0xe]  }
0x112: {  	s14 =	simm.s32 $0x5200;
	s11 =	sld [smem:$0x7FB];
	[sflag:s2] =	ssyncadd.s32 $0xFFFFFD80  }
0x113: {  	[tilespmem:s14], [sflag:$0x1] =	stream.linear.gather [spmem:s13], $0x80, $0x38;
	[tilespmem:$0x7C00] =	vst v63  }
0x114: {  	s12 =	simm.s32 $0x5600;
	s13 =	sld [smem:$0x7FC]  }
0x115: {  	[tilespmem:s12], [sflag:$0x1] =	stream.linear.gather [spmem:s11], $0x80, $0x38;
	[tilespmem:$0x7C00] =	vst v63  }
0x116: {  	s14 =	simm.s32 $0x5A00;
	s12 =	sld [smem:$0x7FD]  }
0x117: {  	[tilespmem:s14], [sflag:$0x1] =	stream.linear.gather [spmem:s13], $0x80, $0x38;
	[tilespmem:$0x7C00] =	vst v63  }
0x118: {  	s13 =	simm.s32 $0x5E00  }
0x119: {  	[tilespmem:s13], [sflag:$0x1] =	stream.linear.gather [spmem:s12], $0x80, $0x38;
	[tilespmem:$0x7C00] =	vst v63  }
0x11a: {  	s14 =	simm.s32 $0x6200  }
0x11b: {  	[tilespmem:s14], [sflag:$0x1] =	stream.linear.gather [spmem:s15], $0x80, $0x38;
	[tilespmem:$0x7C00] =	vst v63  }
0x11c: {  	_ =	swait.ge [sflag:s2], $0x280  }
0x11d: {  	[sflag:s2] =	ssyncset.done $0x0  }
0x11e: {  	s12 =	simm.s32 $0x5280;
	s11 =	rddreg [dreg:$0xf];
	[sflag:s2] =	ssyncadd.s32 $0xFFFFFD80  }
0x11f: {  	[tilespmem:s12], [sflag:$0x1] =	stream.linear.gather [spmem:s11], $0x80, $0x38;
	[tilespmem:$0x7C00] =	vst v63  }
0x120: {  	s13 =	simm.s32 $0x5680  }
0x121: {  	[tilespmem:s13], [sflag:$0x1] =	stream.linear.gather [spmem:s16], $0x80, $0x38;
	[tilespmem:$0x7C00] =	vst v63  }
0x122: {  	s14 =	simm.s32 $0x5A80  }
0x123: {  	[tilespmem:s14], [sflag:$0x1] =	stream.linear.gather [spmem:s17], $0x80, $0x38;
	[tilespmem:$0x7C00] =	vst v63  }
0x124: {  	s11 =	simm.s32 $0x5E80  }
0x125: {  	[tilespmem:s11], [sflag:$0x1] =	stream.linear.gather [spmem:s18], $0x80, $0x38;
	[tilespmem:$0x7C00] =	vst v63  }
0x126: {  	s12 =	simm.s32 $0x6280  }
0x127: {  	[tilespmem:s12], [sflag:$0x1] =	stream.linear.gather [spmem:s19], $0x80, $0x38;
	[tilespmem:$0x7C00] =	vst v63  }
0x128: {  	_ =	swait.ge [sflag:s2], $0x280  }
0x129: {  	[sflag:s2] =	ssyncset.done $0x0  }
0x12a: {  	s14 =	simm.s32 $0x5300;
	s13 =	rddreg [dreg:$0x10];
	[sflag:s2] =	ssyncadd.s32 $0xFFFFFD80  }
0x12b: {  	[tilespmem:s14], [sflag:$0x1] =	stream.linear.gather [spmem:s13], $0x80, $0x38;
	[tilespmem:$0x7C00] =	vst v63  }
0x12c: {  	s11 =	simm.s32 $0x5700  }
0x12d: {  	[tilespmem:s11], [sflag:$0x1] =	stream.linear.gather [spmem:s20], $0x80, $0x38;
	[tilespmem:$0x7C00] =	vst v63  }
0x12e: {  	s12 =	simm.s32 $0x5B00  }
0x12f: {  	[tilespmem:s12], [sflag:$0x1] =	stream.linear.gather [spmem:s21], $0x80, $0x38;
	[tilespmem:$0x7C00] =	vst v63  }
0x130: {  	s13 =	simm.s32 $0x5F00  }
0x131: {  	[tilespmem:s13], [sflag:$0x1] =	stream.linear.gather [spmem:s23], $0x80, $0x38;
	[tilespmem:$0x7C00] =	vst v63  }
0x132: {  	s14 =	simm.s32 $0x6300  }
0x133: {  	[tilespmem:s14], [sflag:$0x1] =	stream.linear.gather [spmem:s24], $0x80, $0x38;
	[tilespmem:$0x7C00] =	vst v63  }
0x134: {  	_ =	swait.ge [sflag:s2], $0x280  }
0x135: {  	[sflag:s2] =	ssyncset.done $0x0  }
0x136: {  	s12 =	simm.s32 $0x5380;
	s11 =	rddreg [dreg:$0x11];
	[sflag:s2] =	ssyncadd.s32 $0xFFFFFD80  }
0x137: {  	[tilespmem:s12], [sflag:$0x1] =	stream.linear.gather [spmem:s11], $0x80, $0x38;
	[tilespmem:$0x7C00] =	vst v63  }
0x138: {  	s13 =	simm.s32 $0x5780  }
0x139: {  	[tilespmem:s13], [sflag:$0x1] =	stream.linear.gather [spmem:s25], $0x80, $0x38;
	[tilespmem:$0x7C00] =	vst v63  }
0x13a: {  	s14 =	simm.s32 $0x5B80  }
0x13b: {  	[tilespmem:s14], [sflag:$0x1] =	stream.linear.gather [spmem:s26], $0x80, $0x38;
	[tilespmem:$0x7C00] =	vst v63  }
0x13c: {  	s11 =	simm.s32 $0x5F80  }
0x13d: {  	[tilespmem:s11], [sflag:$0x1] =	stream.linear.gather [spmem:s28], $0x80, $0x38;
	[tilespmem:$0x7C00] =	vst v63  }
0x13e: {  	s12 =	simm.s32 $0x6380  }
0x13f: {  	[tilespmem:s12], [sflag:$0x1] =	stream.linear.gather [spmem:s29], $0x80, $0x38;
	[tilespmem:$0x7C00] =	vst v63  }
0x140: {  	_ =	swait.ge [sflag:s2], $0x280  }
0x141: {  	[sflag:s2] =	ssyncset.done $0x0  }
0x142: {  	s14 =	simm.s32 $0x5400;
	s13 =	rddreg [dreg:$0x12];
	[sflag:s2] =	ssyncadd.s32 $0xFFFFFD80  }
0x143: {  	[tilespmem:s14], [sflag:$0x1] =	stream.linear.gather [spmem:s13], $0x80, $0x38;
	[tilespmem:$0x7C00] =	vst v63  }
0x144: {  	s12 =	simm.s32 $0x5800  }
0x145: {  	[tilespmem:s12], [sflag:$0x1] =	stream.linear.gather [spmem:s30], $0x80, $0x38;
	[tilespmem:$0x7C00] =	vst v63  }
0x146: {  	s13 =	simm.s32 $0x5C00  }
0x147: {  	[tilespmem:s13], [sflag:$0x1] =	stream.linear.gather [spmem:s31], $0x80, $0x38;
	[tilespmem:$0x7C00] =	vst v63  }
0x148: {  	s14 =	simm.s32 $0x6000  }
0x149: {  	[tilespmem:s14], [sflag:$0x1] =	stream.linear.gather [spmem:s0], $0x80, $0x38;
	[tilespmem:$0x7C00] =	vst v63  }
0x14a: {  	s11 =	simm.s32 $0x6400  }
0x14b: {  	[tilespmem:s11], [sflag:$0x1] =	stream.linear.gather [spmem:s1], $0x80, $0x38;
	[tilespmem:$0x7C00] =	vst v63  }
0x14c: {  	s12 =	simm.s32 $0x0;
	_ =	swait.ge [sflag:s2], $0x280  }
0x14d: {  	s10 =	sand.u32 $0x1C00, s12;
	s13 =	sand.u32 $0x70, s12;
	[sflag:s2] =	ssyncset.done $0x0  }
0x14e: {  	s10 =	sor.u32 s13, s10;
	[sflag:s2] =	ssyncadd.s32 $0xFFFFFD80  }
0x14f: {  	v3 =	vld [tilespmem:s10+$0x3D00]  }
0x150: {  	v4 =	vld [tilespmem:s10+$0x3C80];
	_ =	sdelay $0x1  }
0x151: {  	v5 =	vld [tilespmem:s10+$0x3D80];
	_ =	sdelay $0x1  }
0x152: {  	v6 =	vld [tilespmem:s10+$0x3E00]  }
0x153: {  	v3 =	vadd.f32 v3, v4  }
0x154: {  	v52 =	vld [tilespmem:s10+$0x3E80]  }
0x155: {  	v3 =	vadd.f32 v5, v3  }
0x156: {  	v53 =	vld [tilespmem:s10+$0x3F00]  }
0x157: {  	v3 =	vadd.f32 v6, v3  }
0x158: {  	v54 =	vld [tilespmem:s10+$0x3F80]  }
0x159: {  	v3 =	vadd.f32 v52, v3  }
0x15a: {  	v55 =	vld [tilespmem:s10+$0x4000]  }
0x15b: {  	v3 =	vadd.f32 v53, v3  }
0x15c: {  	v56 =	vld [tilespmem:s10+$0x5080]  }
0x15d: {  	v3 =	vadd.f32 v54, v3  }
0x15e: {  	v57 =	vld [tilespmem:s10+$0x5100]  }
0x15f: {  	v3 =	vadd.f32 v55, v3  }
0x160: {  	v58 =	vld [tilespmem:s10+$0x5180]  }
0x161: {  	v3 =	vadd.f32 v56, v3  }
0x162: {  	v59 =	vld [tilespmem:s10+$0x5200]  }
0x163: {  	v3 =	vadd.f32 v57, v3  }
0x164: {  	v60 =	vld [tilespmem:s10+$0x5280]  }
0x165: {  	v3 =	vadd.f32 v58, v3  }
0x166: {  	v61 =	vld [tilespmem:s10+$0x5300]  }
0x167: {  	v3 =	vadd.f32 v59, v3  }
0x168: {  	v62 =	vld [tilespmem:s10+$0x5380]  }
0x169: {  	v3 =	vadd.f32 v60, v3  }
0x16a: {  	v63 =	vld [tilespmem:s10+$0x5400]  }
0x16b: {  	v3 =	vadd.f32 v61, v3;
	_ =	sdelay $0x1  }
0x16c: {  	v3 =	vadd.f32 v62, v3;
	_ =	sdelay $0x1  }
0x16d: {  	s12 =	simm.s32 $0x80;
	s14 =	simm.s32 $0x10;
	v3 =	vadd.f32 v63, v3  }
0x16e: {  	s13 =	sand.u32 $0x1C00, s12;
	s11 =	sand.u32 $0x70, s14;
	s10 =	simm.s32 $0x6480  }
0x16f: {  	s11 =	sor.u32 s11, s13;
	s13 =	simm.s32 $0x20;
	[tilespmem:s10+$0x0] =	vst v3  }
.LBB2_7:
0x170: {  	p1 =	sne.s32 s13, $0x270;
	v3 =	vld [tilespmem:s11+$0x3D00]  }
0x171: {  	v4 =	vld [tilespmem:s11+$0x3C80];
	_ =	sdelay $0x1  }
0x172: {  	v5 =	vld [tilespmem:s11+$0x3D80];
	_ =	sdelay $0x1  }
0x173: {  	v6 =	vld [tilespmem:s11+$0x3E00]  }
0x174: {  	v3 =	vadd.f32 v3, v4  }
0x175: {  	v4 =	vld [tilespmem:s11+$0x3E80]  }
0x176: {  	v3 =	vadd.f32 v5, v3  }
0x177: {  	v5 =	vld [tilespmem:s11+$0x3F00]  }
0x178: {  	v3 =	vadd.f32 v6, v3  }
0x179: {  	v6 =	vld [tilespmem:s11+$0x3F80]  }
0x17a: {  	v3 =	vadd.f32 v4, v3  }
0x17b: {  	v4 =	vld [tilespmem:s11+$0x4000]  }
0x17c: {  	v3 =	vadd.f32 v5, v3  }
0x17d: {  	v5 =	vld [tilespmem:s11+$0x5080]  }
0x17e: {  	v3 =	vadd.f32 v6, v3  }
0x17f: {  	v6 =	vld [tilespmem:s11+$0x5100]  }
0x180: {  	v3 =	vadd.f32 v4, v3  }
0x181: {  	v4 =	vld [tilespmem:s11+$0x5180]  }
0x182: {  	v3 =	vadd.f32 v5, v3  }
0x183: {  	v5 =	vld [tilespmem:s11+$0x5200]  }
0x184: {  	v3 =	vadd.f32 v6, v3  }
0x185: {  	v6 =	vld [tilespmem:s11+$0x5280]  }
0x186: {  	v3 =	vadd.f32 v4, v3  }
0x187: {  	v4 =	vld [tilespmem:s11+$0x5300]  }
0x188: {  	v3 =	vadd.f32 v5, v3  }
0x189: {  	v5 =	vld [tilespmem:s11+$0x5380]  }
0x18a: {  	v3 =	vadd.f32 v6, v3  }
0x18b: {  	v6 =	vld [tilespmem:s11+$0x5400]  }
0x18c: {  	v3 =	vadd.f32 v4, v3;
	_ =	sdelay $0x1  }
.Ltmp5:
0x18d: {  	v3 =	vadd.f32 v5, v3;
	(pc) =	sbr.rel @p1 .LBB2_7-.Ltmp5, $4  }
0x18e: {  	_ = 	snop  }
0x18f: {  	s12 =	sadd.s32 $0x80, s12;
	v3 =	vadd.f32 v6, v3  }
0x190: {  	s10 =	sadd.s32 $0x10, s10;
	s14 =	sand.u32 $0x1C00, s12;
	s11 =	sand.u32 $0x70, s13  }
0x191: {  	s13 =	sadd.s32 $0x10, s13;
	s11 =	sor.u32 s11, s14;
	[tilespmem:s10+$0x0] =	vst v3  }
.Ltmp6:
0x192: {  	_ = 	snop;
	(pc) =	sbr.rel .LBB2_8-.Ltmp6, $1  }
0x193: {  	_ =	sdelay $0x3  }
.LBB2_10:
0x194: {  	_ =	sfence.sel $0x180000  }
0x195: {  	[bflag:$0x0] =	sbarrier.arrive $0xFFFF  }
0x196: {  	_ =	strace $0x90000047  }
0x197: {  	s0 =	stileid.u32;
	[bflag:$0x2] =	sbarrier.arrive $0xFFFF  }
0x198: {  	p0 =	sne.s32 s0, $0x0;
	s0 =	rddreg [dreg:$0x3]  }
0x199: {  	s0 =	sadd.s32 @!p0 $0x100000, s0  }
0x19a: {  	[sflag:s0] =	ssyncadd.tile.s32 @!p0 $0x1;
	_ =	shalt  }
.Lfunc_end2:
_tile_overlayer_lowered:
.L_overlay_start_2:
0x19b: {  	(tag) =	ssettag $0x2  }
0x19c: {  	s0 =	rddreg [dreg:$0x0];
	s2 =	stileid.u32  }
0x19d: {  	s1 =	rddreg [dreg:$0x1];
	p0 =	sne.s32 s2, $0x0  }
0x19e: {  	s3 =	rddreg [dreg:$0x2];
	[bflag:$0x3] =	sbarrier.arrive $0xFFFF;
	s2 =	simm.s32 @!p0 $0x1C01  }
0x19f: {  	[timem:s3], [sflag:s2] =	dma.local @!p0 [hbm:s0], s1  }
0x1a0: {  	s0 =	simm.s32 @!p0 $0x1  }
0x1a1: {  	_ =	swait.ge @!p0 [sflag:s0], s1  }
0x1a2: {  	s1 =	ssub.s32 @!p0 $0x0, s1;
	[sflag:s0] =	ssyncset.done @!p0 $0x0  }
0x1a3: {  	[sflag:s0] =	ssyncadd.s32 @!p0 s1  }
0x1a4: {  	[bflag:$0x3] =	sbarrier.arrive $0xFFFF  }
0x1a5: {  	_ =	shalt  }

</sc_bundles>
